<compile_context>
chip_gen: v7x
topology: tpu7x:2x2x1
jax: 0.10.2.dev20260603
libtpu: 0.0.44.dev20260713+nightly
codegen_flags: <defaults>
</compile_context>

<pallas_src>
import functools

import jax
import jax.numpy as jnp
from jax import lax
from jax.experimental import pallas as pl
from jax.experimental.pallas import tpu as pltpu
from jax.experimental.pallas import tpu_sc as plsc

_CT = 128


@functools.lru_cache(maxsize=None)
def _make_kernel(NT, S, D, V2):
    info = plsc.get_sparse_core_info()
    nc, ns = info.num_cores, info.num_subcores
    nw = nc * ns
    t_per_w = NT // nw
    i_per_w = S * t_per_w
    nq = t_per_w // _CT
    n_chunks = S * nq
    mesh = plsc.VectorSubcoreMesh(core_axis_name="c", subcore_axis_name="s")

    @functools.partial(
        pl.kernel,
        out_type=jax.ShapeDtypeStruct((S * D, NT), jnp.float32),
        mesh=mesh,
        scratch_types=[
            pltpu.VMEM((i_per_w,), jnp.int32),
            pltpu.VMEM((_CT,), jnp.int32),
            pltpu.VMEM((_CT,), jnp.int32),
            pltpu.VMEM((_CT,), jnp.int32),
            pltpu.VMEM((_CT,), jnp.int32),
            pltpu.VMEM((_CT, 2 * D), jnp.float32),
            pltpu.VMEM((_CT, 2 * D), jnp.float32),
            pltpu.VMEM((D, _CT), jnp.float32),
            pltpu.VMEM((D, _CT), jnp.float32),
            pltpu.VMEM((256,), jnp.int32),
            pltpu.VMEM((256,), jnp.int32),
            pltpu.SemaphoreType.DMA,
            pltpu.SemaphoreType.DMA,
        ],
        compiler_params=pltpu.CompilerParams(
            use_tc_tiling_on_sc=True,
            needs_layout_passes=False,
            disable_bounds_checks=True,
        ),
    )
    def gather_kernel(tab2, tids_arr, out_ph, idx_v,
                      sidx0, sidx1, par0, par1, gbuf0, gbuf1, obuf0, obuf1,
                      rot1d, rot128, gsem, osem):
        wid = lax.axis_index("s") * nc + lax.axis_index("c")
        i0 = wid * t_per_w
        pltpu.sync_copy(tids_arr.at[pl.ds(wid * i_per_w, i_per_w)], idx_v)

        lanes = jax.lax.iota(jnp.int32, 16)
        for k in range(16):
            rk = (lanes + k) & 15
            rot1d[pl.ds(k * 16, 16)] = rk
            rot128[pl.ds(k * 16, 16)] = rk << 7

        def compute_sidx(c, sidx_ref, par_ref):
            for j in range(_CT // 16):
                ids = idx_v[pl.ds(c * _CT + j * 16, 16)]
                sidx_ref[pl.ds(j * 16, 16)] = ids >> 1
                par_ref[pl.ds(j * 16, 16)] = (ids & 1) << 6

        def gather_start(sidx_ref, gbuf):
            pltpu.async_copy(tab2.at[sidx_ref], gbuf, gsem)

        def transpose_chunk(gbuf, par_ref, obuf):
            @plsc.parallel_loop(0, _CT // 16, unroll=2)
            def jbody(jb):
                tvec = jb * 16 + lanes
                par_vec = par_ref[pl.ds(jb * 16, 16)]
                for k in range(16):
                    rotk = rot1d[pl.ds(k * 16, 16)]
                    parrot = par_vec + rotk
                    for d0 in range(0, D, 16):
                        v = plsc.load_gather(gbuf, [tvec, parrot + d0])
                        plsc.store_scatter(obuf, [rotk + d0, tvec], v)

        def write_start(c, obuf):
            s1 = c // nq
            q1 = c % nq
            pltpu.async_copy(
                obuf,
                out_ph.at[pl.ds(s1 * D, D), pl.ds(i0 + q1 * _CT, _CT)],
                osem,
            )

        def drain_gather():
            pltpu.make_async_copy(
                tab2.at[pl.ds(0, _CT)], gbuf0, gsem
            ).wait()

        def drain_write():
            pltpu.make_async_copy(
                obuf0, out_ph.at[pl.ds(0, D), pl.ds(0, _CT)],
                osem
            ).wait()

        compute_sidx(0, sidx0, par0)
        gather_start(sidx0, gbuf0)

        def step(c, carry):
            even = c % 2 == 0

            @pl.when(c >= 2)
            def _():
                drain_write()

            @pl.when(jnp.logical_and(c + 1 < n_chunks, even))
            def _():
                compute_sidx(c + 1, sidx1, par1)

            @pl.when(jnp.logical_and(c + 1 < n_chunks, jnp.logical_not(even)))
            def _():
                compute_sidx(c + 1, sidx0, par0)

            drain_gather()

            @pl.when(jnp.logical_and(c + 1 < n_chunks, even))
            def _():
                gather_start(sidx1, gbuf1)

            @pl.when(jnp.logical_and(c + 1 < n_chunks, jnp.logical_not(even)))
            def _():
                gather_start(sidx0, gbuf0)

            @pl.when(even)
            def _():
                transpose_chunk(gbuf0, par0, obuf0)
                write_start(c, obuf0)

            @pl.when(jnp.logical_not(even))
            def _():
                transpose_chunk(gbuf1, par1, obuf1)
                write_start(c, obuf1)

            return carry

        lax.fori_loop(0, n_chunks, step, 0)
        drain_write()
        drain_write()

    return gather_kernel


def kernel(token_ids, embedding):
    V, D = embedding.shape
    NT, S = token_ids.shape
    info = plsc.get_sparse_core_info()
    nw = info.num_cores * info.num_subcores
    t_per_w = NT // nw
    tab2 = embedding.reshape(V // 2, 2 * D)
    tids_arr = jnp.transpose(
        token_ids.T.reshape(S, nw, t_per_w), (1, 0, 2)
    ).reshape(-1)
    out_ph = _make_kernel(NT, S, D, V // 2)(tab2, tids_arr)
    return out_ph.reshape(S, D, NT).transpose(2, 0, 1)

# --- scband reference (transcript-rebuilt; emitter-appended) ---
"""Pipeline reference for scband-embedding-23029614641526 (READ-ONLY COPY).

The authoritative reference and input builder live on the scoring server;
editing this copy changes nothing except your own understanding.
"""

import jax, jax.numpy as jnp
import numpy as np

NUM_EMBEDDINGS = 1000000
EMBEDDING_DIM = 64

def setup_inputs(seed: int = 0) -> dict:
    key = jax.random.key(seed)
    k1, k2 = jax.random.split(key)
    token_ids = jax.random.randint(k1, (16384, 50), 0, NUM_EMBEDDINGS, dtype=jnp.int64 if jax.config.jax_enable_x64 else jnp.int32)
    # trunc_normal init approximated by clipped normal (mean=0, std=1, clipped to [-3, 3])
    embedding = jnp.clip(jax.random.normal(k2, (NUM_EMBEDDINGS, EMBEDDING_DIM), dtype=jnp.float32), -3.0, 3.0)
    return {"token_ids": token_ids, "embedding": embedding}

def reference(token_ids, embedding):
    # Faithful translation of: self.embedding[token_ids]
    return jnp.take(embedding, token_ids, axis=0)

if __name__ == "__main__":
    import jax
    _d = setup_inputs()
    print(jax.jit(kernel)(*tuple(_d.values())))

</pallas_src>

<mosaic_0001>
#map = affine_map<(d0, d1) -> (0, 0)>
#map1 = affine_map<(d0, d1) -> (0)>
module attributes {stable_mosaic.version = 14 : i64} {
  func.func @gather_kernel(%arg0: i32, %arg1: i32, %arg2: memref<500000x128xf32, #tpu.memory_space<hbm>>, %arg3: memref<819200xi32, #tpu.memory_space<hbm>>, %arg4: memref<3200x16384xf32, #tpu.memory_space<hbm>>, %arg5: memref<25600xi32, #tpu.memory_space<vmem>>, %arg6: memref<128xi32, #tpu.memory_space<vmem>>, %arg7: memref<128xi32, #tpu.memory_space<vmem>>, %arg8: memref<128xi32, #tpu.memory_space<vmem>>, %arg9: memref<128xi32, #tpu.memory_space<vmem>>, %arg10: memref<128x128xf32, #tpu.memory_space<vmem>>, %arg11: memref<128x128xf32, #tpu.memory_space<vmem>>, %arg12: memref<64x128xf32, #tpu.memory_space<vmem>>, %arg13: memref<64x128xf32, #tpu.memory_space<vmem>>, %arg14: memref<256xi32, #tpu.memory_space<vmem>>, %arg15: memref<256xi32, #tpu.memory_space<vmem>>, %arg16: memref<!tpu.dma_semaphore, #tpu.memory_space<semaphore_mem>>, %arg17: memref<!tpu.dma_semaphore, #tpu.memory_space<semaphore_mem>>) attributes {dimension_semantics = [#tpu.dimension_semantics<core_parallel>, #tpu.dimension_semantics<subcore_parallel>], iteration_bounds = array<i64: 2, 16>, scalar_prefetch = 0 : i64, scratch_operands = 13 : i64, tpu.core_type = #tpu.core_type<sc_vector_subcore>, window_params = [{transform_indices = #map}, {transform_indices = #map1}, {transform_indices = #map}]} {
    %mul3A = arith.constant 2 : i32
    %mul3A_0 = arith.muli %arg1, %mul3A : i32
    %add3A = arith.addi %mul3A_0, %arg0 : i32
    %mul3A_1 = arith.constant 512 : i32
    %mul3A_2 = arith.muli %add3A, %mul3A_1 : i32
    %mul3A_3 = arith.constant 25600 : i32
    %mul3A_4 = arith.muli %add3A, %mul3A_3 : i32
    "tpu.region"() ({
      %run_scoped3A = tpu.sem_alloc : memref<!tpu.dma_semaphore, #tpu.memory_space<semaphore_mem>>
      %dma_start3A_346 = tpu.memref_slice %arg3[%mul3A_4] : memref<819200xi32, #tpu.memory_space<hbm>> -> memref<25600xi32, #tpu.memory_space<hbm>>
      %dma_start3A_347 = tpu.memref_slice %arg3[%mul3A_4] : memref<819200xi32, #tpu.memory_space<hbm>> -> memref<25600xi32, #tpu.memory_space<hbm>>
      tpu.enqueue_dma source(%dma_start3A_347 : memref<25600xi32, #tpu.memory_space<hbm>>) target(%arg5 : memref<25600xi32, #tpu.memory_space<vmem>>) target_semaphore(%run_scoped3A : memref<!tpu.dma_semaphore, #tpu.memory_space<semaphore_mem>>)
      %dma_wait3A_348 = tpu.memref_slice %arg3[%mul3A_4] : memref<819200xi32, #tpu.memory_space<hbm>> -> memref<25600xi32, #tpu.memory_space<hbm>>
      %dma_wait3A_349 = tpu.memref_slice %arg3[%mul3A_4] : memref<819200xi32, #tpu.memory_space<hbm>> -> memref<25600xi32, #tpu.memory_space<hbm>>
      tpu.wait_dma2 semaphore(%run_scoped3A : memref<!tpu.dma_semaphore, #tpu.memory_space<semaphore_mem>>) src(%dma_wait3A_349 : memref<25600xi32, #tpu.memory_space<hbm>>) dst(%arg5 : memref<25600xi32, #tpu.memory_space<vmem>>)
      tpu.yield
    }) : () -> ()
    %iota3A = tpu.iota {dimensions = array<i32: 0>} : vector<16xi32>
    %add3A_5 = arith.constant 0 : i32
    %add3A_6 = vector.broadcast %add3A_5 : i32 to vector<16xi32>
    %add3A_7 = arith.addi %iota3A, %add3A_6 : vector<16xi32>
    %and3A = arith.constant 15 : i32
    %and3A_8 = vector.broadcast %and3A : i32 to vector<16xi32>
    %and3A_9 = arith.andi %add3A_7, %and3A_8 : vector<16xi32>
    %swap3A = arith.constant 0 : index
    %swap3A_10 = tpu.vector_load %arg14[%swap3A] {strides = array<i32>} : memref<256xi32, #tpu.memory_space<vmem>>, vector<16xi32>,
    tpu.vector_store %arg14[%swap3A], %and3A_9 {strides = array<i32>} : memref<256xi32, #tpu.memory_space<vmem>>, vector<16xi32>,
    %shift_left3A = arith.constant 7 : i32
    %shift_left3A_11 = vector.broadcast %shift_left3A : i32 to vector<16xi32>
    %shift_left3A_12 = arith.shli %and3A_9, %shift_left3A_11 : vector<16xi32>
    %swap3A_13 = arith.constant 0 : index
    %swap3A_14 = tpu.vector_load %arg15[%swap3A_13] {strides = array<i32>} : memref<256xi32, #tpu.memory_space<vmem>>, vector<16xi32>,
    tpu.vector_store %arg15[%swap3A_13], %shift_left3A_12 {strides = array<i32>} : memref<256xi32, #tpu.memory_space<vmem>>, vector<16xi32>,
    %add3A_15 = arith.constant 1 : i32
    %add3A_16 = vector.broadcast %add3A_15 : i32 to vector<16xi32>
    %add3A_17 = arith.addi %iota3A, %add3A_16 : vector<16xi32>
    %and3A_18 = arith.constant 15 : i32
    %and3A_19 = vector.broadcast %and3A_18 : i32 to vector<16xi32>
    %and3A_20 = arith.andi %add3A_17, %and3A_19 : vector<16xi32>
    %swap3A_21 = arith.constant 16 : index
    %swap3A_22 = tpu.vector_load %arg14[%swap3A_21] {strides = array<i32>} : memref<256xi32, #tpu.memory_space<vmem>>, vector<16xi32>,
    tpu.vector_store %arg14[%swap3A_21], %and3A_20 {strides = array<i32>} : memref<256xi32, #tpu.memory_space<vmem>>, vector<16xi32>,
    %shift_left3A_23 = arith.constant 7 : i32
    %shift_left3A_24 = vector.broadcast %shift_left3A_23 : i32 to vector<16xi32>
    %shift_left3A_25 = arith.shli %and3A_20, %shift_left3A_24 : vector<16xi32>
    %swap3A_26 = arith.constant 16 : index
    %swap3A_27 = tpu.vector_load %arg15[%swap3A_26] {strides = array<i32>} : memref<256xi32, #tpu.memory_space<vmem>>, vector<16xi32>,
    tpu.vector_store %arg15[%swap3A_26], %shift_left3A_25 {strides = array<i32>} : memref<256xi32, #tpu.memory_space<vmem>>, vector<16xi32>,
    %add3A_28 = arith.constant 2 : i32
    %add3A_29 = vector.broadcast %add3A_28 : i32 to vector<16xi32>
    %add3A_30 = arith.addi %iota3A, %add3A_29 : vector<16xi32>
    %and3A_31 = arith.constant 15 : i32
    %and3A_32 = vector.broadcast %and3A_31 : i32 to vector<16xi32>
    %and3A_33 = arith.andi %add3A_30, %and3A_32 : vector<16xi32>
    %swap3A_34 = arith.constant 32 : index
    %swap3A_35 = tpu.vector_load %arg14[%swap3A_34] {strides = array<i32>} : memref<256xi32, #tpu.memory_space<vmem>>, vector<16xi32>,
    tpu.vector_store %arg14[%swap3A_34], %and3A_33 {strides = array<i32>} : memref<256xi32, #tpu.memory_space<vmem>>, vector<16xi32>,
    %shift_left3A_36 = arith.constant 7 : i32
    %shift_left3A_37 = vector.broadcast %shift_left3A_36 : i32 to vector<16xi32>
    %shift_left3A_38 = arith.shli %and3A_33, %shift_left3A_37 : vector<16xi32>
    %swap3A_39 = arith.constant 32 : index
    %swap3A_40 = tpu.vector_load %arg15[%swap3A_39] {strides = array<i32>} : memref<256xi32, #tpu.memory_space<vmem>>, vector<16xi32>,
    tpu.vector_store %arg15[%swap3A_39], %shift_left3A_38 {strides = array<i32>} : memref<256xi32, #tpu.memory_space<vmem>>, vector<16xi32>,
    %add3A_41 = arith.constant 3 : i32
    %add3A_42 = vector.broadcast %add3A_41 : i32 to vector<16xi32>
    %add3A_43 = arith.addi %iota3A, %add3A_42 : vector<16xi32>
    %and3A_44 = arith.constant 15 : i32
    %and3A_45 = vector.broadcast %and3A_44 : i32 to vector<16xi32>
    %and3A_46 = arith.andi %add3A_43, %and3A_45 : vector<16xi32>
    %swap3A_47 = arith.constant 48 : index
    %swap3A_48 = tpu.vector_load %arg14[%swap3A_47] {strides = array<i32>} : memref<256xi32, #tpu.memory_space<vmem>>, vector<16xi32>,
    tpu.vector_store %arg14[%swap3A_47], %and3A_46 {strides = array<i32>} : memref<256xi32, #tpu.memory_space<vmem>>, vector<16xi32>,
    %shift_left3A_49 = arith.constant 7 : i32
    %shift_left3A_50 = vector.broadcast %shift_left3A_49 : i32 to vector<16xi32>
    %shift_left3A_51 = arith.shli %and3A_46, %shift_left3A_50 : vector<16xi32>
    %swap3A_52 = arith.constant 48 : index
    %swap3A_53 = tpu.vector_load %arg15[%swap3A_52] {strides = array<i32>} : memref<256xi32, #tpu.memory_space<vmem>>, vector<16xi32>,
    tpu.vector_store %arg15[%swap3A_52], %shift_left3A_51 {strides = array<i32>} : memref<256xi32, #tpu.memory_space<vmem>>, vector<16xi32>,
    %add3A_54 = arith.constant 4 : i32
    %add3A_55 = vector.broadcast %add3A_54 : i32 to vector<16xi32>
    %add3A_56 = arith.addi %iota3A, %add3A_55 : vector<16xi32>
    %and3A_57 = arith.constant 15 : i32
    %and3A_58 = vector.broadcast %and3A_57 : i32 to vector<16xi32>
    %and3A_59 = arith.andi %add3A_56, %and3A_58 : vector<16xi32>
    %swap3A_60 = arith.constant 64 : index
    %swap3A_61 = tpu.vector_load %arg14[%swap3A_60] {strides = array<i32>} : memref<256xi32, #tpu.memory_space<vmem>>, vector<16xi32>,
    tpu.vector_store %arg14[%swap3A_60], %and3A_59 {strides = array<i32>} : memref<256xi32, #tpu.memory_space<vmem>>, vector<16xi32>,
    %shift_left3A_62 = arith.constant 7 : i32
    %shift_left3A_63 = vector.broadcast %shift_left3A_62 : i32 to vector<16xi32>
    %shift_left3A_64 = arith.shli %and3A_59, %shift_left3A_63 : vector<16xi32>
    %swap3A_65 = arith.constant 64 : index
    %swap3A_66 = tpu.vector_load %arg15[%swap3A_65] {strides = array<i32>} : memref<256xi32, #tpu.memory_space<vmem>>, vector<16xi32>,
    tpu.vector_store %arg15[%swap3A_65], %shift_left3A_64 {strides = array<i32>} : memref<256xi32, #tpu.memory_space<vmem>>, vector<16xi32>,
    %add3A_67 = arith.constant 5 : i32
    %add3A_68 = vector.broadcast %add3A_67 : i32 to vector<16xi32>
    %add3A_69 = arith.addi %iota3A, %add3A_68 : vector<16xi32>
    %and3A_70 = arith.constant 15 : i32
    %and3A_71 = vector.broadcast %and3A_70 : i32 to vector<16xi32>
    %and3A_72 = arith.andi %add3A_69, %and3A_71 : vector<16xi32>
    %swap3A_73 = arith.constant 80 : index
    %swap3A_74 = tpu.vector_load %arg14[%swap3A_73] {strides = array<i32>} : memref<256xi32, #tpu.memory_space<vmem>>, vector<16xi32>,
    tpu.vector_store %arg14[%swap3A_73], %and3A_72 {strides = array<i32>} : memref<256xi32, #tpu.memory_space<vmem>>, vector<16xi32>,
    %shift_left3A_75 = arith.constant 7 : i32
    %shift_left3A_76 = vector.broadcast %shift_left3A_75 : i32 to vector<16xi32>
    %shift_left3A_77 = arith.shli %and3A_72, %shift_left3A_76 : vector<16xi32>
    %swap3A_78 = arith.constant 80 : index
    %swap3A_79 = tpu.vector_load %arg15[%swap3A_78] {strides = array<i32>} : memref<256xi32, #tpu.memory_space<vmem>>, vector<16xi32>,
    tpu.vector_store %arg15[%swap3A_78], %shift_left3A_77 {strides = array<i32>} : memref<256xi32, #tpu.memory_space<vmem>>, vector<16xi32>,
    %add3A_80 = arith.constant 6 : i32
    %add3A_81 = vector.broadcast %add3A_80 : i32 to vector<16xi32>
    %add3A_82 = arith.addi %iota3A, %add3A_81 : vector<16xi32>
    %and3A_83 = arith.constant 15 : i32
    %and3A_84 = vector.broadcast %and3A_83 : i32 to vector<16xi32>
    %and3A_85 = arith.andi %add3A_82, %and3A_84 : vector<16xi32>
    %swap3A_86 = arith.constant 96 : index
    %swap3A_87 = tpu.vector_load %arg14[%swap3A_86] {strides = array<i32>} : memref<256xi32, #tpu.memory_space<vmem>>, vector<16xi32>,
    tpu.vector_store %arg14[%swap3A_86], %and3A_85 {strides = array<i32>} : memref<256xi32, #tpu.memory_space<vmem>>, vector<16xi32>,
    %shift_left3A_88 = arith.constant 7 : i32
    %shift_left3A_89 = vector.broadcast %shift_left3A_88 : i32 to vector<16xi32>
    %shift_left3A_90 = arith.shli %and3A_85, %shift_left3A_89 : vector<16xi32>
    %swap3A_91 = arith.constant 96 : index
    %swap3A_92 = tpu.vector_load %arg15[%swap3A_91] {strides = array<i32>} : memref<256xi32, #tpu.memory_space<vmem>>, vector<16xi32>,
    tpu.vector_store %arg15[%swap3A_91], %shift_left3A_90 {strides = array<i32>} : memref<256xi32, #tpu.memory_space<vmem>>, vector<16xi32>,
    %add3A_93 = arith.constant 7 : i32
    %add3A_94 = vector.broadcast %add3A_93 : i32 to vector<16xi32>
    %add3A_95 = arith.addi %iota3A, %add3A_94 : vector<16xi32>
    %and3A_96 = arith.constant 15 : i32
    %and3A_97 = vector.broadcast %and3A_96 : i32 to vector<16xi32>
    %and3A_98 = arith.andi %add3A_95, %and3A_97 : vector<16xi32>
    %swap3A_99 = arith.constant 112 : index
    %swap3A_100 = tpu.vector_load %arg14[%swap3A_99] {strides = array<i32>} : memref<256xi32, #tpu.memory_space<vmem>>, vector<16xi32>,
    tpu.vector_store %arg14[%swap3A_99], %and3A_98 {strides = array<i32>} : memref<256xi32, #tpu.memory_space<vmem>>, vector<16xi32>,
    %shift_left3A_101 = arith.constant 7 : i32
    %shift_left3A_102 = vector.broadcast %shift_left3A_101 : i32 to vector<16xi32>
    %shift_left3A_103 = arith.shli %and3A_98, %shift_left3A_102 : vector<16xi32>
    %swap3A_104 = arith.constant 112 : index
    %swap3A_105 = tpu.vector_load %arg15[%swap3A_104] {strides = array<i32>} : memref<256xi32, #tpu.memory_space<vmem>>, vector<16xi32>,
    tpu.vector_store %arg15[%swap3A_104], %shift_left3A_103 {strides = array<i32>} : memref<256xi32, #tpu.memory_space<vmem>>, vector<16xi32>,
    %add3A_106 = arith.constant 8 : i32
    %add3A_107 = vector.broadcast %add3A_106 : i32 to vector<16xi32>
    %add3A_108 = arith.addi %iota3A, %add3A_107 : vector<16xi32>
    %and3A_109 = arith.constant 15 : i32
    %and3A_110 = vector.broadcast %and3A_109 : i32 to vector<16xi32>
    %and3A_111 = arith.andi %add3A_108, %and3A_110 : vector<16xi32>
    %swap3A_112 = arith.constant 128 : index
    %swap3A_113 = tpu.vector_load %arg14[%swap3A_112] {strides = array<i32>} : memref<256xi32, #tpu.memory_space<vmem>>, vector<16xi32>,
    tpu.vector_store %arg14[%swap3A_112], %and3A_111 {strides = array<i32>} : memref<256xi32, #tpu.memory_space<vmem>>, vector<16xi32>,
    %shift_left3A_114 = arith.constant 7 : i32
    %shift_left3A_115 = vector.broadcast %shift_left3A_114 : i32 to vector<16xi32>
    %shift_left3A_116 = arith.shli %and3A_111, %shift_left3A_115 : vector<16xi32>
    %swap3A_117 = arith.constant 128 : index
    %swap3A_118 = tpu.vector_load %arg15[%swap3A_117] {strides = array<i32>} : memref<256xi32, #tpu.memory_space<vmem>>, vector<16xi32>,
    tpu.vector_store %arg15[%swap3A_117], %shift_left3A_116 {strides = array<i32>} : memref<256xi32, #tpu.memory_space<vmem>>, vector<16xi32>,
    %add3A_119 = arith.constant 9 : i32
    %add3A_120 = vector.broadcast %add3A_119 : i32 to vector<16xi32>
    %add3A_121 = arith.addi %iota3A, %add3A_120 : vector<16xi32>
    %and3A_122 = arith.constant 15 : i32
    %and3A_123 = vector.broadcast %and3A_122 : i32 to vector<16xi32>
    %and3A_124 = arith.andi %add3A_121, %and3A_123 : vector<16xi32>
    %swap3A_125 = arith.constant 144 : index
    %swap3A_126 = tpu.vector_load %arg14[%swap3A_125] {strides = array<i32>} : memref<256xi32, #tpu.memory_space<vmem>>, vector<16xi32>,
    tpu.vector_store %arg14[%swap3A_125], %and3A_124 {strides = array<i32>} : memref<256xi32, #tpu.memory_space<vmem>>, vector<16xi32>,
    %shift_left3A_127 = arith.constant 7 : i32
    %shift_left3A_128 = vector.broadcast %shift_left3A_127 : i32 to vector<16xi32>
    %shift_left3A_129 = arith.shli %and3A_124, %shift_left3A_128 : vector<16xi32>
    %swap3A_130 = arith.constant 144 : index
    %swap3A_131 = tpu.vector_load %arg15[%swap3A_130] {strides = array<i32>} : memref<256xi32, #tpu.memory_space<vmem>>, vector<16xi32>,
    tpu.vector_store %arg15[%swap3A_130], %shift_left3A_129 {strides = array<i32>} : memref<256xi32, #tpu.memory_space<vmem>>, vector<16xi32>,
    %add3A_132 = arith.constant 10 : i32
    %add3A_133 = vector.broadcast %add3A_132 : i32 to vector<16xi32>
    %add3A_134 = arith.addi %iota3A, %add3A_133 : vector<16xi32>
    %and3A_135 = arith.constant 15 : i32
    %and3A_136 = vector.broadcast %and3A_135 : i32 to vector<16xi32>
    %and3A_137 = arith.andi %add3A_134, %and3A_136 : vector<16xi32>
    %swap3A_138 = arith.constant 160 : index
    %swap3A_139 = tpu.vector_load %arg14[%swap3A_138] {strides = array<i32>} : memref<256xi32, #tpu.memory_space<vmem>>, vector<16xi32>,
    tpu.vector_store %arg14[%swap3A_138], %and3A_137 {strides = array<i32>} : memref<256xi32, #tpu.memory_space<vmem>>, vector<16xi32>,
    %shift_left3A_140 = arith.constant 7 : i32
    %shift_left3A_141 = vector.broadcast %shift_left3A_140 : i32 to vector<16xi32>
    %shift_left3A_142 = arith.shli %and3A_137, %shift_left3A_141 : vector<16xi32>
    %swap3A_143 = arith.constant 160 : index
    %swap3A_144 = tpu.vector_load %arg15[%swap3A_143] {strides = array<i32>} : memref<256xi32, #tpu.memory_space<vmem>>, vector<16xi32>,
    tpu.vector_store %arg15[%swap3A_143], %shift_left3A_142 {strides = array<i32>} : memref<256xi32, #tpu.memory_space<vmem>>, vector<16xi32>,
    %add3A_145 = arith.constant 11 : i32
    %add3A_146 = vector.broadcast %add3A_145 : i32 to vector<16xi32>
    %add3A_147 = arith.addi %iota3A, %add3A_146 : vector<16xi32>
    %and3A_148 = arith.constant 15 : i32
    %and3A_149 = vector.broadcast %and3A_148 : i32 to vector<16xi32>
    %and3A_150 = arith.andi %add3A_147, %and3A_149 : vector<16xi32>
    %swap3A_151 = arith.constant 176 : index
    %swap3A_152 = tpu.vector_load %arg14[%swap3A_151] {strides = array<i32>} : memref<256xi32, #tpu.memory_space<vmem>>, vector<16xi32>,
    tpu.vector_store %arg14[%swap3A_151], %and3A_150 {strides = array<i32>} : memref<256xi32, #tpu.memory_space<vmem>>, vector<16xi32>,
    %shift_left3A_153 = arith.constant 7 : i32
    %shift_left3A_154 = vector.broadcast %shift_left3A_153 : i32 to vector<16xi32>
    %shift_left3A_155 = arith.shli %and3A_150, %shift_left3A_154 : vector<16xi32>
    %swap3A_156 = arith.constant 176 : index
    %swap3A_157 = tpu.vector_load %arg15[%swap3A_156] {strides = array<i32>} : memref<256xi32, #tpu.memory_space<vmem>>, vector<16xi32>,
    tpu.vector_store %arg15[%swap3A_156], %shift_left3A_155 {strides = array<i32>} : memref<256xi32, #tpu.memory_space<vmem>>, vector<16xi32>,
    %add3A_158 = arith.constant 12 : i32
    %add3A_159 = vector.broadcast %add3A_158 : i32 to vector<16xi32>
    %add3A_160 = arith.addi %iota3A, %add3A_159 : vector<16xi32>
    %and3A_161 = arith.constant 15 : i32
    %and3A_162 = vector.broadcast %and3A_161 : i32 to vector<16xi32>
    %and3A_163 = arith.andi %add3A_160, %and3A_162 : vector<16xi32>
    %swap3A_164 = arith.constant 192 : index
    %swap3A_165 = tpu.vector_load %arg14[%swap3A_164] {strides = array<i32>} : memref<256xi32, #tpu.memory_space<vmem>>, vector<16xi32>,
    tpu.vector_store %arg14[%swap3A_164], %and3A_163 {strides = array<i32>} : memref<256xi32, #tpu.memory_space<vmem>>, vector<16xi32>,
    %shift_left3A_166 = arith.constant 7 : i32
    %shift_left3A_167 = vector.broadcast %shift_left3A_166 : i32 to vector<16xi32>
    %shift_left3A_168 = arith.shli %and3A_163, %shift_left3A_167 : vector<16xi32>
    %swap3A_169 = arith.constant 192 : index
    %swap3A_170 = tpu.vector_load %arg15[%swap3A_169] {strides = array<i32>} : memref<256xi32, #tpu.memory_space<vmem>>, vector<16xi32>,
    tpu.vector_store %arg15[%swap3A_169], %shift_left3A_168 {strides = array<i32>} : memref<256xi32, #tpu.memory_space<vmem>>, vector<16xi32>,
    %add3A_171 = arith.constant 13 : i32
    %add3A_172 = vector.broadcast %add3A_171 : i32 to vector<16xi32>
    %add3A_173 = arith.addi %iota3A, %add3A_172 : vector<16xi32>
    %and3A_174 = arith.constant 15 : i32
    %and3A_175 = vector.broadcast %and3A_174 : i32 to vector<16xi32>
    %and3A_176 = arith.andi %add3A_173, %and3A_175 : vector<16xi32>
    %swap3A_177 = arith.constant 208 : index
    %swap3A_178 = tpu.vector_load %arg14[%swap3A_177] {strides = array<i32>} : memref<256xi32, #tpu.memory_space<vmem>>, vector<16xi32>,
    tpu.vector_store %arg14[%swap3A_177], %and3A_176 {strides = array<i32>} : memref<256xi32, #tpu.memory_space<vmem>>, vector<16xi32>,
    %shift_left3A_179 = arith.constant 7 : i32
    %shift_left3A_180 = vector.broadcast %shift_left3A_179 : i32 to vector<16xi32>
    %shift_left3A_181 = arith.shli %and3A_176, %shift_left3A_180 : vector<16xi32>
    %swap3A_182 = arith.constant 208 : index
    %swap3A_183 = tpu.vector_load %arg15[%swap3A_182] {strides = array<i32>} : memref<256xi32, #tpu.memory_space<vmem>>, vector<16xi32>,
    tpu.vector_store %arg15[%swap3A_182], %shift_left3A_181 {strides = array<i32>} : memref<256xi32, #tpu.memory_space<vmem>>, vector<16xi32>,
    %add3A_184 = arith.constant 14 : i32
    %add3A_185 = vector.broadcast %add3A_184 : i32 to vector<16xi32>
    %add3A_186 = arith.addi %iota3A, %add3A_185 : vector<16xi32>
    %and3A_187 = arith.constant 15 : i32
    %and3A_188 = vector.broadcast %and3A_187 : i32 to vector<16xi32>
    %and3A_189 = arith.andi %add3A_186, %and3A_188 : vector<16xi32>
    %swap3A_190 = arith.constant 224 : index
    %swap3A_191 = tpu.vector_load %arg14[%swap3A_190] {strides = array<i32>} : memref<256xi32, #tpu.memory_space<vmem>>, vector<16xi32>,
    tpu.vector_store %arg14[%swap3A_190], %and3A_189 {strides = array<i32>} : memref<256xi32, #tpu.memory_space<vmem>>, vector<16xi32>,
    %shift_left3A_192 = arith.constant 7 : i32
    %shift_left3A_193 = vector.broadcast %shift_left3A_192 : i32 to vector<16xi32>
    %shift_left3A_194 = arith.shli %and3A_189, %shift_left3A_193 : vector<16xi32>
    %swap3A_195 = arith.constant 224 : index
    %swap3A_196 = tpu.vector_load %arg15[%swap3A_195] {strides = array<i32>} : memref<256xi32, #tpu.memory_space<vmem>>, vector<16xi32>,
    tpu.vector_store %arg15[%swap3A_195], %shift_left3A_194 {strides = array<i32>} : memref<256xi32, #tpu.memory_space<vmem>>, vector<16xi32>,
    %add3A_197 = arith.constant 15 : i32
    %add3A_198 = vector.broadcast %add3A_197 : i32 to vector<16xi32>
    %add3A_199 = arith.addi %iota3A, %add3A_198 : vector<16xi32>
    %and3A_200 = arith.constant 15 : i32
    %and3A_201 = vector.broadcast %and3A_200 : i32 to vector<16xi32>
    %and3A_202 = arith.andi %add3A_199, %and3A_201 : vector<16xi32>
    %swap3A_203 = arith.constant 240 : index
    %swap3A_204 = tpu.vector_load %arg14[%swap3A_203] {strides = array<i32>} : memref<256xi32, #tpu.memory_space<vmem>>, vector<16xi32>,
    tpu.vector_store %arg14[%swap3A_203], %and3A_202 {strides = array<i32>} : memref<256xi32, #tpu.memory_space<vmem>>, vector<16xi32>,
    %shift_left3A_205 = arith.constant 7 : i32
    %shift_left3A_206 = vector.broadcast %shift_left3A_205 : i32 to vector<16xi32>
    %shift_left3A_207 = arith.shli %and3A_202, %shift_left3A_206 : vector<16xi32>
    %swap3A_208 = arith.constant 240 : index
    %swap3A_209 = tpu.vector_load %arg15[%swap3A_208] {strides = array<i32>} : memref<256xi32, #tpu.memory_space<vmem>>, vector<16xi32>,
    tpu.vector_store %arg15[%swap3A_208], %shift_left3A_207 {strides = array<i32>} : memref<256xi32, #tpu.memory_space<vmem>>, vector<16xi32>,
    %get3A = arith.constant 0 : index
    %get3A_210 = tpu.vector_load %arg5[%get3A] {strides = array<i32>} : memref<25600xi32, #tpu.memory_space<vmem>>, vector<16xi32>,
    %shift_right_arithmetic3A = arith.constant 1 : i32
    %shift_right_arithmetic3A_211 = vector.broadcast %shift_right_arithmetic3A : i32 to vector<16xi32>
    %shift_right_arithmetic3A_212 = arith.shrsi %get3A_210, %shift_right_arithmetic3A_211 : vector<16xi32>
    %swap3A_213 = arith.constant 0 : index
    %swap3A_214 = tpu.vector_load %arg6[%swap3A_213] {strides = array<i32>} : memref<128xi32, #tpu.memory_space<vmem>>, vector<16xi32>,
    tpu.vector_store %arg6[%swap3A_213], %shift_right_arithmetic3A_212 {strides = array<i32>} : memref<128xi32, #tpu.memory_space<vmem>>, vector<16xi32>,
    %and3A_215 = arith.constant 1 : i32
    %and3A_216 = vector.broadcast %and3A_215 : i32 to vector<16xi32>
    %and3A_217 = arith.andi %get3A_210, %and3A_216 : vector<16xi32>
    %shift_left3A_218 = arith.constant 6 : i32
    %shift_left3A_219 = vector.broadcast %shift_left3A_218 : i32 to vector<16xi32>
    %shift_left3A_220 = arith.shli %and3A_217, %shift_left3A_219 : vector<16xi32>
    %swap3A_221 = arith.constant 0 : index
    %swap3A_222 = tpu.vector_load %arg8[%swap3A_221] {strides = array<i32>} : memref<128xi32, #tpu.memory_space<vmem>>, vector<16xi32>,
    tpu.vector_store %arg8[%swap3A_221], %shift_left3A_220 {strides = array<i32>} : memref<128xi32, #tpu.memory_space<vmem>>, vector<16xi32>,
    %get3A_223 = arith.constant 16 : index
    %get3A_224 = tpu.vector_load %arg5[%get3A_223] {strides = array<i32>} : memref<25600xi32, #tpu.memory_space<vmem>>, vector<16xi32>,
    %shift_right_arithmetic3A_225 = arith.constant 1 : i32
    %shift_right_arithmetic3A_226 = vector.broadcast %shift_right_arithmetic3A_225 : i32 to vector<16xi32>
    %shift_right_arithmetic3A_227 = arith.shrsi %get3A_224, %shift_right_arithmetic3A_226 : vector<16xi32>
    %swap3A_228 = arith.constant 16 : index
    %swap3A_229 = tpu.vector_load %arg6[%swap3A_228] {strides = array<i32>} : memref<128xi32, #tpu.memory_space<vmem>>, vector<16xi32>,
    tpu.vector_store %arg6[%swap3A_228], %shift_right_arithmetic3A_227 {strides = array<i32>} : memref<128xi32, #tpu.memory_space<vmem>>, vector<16xi32>,
    %and3A_230 = arith.constant 1 : i32
    %and3A_231 = vector.broadcast %and3A_230 : i32 to vector<16xi32>
    %and3A_232 = arith.andi %get3A_224, %and3A_231 : vector<16xi32>
    %shift_left3A_233 = arith.constant 6 : i32
    %shift_left3A_234 = vector.broadcast %shift_left3A_233 : i32 to vector<16xi32>
    %shift_left3A_235 = arith.shli %and3A_232, %shift_left3A_234 : vector<16xi32>
    %swap3A_236 = arith.constant 16 : index
    %swap3A_237 = tpu.vector_load %arg8[%swap3A_236] {strides = array<i32>} : memref<128xi32, #tpu.memory_space<vmem>>, vector<16xi32>,
    tpu.vector_store %arg8[%swap3A_236], %shift_left3A_235 {strides = array<i32>} : memref<128xi32, #tpu.memory_space<vmem>>, vector<16xi32>,
    %get3A_238 = arith.constant 32 : index
    %get3A_239 = tpu.vector_load %arg5[%get3A_238] {strides = array<i32>} : memref<25600xi32, #tpu.memory_space<vmem>>, vector<16xi32>,
    %shift_right_arithmetic3A_240 = arith.constant 1 : i32
    %shift_right_arithmetic3A_241 = vector.broadcast %shift_right_arithmetic3A_240 : i32 to vector<16xi32>
    %shift_right_arithmetic3A_242 = arith.shrsi %get3A_239, %shift_right_arithmetic3A_241 : vector<16xi32>
    %swap3A_243 = arith.constant 32 : index
    %swap3A_244 = tpu.vector_load %arg6[%swap3A_243] {strides = array<i32>} : memref<128xi32, #tpu.memory_space<vmem>>, vector<16xi32>,
    tpu.vector_store %arg6[%swap3A_243], %shift_right_arithmetic3A_242 {strides = array<i32>} : memref<128xi32, #tpu.memory_space<vmem>>, vector<16xi32>,
    %and3A_245 = arith.constant 1 : i32
    %and3A_246 = vector.broadcast %and3A_245 : i32 to vector<16xi32>
    %and3A_247 = arith.andi %get3A_239, %and3A_246 : vector<16xi32>
    %shift_left3A_248 = arith.constant 6 : i32
    %shift_left3A_249 = vector.broadcast %shift_left3A_248 : i32 to vector<16xi32>
    %shift_left3A_250 = arith.shli %and3A_247, %shift_left3A_249 : vector<16xi32>
    %swap3A_251 = arith.constant 32 : index
    %swap3A_252 = tpu.vector_load %arg8[%swap3A_251] {strides = array<i32>} : memref<128xi32, #tpu.memory_space<vmem>>, vector<16xi32>,
    tpu.vector_store %arg8[%swap3A_251], %shift_left3A_250 {strides = array<i32>} : memref<128xi32, #tpu.memory_space<vmem>>, vector<16xi32>,
    %get3A_253 = arith.constant 48 : index
    %get3A_254 = tpu.vector_load %arg5[%get3A_253] {strides = array<i32>} : memref<25600xi32, #tpu.memory_space<vmem>>, vector<16xi32>,
    %shift_right_arithmetic3A_255 = arith.constant 1 : i32
    %shift_right_arithmetic3A_256 = vector.broadcast %shift_right_arithmetic3A_255 : i32 to vector<16xi32>
    %shift_right_arithmetic3A_257 = arith.shrsi %get3A_254, %shift_right_arithmetic3A_256 : vector<16xi32>
    %swap3A_258 = arith.constant 48 : index
    %swap3A_259 = tpu.vector_load %arg6[%swap3A_258] {strides = array<i32>} : memref<128xi32, #tpu.memory_space<vmem>>, vector<16xi32>,
    tpu.vector_store %arg6[%swap3A_258], %shift_right_arithmetic3A_257 {strides = array<i32>} : memref<128xi32, #tpu.memory_space<vmem>>, vector<16xi32>,
    %and3A_260 = arith.constant 1 : i32
    %and3A_261 = vector.broadcast %and3A_260 : i32 to vector<16xi32>
    %and3A_262 = arith.andi %get3A_254, %and3A_261 : vector<16xi32>
    %shift_left3A_263 = arith.constant 6 : i32
    %shift_left3A_264 = vector.broadcast %shift_left3A_263 : i32 to vector<16xi32>
    %shift_left3A_265 = arith.shli %and3A_262, %shift_left3A_264 : vector<16xi32>
    %swap3A_266 = arith.constant 48 : index
    %swap3A_267 = tpu.vector_load %arg8[%swap3A_266] {strides = array<i32>} : memref<128xi32, #tpu.memory_space<vmem>>, vector<16xi32>,
    tpu.vector_store %arg8[%swap3A_266], %shift_left3A_265 {strides = array<i32>} : memref<128xi32, #tpu.memory_space<vmem>>, vector<16xi32>,
    %get3A_268 = arith.constant 64 : index
    %get3A_269 = tpu.vector_load %arg5[%get3A_268] {strides = array<i32>} : memref<25600xi32, #tpu.memory_space<vmem>>, vector<16xi32>,
    %shift_right_arithmetic3A_270 = arith.constant 1 : i32
    %shift_right_arithmetic3A_271 = vector.broadcast %shift_right_arithmetic3A_270 : i32 to vector<16xi32>
    %shift_right_arithmetic3A_272 = arith.shrsi %get3A_269, %shift_right_arithmetic3A_271 : vector<16xi32>
    %swap3A_273 = arith.constant 64 : index
    %swap3A_274 = tpu.vector_load %arg6[%swap3A_273] {strides = array<i32>} : memref<128xi32, #tpu.memory_space<vmem>>, vector<16xi32>,
    tpu.vector_store %arg6[%swap3A_273], %shift_right_arithmetic3A_272 {strides = array<i32>} : memref<128xi32, #tpu.memory_space<vmem>>, vector<16xi32>,
    %and3A_275 = arith.constant 1 : i32
    %and3A_276 = vector.broadcast %and3A_275 : i32 to vector<16xi32>
    %and3A_277 = arith.andi %get3A_269, %and3A_276 : vector<16xi32>
    %shift_left3A_278 = arith.constant 6 : i32
    %shift_left3A_279 = vector.broadcast %shift_left3A_278 : i32 to vector<16xi32>
    %shift_left3A_280 = arith.shli %and3A_277, %shift_left3A_279 : vector<16xi32>
    %swap3A_281 = arith.constant 64 : index
    %swap3A_282 = tpu.vector_load %arg8[%swap3A_281] {strides = array<i32>} : memref<128xi32, #tpu.memory_space<vmem>>, vector<16xi32>,
    tpu.vector_store %arg8[%swap3A_281], %shift_left3A_280 {strides = array<i32>} : memref<128xi32, #tpu.memory_space<vmem>>, vector<16xi32>,
    %get3A_283 = arith.constant 80 : index
    %get3A_284 = tpu.vector_load %arg5[%get3A_283] {strides = array<i32>} : memref<25600xi32, #tpu.memory_space<vmem>>, vector<16xi32>,
    %shift_right_arithmetic3A_285 = arith.constant 1 : i32
    %shift_right_arithmetic3A_286 = vector.broadcast %shift_right_arithmetic3A_285 : i32 to vector<16xi32>
    %shift_right_arithmetic3A_287 = arith.shrsi %get3A_284, %shift_right_arithmetic3A_286 : vector<16xi32>
    %swap3A_288 = arith.constant 80 : index
    %swap3A_289 = tpu.vector_load %arg6[%swap3A_288] {strides = array<i32>} : memref<128xi32, #tpu.memory_space<vmem>>, vector<16xi32>,
    tpu.vector_store %arg6[%swap3A_288], %shift_right_arithmetic3A_287 {strides = array<i32>} : memref<128xi32, #tpu.memory_space<vmem>>, vector<16xi32>,
    %and3A_290 = arith.constant 1 : i32
    %and3A_291 = vector.broadcast %and3A_290 : i32 to vector<16xi32>
    %and3A_292 = arith.andi %get3A_284, %and3A_291 : vector<16xi32>
    %shift_left3A_293 = arith.constant 6 : i32
    %shift_left3A_294 = vector.broadcast %shift_left3A_293 : i32 to vector<16xi32>
    %shift_left3A_295 = arith.shli %and3A_292, %shift_left3A_294 : vector<16xi32>
    %swap3A_296 = arith.constant 80 : index
    %swap3A_297 = tpu.vector_load %arg8[%swap3A_296] {strides = array<i32>} : memref<128xi32, #tpu.memory_space<vmem>>, vector<16xi32>,
    tpu.vector_store %arg8[%swap3A_296], %shift_left3A_295 {strides = array<i32>} : memref<128xi32, #tpu.memory_space<vmem>>, vector<16xi32>,
    %get3A_298 = arith.constant 96 : index
    %get3A_299 = tpu.vector_load %arg5[%get3A_298] {strides = array<i32>} : memref<25600xi32, #tpu.memory_space<vmem>>, vector<16xi32>,
    %shift_right_arithmetic3A_300 = arith.constant 1 : i32
    %shift_right_arithmetic3A_301 = vector.broadcast %shift_right_arithmetic3A_300 : i32 to vector<16xi32>
    %shift_right_arithmetic3A_302 = arith.shrsi %get3A_299, %shift_right_arithmetic3A_301 : vector<16xi32>
    %swap3A_303 = arith.constant 96 : index
    %swap3A_304 = tpu.vector_load %arg6[%swap3A_303] {strides = array<i32>} : memref<128xi32, #tpu.memory_space<vmem>>, vector<16xi32>,
    tpu.vector_store %arg6[%swap3A_303], %shift_right_arithmetic3A_302 {strides = array<i32>} : memref<128xi32, #tpu.memory_space<vmem>>, vector<16xi32>,
    %and3A_305 = arith.constant 1 : i32
    %and3A_306 = vector.broadcast %and3A_305 : i32 to vector<16xi32>
    %and3A_307 = arith.andi %get3A_299, %and3A_306 : vector<16xi32>
    %shift_left3A_308 = arith.constant 6 : i32
    %shift_left3A_309 = vector.broadcast %shift_left3A_308 : i32 to vector<16xi32>
    %shift_left3A_310 = arith.shli %and3A_307, %shift_left3A_309 : vector<16xi32>
    %swap3A_311 = arith.constant 96 : index
    %swap3A_312 = tpu.vector_load %arg8[%swap3A_311] {strides = array<i32>} : memref<128xi32, #tpu.memory_space<vmem>>, vector<16xi32>,
    tpu.vector_store %arg8[%swap3A_311], %shift_left3A_310 {strides = array<i32>} : memref<128xi32, #tpu.memory_space<vmem>>, vector<16xi32>,
    %get3A_313 = arith.constant 112 : index
    %get3A_314 = tpu.vector_load %arg5[%get3A_313] {strides = array<i32>} : memref<25600xi32, #tpu.memory_space<vmem>>, vector<16xi32>,
    %shift_right_arithmetic3A_315 = arith.constant 1 : i32
    %shift_right_arithmetic3A_316 = vector.broadcast %shift_right_arithmetic3A_315 : i32 to vector<16xi32>
    %shift_right_arithmetic3A_317 = arith.shrsi %get3A_314, %shift_right_arithmetic3A_316 : vector<16xi32>
    %swap3A_318 = arith.constant 112 : index
    %swap3A_319 = tpu.vector_load %arg6[%swap3A_318] {strides = array<i32>} : memref<128xi32, #tpu.memory_space<vmem>>, vector<16xi32>,
    tpu.vector_store %arg6[%swap3A_318], %shift_right_arithmetic3A_317 {strides = array<i32>} : memref<128xi32, #tpu.memory_space<vmem>>, vector<16xi32>,
    %and3A_320 = arith.constant 1 : i32
    %and3A_321 = vector.broadcast %and3A_320 : i32 to vector<16xi32>
    %and3A_322 = arith.andi %get3A_314, %and3A_321 : vector<16xi32>
    %shift_left3A_323 = arith.constant 6 : i32
    %shift_left3A_324 = vector.broadcast %shift_left3A_323 : i32 to vector<16xi32>
    %shift_left3A_325 = arith.shli %and3A_322, %shift_left3A_324 : vector<16xi32>
    %swap3A_326 = arith.constant 112 : index
    %swap3A_327 = tpu.vector_load %arg8[%swap3A_326] {strides = array<i32>} : memref<128xi32, #tpu.memory_space<vmem>>, vector<16xi32>,
    tpu.vector_store %arg8[%swap3A_326], %shift_left3A_325 {strides = array<i32>} : memref<128xi32, #tpu.memory_space<vmem>>, vector<16xi32>,
    %dma_start3A = arith.constant 0 : i32
    %dma_start3A_328 = arith.constant 0 : i32
    %dma_start3A_329 = tpu.memref_slice %arg2[%dma_start3A, %dma_start3A_328] : memref<500000x128xf32, #tpu.memory_space<hbm>> -> memref<500000x128xf32, #tpu.memory_space<hbm>>
    tpu.enqueue_indirect_dma source(%dma_start3A_329 : memref<500000x128xf32, #tpu.memory_space<hbm>>) target(%arg10 : memref<128x128xf32, #tpu.memory_space<vmem>>) offsets(%arg6 : memref<128xi32, #tpu.memory_space<vmem>>) semaphore(%arg16 : memref<!tpu.dma_semaphore, #tpu.memory_space<semaphore_mem>>)
    %scan3A = arith.constant 0 : i32
    %scan3A_330 = arith.constant 0 : i32
    %scan3A_331 = arith.constant 200 : i32
    %scan3A_332 = arith.addi %scan3A_330, %scan3A_331 : i32
    %scan3A_333 = arith.constant 1 : i32
    scf.for %scan3A_346 = %scan3A_330 to %scan3A_332 step %scan3A_333  : i32 {
      %jit3A = arith.constant 2 : i32
      %eq3A = arith.constant 0 : i32
      %eq3A_347 = arith.cmpi eq, %jit3A, %eq3A : i32
      %jit3A_348 = arith.constant 1 : i32
      %select_n3A = arith.select %eq3A_347, %jit3A_348, %jit3A : i32
      %rem3A = arith.remsi %scan3A_346, %select_n3A : i32
      %ne3A = arith.constant 0 : i32
      %ne3A_349 = arith.cmpi ne, %rem3A, %ne3A : i32
      %lt3A = arith.constant 0 : i32
      %lt3A_350 = arith.cmpi slt, %rem3A, %lt3A : i32
      %lt3A_351 = arith.constant 0 : i32
      %lt3A_352 = arith.cmpi slt, %select_n3A, %lt3A_351 : i32
      %ne3A_353 = arith.xori %lt3A_350, %lt3A_352 : i1
      %and3A_354 = arith.andi %ne3A_353, %ne3A_349 : i1
      %add3A_355 = arith.addi %rem3A, %select_n3A : i32
      %select_n3A_356 = arith.select %and3A_354, %add3A_355, %rem3A : i32
      %eq3A_357 = arith.constant 0 : i32
      %eq3A_358 = arith.cmpi eq, %select_n3A_356, %eq3A_357 : i32
      %ge3A = arith.constant 2 : i32
      %ge3A_359 = arith.cmpi sge, %scan3A_346, %ge3A : i32
      %convert_element_type3A = arith.extui %ge3A_359 : i1 to i32
      %cond3A = arith.constant 0 : i32
      %cond3A_360 = arith.cmpi ne, %convert_element_type3A, %cond3A : i32
      scf.if %cond3A_360 {
        %dma_wait3A_410 = arith.constant 0 : i32
        %dma_wait3A_411 = arith.constant 0 : i32
        %dma_wait3A_412 = tpu.memref_slice %arg4[%dma_wait3A_410, %dma_wait3A_411] : memref<3200x16384xf32, #tpu.memory_space<hbm>> -> memref<64x128xf32, #tpu.memory_space<hbm>>
        %dma_wait3A_413 = arith.constant 0 : i32
        %dma_wait3A_414 = arith.constant 0 : i32
        %dma_wait3A_415 = tpu.memref_slice %arg4[%dma_wait3A_413, %dma_wait3A_414] : memref<3200x16384xf32, #tpu.memory_space<hbm>> -> memref<64x128xf32, #tpu.memory_space<hbm>>
        tpu.wait_dma2 semaphore(%arg17 : memref<!tpu.dma_semaphore, #tpu.memory_space<semaphore_mem>>) src(%arg12 : memref<64x128xf32, #tpu.memory_space<vmem>>) dst(%dma_wait3A_415 : memref<64x128xf32, #tpu.memory_space<hbm>>)
      } else {
      }
      %add3A_361 = arith.constant 1 : i32
      %add3A_362 = arith.addi %scan3A_346, %add3A_361 : i32
      %lt3A_363 = arith.constant 200 : i32
      %lt3A_364 = arith.cmpi slt, %add3A_362, %lt3A_363 : i32
      %and3A_365 = arith.andi %lt3A_364, %eq3A_358 : i1
      %convert_element_type3A_366 = arith.extui %and3A_365 : i1 to i32
      %cond3A_367 = arith.constant 0 : i32
      %cond3A_368 = arith.cmpi ne, %convert_element_type3A_366, %cond3A_367 : i32
      scf.if %cond3A_368 {
        %add3A_410 = arith.constant 1 : i32
        %add3A_411 = arith.addi %scan3A_346, %add3A_410 : i32
        %mul3A_412 = arith.constant 128 : i32
        %mul3A_413 = arith.muli %add3A_411, %mul3A_412 : i32
        %add3A_414 = arith.constant 0 : i32
        %add3A_415 = arith.addi %mul3A_413, %add3A_414 : i32
        %get3A_416 = arith.index_cast %add3A_415 : i32 to index
        %get3A_417 = tpu.vector_load %arg5[%get3A_416] {strides = array<i32>} : memref<25600xi32, #tpu.memory_space<vmem>>, vector<16xi32>,
        %shift_right_arithmetic3A_418 = arith.constant 1 : i32
        %shift_right_arithmetic3A_419 = vector.broadcast %shift_right_arithmetic3A_418 : i32 to vector<16xi32>
        %shift_right_arithmetic3A_420 = arith.shrsi %get3A_417, %shift_right_arithmetic3A_419 : vector<16xi32>
        %swap3A_421 = arith.constant 0 : index
        %swap3A_422 = tpu.vector_load %arg7[%swap3A_421] {strides = array<i32>} : memref<128xi32, #tpu.memory_space<vmem>>, vector<16xi32>,
        tpu.vector_store %arg7[%swap3A_421], %shift_right_arithmetic3A_420 {strides = array<i32>} : memref<128xi32, #tpu.memory_space<vmem>>, vector<16xi32>,
        %and3A_423 = arith.constant 1 : i32
        %and3A_424 = vector.broadcast %and3A_423 : i32 to vector<16xi32>
        %and3A_425 = arith.andi %get3A_417, %and3A_424 : vector<16xi32>
        %shift_left3A_426 = arith.constant 6 : i32
        %shift_left3A_427 = vector.broadcast %shift_left3A_426 : i32 to vector<16xi32>
        %shift_left3A_428 = arith.shli %and3A_425, %shift_left3A_427 : vector<16xi32>
        %swap3A_429 = arith.constant 0 : index
        %swap3A_430 = tpu.vector_load %arg9[%swap3A_429] {strides = array<i32>} : memref<128xi32, #tpu.memory_space<vmem>>, vector<16xi32>,
        tpu.vector_store %arg9[%swap3A_429], %shift_left3A_428 {strides = array<i32>} : memref<128xi32, #tpu.memory_space<vmem>>, vector<16xi32>,
        %mul3A_431 = arith.constant 128 : i32
        %mul3A_432 = arith.muli %add3A_411, %mul3A_431 : i32
        %add3A_433 = arith.constant 16 : i32
        %add3A_434 = arith.addi %mul3A_432, %add3A_433 : i32
        %get3A_435 = arith.index_cast %add3A_434 : i32 to index
        %get3A_436 = tpu.vector_load %arg5[%get3A_435] {strides = array<i32>} : memref<25600xi32, #tpu.memory_space<vmem>>, vector<16xi32>,
        %shift_right_arithmetic3A_437 = arith.constant 1 : i32
        %shift_right_arithmetic3A_438 = vector.broadcast %shift_right_arithmetic3A_437 : i32 to vector<16xi32>
        %shift_right_arithmetic3A_439 = arith.shrsi %get3A_436, %shift_right_arithmetic3A_438 : vector<16xi32>
        %swap3A_440 = arith.constant 16 : index
        %swap3A_441 = tpu.vector_load %arg7[%swap3A_440] {strides = array<i32>} : memref<128xi32, #tpu.memory_space<vmem>>, vector<16xi32>,
        tpu.vector_store %arg7[%swap3A_440], %shift_right_arithmetic3A_439 {strides = array<i32>} : memref<128xi32, #tpu.memory_space<vmem>>, vector<16xi32>,
        %and3A_442 = arith.constant 1 : i32
        %and3A_443 = vector.broadcast %and3A_442 : i32 to vector<16xi32>
        %and3A_444 = arith.andi %get3A_436, %and3A_443 : vector<16xi32>
        %shift_left3A_445 = arith.constant 6 : i32
        %shift_left3A_446 = vector.broadcast %shift_left3A_445 : i32 to vector<16xi32>
        %shift_left3A_447 = arith.shli %and3A_444, %shift_left3A_446 : vector<16xi32>
        %swap3A_448 = arith.constant 16 : index
        %swap3A_449 = tpu.vector_load %arg9[%swap3A_448] {strides = array<i32>} : memref<128xi32, #tpu.memory_space<vmem>>, vector<16xi32>,
        tpu.vector_store %arg9[%swap3A_448], %shift_left3A_447 {strides = array<i32>} : memref<128xi32, #tpu.memory_space<vmem>>, vector<16xi32>,
        %mul3A_450 = arith.constant 128 : i32
        %mul3A_451 = arith.muli %add3A_411, %mul3A_450 : i32
        %add3A_452 = arith.constant 32 : i32
        %add3A_453 = arith.addi %mul3A_451, %add3A_452 : i32
        %get3A_454 = arith.index_cast %add3A_453 : i32 to index
        %get3A_455 = tpu.vector_load %arg5[%get3A_454] {strides = array<i32>} : memref<25600xi32, #tpu.memory_space<vmem>>, vector<16xi32>,
        %shift_right_arithmetic3A_456 = arith.constant 1 : i32
        %shift_right_arithmetic3A_457 = vector.broadcast %shift_right_arithmetic3A_456 : i32 to vector<16xi32>
        %shift_right_arithmetic3A_458 = arith.shrsi %get3A_455, %shift_right_arithmetic3A_457 : vector<16xi32>
        %swap3A_459 = arith.constant 32 : index
        %swap3A_460 = tpu.vector_load %arg7[%swap3A_459] {strides = array<i32>} : memref<128xi32, #tpu.memory_space<vmem>>, vector<16xi32>,
        tpu.vector_store %arg7[%swap3A_459], %shift_right_arithmetic3A_458 {strides = array<i32>} : memref<128xi32, #tpu.memory_space<vmem>>, vector<16xi32>,
        %and3A_461 = arith.constant 1 : i32
        %and3A_462 = vector.broadcast %and3A_461 : i32 to vector<16xi32>
        %and3A_463 = arith.andi %get3A_455, %and3A_462 : vector<16xi32>
        %shift_left3A_464 = arith.constant 6 : i32
        %shift_left3A_465 = vector.broadcast %shift_left3A_464 : i32 to vector<16xi32>
        %shift_left3A_466 = arith.shli %and3A_463, %shift_left3A_465 : vector<16xi32>
        %swap3A_467 = arith.constant 32 : index
        %swap3A_468 = tpu.vector_load %arg9[%swap3A_467] {strides = array<i32>} : memref<128xi32, #tpu.memory_space<vmem>>, vector<16xi32>,
        tpu.vector_store %arg9[%swap3A_467], %shift_left3A_466 {strides = array<i32>} : memref<128xi32, #tpu.memory_space<vmem>>, vector<16xi32>,
        %mul3A_469 = arith.constant 128 : i32
        %mul3A_470 = arith.muli %add3A_411, %mul3A_469 : i32
        %add3A_471 = arith.constant 48 : i32
        %add3A_472 = arith.addi %mul3A_470, %add3A_471 : i32
        %get3A_473 = arith.index_cast %add3A_472 : i32 to index
        %get3A_474 = tpu.vector_load %arg5[%get3A_473] {strides = array<i32>} : memref<25600xi32, #tpu.memory_space<vmem>>, vector<16xi32>,
        %shift_right_arithmetic3A_475 = arith.constant 1 : i32
        %shift_right_arithmetic3A_476 = vector.broadcast %shift_right_arithmetic3A_475 : i32 to vector<16xi32>
        %shift_right_arithmetic3A_477 = arith.shrsi %get3A_474, %shift_right_arithmetic3A_476 : vector<16xi32>
        %swap3A_478 = arith.constant 48 : index
        %swap3A_479 = tpu.vector_load %arg7[%swap3A_478] {strides = array<i32>} : memref<128xi32, #tpu.memory_space<vmem>>, vector<16xi32>,
        tpu.vector_store %arg7[%swap3A_478], %shift_right_arithmetic3A_477 {strides = array<i32>} : memref<128xi32, #tpu.memory_space<vmem>>, vector<16xi32>,
        %and3A_480 = arith.constant 1 : i32
        %and3A_481 = vector.broadcast %and3A_480 : i32 to vector<16xi32>
        %and3A_482 = arith.andi %get3A_474, %and3A_481 : vector<16xi32>
        %shift_left3A_483 = arith.constant 6 : i32
        %shift_left3A_484 = vector.broadcast %shift_left3A_483 : i32 to vector<16xi32>
        %shift_left3A_485 = arith.shli %and3A_482, %shift_left3A_484 : vector<16xi32>
        %swap3A_486 = arith.constant 48 : index
        %swap3A_487 = tpu.vector_load %arg9[%swap3A_486] {strides = array<i32>} : memref<128xi32, #tpu.memory_space<vmem>>, vector<16xi32>,
        tpu.vector_store %arg9[%swap3A_486], %shift_left3A_485 {strides = array<i32>} : memref<128xi32, #tpu.memory_space<vmem>>, vector<16xi32>,
        %mul3A_488 = arith.constant 128 : i32
        %mul3A_489 = arith.muli %add3A_411, %mul3A_488 : i32
        %add3A_490 = arith.constant 64 : i32
        %add3A_491 = arith.addi %mul3A_489, %add3A_490 : i32
        %get3A_492 = arith.index_cast %add3A_491 : i32 to index
        %get3A_493 = tpu.vector_load %arg5[%get3A_492] {strides = array<i32>} : memref<25600xi32, #tpu.memory_space<vmem>>, vector<16xi32>,
        %shift_right_arithmetic3A_494 = arith.constant 1 : i32
        %shift_right_arithmetic3A_495 = vector.broadcast %shift_right_arithmetic3A_494 : i32 to vector<16xi32>
        %shift_right_arithmetic3A_496 = arith.shrsi %get3A_493, %shift_right_arithmetic3A_495 : vector<16xi32>
        %swap3A_497 = arith.constant 64 : index
        %swap3A_498 = tpu.vector_load %arg7[%swap3A_497] {strides = array<i32>} : memref<128xi32, #tpu.memory_space<vmem>>, vector<16xi32>,
        tpu.vector_store %arg7[%swap3A_497], %shift_right_arithmetic3A_496 {strides = array<i32>} : memref<128xi32, #tpu.memory_space<vmem>>, vector<16xi32>,
        %and3A_499 = arith.constant 1 : i32
        %and3A_500 = vector.broadcast %and3A_499 : i32 to vector<16xi32>
        %and3A_501 = arith.andi %get3A_493, %and3A_500 : vector<16xi32>
        %shift_left3A_502 = arith.constant 6 : i32
        %shift_left3A_503 = vector.broadcast %shift_left3A_502 : i32 to vector<16xi32>
        %shift_left3A_504 = arith.shli %and3A_501, %shift_left3A_503 : vector<16xi32>
        %swap3A_505 = arith.constant 64 : index
        %swap3A_506 = tpu.vector_load %arg9[%swap3A_505] {strides = array<i32>} : memref<128xi32, #tpu.memory_space<vmem>>, vector<16xi32>,
        tpu.vector_store %arg9[%swap3A_505], %shift_left3A_504 {strides = array<i32>} : memref<128xi32, #tpu.memory_space<vmem>>, vector<16xi32>,
        %mul3A_507 = arith.constant 128 : i32
        %mul3A_508 = arith.muli %add3A_411, %mul3A_507 : i32
        %add3A_509 = arith.constant 80 : i32
        %add3A_510 = arith.addi %mul3A_508, %add3A_509 : i32
        %get3A_511 = arith.index_cast %add3A_510 : i32 to index
        %get3A_512 = tpu.vector_load %arg5[%get3A_511] {strides = array<i32>} : memref<25600xi32, #tpu.memory_space<vmem>>, vector<16xi32>,
        %shift_right_arithmetic3A_513 = arith.constant 1 : i32
        %shift_right_arithmetic3A_514 = vector.broadcast %shift_right_arithmetic3A_513 : i32 to vector<16xi32>
        %shift_right_arithmetic3A_515 = arith.shrsi %get3A_512, %shift_right_arithmetic3A_514 : vector<16xi32>
        %swap3A_516 = arith.constant 80 : index
        %swap3A_517 = tpu.vector_load %arg7[%swap3A_516] {strides = array<i32>} : memref<128xi32, #tpu.memory_space<vmem>>, vector<16xi32>,
        tpu.vector_store %arg7[%swap3A_516], %shift_right_arithmetic3A_515 {strides = array<i32>} : memref<128xi32, #tpu.memory_space<vmem>>, vector<16xi32>,
        %and3A_518 = arith.constant 1 : i32
        %and3A_519 = vector.broadcast %and3A_518 : i32 to vector<16xi32>
        %and3A_520 = arith.andi %get3A_512, %and3A_519 : vector<16xi32>
        %shift_left3A_521 = arith.constant 6 : i32
        %shift_left3A_522 = vector.broadcast %shift_left3A_521 : i32 to vector<16xi32>
        %shift_left3A_523 = arith.shli %and3A_520, %shift_left3A_522 : vector<16xi32>
        %swap3A_524 = arith.constant 80 : index
        %swap3A_525 = tpu.vector_load %arg9[%swap3A_524] {strides = array<i32>} : memref<128xi32, #tpu.memory_space<vmem>>, vector<16xi32>,
        tpu.vector_store %arg9[%swap3A_524], %shift_left3A_523 {strides = array<i32>} : memref<128xi32, #tpu.memory_space<vmem>>, vector<16xi32>,
        %mul3A_526 = arith.constant 128 : i32
        %mul3A_527 = arith.muli %add3A_411, %mul3A_526 : i32
        %add3A_528 = arith.constant 96 : i32
        %add3A_529 = arith.addi %mul3A_527, %add3A_528 : i32
        %get3A_530 = arith.index_cast %add3A_529 : i32 to index
        %get3A_531 = tpu.vector_load %arg5[%get3A_530] {strides = array<i32>} : memref<25600xi32, #tpu.memory_space<vmem>>, vector<16xi32>,
        %shift_right_arithmetic3A_532 = arith.constant 1 : i32
        %shift_right_arithmetic3A_533 = vector.broadcast %shift_right_arithmetic3A_532 : i32 to vector<16xi32>
        %shift_right_arithmetic3A_534 = arith.shrsi %get3A_531, %shift_right_arithmetic3A_533 : vector<16xi32>
        %swap3A_535 = arith.constant 96 : index
        %swap3A_536 = tpu.vector_load %arg7[%swap3A_535] {strides = array<i32>} : memref<128xi32, #tpu.memory_space<vmem>>, vector<16xi32>,
        tpu.vector_store %arg7[%swap3A_535], %shift_right_arithmetic3A_534 {strides = array<i32>} : memref<128xi32, #tpu.memory_space<vmem>>, vector<16xi32>,
        %and3A_537 = arith.constant 1 : i32
        %and3A_538 = vector.broadcast %and3A_537 : i32 to vector<16xi32>
        %and3A_539 = arith.andi %get3A_531, %and3A_538 : vector<16xi32>
        %shift_left3A_540 = arith.constant 6 : i32
        %shift_left3A_541 = vector.broadcast %shift_left3A_540 : i32 to vector<16xi32>
        %shift_left3A_542 = arith.shli %and3A_539, %shift_left3A_541 : vector<16xi32>
        %swap3A_543 = arith.constant 96 : index
        %swap3A_544 = tpu.vector_load %arg9[%swap3A_543] {strides = array<i32>} : memref<128xi32, #tpu.memory_space<vmem>>, vector<16xi32>,
        tpu.vector_store %arg9[%swap3A_543], %shift_left3A_542 {strides = array<i32>} : memref<128xi32, #tpu.memory_space<vmem>>, vector<16xi32>,
        %mul3A_545 = arith.constant 128 : i32
        %mul3A_546 = arith.muli %add3A_411, %mul3A_545 : i32
        %add3A_547 = arith.constant 112 : i32
        %add3A_548 = arith.addi %mul3A_546, %add3A_547 : i32
        %get3A_549 = arith.index_cast %add3A_548 : i32 to index
        %get3A_550 = tpu.vector_load %arg5[%get3A_549] {strides = array<i32>} : memref<25600xi32, #tpu.memory_space<vmem>>, vector<16xi32>,
        %shift_right_arithmetic3A_551 = arith.constant 1 : i32
        %shift_right_arithmetic3A_552 = vector.broadcast %shift_right_arithmetic3A_551 : i32 to vector<16xi32>
        %shift_right_arithmetic3A_553 = arith.shrsi %get3A_550, %shift_right_arithmetic3A_552 : vector<16xi32>
        %swap3A_554 = arith.constant 112 : index
        %swap3A_555 = tpu.vector_load %arg7[%swap3A_554] {strides = array<i32>} : memref<128xi32, #tpu.memory_space<vmem>>, vector<16xi32>,
        tpu.vector_store %arg7[%swap3A_554], %shift_right_arithmetic3A_553 {strides = array<i32>} : memref<128xi32, #tpu.memory_space<vmem>>, vector<16xi32>,
        %and3A_556 = arith.constant 1 : i32
        %and3A_557 = vector.broadcast %and3A_556 : i32 to vector<16xi32>
        %and3A_558 = arith.andi %get3A_550, %and3A_557 : vector<16xi32>
        %shift_left3A_559 = arith.constant 6 : i32
        %shift_left3A_560 = vector.broadcast %shift_left3A_559 : i32 to vector<16xi32>
        %shift_left3A_561 = arith.shli %and3A_558, %shift_left3A_560 : vector<16xi32>
        %swap3A_562 = arith.constant 112 : index
        %swap3A_563 = tpu.vector_load %arg9[%swap3A_562] {strides = array<i32>} : memref<128xi32, #tpu.memory_space<vmem>>, vector<16xi32>,
        tpu.vector_store %arg9[%swap3A_562], %shift_left3A_561 {strides = array<i32>} : memref<128xi32, #tpu.memory_space<vmem>>, vector<16xi32>,
      } else {
      }
      %add3A_369 = arith.constant 1 : i32
      %add3A_370 = arith.addi %scan3A_346, %add3A_369 : i32
      %lt3A_371 = arith.constant 200 : i32
      %lt3A_372 = arith.cmpi slt, %add3A_370, %lt3A_371 : i32
      %not3A = arith.constant true
      %not3A_373 = arith.xori %eq3A_358, %not3A : i1
      %and3A_374 = arith.andi %lt3A_372, %not3A_373 : i1
      %convert_element_type3A_375 = arith.extui %and3A_374 : i1 to i32
      %cond3A_376 = arith.constant 0 : i32
      %cond3A_377 = arith.cmpi ne, %convert_element_type3A_375, %cond3A_376 : i32
      scf.if %cond3A_377 {
        %add3A_410 = arith.constant 1 : i32
        %add3A_411 = arith.addi %scan3A_346, %add3A_410 : i32
        %mul3A_412 = arith.constant 128 : i32
        %mul3A_413 = arith.muli %add3A_411, %mul3A_412 : i32
        %add3A_414 = arith.constant 0 : i32
        %add3A_415 = arith.addi %mul3A_413, %add3A_414 : i32
        %get3A_416 = arith.index_cast %add3A_415 : i32 to index
        %get3A_417 = tpu.vector_load %arg5[%get3A_416] {strides = array<i32>} : memref<25600xi32, #tpu.memory_space<vmem>>, vector<16xi32>,
        %shift_right_arithmetic3A_418 = arith.constant 1 : i32
        %shift_right_arithmetic3A_419 = vector.broadcast %shift_right_arithmetic3A_418 : i32 to vector<16xi32>
        %shift_right_arithmetic3A_420 = arith.shrsi %get3A_417, %shift_right_arithmetic3A_419 : vector<16xi32>
        %swap3A_421 = arith.constant 0 : index
        %swap3A_422 = tpu.vector_load %arg6[%swap3A_421] {strides = array<i32>} : memref<128xi32, #tpu.memory_space<vmem>>, vector<16xi32>,
        tpu.vector_store %arg6[%swap3A_421], %shift_right_arithmetic3A_420 {strides = array<i32>} : memref<128xi32, #tpu.memory_space<vmem>>, vector<16xi32>,
        %and3A_423 = arith.constant 1 : i32
        %and3A_424 = vector.broadcast %and3A_423 : i32 to vector<16xi32>
        %and3A_425 = arith.andi %get3A_417, %and3A_424 : vector<16xi32>
        %shift_left3A_426 = arith.constant 6 : i32
        %shift_left3A_427 = vector.broadcast %shift_left3A_426 : i32 to vector<16xi32>
        %shift_left3A_428 = arith.shli %and3A_425, %shift_left3A_427 : vector<16xi32>
        %swap3A_429 = arith.constant 0 : index
        %swap3A_430 = tpu.vector_load %arg8[%swap3A_429] {strides = array<i32>} : memref<128xi32, #tpu.memory_space<vmem>>, vector<16xi32>,
        tpu.vector_store %arg8[%swap3A_429], %shift_left3A_428 {strides = array<i32>} : memref<128xi32, #tpu.memory_space<vmem>>, vector<16xi32>,
        %mul3A_431 = arith.constant 128 : i32
        %mul3A_432 = arith.muli %add3A_411, %mul3A_431 : i32
        %add3A_433 = arith.constant 16 : i32
        %add3A_434 = arith.addi %mul3A_432, %add3A_433 : i32
        %get3A_435 = arith.index_cast %add3A_434 : i32 to index
        %get3A_436 = tpu.vector_load %arg5[%get3A_435] {strides = array<i32>} : memref<25600xi32, #tpu.memory_space<vmem>>, vector<16xi32>,
        %shift_right_arithmetic3A_437 = arith.constant 1 : i32
        %shift_right_arithmetic3A_438 = vector.broadcast %shift_right_arithmetic3A_437 : i32 to vector<16xi32>
        %shift_right_arithmetic3A_439 = arith.shrsi %get3A_436, %shift_right_arithmetic3A_438 : vector<16xi32>
        %swap3A_440 = arith.constant 16 : index
        %swap3A_441 = tpu.vector_load %arg6[%swap3A_440] {strides = array<i32>} : memref<128xi32, #tpu.memory_space<vmem>>, vector<16xi32>,
        tpu.vector_store %arg6[%swap3A_440], %shift_right_arithmetic3A_439 {strides = array<i32>} : memref<128xi32, #tpu.memory_space<vmem>>, vector<16xi32>,
        %and3A_442 = arith.constant 1 : i32
        %and3A_443 = vector.broadcast %and3A_442 : i32 to vector<16xi32>
        %and3A_444 = arith.andi %get3A_436, %and3A_443 : vector<16xi32>
        %shift_left3A_445 = arith.constant 6 : i32
        %shift_left3A_446 = vector.broadcast %shift_left3A_445 : i32 to vector<16xi32>
        %shift_left3A_447 = arith.shli %and3A_444, %shift_left3A_446 : vector<16xi32>
        %swap3A_448 = arith.constant 16 : index
        %swap3A_449 = tpu.vector_load %arg8[%swap3A_448] {strides = array<i32>} : memref<128xi32, #tpu.memory_space<vmem>>, vector<16xi32>,
        tpu.vector_store %arg8[%swap3A_448], %shift_left3A_447 {strides = array<i32>} : memref<128xi32, #tpu.memory_space<vmem>>, vector<16xi32>,
        %mul3A_450 = arith.constant 128 : i32
        %mul3A_451 = arith.muli %add3A_411, %mul3A_450 : i32
        %add3A_452 = arith.constant 32 : i32
        %add3A_453 = arith.addi %mul3A_451, %add3A_452 : i32
        %get3A_454 = arith.index_cast %add3A_453 : i32 to index
        %get3A_455 = tpu.vector_load %arg5[%get3A_454] {strides = array<i32>} : memref<25600xi32, #tpu.memory_space<vmem>>, vector<16xi32>,
        %shift_right_arithmetic3A_456 = arith.constant 1 : i32
        %shift_right_arithmetic3A_457 = vector.broadcast %shift_right_arithmetic3A_456 : i32 to vector<16xi32>
        %shift_right_arithmetic3A_458 = arith.shrsi %get3A_455, %shift_right_arithmetic3A_457 : vector<16xi32>
        %swap3A_459 = arith.constant 32 : index
        %swap3A_460 = tpu.vector_load %arg6[%swap3A_459] {strides = array<i32>} : memref<128xi32, #tpu.memory_space<vmem>>, vector<16xi32>,
        tpu.vector_store %arg6[%swap3A_459], %shift_right_arithmetic3A_458 {strides = array<i32>} : memref<128xi32, #tpu.memory_space<vmem>>, vector<16xi32>,
        %and3A_461 = arith.constant 1 : i32
        %and3A_462 = vector.broadcast %and3A_461 : i32 to vector<16xi32>
        %and3A_463 = arith.andi %get3A_455, %and3A_462 : vector<16xi32>
        %shift_left3A_464 = arith.constant 6 : i32
        %shift_left3A_465 = vector.broadcast %shift_left3A_464 : i32 to vector<16xi32>
        %shift_left3A_466 = arith.shli %and3A_463, %shift_left3A_465 : vector<16xi32>
        %swap3A_467 = arith.constant 32 : index
        %swap3A_468 = tpu.vector_load %arg8[%swap3A_467] {strides = array<i32>} : memref<128xi32, #tpu.memory_space<vmem>>, vector<16xi32>,
        tpu.vector_store %arg8[%swap3A_467], %shift_left3A_466 {strides = array<i32>} : memref<128xi32, #tpu.memory_space<vmem>>, vector<16xi32>,
        %mul3A_469 = arith.constant 128 : i32
        %mul3A_470 = arith.muli %add3A_411, %mul3A_469 : i32
        %add3A_471 = arith.constant 48 : i32
        %add3A_472 = arith.addi %mul3A_470, %add3A_471 : i32
        %get3A_473 = arith.index_cast %add3A_472 : i32 to index
        %get3A_474 = tpu.vector_load %arg5[%get3A_473] {strides = array<i32>} : memref<25600xi32, #tpu.memory_space<vmem>>, vector<16xi32>,
        %shift_right_arithmetic3A_475 = arith.constant 1 : i32
        %shift_right_arithmetic3A_476 = vector.broadcast %shift_right_arithmetic3A_475 : i32 to vector<16xi32>
        %shift_right_arithmetic3A_477 = arith.shrsi %get3A_474, %shift_right_arithmetic3A_476 : vector<16xi32>
        %swap3A_478 = arith.constant 48 : index
        %swap3A_479 = tpu.vector_load %arg6[%swap3A_478] {strides = array<i32>} : memref<128xi32, #tpu.memory_space<vmem>>, vector<16xi32>,
        tpu.vector_store %arg6[%swap3A_478], %shift_right_arithmetic3A_477 {strides = array<i32>} : memref<128xi32, #tpu.memory_space<vmem>>, vector<16xi32>,
        %and3A_480 = arith.constant 1 : i32
        %and3A_481 = vector.broadcast %and3A_480 : i32 to vector<16xi32>
        %and3A_482 = arith.andi %get3A_474, %and3A_481 : vector<16xi32>
        %shift_left3A_483 = arith.constant 6 : i32
        %shift_left3A_484 = vector.broadcast %shift_left3A_483 : i32 to vector<16xi32>
        %shift_left3A_485 = arith.shli %and3A_482, %shift_left3A_484 : vector<16xi32>
        %swap3A_486 = arith.constant 48 : index
        %swap3A_487 = tpu.vector_load %arg8[%swap3A_486] {strides = array<i32>} : memref<128xi32, #tpu.memory_space<vmem>>, vector<16xi32>,
        tpu.vector_store %arg8[%swap3A_486], %shift_left3A_485 {strides = array<i32>} : memref<128xi32, #tpu.memory_space<vmem>>, vector<16xi32>,
        %mul3A_488 = arith.constant 128 : i32
        %mul3A_489 = arith.muli %add3A_411, %mul3A_488 : i32
        %add3A_490 = arith.constant 64 : i32
        %add3A_491 = arith.addi %mul3A_489, %add3A_490 : i32
        %get3A_492 = arith.index_cast %add3A_491 : i32 to index
        %get3A_493 = tpu.vector_load %arg5[%get3A_492] {strides = array<i32>} : memref<25600xi32, #tpu.memory_space<vmem>>, vector<16xi32>,
        %shift_right_arithmetic3A_494 = arith.constant 1 : i32
        %shift_right_arithmetic3A_495 = vector.broadcast %shift_right_arithmetic3A_494 : i32 to vector<16xi32>
        %shift_right_arithmetic3A_496 = arith.shrsi %get3A_493, %shift_right_arithmetic3A_495 : vector<16xi32>
        %swap3A_497 = arith.constant 64 : index
        %swap3A_498 = tpu.vector_load %arg6[%swap3A_497] {strides = array<i32>} : memref<128xi32, #tpu.memory_space<vmem>>, vector<16xi32>,
        tpu.vector_store %arg6[%swap3A_497], %shift_right_arithmetic3A_496 {strides = array<i32>} : memref<128xi32, #tpu.memory_space<vmem>>, vector<16xi32>,
        %and3A_499 = arith.constant 1 : i32
        %and3A_500 = vector.broadcast %and3A_499 : i32 to vector<16xi32>
        %and3A_501 = arith.andi %get3A_493, %and3A_500 : vector<16xi32>
        %shift_left3A_502 = arith.constant 6 : i32
        %shift_left3A_503 = vector.broadcast %shift_left3A_502 : i32 to vector<16xi32>
        %shift_left3A_504 = arith.shli %and3A_501, %shift_left3A_503 : vector<16xi32>
        %swap3A_505 = arith.constant 64 : index
        %swap3A_506 = tpu.vector_load %arg8[%swap3A_505] {strides = array<i32>} : memref<128xi32, #tpu.memory_space<vmem>>, vector<16xi32>,
        tpu.vector_store %arg8[%swap3A_505], %shift_left3A_504 {strides = array<i32>} : memref<128xi32, #tpu.memory_space<vmem>>, vector<16xi32>,
        %mul3A_507 = arith.constant 128 : i32
        %mul3A_508 = arith.muli %add3A_411, %mul3A_507 : i32
        %add3A_509 = arith.constant 80 : i32
        %add3A_510 = arith.addi %mul3A_508, %add3A_509 : i32
        %get3A_511 = arith.index_cast %add3A_510 : i32 to index
        %get3A_512 = tpu.vector_load %arg5[%get3A_511] {strides = array<i32>} : memref<25600xi32, #tpu.memory_space<vmem>>, vector<16xi32>,
        %shift_right_arithmetic3A_513 = arith.constant 1 : i32
        %shift_right_arithmetic3A_514 = vector.broadcast %shift_right_arithmetic3A_513 : i32 to vector<16xi32>
        %shift_right_arithmetic3A_515 = arith.shrsi %get3A_512, %shift_right_arithmetic3A_514 : vector<16xi32>
        %swap3A_516 = arith.constant 80 : index
        %swap3A_517 = tpu.vector_load %arg6[%swap3A_516] {strides = array<i32>} : memref<128xi32, #tpu.memory_space<vmem>>, vector<16xi32>,
        tpu.vector_store %arg6[%swap3A_516], %shift_right_arithmetic3A_515 {strides = array<i32>} : memref<128xi32, #tpu.memory_space<vmem>>, vector<16xi32>,
        %and3A_518 = arith.constant 1 : i32
        %and3A_519 = vector.broadcast %and3A_518 : i32 to vector<16xi32>
        %and3A_520 = arith.andi %get3A_512, %and3A_519 : vector<16xi32>
        %shift_left3A_521 = arith.constant 6 : i32
        %shift_left3A_522 = vector.broadcast %shift_left3A_521 : i32 to vector<16xi32>
        %shift_left3A_523 = arith.shli %and3A_520, %shift_left3A_522 : vector<16xi32>
        %swap3A_524 = arith.constant 80 : index
        %swap3A_525 = tpu.vector_load %arg8[%swap3A_524] {strides = array<i32>} : memref<128xi32, #tpu.memory_space<vmem>>, vector<16xi32>,
        tpu.vector_store %arg8[%swap3A_524], %shift_left3A_523 {strides = array<i32>} : memref<128xi32, #tpu.memory_space<vmem>>, vector<16xi32>,
        %mul3A_526 = arith.constant 128 : i32
        %mul3A_527 = arith.muli %add3A_411, %mul3A_526 : i32
        %add3A_528 = arith.constant 96 : i32
        %add3A_529 = arith.addi %mul3A_527, %add3A_528 : i32
        %get3A_530 = arith.index_cast %add3A_529 : i32 to index
        %get3A_531 = tpu.vector_load %arg5[%get3A_530] {strides = array<i32>} : memref<25600xi32, #tpu.memory_space<vmem>>, vector<16xi32>,
        %shift_right_arithmetic3A_532 = arith.constant 1 : i32
        %shift_right_arithmetic3A_533 = vector.broadcast %shift_right_arithmetic3A_532 : i32 to vector<16xi32>
        %shift_right_arithmetic3A_534 = arith.shrsi %get3A_531, %shift_right_arithmetic3A_533 : vector<16xi32>
        %swap3A_535 = arith.constant 96 : index
        %swap3A_536 = tpu.vector_load %arg6[%swap3A_535] {strides = array<i32>} : memref<128xi32, #tpu.memory_space<vmem>>, vector<16xi32>,
        tpu.vector_store %arg6[%swap3A_535], %shift_right_arithmetic3A_534 {strides = array<i32>} : memref<128xi32, #tpu.memory_space<vmem>>, vector<16xi32>,
        %and3A_537 = arith.constant 1 : i32
        %and3A_538 = vector.broadcast %and3A_537 : i32 to vector<16xi32>
        %and3A_539 = arith.andi %get3A_531, %and3A_538 : vector<16xi32>
        %shift_left3A_540 = arith.constant 6 : i32
        %shift_left3A_541 = vector.broadcast %shift_left3A_540 : i32 to vector<16xi32>
        %shift_left3A_542 = arith.shli %and3A_539, %shift_left3A_541 : vector<16xi32>
        %swap3A_543 = arith.constant 96 : index
        %swap3A_544 = tpu.vector_load %arg8[%swap3A_543] {strides = array<i32>} : memref<128xi32, #tpu.memory_space<vmem>>, vector<16xi32>,
        tpu.vector_store %arg8[%swap3A_543], %shift_left3A_542 {strides = array<i32>} : memref<128xi32, #tpu.memory_space<vmem>>, vector<16xi32>,
        %mul3A_545 = arith.constant 128 : i32
        %mul3A_546 = arith.muli %add3A_411, %mul3A_545 : i32
        %add3A_547 = arith.constant 112 : i32
        %add3A_548 = arith.addi %mul3A_546, %add3A_547 : i32
        %get3A_549 = arith.index_cast %add3A_548 : i32 to index
        %get3A_550 = tpu.vector_load %arg5[%get3A_549] {strides = array<i32>} : memref<25600xi32, #tpu.memory_space<vmem>>, vector<16xi32>,
        %shift_right_arithmetic3A_551 = arith.constant 1 : i32
        %shift_right_arithmetic3A_552 = vector.broadcast %shift_right_arithmetic3A_551 : i32 to vector<16xi32>
        %shift_right_arithmetic3A_553 = arith.shrsi %get3A_550, %shift_right_arithmetic3A_552 : vector<16xi32>
        %swap3A_554 = arith.constant 112 : index
        %swap3A_555 = tpu.vector_load %arg6[%swap3A_554] {strides = array<i32>} : memref<128xi32, #tpu.memory_space<vmem>>, vector<16xi32>,
        tpu.vector_store %arg6[%swap3A_554], %shift_right_arithmetic3A_553 {strides = array<i32>} : memref<128xi32, #tpu.memory_space<vmem>>, vector<16xi32>,
        %and3A_556 = arith.constant 1 : i32
        %and3A_557 = vector.broadcast %and3A_556 : i32 to vector<16xi32>
        %and3A_558 = arith.andi %get3A_550, %and3A_557 : vector<16xi32>
        %shift_left3A_559 = arith.constant 6 : i32
        %shift_left3A_560 = vector.broadcast %shift_left3A_559 : i32 to vector<16xi32>
        %shift_left3A_561 = arith.shli %and3A_558, %shift_left3A_560 : vector<16xi32>
        %swap3A_562 = arith.constant 112 : index
        %swap3A_563 = tpu.vector_load %arg8[%swap3A_562] {strides = array<i32>} : memref<128xi32, #tpu.memory_space<vmem>>, vector<16xi32>,
        tpu.vector_store %arg8[%swap3A_562], %shift_left3A_561 {strides = array<i32>} : memref<128xi32, #tpu.memory_space<vmem>>, vector<16xi32>,
      } else {
      }
      %dma_wait3A_378 = arith.constant 0 : i32
      %dma_wait3A_379 = arith.constant 0 : i32
      %dma_wait3A_380 = tpu.memref_slice %arg2[%dma_wait3A_378, %dma_wait3A_379] : memref<500000x128xf32, #tpu.memory_space<hbm>> -> memref<128x128xf32, #tpu.memory_space<hbm>>
      %dma_wait3A_381 = arith.constant 0 : i32
      %dma_wait3A_382 = arith.constant 0 : i32
      %dma_wait3A_383 = tpu.memref_slice %arg2[%dma_wait3A_381, %dma_wait3A_382] : memref<500000x128xf32, #tpu.memory_space<hbm>> -> memref<128x128xf32, #tpu.memory_space<hbm>>
      tpu.wait_dma2 semaphore(%arg16 : memref<!tpu.dma_semaphore, #tpu.memory_space<semaphore_mem>>) src(%dma_wait3A_383 : memref<128x128xf32, #tpu.memory_space<hbm>>) dst(%arg10 : memref<128x128xf32, #tpu.memory_space<vmem>>)
      %add3A_384 = arith.constant 1 : i32
      %add3A_385 = arith.addi %scan3A_346, %add3A_384 : i32
      %lt3A_386 = arith.constant 200 : i32
      %lt3A_387 = arith.cmpi slt, %add3A_385, %lt3A_386 : i32
      %and3A_388 = arith.andi %lt3A_387, %eq3A_358 : i1
      %convert_element_type3A_389 = arith.extui %and3A_388 : i1 to i32
      %cond3A_390 = arith.constant 0 : i32
      %cond3A_391 = arith.cmpi ne, %convert_element_type3A_389, %cond3A_390 : i32
      scf.if %cond3A_391 {
        %dma_start3A_410 = arith.constant 0 : i32
        %dma_start3A_411 = arith.constant 0 : i32
        %dma_start3A_412 = tpu.memref_slice %arg2[%dma_start3A_410, %dma_start3A_411] : memref<500000x128xf32, #tpu.memory_space<hbm>> -> memref<500000x128xf32, #tpu.memory_space<hbm>>
        tpu.enqueue_indirect_dma source(%dma_start3A_412 : memref<500000x128xf32, #tpu.memory_space<hbm>>) target(%arg11 : memref<128x128xf32, #tpu.memory_space<vmem>>) offsets(%arg7 : memref<128xi32, #tpu.memory_space<vmem>>) semaphore(%arg16 : memref<!tpu.dma_semaphore, #tpu.memory_space<semaphore_mem>>)
      } else {
      }
      %add3A_392 = arith.constant 1 : i32
      %add3A_393 = arith.addi %scan3A_346, %add3A_392 : i32
      %lt3A_394 = arith.constant 200 : i32
      %lt3A_395 = arith.cmpi slt, %add3A_393, %lt3A_394 : i32
      %not3A_396 = arith.constant true
      %not3A_397 = arith.xori %eq3A_358, %not3A_396 : i1
      %and3A_398 = arith.andi %lt3A_395, %not3A_397 : i1
      %convert_element_type3A_399 = arith.extui %and3A_398 : i1 to i32
      %cond3A_400 = arith.constant 0 : i32
      %cond3A_401 = arith.cmpi ne, %convert_element_type3A_399, %cond3A_400 : i32
      scf.if %cond3A_401 {
        %dma_start3A_410 = arith.constant 0 : i32
        %dma_start3A_411 = arith.constant 0 : i32
        %dma_start3A_412 = tpu.memref_slice %arg2[%dma_start3A_410, %dma_start3A_411] : memref<500000x128xf32, #tpu.memory_space<hbm>> -> memref<500000x128xf32, #tpu.memory_space<hbm>>
        tpu.enqueue_indirect_dma source(%dma_start3A_412 : memref<500000x128xf32, #tpu.memory_space<hbm>>) target(%arg10 : memref<128x128xf32, #tpu.memory_space<vmem>>) offsets(%arg6 : memref<128xi32, #tpu.memory_space<vmem>>) semaphore(%arg16 : memref<!tpu.dma_semaphore, #tpu.memory_space<semaphore_mem>>)
      } else {
      }
      %convert_element_type3A_402 = arith.extui %eq3A_358 : i1 to i32
      %cond3A_403 = arith.constant 0 : i32
      %cond3A_404 = arith.cmpi ne, %convert_element_type3A_402, %cond3A_403 : i32
      scf.if %cond3A_404 {
        %parallel_loop3A = arith.constant 0 : i32
        %parallel_loop3A_410 = arith.constant 8 : i32
        %parallel_loop3A_411 = arith.constant 1 : i32
        scf.for %parallel_loop3A_456 = %parallel_loop3A to %parallel_loop3A_410 step %parallel_loop3A_411  : i32 {
          %parallel_loop3A_457 = arith.constant 16 : i32
          %parallel_loop3A_458 = arith.muli %parallel_loop3A_456, %parallel_loop3A_457 : i32
          %parallel_loop3A_459 = vector.broadcast %parallel_loop3A_458 : i32 to vector<16xi32>
          %parallel_loop3A_460 = arith.addi %parallel_loop3A_459, %iota3A : vector<16xi32>
          %parallel_loop3A_461 = arith.constant 16 : i32
          %parallel_loop3A_462 = arith.muli %parallel_loop3A_456, %parallel_loop3A_461 : i32
          %parallel_loop3A_463 = arith.index_cast %parallel_loop3A_462 : i32 to index
          %parallel_loop3A_464 = tpu.vector_load %arg8[%parallel_loop3A_463] {strides = array<i32>} : memref<128xi32, #tpu.memory_space<vmem>>, vector<16xi32>,
          %parallel_loop3A_465 = arith.constant 0 : index
          %parallel_loop3A_466 = tpu.vector_load %arg14[%parallel_loop3A_465] {strides = array<i32>} : memref<256xi32, #tpu.memory_space<vmem>>, vector<16xi32>,
          %parallel_loop3A_467 = arith.addi %parallel_loop3A_464, %parallel_loop3A_466 : vector<16xi32>
          %parallel_loop3A_468 = arith.constant 0 : i32
          %parallel_loop3A_469 = vector.broadcast %parallel_loop3A_468 : i32 to vector<16xi32>
          %parallel_loop3A_470 = arith.addi %parallel_loop3A_467, %parallel_loop3A_469 : vector<16xi32>
          %parallel_loop3A_471 = tpu.vector_load_idx %arg10[%parallel_loop3A_460, %parallel_loop3A_470] : memref<128x128xf32, #tpu.memory_space<vmem>>[vector<16xi32>, vector<16xi32>], vector<16xf32>,
          %parallel_loop3A_472 = arith.constant 0 : i32
          %parallel_loop3A_473 = vector.broadcast %parallel_loop3A_472 : i32 to vector<16xi32>
          %parallel_loop3A_474 = arith.addi %parallel_loop3A_466, %parallel_loop3A_473 : vector<16xi32>
          tpu.vector_store_idx %arg12[%parallel_loop3A_474, %parallel_loop3A_460], %parallel_loop3A_471 : memref<64x128xf32, #tpu.memory_space<vmem>>[vector<16xi32>, vector<16xi32>], vector<16xf32>,
          %parallel_loop3A_475 = arith.constant 16 : i32
          %parallel_loop3A_476 = vector.broadcast %parallel_loop3A_475 : i32 to vector<16xi32>
          %parallel_loop3A_477 = arith.addi %parallel_loop3A_467, %parallel_loop3A_476 : vector<16xi32>
          %parallel_loop3A_478 = tpu.vector_load_idx %arg10[%parallel_loop3A_460, %parallel_loop3A_477] : memref<128x128xf32, #tpu.memory_space<vmem>>[vector<16xi32>, vector<16xi32>], vector<16xf32>,
          %parallel_loop3A_479 = arith.constant 16 : i32
          %parallel_loop3A_480 = vector.broadcast %parallel_loop3A_479 : i32 to vector<16xi32>
          %parallel_loop3A_481 = arith.addi %parallel_loop3A_466, %parallel_loop3A_480 : vector<16xi32>
          tpu.vector_store_idx %arg12[%parallel_loop3A_481, %parallel_loop3A_460], %parallel_loop3A_478 : memref<64x128xf32, #tpu.memory_space<vmem>>[vector<16xi32>, vector<16xi32>], vector<16xf32>,
          %parallel_loop3A_482 = arith.constant 32 : i32
          %parallel_loop3A_483 = vector.broadcast %parallel_loop3A_482 : i32 to vector<16xi32>
          %parallel_loop3A_484 = arith.addi %parallel_loop3A_467, %parallel_loop3A_483 : vector<16xi32>
          %parallel_loop3A_485 = tpu.vector_load_idx %arg10[%parallel_loop3A_460, %parallel_loop3A_484] : memref<128x128xf32, #tpu.memory_space<vmem>>[vector<16xi32>, vector<16xi32>], vector<16xf32>,
          %parallel_loop3A_486 = arith.constant 32 : i32
          %parallel_loop3A_487 = vector.broadcast %parallel_loop3A_486 : i32 to vector<16xi32>
          %parallel_loop3A_488 = arith.addi %parallel_loop3A_466, %parallel_loop3A_487 : vector<16xi32>
          tpu.vector_store_idx %arg12[%parallel_loop3A_488, %parallel_loop3A_460], %parallel_loop3A_485 : memref<64x128xf32, #tpu.memory_space<vmem>>[vector<16xi32>, vector<16xi32>], vector<16xf32>,
          %parallel_loop3A_489 = arith.constant 48 : i32
          %parallel_loop3A_490 = vector.broadcast %parallel_loop3A_489 : i32 to vector<16xi32>
          %parallel_loop3A_491 = arith.addi %parallel_loop3A_467, %parallel_loop3A_490 : vector<16xi32>
          %parallel_loop3A_492 = tpu.vector_load_idx %arg10[%parallel_loop3A_460, %parallel_loop3A_491] : memref<128x128xf32, #tpu.memory_space<vmem>>[vector<16xi32>, vector<16xi32>], vector<16xf32>,
          %parallel_loop3A_493 = arith.constant 48 : i32
          %parallel_loop3A_494 = vector.broadcast %parallel_loop3A_493 : i32 to vector<16xi32>
          %parallel_loop3A_495 = arith.addi %parallel_loop3A_466, %parallel_loop3A_494 : vector<16xi32>
          tpu.vector_store_idx %arg12[%parallel_loop3A_495, %parallel_loop3A_460], %parallel_loop3A_492 : memref<64x128xf32, #tpu.memory_space<vmem>>[vector<16xi32>, vector<16xi32>], vector<16xf32>,
          %parallel_loop3A_496 = arith.constant 16 : index
          %parallel_loop3A_497 = tpu.vector_load %arg14[%parallel_loop3A_496] {strides = array<i32>} : memref<256xi32, #tpu.memory_space<vmem>>, vector<16xi32>,
          %parallel_loop3A_498 = arith.addi %parallel_loop3A_464, %parallel_loop3A_497 : vector<16xi32>
          %parallel_loop3A_499 = arith.constant 0 : i32
          %parallel_loop3A_500 = vector.broadcast %parallel_loop3A_499 : i32 to vector<16xi32>
          %parallel_loop3A_501 = arith.addi %parallel_loop3A_498, %parallel_loop3A_500 : vector<16xi32>
          %parallel_loop3A_502 = tpu.vector_load_idx %arg10[%parallel_loop3A_460, %parallel_loop3A_501] : memref<128x128xf32, #tpu.memory_space<vmem>>[vector<16xi32>, vector<16xi32>], vector<16xf32>,
          %parallel_loop3A_503 = arith.constant 0 : i32
          %parallel_loop3A_504 = vector.broadcast %parallel_loop3A_503 : i32 to vector<16xi32>
          %parallel_loop3A_505 = arith.addi %parallel_loop3A_497, %parallel_loop3A_504 : vector<16xi32>
          tpu.vector_store_idx %arg12[%parallel_loop3A_505, %parallel_loop3A_460], %parallel_loop3A_502 : memref<64x128xf32, #tpu.memory_space<vmem>>[vector<16xi32>, vector<16xi32>], vector<16xf32>,
          %parallel_loop3A_506 = arith.constant 16 : i32
          %parallel_loop3A_507 = vector.broadcast %parallel_loop3A_506 : i32 to vector<16xi32>
          %parallel_loop3A_508 = arith.addi %parallel_loop3A_498, %parallel_loop3A_507 : vector<16xi32>
          %parallel_loop3A_509 = tpu.vector_load_idx %arg10[%parallel_loop3A_460, %parallel_loop3A_508] : memref<128x128xf32, #tpu.memory_space<vmem>>[vector<16xi32>, vector<16xi32>], vector<16xf32>,
          %parallel_loop3A_510 = arith.constant 16 : i32
          %parallel_loop3A_511 = vector.broadcast %parallel_loop3A_510 : i32 to vector<16xi32>
          %parallel_loop3A_512 = arith.addi %parallel_loop3A_497, %parallel_loop3A_511 : vector<16xi32>
          tpu.vector_store_idx %arg12[%parallel_loop3A_512, %parallel_loop3A_460], %parallel_loop3A_509 : memref<64x128xf32, #tpu.memory_space<vmem>>[vector<16xi32>, vector<16xi32>], vector<16xf32>,
          %parallel_loop3A_513 = arith.constant 32 : i32
          %parallel_loop3A_514 = vector.broadcast %parallel_loop3A_513 : i32 to vector<16xi32>
          %parallel_loop3A_515 = arith.addi %parallel_loop3A_498, %parallel_loop3A_514 : vector<16xi32>
          %parallel_loop3A_516 = tpu.vector_load_idx %arg10[%parallel_loop3A_460, %parallel_loop3A_515] : memref<128x128xf32, #tpu.memory_space<vmem>>[vector<16xi32>, vector<16xi32>], vector<16xf32>,
          %parallel_loop3A_517 = arith.constant 32 : i32
          %parallel_loop3A_518 = vector.broadcast %parallel_loop3A_517 : i32 to vector<16xi32>
          %parallel_loop3A_519 = arith.addi %parallel_loop3A_497, %parallel_loop3A_518 : vector<16xi32>
          tpu.vector_store_idx %arg12[%parallel_loop3A_519, %parallel_loop3A_460], %parallel_loop3A_516 : memref<64x128xf32, #tpu.memory_space<vmem>>[vector<16xi32>, vector<16xi32>], vector<16xf32>,
          %parallel_loop3A_520 = arith.constant 48 : i32
          %parallel_loop3A_521 = vector.broadcast %parallel_loop3A_520 : i32 to vector<16xi32>
          %parallel_loop3A_522 = arith.addi %parallel_loop3A_498, %parallel_loop3A_521 : vector<16xi32>
          %parallel_loop3A_523 = tpu.vector_load_idx %arg10[%parallel_loop3A_460, %parallel_loop3A_522] : memref<128x128xf32, #tpu.memory_space<vmem>>[vector<16xi32>, vector<16xi32>], vector<16xf32>,
          %parallel_loop3A_524 = arith.constant 48 : i32
          %parallel_loop3A_525 = vector.broadcast %parallel_loop3A_524 : i32 to vector<16xi32>
          %parallel_loop3A_526 = arith.addi %parallel_loop3A_497, %parallel_loop3A_525 : vector<16xi32>
          tpu.vector_store_idx %arg12[%parallel_loop3A_526, %parallel_loop3A_460], %parallel_loop3A_523 : memref<64x128xf32, #tpu.memory_space<vmem>>[vector<16xi32>, vector<16xi32>], vector<16xf32>,
          %parallel_loop3A_527 = arith.constant 32 : index
          %parallel_loop3A_528 = tpu.vector_load %arg14[%parallel_loop3A_527] {strides = array<i32>} : memref<256xi32, #tpu.memory_space<vmem>>, vector<16xi32>,
          %parallel_loop3A_529 = arith.addi %parallel_loop3A_464, %parallel_loop3A_528 : vector<16xi32>
          %parallel_loop3A_530 = arith.constant 0 : i32
          %parallel_loop3A_531 = vector.broadcast %parallel_loop3A_530 : i32 to vector<16xi32>
          %parallel_loop3A_532 = arith.addi %parallel_loop3A_529, %parallel_loop3A_531 : vector<16xi32>
          %parallel_loop3A_533 = tpu.vector_load_idx %arg10[%parallel_loop3A_460, %parallel_loop3A_532] : memref<128x128xf32, #tpu.memory_space<vmem>>[vector<16xi32>, vector<16xi32>], vector<16xf32>,
          %parallel_loop3A_534 = arith.constant 0 : i32
          %parallel_loop3A_535 = vector.broadcast %parallel_loop3A_534 : i32 to vector<16xi32>
          %parallel_loop3A_536 = arith.addi %parallel_loop3A_528, %parallel_loop3A_535 : vector<16xi32>
          tpu.vector_store_idx %arg12[%parallel_loop3A_536, %parallel_loop3A_460], %parallel_loop3A_533 : memref<64x128xf32, #tpu.memory_space<vmem>>[vector<16xi32>, vector<16xi32>], vector<16xf32>,
          %parallel_loop3A_537 = arith.constant 16 : i32
          %parallel_loop3A_538 = vector.broadcast %parallel_loop3A_537 : i32 to vector<16xi32>
          %parallel_loop3A_539 = arith.addi %parallel_loop3A_529, %parallel_loop3A_538 : vector<16xi32>
          %parallel_loop3A_540 = tpu.vector_load_idx %arg10[%parallel_loop3A_460, %parallel_loop3A_539] : memref<128x128xf32, #tpu.memory_space<vmem>>[vector<16xi32>, vector<16xi32>], vector<16xf32>,
          %parallel_loop3A_541 = arith.constant 16 : i32
          %parallel_loop3A_542 = vector.broadcast %parallel_loop3A_541 : i32 to vector<16xi32>
          %parallel_loop3A_543 = arith.addi %parallel_loop3A_528, %parallel_loop3A_542 : vector<16xi32>
          tpu.vector_store_idx %arg12[%parallel_loop3A_543, %parallel_loop3A_460], %parallel_loop3A_540 : memref<64x128xf32, #tpu.memory_space<vmem>>[vector<16xi32>, vector<16xi32>], vector<16xf32>,
          %parallel_loop3A_544 = arith.constant 32 : i32
          %parallel_loop3A_545 = vector.broadcast %parallel_loop3A_544 : i32 to vector<16xi32>
          %parallel_loop3A_546 = arith.addi %parallel_loop3A_529, %parallel_loop3A_545 : vector<16xi32>
          %parallel_loop3A_547 = tpu.vector_load_idx %arg10[%parallel_loop3A_460, %parallel_loop3A_546] : memref<128x128xf32, #tpu.memory_space<vmem>>[vector<16xi32>, vector<16xi32>], vector<16xf32>,
          %parallel_loop3A_548 = arith.constant 32 : i32
          %parallel_loop3A_549 = vector.broadcast %parallel_loop3A_548 : i32 to vector<16xi32>
          %parallel_loop3A_550 = arith.addi %parallel_loop3A_528, %parallel_loop3A_549 : vector<16xi32>
          tpu.vector_store_idx %arg12[%parallel_loop3A_550, %parallel_loop3A_460], %parallel_loop3A_547 : memref<64x128xf32, #tpu.memory_space<vmem>>[vector<16xi32>, vector<16xi32>], vector<16xf32>,
          %parallel_loop3A_551 = arith.constant 48 : i32
          %parallel_loop3A_552 = vector.broadcast %parallel_loop3A_551 : i32 to vector<16xi32>
          %parallel_loop3A_553 = arith.addi %parallel_loop3A_529, %parallel_loop3A_552 : vector<16xi32>
          %parallel_loop3A_554 = tpu.vector_load_idx %arg10[%parallel_loop3A_460, %parallel_loop3A_553] : memref<128x128xf32, #tpu.memory_space<vmem>>[vector<16xi32>, vector<16xi32>], vector<16xf32>,
          %parallel_loop3A_555 = arith.constant 48 : i32
          %parallel_loop3A_556 = vector.broadcast %parallel_loop3A_555 : i32 to vector<16xi32>
          %parallel_loop3A_557 = arith.addi %parallel_loop3A_528, %parallel_loop3A_556 : vector<16xi32>
          tpu.vector_store_idx %arg12[%parallel_loop3A_557, %parallel_loop3A_460], %parallel_loop3A_554 : memref<64x128xf32, #tpu.memory_space<vmem>>[vector<16xi32>, vector<16xi32>], vector<16xf32>,
          %parallel_loop3A_558 = arith.constant 48 : index
          %parallel_loop3A_559 = tpu.vector_load %arg14[%parallel_loop3A_558] {strides = array<i32>} : memref<256xi32, #tpu.memory_space<vmem>>, vector<16xi32>,
          %parallel_loop3A_560 = arith.addi %parallel_loop3A_464, %parallel_loop3A_559 : vector<16xi32>
          %parallel_loop3A_561 = arith.constant 0 : i32
          %parallel_loop3A_562 = vector.broadcast %parallel_loop3A_561 : i32 to vector<16xi32>
          %parallel_loop3A_563 = arith.addi %parallel_loop3A_560, %parallel_loop3A_562 : vector<16xi32>
          %parallel_loop3A_564 = tpu.vector_load_idx %arg10[%parallel_loop3A_460, %parallel_loop3A_563] : memref<128x128xf32, #tpu.memory_space<vmem>>[vector<16xi32>, vector<16xi32>], vector<16xf32>,
          %parallel_loop3A_565 = arith.constant 0 : i32
          %parallel_loop3A_566 = vector.broadcast %parallel_loop3A_565 : i32 to vector<16xi32>
          %parallel_loop3A_567 = arith.addi %parallel_loop3A_559, %parallel_loop3A_566 : vector<16xi32>
          tpu.vector_store_idx %arg12[%parallel_loop3A_567, %parallel_loop3A_460], %parallel_loop3A_564 : memref<64x128xf32, #tpu.memory_space<vmem>>[vector<16xi32>, vector<16xi32>], vector<16xf32>,
          %parallel_loop3A_568 = arith.constant 16 : i32
          %parallel_loop3A_569 = vector.broadcast %parallel_loop3A_568 : i32 to vector<16xi32>
          %parallel_loop3A_570 = arith.addi %parallel_loop3A_560, %parallel_loop3A_569 : vector<16xi32>
          %parallel_loop3A_571 = tpu.vector_load_idx %arg10[%parallel_loop3A_460, %parallel_loop3A_570] : memref<128x128xf32, #tpu.memory_space<vmem>>[vector<16xi32>, vector<16xi32>], vector<16xf32>,
          %parallel_loop3A_572 = arith.constant 16 : i32
          %parallel_loop3A_573 = vector.broadcast %parallel_loop3A_572 : i32 to vector<16xi32>
          %parallel_loop3A_574 = arith.addi %parallel_loop3A_559, %parallel_loop3A_573 : vector<16xi32>
          tpu.vector_store_idx %arg12[%parallel_loop3A_574, %parallel_loop3A_460], %parallel_loop3A_571 : memref<64x128xf32, #tpu.memory_space<vmem>>[vector<16xi32>, vector<16xi32>], vector<16xf32>,
          %parallel_loop3A_575 = arith.constant 32 : i32
          %parallel_loop3A_576 = vector.broadcast %parallel_loop3A_575 : i32 to vector<16xi32>
          %parallel_loop3A_577 = arith.addi %parallel_loop3A_560, %parallel_loop3A_576 : vector<16xi32>
          %parallel_loop3A_578 = tpu.vector_load_idx %arg10[%parallel_loop3A_460, %parallel_loop3A_577] : memref<128x128xf32, #tpu.memory_space<vmem>>[vector<16xi32>, vector<16xi32>], vector<16xf32>,
          %parallel_loop3A_579 = arith.constant 32 : i32
          %parallel_loop3A_580 = vector.broadcast %parallel_loop3A_579 : i32 to vector<16xi32>
          %parallel_loop3A_581 = arith.addi %parallel_loop3A_559, %parallel_loop3A_580 : vector<16xi32>
          tpu.vector_store_idx %arg12[%parallel_loop3A_581, %parallel_loop3A_460], %parallel_loop3A_578 : memref<64x128xf32, #tpu.memory_space<vmem>>[vector<16xi32>, vector<16xi32>], vector<16xf32>,
          %parallel_loop3A_582 = arith.constant 48 : i32
          %parallel_loop3A_583 = vector.broadcast %parallel_loop3A_582 : i32 to vector<16xi32>
          %parallel_loop3A_584 = arith.addi %parallel_loop3A_560, %parallel_loop3A_583 : vector<16xi32>
          %parallel_loop3A_585 = tpu.vector_load_idx %arg10[%parallel_loop3A_460, %parallel_loop3A_584] : memref<128x128xf32, #tpu.memory_space<vmem>>[vector<16xi32>, vector<16xi32>], vector<16xf32>,
          %parallel_loop3A_586 = arith.constant 48 : i32
          %parallel_loop3A_587 = vector.broadcast %parallel_loop3A_586 : i32 to vector<16xi32>
          %parallel_loop3A_588 = arith.addi %parallel_loop3A_559, %parallel_loop3A_587 : vector<16xi32>
          tpu.vector_store_idx %arg12[%parallel_loop3A_588, %parallel_loop3A_460], %parallel_loop3A_585 : memref<64x128xf32, #tpu.memory_space<vmem>>[vector<16xi32>, vector<16xi32>], vector<16xf32>,
          %parallel_loop3A_589 = arith.constant 64 : index
          %parallel_loop3A_590 = tpu.vector_load %arg14[%parallel_loop3A_589] {strides = array<i32>} : memref<256xi32, #tpu.memory_space<vmem>>, vector<16xi32>,
          %parallel_loop3A_591 = arith.addi %parallel_loop3A_464, %parallel_loop3A_590 : vector<16xi32>
          %parallel_loop3A_592 = arith.constant 0 : i32
          %parallel_loop3A_593 = vector.broadcast %parallel_loop3A_592 : i32 to vector<16xi32>
          %parallel_loop3A_594 = arith.addi %parallel_loop3A_591, %parallel_loop3A_593 : vector<16xi32>
          %parallel_loop3A_595 = tpu.vector_load_idx %arg10[%parallel_loop3A_460, %parallel_loop3A_594] : memref<128x128xf32, #tpu.memory_space<vmem>>[vector<16xi32>, vector<16xi32>], vector<16xf32>,
          %parallel_loop3A_596 = arith.constant 0 : i32
          %parallel_loop3A_597 = vector.broadcast %parallel_loop3A_596 : i32 to vector<16xi32>
          %parallel_loop3A_598 = arith.addi %parallel_loop3A_590, %parallel_loop3A_597 : vector<16xi32>
          tpu.vector_store_idx %arg12[%parallel_loop3A_598, %parallel_loop3A_460], %parallel_loop3A_595 : memref<64x128xf32, #tpu.memory_space<vmem>>[vector<16xi32>, vector<16xi32>], vector<16xf32>,
          %parallel_loop3A_599 = arith.constant 16 : i32
          %parallel_loop3A_600 = vector.broadcast %parallel_loop3A_599 : i32 to vector<16xi32>
          %parallel_loop3A_601 = arith.addi %parallel_loop3A_591, %parallel_loop3A_600 : vector<16xi32>
          %parallel_loop3A_602 = tpu.vector_load_idx %arg10[%parallel_loop3A_460, %parallel_loop3A_601] : memref<128x128xf32, #tpu.memory_space<vmem>>[vector<16xi32>, vector<16xi32>], vector<16xf32>,
          %parallel_loop3A_603 = arith.constant 16 : i32
          %parallel_loop3A_604 = vector.broadcast %parallel_loop3A_603 : i32 to vector<16xi32>
          %parallel_loop3A_605 = arith.addi %parallel_loop3A_590, %parallel_loop3A_604 : vector<16xi32>
          tpu.vector_store_idx %arg12[%parallel_loop3A_605, %parallel_loop3A_460], %parallel_loop3A_602 : memref<64x128xf32, #tpu.memory_space<vmem>>[vector<16xi32>, vector<16xi32>], vector<16xf32>,
          %parallel_loop3A_606 = arith.constant 32 : i32
          %parallel_loop3A_607 = vector.broadcast %parallel_loop3A_606 : i32 to vector<16xi32>
          %parallel_loop3A_608 = arith.addi %parallel_loop3A_591, %parallel_loop3A_607 : vector<16xi32>
          %parallel_loop3A_609 = tpu.vector_load_idx %arg10[%parallel_loop3A_460, %parallel_loop3A_608] : memref<128x128xf32, #tpu.memory_space<vmem>>[vector<16xi32>, vector<16xi32>], vector<16xf32>,
          %parallel_loop3A_610 = arith.constant 32 : i32
          %parallel_loop3A_611 = vector.broadcast %parallel_loop3A_610 : i32 to vector<16xi32>
          %parallel_loop3A_612 = arith.addi %parallel_loop3A_590, %parallel_loop3A_611 : vector<16xi32>
          tpu.vector_store_idx %arg12[%parallel_loop3A_612, %parallel_loop3A_460], %parallel_loop3A_609 : memref<64x128xf32, #tpu.memory_space<vmem>>[vector<16xi32>, vector<16xi32>], vector<16xf32>,
          %parallel_loop3A_613 = arith.constant 48 : i32
          %parallel_loop3A_614 = vector.broadcast %parallel_loop3A_613 : i32 to vector<16xi32>
          %parallel_loop3A_615 = arith.addi %parallel_loop3A_591, %parallel_loop3A_614 : vector<16xi32>
          %parallel_loop3A_616 = tpu.vector_load_idx %arg10[%parallel_loop3A_460, %parallel_loop3A_615] : memref<128x128xf32, #tpu.memory_space<vmem>>[vector<16xi32>, vector<16xi32>], vector<16xf32>,
          %parallel_loop3A_617 = arith.constant 48 : i32
          %parallel_loop3A_618 = vector.broadcast %parallel_loop3A_617 : i32 to vector<16xi32>
          %parallel_loop3A_619 = arith.addi %parallel_loop3A_590, %parallel_loop3A_618 : vector<16xi32>
          tpu.vector_store_idx %arg12[%parallel_loop3A_619, %parallel_loop3A_460], %parallel_loop3A_616 : memref<64x128xf32, #tpu.memory_space<vmem>>[vector<16xi32>, vector<16xi32>], vector<16xf32>,
          %parallel_loop3A_620 = arith.constant 80 : index
          %parallel_loop3A_621 = tpu.vector_load %arg14[%parallel_loop3A_620] {strides = array<i32>} : memref<256xi32, #tpu.memory_space<vmem>>, vector<16xi32>,
          %parallel_loop3A_622 = arith.addi %parallel_loop3A_464, %parallel_loop3A_621 : vector<16xi32>
          %parallel_loop3A_623 = arith.constant 0 : i32
          %parallel_loop3A_624 = vector.broadcast %parallel_loop3A_623 : i32 to vector<16xi32>
          %parallel_loop3A_625 = arith.addi %parallel_loop3A_622, %parallel_loop3A_624 : vector<16xi32>
          %parallel_loop3A_626 = tpu.vector_load_idx %arg10[%parallel_loop3A_460, %parallel_loop3A_625] : memref<128x128xf32, #tpu.memory_space<vmem>>[vector<16xi32>, vector<16xi32>], vector<16xf32>,
          %parallel_loop3A_627 = arith.constant 0 : i32
          %parallel_loop3A_628 = vector.broadcast %parallel_loop3A_627 : i32 to vector<16xi32>
          %parallel_loop3A_629 = arith.addi %parallel_loop3A_621, %parallel_loop3A_628 : vector<16xi32>
          tpu.vector_store_idx %arg12[%parallel_loop3A_629, %parallel_loop3A_460], %parallel_loop3A_626 : memref<64x128xf32, #tpu.memory_space<vmem>>[vector<16xi32>, vector<16xi32>], vector<16xf32>,
          %parallel_loop3A_630 = arith.constant 16 : i32
          %parallel_loop3A_631 = vector.broadcast %parallel_loop3A_630 : i32 to vector<16xi32>
          %parallel_loop3A_632 = arith.addi %parallel_loop3A_622, %parallel_loop3A_631 : vector<16xi32>
          %parallel_loop3A_633 = tpu.vector_load_idx %arg10[%parallel_loop3A_460, %parallel_loop3A_632] : memref<128x128xf32, #tpu.memory_space<vmem>>[vector<16xi32>, vector<16xi32>], vector<16xf32>,
          %parallel_loop3A_634 = arith.constant 16 : i32
          %parallel_loop3A_635 = vector.broadcast %parallel_loop3A_634 : i32 to vector<16xi32>
          %parallel_loop3A_636 = arith.addi %parallel_loop3A_621, %parallel_loop3A_635 : vector<16xi32>
          tpu.vector_store_idx %arg12[%parallel_loop3A_636, %parallel_loop3A_460], %parallel_loop3A_633 : memref<64x128xf32, #tpu.memory_space<vmem>>[vector<16xi32>, vector<16xi32>], vector<16xf32>,
          %parallel_loop3A_637 = arith.constant 32 : i32
          %parallel_loop3A_638 = vector.broadcast %parallel_loop3A_637 : i32 to vector<16xi32>
          %parallel_loop3A_639 = arith.addi %parallel_loop3A_622, %parallel_loop3A_638 : vector<16xi32>
          %parallel_loop3A_640 = tpu.vector_load_idx %arg10[%parallel_loop3A_460, %parallel_loop3A_639] : memref<128x128xf32, #tpu.memory_space<vmem>>[vector<16xi32>, vector<16xi32>], vector<16xf32>,
          %parallel_loop3A_641 = arith.constant 32 : i32
          %parallel_loop3A_642 = vector.broadcast %parallel_loop3A_641 : i32 to vector<16xi32>
          %parallel_loop3A_643 = arith.addi %parallel_loop3A_621, %parallel_loop3A_642 : vector<16xi32>
          tpu.vector_store_idx %arg12[%parallel_loop3A_643, %parallel_loop3A_460], %parallel_loop3A_640 : memref<64x128xf32, #tpu.memory_space<vmem>>[vector<16xi32>, vector<16xi32>], vector<16xf32>,
          %parallel_loop3A_644 = arith.constant 48 : i32
          %parallel_loop3A_645 = vector.broadcast %parallel_loop3A_644 : i32 to vector<16xi32>
          %parallel_loop3A_646 = arith.addi %parallel_loop3A_622, %parallel_loop3A_645 : vector<16xi32>
          %parallel_loop3A_647 = tpu.vector_load_idx %arg10[%parallel_loop3A_460, %parallel_loop3A_646] : memref<128x128xf32, #tpu.memory_space<vmem>>[vector<16xi32>, vector<16xi32>], vector<16xf32>,
          %parallel_loop3A_648 = arith.constant 48 : i32
          %parallel_loop3A_649 = vector.broadcast %parallel_loop3A_648 : i32 to vector<16xi32>
          %parallel_loop3A_650 = arith.addi %parallel_loop3A_621, %parallel_loop3A_649 : vector<16xi32>
          tpu.vector_store_idx %arg12[%parallel_loop3A_650, %parallel_loop3A_460], %parallel_loop3A_647 : memref<64x128xf32, #tpu.memory_space<vmem>>[vector<16xi32>, vector<16xi32>], vector<16xf32>,
          %parallel_loop3A_651 = arith.constant 96 : index
          %parallel_loop3A_652 = tpu.vector_load %arg14[%parallel_loop3A_651] {strides = array<i32>} : memref<256xi32, #tpu.memory_space<vmem>>, vector<16xi32>,
          %parallel_loop3A_653 = arith.addi %parallel_loop3A_464, %parallel_loop3A_652 : vector<16xi32>
          %parallel_loop3A_654 = arith.constant 0 : i32
          %parallel_loop3A_655 = vector.broadcast %parallel_loop3A_654 : i32 to vector<16xi32>
          %parallel_loop3A_656 = arith.addi %parallel_loop3A_653, %parallel_loop3A_655 : vector<16xi32>
          %parallel_loop3A_657 = tpu.vector_load_idx %arg10[%parallel_loop3A_460, %parallel_loop3A_656] : memref<128x128xf32, #tpu.memory_space<vmem>>[vector<16xi32>, vector<16xi32>], vector<16xf32>,
          %parallel_loop3A_658 = arith.constant 0 : i32
          %parallel_loop3A_659 = vector.broadcast %parallel_loop3A_658 : i32 to vector<16xi32>
          %parallel_loop3A_660 = arith.addi %parallel_loop3A_652, %parallel_loop3A_659 : vector<16xi32>
          tpu.vector_store_idx %arg12[%parallel_loop3A_660, %parallel_loop3A_460], %parallel_loop3A_657 : memref<64x128xf32, #tpu.memory_space<vmem>>[vector<16xi32>, vector<16xi32>], vector<16xf32>,
          %parallel_loop3A_661 = arith.constant 16 : i32
          %parallel_loop3A_662 = vector.broadcast %parallel_loop3A_661 : i32 to vector<16xi32>
          %parallel_loop3A_663 = arith.addi %parallel_loop3A_653, %parallel_loop3A_662 : vector<16xi32>
          %parallel_loop3A_664 = tpu.vector_load_idx %arg10[%parallel_loop3A_460, %parallel_loop3A_663] : memref<128x128xf32, #tpu.memory_space<vmem>>[vector<16xi32>, vector<16xi32>], vector<16xf32>,
          %parallel_loop3A_665 = arith.constant 16 : i32
          %parallel_loop3A_666 = vector.broadcast %parallel_loop3A_665 : i32 to vector<16xi32>
          %parallel_loop3A_667 = arith.addi %parallel_loop3A_652, %parallel_loop3A_666 : vector<16xi32>
          tpu.vector_store_idx %arg12[%parallel_loop3A_667, %parallel_loop3A_460], %parallel_loop3A_664 : memref<64x128xf32, #tpu.memory_space<vmem>>[vector<16xi32>, vector<16xi32>], vector<16xf32>,
          %parallel_loop3A_668 = arith.constant 32 : i32
          %parallel_loop3A_669 = vector.broadcast %parallel_loop3A_668 : i32 to vector<16xi32>
          %parallel_loop3A_670 = arith.addi %parallel_loop3A_653, %parallel_loop3A_669 : vector<16xi32>
          %parallel_loop3A_671 = tpu.vector_load_idx %arg10[%parallel_loop3A_460, %parallel_loop3A_670] : memref<128x128xf32, #tpu.memory_space<vmem>>[vector<16xi32>, vector<16xi32>], vector<16xf32>,
          %parallel_loop3A_672 = arith.constant 32 : i32
          %parallel_loop3A_673 = vector.broadcast %parallel_loop3A_672 : i32 to vector<16xi32>
          %parallel_loop3A_674 = arith.addi %parallel_loop3A_652, %parallel_loop3A_673 : vector<16xi32>
          tpu.vector_store_idx %arg12[%parallel_loop3A_674, %parallel_loop3A_460], %parallel_loop3A_671 : memref<64x128xf32, #tpu.memory_space<vmem>>[vector<16xi32>, vector<16xi32>], vector<16xf32>,
          %parallel_loop3A_675 = arith.constant 48 : i32
          %parallel_loop3A_676 = vector.broadcast %parallel_loop3A_675 : i32 to vector<16xi32>
          %parallel_loop3A_677 = arith.addi %parallel_loop3A_653, %parallel_loop3A_676 : vector<16xi32>
          %parallel_loop3A_678 = tpu.vector_load_idx %arg10[%parallel_loop3A_460, %parallel_loop3A_677] : memref<128x128xf32, #tpu.memory_space<vmem>>[vector<16xi32>, vector<16xi32>], vector<16xf32>,
          %parallel_loop3A_679 = arith.constant 48 : i32
          %parallel_loop3A_680 = vector.broadcast %parallel_loop3A_679 : i32 to vector<16xi32>
          %parallel_loop3A_681 = arith.addi %parallel_loop3A_652, %parallel_loop3A_680 : vector<16xi32>
          tpu.vector_store_idx %arg12[%parallel_loop3A_681, %parallel_loop3A_460], %parallel_loop3A_678 : memref<64x128xf32, #tpu.memory_space<vmem>>[vector<16xi32>, vector<16xi32>], vector<16xf32>,
          %parallel_loop3A_682 = arith.constant 112 : index
          %parallel_loop3A_683 = tpu.vector_load %arg14[%parallel_loop3A_682] {strides = array<i32>} : memref<256xi32, #tpu.memory_space<vmem>>, vector<16xi32>,
          %parallel_loop3A_684 = arith.addi %parallel_loop3A_464, %parallel_loop3A_683 : vector<16xi32>
          %parallel_loop3A_685 = arith.constant 0 : i32
          %parallel_loop3A_686 = vector.broadcast %parallel_loop3A_685 : i32 to vector<16xi32>
          %parallel_loop3A_687 = arith.addi %parallel_loop3A_684, %parallel_loop3A_686 : vector<16xi32>
          %parallel_loop3A_688 = tpu.vector_load_idx %arg10[%parallel_loop3A_460, %parallel_loop3A_687] : memref<128x128xf32, #tpu.memory_space<vmem>>[vector<16xi32>, vector<16xi32>], vector<16xf32>,
          %parallel_loop3A_689 = arith.constant 0 : i32
          %parallel_loop3A_690 = vector.broadcast %parallel_loop3A_689 : i32 to vector<16xi32>
          %parallel_loop3A_691 = arith.addi %parallel_loop3A_683, %parallel_loop3A_690 : vector<16xi32>
          tpu.vector_store_idx %arg12[%parallel_loop3A_691, %parallel_loop3A_460], %parallel_loop3A_688 : memref<64x128xf32, #tpu.memory_space<vmem>>[vector<16xi32>, vector<16xi32>], vector<16xf32>,
          %parallel_loop3A_692 = arith.constant 16 : i32
          %parallel_loop3A_693 = vector.broadcast %parallel_loop3A_692 : i32 to vector<16xi32>
          %parallel_loop3A_694 = arith.addi %parallel_loop3A_684, %parallel_loop3A_693 : vector<16xi32>
          %parallel_loop3A_695 = tpu.vector_load_idx %arg10[%parallel_loop3A_460, %parallel_loop3A_694] : memref<128x128xf32, #tpu.memory_space<vmem>>[vector<16xi32>, vector<16xi32>], vector<16xf32>,
          %parallel_loop3A_696 = arith.constant 16 : i32
          %parallel_loop3A_697 = vector.broadcast %parallel_loop3A_696 : i32 to vector<16xi32>
          %parallel_loop3A_698 = arith.addi %parallel_loop3A_683, %parallel_loop3A_697 : vector<16xi32>
          tpu.vector_store_idx %arg12[%parallel_loop3A_698, %parallel_loop3A_460], %parallel_loop3A_695 : memref<64x128xf32, #tpu.memory_space<vmem>>[vector<16xi32>, vector<16xi32>], vector<16xf32>,
          %parallel_loop3A_699 = arith.constant 32 : i32
          %parallel_loop3A_700 = vector.broadcast %parallel_loop3A_699 : i32 to vector<16xi32>
          %parallel_loop3A_701 = arith.addi %parallel_loop3A_684, %parallel_loop3A_700 : vector<16xi32>
          %parallel_loop3A_702 = tpu.vector_load_idx %arg10[%parallel_loop3A_460, %parallel_loop3A_701] : memref<128x128xf32, #tpu.memory_space<vmem>>[vector<16xi32>, vector<16xi32>], vector<16xf32>,
          %parallel_loop3A_703 = arith.constant 32 : i32
          %parallel_loop3A_704 = vector.broadcast %parallel_loop3A_703 : i32 to vector<16xi32>
          %parallel_loop3A_705 = arith.addi %parallel_loop3A_683, %parallel_loop3A_704 : vector<16xi32>
          tpu.vector_store_idx %arg12[%parallel_loop3A_705, %parallel_loop3A_460], %parallel_loop3A_702 : memref<64x128xf32, #tpu.memory_space<vmem>>[vector<16xi32>, vector<16xi32>], vector<16xf32>,
          %parallel_loop3A_706 = arith.constant 48 : i32
          %parallel_loop3A_707 = vector.broadcast %parallel_loop3A_706 : i32 to vector<16xi32>
          %parallel_loop3A_708 = arith.addi %parallel_loop3A_684, %parallel_loop3A_707 : vector<16xi32>
          %parallel_loop3A_709 = tpu.vector_load_idx %arg10[%parallel_loop3A_460, %parallel_loop3A_708] : memref<128x128xf32, #tpu.memory_space<vmem>>[vector<16xi32>, vector<16xi32>], vector<16xf32>,
          %parallel_loop3A_710 = arith.constant 48 : i32
          %parallel_loop3A_711 = vector.broadcast %parallel_loop3A_710 : i32 to vector<16xi32>
          %parallel_loop3A_712 = arith.addi %parallel_loop3A_683, %parallel_loop3A_711 : vector<16xi32>
          tpu.vector_store_idx %arg12[%parallel_loop3A_712, %parallel_loop3A_460], %parallel_loop3A_709 : memref<64x128xf32, #tpu.memory_space<vmem>>[vector<16xi32>, vector<16xi32>], vector<16xf32>,
          %parallel_loop3A_713 = arith.constant 128 : index
          %parallel_loop3A_714 = tpu.vector_load %arg14[%parallel_loop3A_713] {strides = array<i32>} : memref<256xi32, #tpu.memory_space<vmem>>, vector<16xi32>,
          %parallel_loop3A_715 = arith.addi %parallel_loop3A_464, %parallel_loop3A_714 : vector<16xi32>
          %parallel_loop3A_716 = arith.constant 0 : i32
          %parallel_loop3A_717 = vector.broadcast %parallel_loop3A_716 : i32 to vector<16xi32>
          %parallel_loop3A_718 = arith.addi %parallel_loop3A_715, %parallel_loop3A_717 : vector<16xi32>
          %parallel_loop3A_719 = tpu.vector_load_idx %arg10[%parallel_loop3A_460, %parallel_loop3A_718] : memref<128x128xf32, #tpu.memory_space<vmem>>[vector<16xi32>, vector<16xi32>], vector<16xf32>,
          %parallel_loop3A_720 = arith.constant 0 : i32
          %parallel_loop3A_721 = vector.broadcast %parallel_loop3A_720 : i32 to vector<16xi32>
          %parallel_loop3A_722 = arith.addi %parallel_loop3A_714, %parallel_loop3A_721 : vector<16xi32>
          tpu.vector_store_idx %arg12[%parallel_loop3A_722, %parallel_loop3A_460], %parallel_loop3A_719 : memref<64x128xf32, #tpu.memory_space<vmem>>[vector<16xi32>, vector<16xi32>], vector<16xf32>,
          %parallel_loop3A_723 = arith.constant 16 : i32
          %parallel_loop3A_724 = vector.broadcast %parallel_loop3A_723 : i32 to vector<16xi32>
          %parallel_loop3A_725 = arith.addi %parallel_loop3A_715, %parallel_loop3A_724 : vector<16xi32>
          %parallel_loop3A_726 = tpu.vector_load_idx %arg10[%parallel_loop3A_460, %parallel_loop3A_725] : memref<128x128xf32, #tpu.memory_space<vmem>>[vector<16xi32>, vector<16xi32>], vector<16xf32>,
          %parallel_loop3A_727 = arith.constant 16 : i32
          %parallel_loop3A_728 = vector.broadcast %parallel_loop3A_727 : i32 to vector<16xi32>
          %parallel_loop3A_729 = arith.addi %parallel_loop3A_714, %parallel_loop3A_728 : vector<16xi32>
          tpu.vector_store_idx %arg12[%parallel_loop3A_729, %parallel_loop3A_460], %parallel_loop3A_726 : memref<64x128xf32, #tpu.memory_space<vmem>>[vector<16xi32>, vector<16xi32>], vector<16xf32>,
          %parallel_loop3A_730 = arith.constant 32 : i32
          %parallel_loop3A_731 = vector.broadcast %parallel_loop3A_730 : i32 to vector<16xi32>
          %parallel_loop3A_732 = arith.addi %parallel_loop3A_715, %parallel_loop3A_731 : vector<16xi32>
          %parallel_loop3A_733 = tpu.vector_load_idx %arg10[%parallel_loop3A_460, %parallel_loop3A_732] : memref<128x128xf32, #tpu.memory_space<vmem>>[vector<16xi32>, vector<16xi32>], vector<16xf32>,
          %parallel_loop3A_734 = arith.constant 32 : i32
          %parallel_loop3A_735 = vector.broadcast %parallel_loop3A_734 : i32 to vector<16xi32>
          %parallel_loop3A_736 = arith.addi %parallel_loop3A_714, %parallel_loop3A_735 : vector<16xi32>
          tpu.vector_store_idx %arg12[%parallel_loop3A_736, %parallel_loop3A_460], %parallel_loop3A_733 : memref<64x128xf32, #tpu.memory_space<vmem>>[vector<16xi32>, vector<16xi32>], vector<16xf32>,
          %parallel_loop3A_737 = arith.constant 48 : i32
          %parallel_loop3A_738 = vector.broadcast %parallel_loop3A_737 : i32 to vector<16xi32>
          %parallel_loop3A_739 = arith.addi %parallel_loop3A_715, %parallel_loop3A_738 : vector<16xi32>
          %parallel_loop3A_740 = tpu.vector_load_idx %arg10[%parallel_loop3A_460, %parallel_loop3A_739] : memref<128x128xf32, #tpu.memory_space<vmem>>[vector<16xi32>, vector<16xi32>], vector<16xf32>,
          %parallel_loop3A_741 = arith.constant 48 : i32
          %parallel_loop3A_742 = vector.broadcast %parallel_loop3A_741 : i32 to vector<16xi32>
          %parallel_loop3A_743 = arith.addi %parallel_loop3A_714, %parallel_loop3A_742 : vector<16xi32>
          tpu.vector_store_idx %arg12[%parallel_loop3A_743, %parallel_loop3A_460], %parallel_loop3A_740 : memref<64x128xf32, #tpu.memory_space<vmem>>[vector<16xi32>, vector<16xi32>], vector<16xf32>,
          %parallel_loop3A_744 = arith.constant 144 : index
          %parallel_loop3A_745 = tpu.vector_load %arg14[%parallel_loop3A_744] {strides = array<i32>} : memref<256xi32, #tpu.memory_space<vmem>>, vector<16xi32>,
          %parallel_loop3A_746 = arith.addi %parallel_loop3A_464, %parallel_loop3A_745 : vector<16xi32>
          %parallel_loop3A_747 = arith.constant 0 : i32
          %parallel_loop3A_748 = vector.broadcast %parallel_loop3A_747 : i32 to vector<16xi32>
          %parallel_loop3A_749 = arith.addi %parallel_loop3A_746, %parallel_loop3A_748 : vector<16xi32>
          %parallel_loop3A_750 = tpu.vector_load_idx %arg10[%parallel_loop3A_460, %parallel_loop3A_749] : memref<128x128xf32, #tpu.memory_space<vmem>>[vector<16xi32>, vector<16xi32>], vector<16xf32>,
          %parallel_loop3A_751 = arith.constant 0 : i32
          %parallel_loop3A_752 = vector.broadcast %parallel_loop3A_751 : i32 to vector<16xi32>
          %parallel_loop3A_753 = arith.addi %parallel_loop3A_745, %parallel_loop3A_752 : vector<16xi32>
          tpu.vector_store_idx %arg12[%parallel_loop3A_753, %parallel_loop3A_460], %parallel_loop3A_750 : memref<64x128xf32, #tpu.memory_space<vmem>>[vector<16xi32>, vector<16xi32>], vector<16xf32>,
          %parallel_loop3A_754 = arith.constant 16 : i32
          %parallel_loop3A_755 = vector.broadcast %parallel_loop3A_754 : i32 to vector<16xi32>
          %parallel_loop3A_756 = arith.addi %parallel_loop3A_746, %parallel_loop3A_755 : vector<16xi32>
          %parallel_loop3A_757 = tpu.vector_load_idx %arg10[%parallel_loop3A_460, %parallel_loop3A_756] : memref<128x128xf32, #tpu.memory_space<vmem>>[vector<16xi32>, vector<16xi32>], vector<16xf32>,
          %parallel_loop3A_758 = arith.constant 16 : i32
          %parallel_loop3A_759 = vector.broadcast %parallel_loop3A_758 : i32 to vector<16xi32>
          %parallel_loop3A_760 = arith.addi %parallel_loop3A_745, %parallel_loop3A_759 : vector<16xi32>
          tpu.vector_store_idx %arg12[%parallel_loop3A_760, %parallel_loop3A_460], %parallel_loop3A_757 : memref<64x128xf32, #tpu.memory_space<vmem>>[vector<16xi32>, vector<16xi32>], vector<16xf32>,
          %parallel_loop3A_761 = arith.constant 32 : i32
          %parallel_loop3A_762 = vector.broadcast %parallel_loop3A_761 : i32 to vector<16xi32>
          %parallel_loop3A_763 = arith.addi %parallel_loop3A_746, %parallel_loop3A_762 : vector<16xi32>
          %parallel_loop3A_764 = tpu.vector_load_idx %arg10[%parallel_loop3A_460, %parallel_loop3A_763] : memref<128x128xf32, #tpu.memory_space<vmem>>[vector<16xi32>, vector<16xi32>], vector<16xf32>,
          %parallel_loop3A_765 = arith.constant 32 : i32
          %parallel_loop3A_766 = vector.broadcast %parallel_loop3A_765 : i32 to vector<16xi32>
          %parallel_loop3A_767 = arith.addi %parallel_loop3A_745, %parallel_loop3A_766 : vector<16xi32>
          tpu.vector_store_idx %arg12[%parallel_loop3A_767, %parallel_loop3A_460], %parallel_loop3A_764 : memref<64x128xf32, #tpu.memory_space<vmem>>[vector<16xi32>, vector<16xi32>], vector<16xf32>,
          %parallel_loop3A_768 = arith.constant 48 : i32
          %parallel_loop3A_769 = vector.broadcast %parallel_loop3A_768 : i32 to vector<16xi32>
          %parallel_loop3A_770 = arith.addi %parallel_loop3A_746, %parallel_loop3A_769 : vector<16xi32>
          %parallel_loop3A_771 = tpu.vector_load_idx %arg10[%parallel_loop3A_460, %parallel_loop3A_770] : memref<128x128xf32, #tpu.memory_space<vmem>>[vector<16xi32>, vector<16xi32>], vector<16xf32>,
          %parallel_loop3A_772 = arith.constant 48 : i32
          %parallel_loop3A_773 = vector.broadcast %parallel_loop3A_772 : i32 to vector<16xi32>
          %parallel_loop3A_774 = arith.addi %parallel_loop3A_745, %parallel_loop3A_773 : vector<16xi32>
          tpu.vector_store_idx %arg12[%parallel_loop3A_774, %parallel_loop3A_460], %parallel_loop3A_771 : memref<64x128xf32, #tpu.memory_space<vmem>>[vector<16xi32>, vector<16xi32>], vector<16xf32>,
          %parallel_loop3A_775 = arith.constant 160 : index
          %parallel_loop3A_776 = tpu.vector_load %arg14[%parallel_loop3A_775] {strides = array<i32>} : memref<256xi32, #tpu.memory_space<vmem>>, vector<16xi32>,
          %parallel_loop3A_777 = arith.addi %parallel_loop3A_464, %parallel_loop3A_776 : vector<16xi32>
          %parallel_loop3A_778 = arith.constant 0 : i32
          %parallel_loop3A_779 = vector.broadcast %parallel_loop3A_778 : i32 to vector<16xi32>
          %parallel_loop3A_780 = arith.addi %parallel_loop3A_777, %parallel_loop3A_779 : vector<16xi32>
          %parallel_loop3A_781 = tpu.vector_load_idx %arg10[%parallel_loop3A_460, %parallel_loop3A_780] : memref<128x128xf32, #tpu.memory_space<vmem>>[vector<16xi32>, vector<16xi32>], vector<16xf32>,
          %parallel_loop3A_782 = arith.constant 0 : i32
          %parallel_loop3A_783 = vector.broadcast %parallel_loop3A_782 : i32 to vector<16xi32>
          %parallel_loop3A_784 = arith.addi %parallel_loop3A_776, %parallel_loop3A_783 : vector<16xi32>
          tpu.vector_store_idx %arg12[%parallel_loop3A_784, %parallel_loop3A_460], %parallel_loop3A_781 : memref<64x128xf32, #tpu.memory_space<vmem>>[vector<16xi32>, vector<16xi32>], vector<16xf32>,
          %parallel_loop3A_785 = arith.constant 16 : i32
          %parallel_loop3A_786 = vector.broadcast %parallel_loop3A_785 : i32 to vector<16xi32>
          %parallel_loop3A_787 = arith.addi %parallel_loop3A_777, %parallel_loop3A_786 : vector<16xi32>
          %parallel_loop3A_788 = tpu.vector_load_idx %arg10[%parallel_loop3A_460, %parallel_loop3A_787] : memref<128x128xf32, #tpu.memory_space<vmem>>[vector<16xi32>, vector<16xi32>], vector<16xf32>,
          %parallel_loop3A_789 = arith.constant 16 : i32
          %parallel_loop3A_790 = vector.broadcast %parallel_loop3A_789 : i32 to vector<16xi32>
          %parallel_loop3A_791 = arith.addi %parallel_loop3A_776, %parallel_loop3A_790 : vector<16xi32>
          tpu.vector_store_idx %arg12[%parallel_loop3A_791, %parallel_loop3A_460], %parallel_loop3A_788 : memref<64x128xf32, #tpu.memory_space<vmem>>[vector<16xi32>, vector<16xi32>], vector<16xf32>,
          %parallel_loop3A_792 = arith.constant 32 : i32
          %parallel_loop3A_793 = vector.broadcast %parallel_loop3A_792 : i32 to vector<16xi32>
          %parallel_loop3A_794 = arith.addi %parallel_loop3A_777, %parallel_loop3A_793 : vector<16xi32>
          %parallel_loop3A_795 = tpu.vector_load_idx %arg10[%parallel_loop3A_460, %parallel_loop3A_794] : memref<128x128xf32, #tpu.memory_space<vmem>>[vector<16xi32>, vector<16xi32>], vector<16xf32>,
          %parallel_loop3A_796 = arith.constant 32 : i32
          %parallel_loop3A_797 = vector.broadcast %parallel_loop3A_796 : i32 to vector<16xi32>
          %parallel_loop3A_798 = arith.addi %parallel_loop3A_776, %parallel_loop3A_797 : vector<16xi32>
          tpu.vector_store_idx %arg12[%parallel_loop3A_798, %parallel_loop3A_460], %parallel_loop3A_795 : memref<64x128xf32, #tpu.memory_space<vmem>>[vector<16xi32>, vector<16xi32>], vector<16xf32>,
          %parallel_loop3A_799 = arith.constant 48 : i32
          %parallel_loop3A_800 = vector.broadcast %parallel_loop3A_799 : i32 to vector<16xi32>
          %parallel_loop3A_801 = arith.addi %parallel_loop3A_777, %parallel_loop3A_800 : vector<16xi32>
          %parallel_loop3A_802 = tpu.vector_load_idx %arg10[%parallel_loop3A_460, %parallel_loop3A_801] : memref<128x128xf32, #tpu.memory_space<vmem>>[vector<16xi32>, vector<16xi32>], vector<16xf32>,
          %parallel_loop3A_803 = arith.constant 48 : i32
          %parallel_loop3A_804 = vector.broadcast %parallel_loop3A_803 : i32 to vector<16xi32>
          %parallel_loop3A_805 = arith.addi %parallel_loop3A_776, %parallel_loop3A_804 : vector<16xi32>
          tpu.vector_store_idx %arg12[%parallel_loop3A_805, %parallel_loop3A_460], %parallel_loop3A_802 : memref<64x128xf32, #tpu.memory_space<vmem>>[vector<16xi32>, vector<16xi32>], vector<16xf32>,
          %parallel_loop3A_806 = arith.constant 176 : index
          %parallel_loop3A_807 = tpu.vector_load %arg14[%parallel_loop3A_806] {strides = array<i32>} : memref<256xi32, #tpu.memory_space<vmem>>, vector<16xi32>,
          %parallel_loop3A_808 = arith.addi %parallel_loop3A_464, %parallel_loop3A_807 : vector<16xi32>
          %parallel_loop3A_809 = arith.constant 0 : i32
          %parallel_loop3A_810 = vector.broadcast %parallel_loop3A_809 : i32 to vector<16xi32>
          %parallel_loop3A_811 = arith.addi %parallel_loop3A_808, %parallel_loop3A_810 : vector<16xi32>
          %parallel_loop3A_812 = tpu.vector_load_idx %arg10[%parallel_loop3A_460, %parallel_loop3A_811] : memref<128x128xf32, #tpu.memory_space<vmem>>[vector<16xi32>, vector<16xi32>], vector<16xf32>,
          %parallel_loop3A_813 = arith.constant 0 : i32
          %parallel_loop3A_814 = vector.broadcast %parallel_loop3A_813 : i32 to vector<16xi32>
          %parallel_loop3A_815 = arith.addi %parallel_loop3A_807, %parallel_loop3A_814 : vector<16xi32>
          tpu.vector_store_idx %arg12[%parallel_loop3A_815, %parallel_loop3A_460], %parallel_loop3A_812 : memref<64x128xf32, #tpu.memory_space<vmem>>[vector<16xi32>, vector<16xi32>], vector<16xf32>,
          %parallel_loop3A_816 = arith.constant 16 : i32
          %parallel_loop3A_817 = vector.broadcast %parallel_loop3A_816 : i32 to vector<16xi32>
          %parallel_loop3A_818 = arith.addi %parallel_loop3A_808, %parallel_loop3A_817 : vector<16xi32>
          %parallel_loop3A_819 = tpu.vector_load_idx %arg10[%parallel_loop3A_460, %parallel_loop3A_818] : memref<128x128xf32, #tpu.memory_space<vmem>>[vector<16xi32>, vector<16xi32>], vector<16xf32>,
          %parallel_loop3A_820 = arith.constant 16 : i32
          %parallel_loop3A_821 = vector.broadcast %parallel_loop3A_820 : i32 to vector<16xi32>
          %parallel_loop3A_822 = arith.addi %parallel_loop3A_807, %parallel_loop3A_821 : vector<16xi32>
          tpu.vector_store_idx %arg12[%parallel_loop3A_822, %parallel_loop3A_460], %parallel_loop3A_819 : memref<64x128xf32, #tpu.memory_space<vmem>>[vector<16xi32>, vector<16xi32>], vector<16xf32>,
          %parallel_loop3A_823 = arith.constant 32 : i32
          %parallel_loop3A_824 = vector.broadcast %parallel_loop3A_823 : i32 to vector<16xi32>
          %parallel_loop3A_825 = arith.addi %parallel_loop3A_808, %parallel_loop3A_824 : vector<16xi32>
          %parallel_loop3A_826 = tpu.vector_load_idx %arg10[%parallel_loop3A_460, %parallel_loop3A_825] : memref<128x128xf32, #tpu.memory_space<vmem>>[vector<16xi32>, vector<16xi32>], vector<16xf32>,
          %parallel_loop3A_827 = arith.constant 32 : i32
          %parallel_loop3A_828 = vector.broadcast %parallel_loop3A_827 : i32 to vector<16xi32>
          %parallel_loop3A_829 = arith.addi %parallel_loop3A_807, %parallel_loop3A_828 : vector<16xi32>
          tpu.vector_store_idx %arg12[%parallel_loop3A_829, %parallel_loop3A_460], %parallel_loop3A_826 : memref<64x128xf32, #tpu.memory_space<vmem>>[vector<16xi32>, vector<16xi32>], vector<16xf32>,
          %parallel_loop3A_830 = arith.constant 48 : i32
          %parallel_loop3A_831 = vector.broadcast %parallel_loop3A_830 : i32 to vector<16xi32>
          %parallel_loop3A_832 = arith.addi %parallel_loop3A_808, %parallel_loop3A_831 : vector<16xi32>
          %parallel_loop3A_833 = tpu.vector_load_idx %arg10[%parallel_loop3A_460, %parallel_loop3A_832] : memref<128x128xf32, #tpu.memory_space<vmem>>[vector<16xi32>, vector<16xi32>], vector<16xf32>,
          %parallel_loop3A_834 = arith.constant 48 : i32
          %parallel_loop3A_835 = vector.broadcast %parallel_loop3A_834 : i32 to vector<16xi32>
          %parallel_loop3A_836 = arith.addi %parallel_loop3A_807, %parallel_loop3A_835 : vector<16xi32>
          tpu.vector_store_idx %arg12[%parallel_loop3A_836, %parallel_loop3A_460], %parallel_loop3A_833 : memref<64x128xf32, #tpu.memory_space<vmem>>[vector<16xi32>, vector<16xi32>], vector<16xf32>,
          %parallel_loop3A_837 = arith.constant 192 : index
          %parallel_loop3A_838 = tpu.vector_load %arg14[%parallel_loop3A_837] {strides = array<i32>} : memref<256xi32, #tpu.memory_space<vmem>>, vector<16xi32>,
          %parallel_loop3A_839 = arith.addi %parallel_loop3A_464, %parallel_loop3A_838 : vector<16xi32>
          %parallel_loop3A_840 = arith.constant 0 : i32
          %parallel_loop3A_841 = vector.broadcast %parallel_loop3A_840 : i32 to vector<16xi32>
          %parallel_loop3A_842 = arith.addi %parallel_loop3A_839, %parallel_loop3A_841 : vector<16xi32>
          %parallel_loop3A_843 = tpu.vector_load_idx %arg10[%parallel_loop3A_460, %parallel_loop3A_842] : memref<128x128xf32, #tpu.memory_space<vmem>>[vector<16xi32>, vector<16xi32>], vector<16xf32>,
          %parallel_loop3A_844 = arith.constant 0 : i32
          %parallel_loop3A_845 = vector.broadcast %parallel_loop3A_844 : i32 to vector<16xi32>
          %parallel_loop3A_846 = arith.addi %parallel_loop3A_838, %parallel_loop3A_845 : vector<16xi32>
          tpu.vector_store_idx %arg12[%parallel_loop3A_846, %parallel_loop3A_460], %parallel_loop3A_843 : memref<64x128xf32, #tpu.memory_space<vmem>>[vector<16xi32>, vector<16xi32>], vector<16xf32>,
          %parallel_loop3A_847 = arith.constant 16 : i32
          %parallel_loop3A_848 = vector.broadcast %parallel_loop3A_847 : i32 to vector<16xi32>
          %parallel_loop3A_849 = arith.addi %parallel_loop3A_839, %parallel_loop3A_848 : vector<16xi32>
          %parallel_loop3A_850 = tpu.vector_load_idx %arg10[%parallel_loop3A_460, %parallel_loop3A_849] : memref<128x128xf32, #tpu.memory_space<vmem>>[vector<16xi32>, vector<16xi32>], vector<16xf32>,
          %parallel_loop3A_851 = arith.constant 16 : i32
          %parallel_loop3A_852 = vector.broadcast %parallel_loop3A_851 : i32 to vector<16xi32>
          %parallel_loop3A_853 = arith.addi %parallel_loop3A_838, %parallel_loop3A_852 : vector<16xi32>
          tpu.vector_store_idx %arg12[%parallel_loop3A_853, %parallel_loop3A_460], %parallel_loop3A_850 : memref<64x128xf32, #tpu.memory_space<vmem>>[vector<16xi32>, vector<16xi32>], vector<16xf32>,
          %parallel_loop3A_854 = arith.constant 32 : i32
          %parallel_loop3A_855 = vector.broadcast %parallel_loop3A_854 : i32 to vector<16xi32>
          %parallel_loop3A_856 = arith.addi %parallel_loop3A_839, %parallel_loop3A_855 : vector<16xi32>
          %parallel_loop3A_857 = tpu.vector_load_idx %arg10[%parallel_loop3A_460, %parallel_loop3A_856] : memref<128x128xf32, #tpu.memory_space<vmem>>[vector<16xi32>, vector<16xi32>], vector<16xf32>,
          %parallel_loop3A_858 = arith.constant 32 : i32
          %parallel_loop3A_859 = vector.broadcast %parallel_loop3A_858 : i32 to vector<16xi32>
          %parallel_loop3A_860 = arith.addi %parallel_loop3A_838, %parallel_loop3A_859 : vector<16xi32>
          tpu.vector_store_idx %arg12[%parallel_loop3A_860, %parallel_loop3A_460], %parallel_loop3A_857 : memref<64x128xf32, #tpu.memory_space<vmem>>[vector<16xi32>, vector<16xi32>], vector<16xf32>,
          %parallel_loop3A_861 = arith.constant 48 : i32
          %parallel_loop3A_862 = vector.broadcast %parallel_loop3A_861 : i32 to vector<16xi32>
          %parallel_loop3A_863 = arith.addi %parallel_loop3A_839, %parallel_loop3A_862 : vector<16xi32>
          %parallel_loop3A_864 = tpu.vector_load_idx %arg10[%parallel_loop3A_460, %parallel_loop3A_863] : memref<128x128xf32, #tpu.memory_space<vmem>>[vector<16xi32>, vector<16xi32>], vector<16xf32>,
          %parallel_loop3A_865 = arith.constant 48 : i32
          %parallel_loop3A_866 = vector.broadcast %parallel_loop3A_865 : i32 to vector<16xi32>
          %parallel_loop3A_867 = arith.addi %parallel_loop3A_838, %parallel_loop3A_866 : vector<16xi32>
          tpu.vector_store_idx %arg12[%parallel_loop3A_867, %parallel_loop3A_460], %parallel_loop3A_864 : memref<64x128xf32, #tpu.memory_space<vmem>>[vector<16xi32>, vector<16xi32>], vector<16xf32>,
          %parallel_loop3A_868 = arith.constant 208 : index
          %parallel_loop3A_869 = tpu.vector_load %arg14[%parallel_loop3A_868] {strides = array<i32>} : memref<256xi32, #tpu.memory_space<vmem>>, vector<16xi32>,
          %parallel_loop3A_870 = arith.addi %parallel_loop3A_464, %parallel_loop3A_869 : vector<16xi32>
          %parallel_loop3A_871 = arith.constant 0 : i32
          %parallel_loop3A_872 = vector.broadcast %parallel_loop3A_871 : i32 to vector<16xi32>
          %parallel_loop3A_873 = arith.addi %parallel_loop3A_870, %parallel_loop3A_872 : vector<16xi32>
          %parallel_loop3A_874 = tpu.vector_load_idx %arg10[%parallel_loop3A_460, %parallel_loop3A_873] : memref<128x128xf32, #tpu.memory_space<vmem>>[vector<16xi32>, vector<16xi32>], vector<16xf32>,
          %parallel_loop3A_875 = arith.constant 0 : i32
          %parallel_loop3A_876 = vector.broadcast %parallel_loop3A_875 : i32 to vector<16xi32>
          %parallel_loop3A_877 = arith.addi %parallel_loop3A_869, %parallel_loop3A_876 : vector<16xi32>
          tpu.vector_store_idx %arg12[%parallel_loop3A_877, %parallel_loop3A_460], %parallel_loop3A_874 : memref<64x128xf32, #tpu.memory_space<vmem>>[vector<16xi32>, vector<16xi32>], vector<16xf32>,
          %parallel_loop3A_878 = arith.constant 16 : i32
          %parallel_loop3A_879 = vector.broadcast %parallel_loop3A_878 : i32 to vector<16xi32>
          %parallel_loop3A_880 = arith.addi %parallel_loop3A_870, %parallel_loop3A_879 : vector<16xi32>
          %parallel_loop3A_881 = tpu.vector_load_idx %arg10[%parallel_loop3A_460, %parallel_loop3A_880] : memref<128x128xf32, #tpu.memory_space<vmem>>[vector<16xi32>, vector<16xi32>], vector<16xf32>,
          %parallel_loop3A_882 = arith.constant 16 : i32
          %parallel_loop3A_883 = vector.broadcast %parallel_loop3A_882 : i32 to vector<16xi32>
          %parallel_loop3A_884 = arith.addi %parallel_loop3A_869, %parallel_loop3A_883 : vector<16xi32>
          tpu.vector_store_idx %arg12[%parallel_loop3A_884, %parallel_loop3A_460], %parallel_loop3A_881 : memref<64x128xf32, #tpu.memory_space<vmem>>[vector<16xi32>, vector<16xi32>], vector<16xf32>,
          %parallel_loop3A_885 = arith.constant 32 : i32
          %parallel_loop3A_886 = vector.broadcast %parallel_loop3A_885 : i32 to vector<16xi32>
          %parallel_loop3A_887 = arith.addi %parallel_loop3A_870, %parallel_loop3A_886 : vector<16xi32>
          %parallel_loop3A_888 = tpu.vector_load_idx %arg10[%parallel_loop3A_460, %parallel_loop3A_887] : memref<128x128xf32, #tpu.memory_space<vmem>>[vector<16xi32>, vector<16xi32>], vector<16xf32>,
          %parallel_loop3A_889 = arith.constant 32 : i32
          %parallel_loop3A_890 = vector.broadcast %parallel_loop3A_889 : i32 to vector<16xi32>
          %parallel_loop3A_891 = arith.addi %parallel_loop3A_869, %parallel_loop3A_890 : vector<16xi32>
          tpu.vector_store_idx %arg12[%parallel_loop3A_891, %parallel_loop3A_460], %parallel_loop3A_888 : memref<64x128xf32, #tpu.memory_space<vmem>>[vector<16xi32>, vector<16xi32>], vector<16xf32>,
          %parallel_loop3A_892 = arith.constant 48 : i32
          %parallel_loop3A_893 = vector.broadcast %parallel_loop3A_892 : i32 to vector<16xi32>
          %parallel_loop3A_894 = arith.addi %parallel_loop3A_870, %parallel_loop3A_893 : vector<16xi32>
          %parallel_loop3A_895 = tpu.vector_load_idx %arg10[%parallel_loop3A_460, %parallel_loop3A_894] : memref<128x128xf32, #tpu.memory_space<vmem>>[vector<16xi32>, vector<16xi32>], vector<16xf32>,
          %parallel_loop3A_896 = arith.constant 48 : i32
          %parallel_loop3A_897 = vector.broadcast %parallel_loop3A_896 : i32 to vector<16xi32>
          %parallel_loop3A_898 = arith.addi %parallel_loop3A_869, %parallel_loop3A_897 : vector<16xi32>
          tpu.vector_store_idx %arg12[%parallel_loop3A_898, %parallel_loop3A_460], %parallel_loop3A_895 : memref<64x128xf32, #tpu.memory_space<vmem>>[vector<16xi32>, vector<16xi32>], vector<16xf32>,
          %parallel_loop3A_899 = arith.constant 224 : index
          %parallel_loop3A_900 = tpu.vector_load %arg14[%parallel_loop3A_899] {strides = array<i32>} : memref<256xi32, #tpu.memory_space<vmem>>, vector<16xi32>,
          %parallel_loop3A_901 = arith.addi %parallel_loop3A_464, %parallel_loop3A_900 : vector<16xi32>
          %parallel_loop3A_902 = arith.constant 0 : i32
          %parallel_loop3A_903 = vector.broadcast %parallel_loop3A_902 : i32 to vector<16xi32>
          %parallel_loop3A_904 = arith.addi %parallel_loop3A_901, %parallel_loop3A_903 : vector<16xi32>
          %parallel_loop3A_905 = tpu.vector_load_idx %arg10[%parallel_loop3A_460, %parallel_loop3A_904] : memref<128x128xf32, #tpu.memory_space<vmem>>[vector<16xi32>, vector<16xi32>], vector<16xf32>,
          %parallel_loop3A_906 = arith.constant 0 : i32
          %parallel_loop3A_907 = vector.broadcast %parallel_loop3A_906 : i32 to vector<16xi32>
          %parallel_loop3A_908 = arith.addi %parallel_loop3A_900, %parallel_loop3A_907 : vector<16xi32>
          tpu.vector_store_idx %arg12[%parallel_loop3A_908, %parallel_loop3A_460], %parallel_loop3A_905 : memref<64x128xf32, #tpu.memory_space<vmem>>[vector<16xi32>, vector<16xi32>], vector<16xf32>,
          %parallel_loop3A_909 = arith.constant 16 : i32
          %parallel_loop3A_910 = vector.broadcast %parallel_loop3A_909 : i32 to vector<16xi32>
          %parallel_loop3A_911 = arith.addi %parallel_loop3A_901, %parallel_loop3A_910 : vector<16xi32>
          %parallel_loop3A_912 = tpu.vector_load_idx %arg10[%parallel_loop3A_460, %parallel_loop3A_911] : memref<128x128xf32, #tpu.memory_space<vmem>>[vector<16xi32>, vector<16xi32>], vector<16xf32>,
          %parallel_loop3A_913 = arith.constant 16 : i32
          %parallel_loop3A_914 = vector.broadcast %parallel_loop3A_913 : i32 to vector<16xi32>
          %parallel_loop3A_915 = arith.addi %parallel_loop3A_900, %parallel_loop3A_914 : vector<16xi32>
          tpu.vector_store_idx %arg12[%parallel_loop3A_915, %parallel_loop3A_460], %parallel_loop3A_912 : memref<64x128xf32, #tpu.memory_space<vmem>>[vector<16xi32>, vector<16xi32>], vector<16xf32>,
          %parallel_loop3A_916 = arith.constant 32 : i32
          %parallel_loop3A_917 = vector.broadcast %parallel_loop3A_916 : i32 to vector<16xi32>
          %parallel_loop3A_918 = arith.addi %parallel_loop3A_901, %parallel_loop3A_917 : vector<16xi32>
          %parallel_loop3A_919 = tpu.vector_load_idx %arg10[%parallel_loop3A_460, %parallel_loop3A_918] : memref<128x128xf32, #tpu.memory_space<vmem>>[vector<16xi32>, vector<16xi32>], vector<16xf32>,
          %parallel_loop3A_920 = arith.constant 32 : i32
          %parallel_loop3A_921 = vector.broadcast %parallel_loop3A_920 : i32 to vector<16xi32>
          %parallel_loop3A_922 = arith.addi %parallel_loop3A_900, %parallel_loop3A_921 : vector<16xi32>
          tpu.vector_store_idx %arg12[%parallel_loop3A_922, %parallel_loop3A_460], %parallel_loop3A_919 : memref<64x128xf32, #tpu.memory_space<vmem>>[vector<16xi32>, vector<16xi32>], vector<16xf32>,
          %parallel_loop3A_923 = arith.constant 48 : i32
          %parallel_loop3A_924 = vector.broadcast %parallel_loop3A_923 : i32 to vector<16xi32>
          %parallel_loop3A_925 = arith.addi %parallel_loop3A_901, %parallel_loop3A_924 : vector<16xi32>
          %parallel_loop3A_926 = tpu.vector_load_idx %arg10[%parallel_loop3A_460, %parallel_loop3A_925] : memref<128x128xf32, #tpu.memory_space<vmem>>[vector<16xi32>, vector<16xi32>], vector<16xf32>,
          %parallel_loop3A_927 = arith.constant 48 : i32
          %parallel_loop3A_928 = vector.broadcast %parallel_loop3A_927 : i32 to vector<16xi32>
          %parallel_loop3A_929 = arith.addi %parallel_loop3A_900, %parallel_loop3A_928 : vector<16xi32>
          tpu.vector_store_idx %arg12[%parallel_loop3A_929, %parallel_loop3A_460], %parallel_loop3A_926 : memref<64x128xf32, #tpu.memory_space<vmem>>[vector<16xi32>, vector<16xi32>], vector<16xf32>,
          %parallel_loop3A_930 = arith.constant 240 : index
          %parallel_loop3A_931 = tpu.vector_load %arg14[%parallel_loop3A_930] {strides = array<i32>} : memref<256xi32, #tpu.memory_space<vmem>>, vector<16xi32>,
          %parallel_loop3A_932 = arith.addi %parallel_loop3A_464, %parallel_loop3A_931 : vector<16xi32>
          %parallel_loop3A_933 = arith.constant 0 : i32
          %parallel_loop3A_934 = vector.broadcast %parallel_loop3A_933 : i32 to vector<16xi32>
          %parallel_loop3A_935 = arith.addi %parallel_loop3A_932, %parallel_loop3A_934 : vector<16xi32>
          %parallel_loop3A_936 = tpu.vector_load_idx %arg10[%parallel_loop3A_460, %parallel_loop3A_935] : memref<128x128xf32, #tpu.memory_space<vmem>>[vector<16xi32>, vector<16xi32>], vector<16xf32>,
          %parallel_loop3A_937 = arith.constant 0 : i32
          %parallel_loop3A_938 = vector.broadcast %parallel_loop3A_937 : i32 to vector<16xi32>
          %parallel_loop3A_939 = arith.addi %parallel_loop3A_931, %parallel_loop3A_938 : vector<16xi32>
          tpu.vector_store_idx %arg12[%parallel_loop3A_939, %parallel_loop3A_460], %parallel_loop3A_936 : memref<64x128xf32, #tpu.memory_space<vmem>>[vector<16xi32>, vector<16xi32>], vector<16xf32>,
          %parallel_loop3A_940 = arith.constant 16 : i32
          %parallel_loop3A_941 = vector.broadcast %parallel_loop3A_940 : i32 to vector<16xi32>
          %parallel_loop3A_942 = arith.addi %parallel_loop3A_932, %parallel_loop3A_941 : vector<16xi32>
          %parallel_loop3A_943 = tpu.vector_load_idx %arg10[%parallel_loop3A_460, %parallel_loop3A_942] : memref<128x128xf32, #tpu.memory_space<vmem>>[vector<16xi32>, vector<16xi32>], vector<16xf32>,
          %parallel_loop3A_944 = arith.constant 16 : i32
          %parallel_loop3A_945 = vector.broadcast %parallel_loop3A_944 : i32 to vector<16xi32>
          %parallel_loop3A_946 = arith.addi %parallel_loop3A_931, %parallel_loop3A_945 : vector<16xi32>
          tpu.vector_store_idx %arg12[%parallel_loop3A_946, %parallel_loop3A_460], %parallel_loop3A_943 : memref<64x128xf32, #tpu.memory_space<vmem>>[vector<16xi32>, vector<16xi32>], vector<16xf32>,
          %parallel_loop3A_947 = arith.constant 32 : i32
          %parallel_loop3A_948 = vector.broadcast %parallel_loop3A_947 : i32 to vector<16xi32>
          %parallel_loop3A_949 = arith.addi %parallel_loop3A_932, %parallel_loop3A_948 : vector<16xi32>
          %parallel_loop3A_950 = tpu.vector_load_idx %arg10[%parallel_loop3A_460, %parallel_loop3A_949] : memref<128x128xf32, #tpu.memory_space<vmem>>[vector<16xi32>, vector<16xi32>], vector<16xf32>,
          %parallel_loop3A_951 = arith.constant 32 : i32
          %parallel_loop3A_952 = vector.broadcast %parallel_loop3A_951 : i32 to vector<16xi32>
          %parallel_loop3A_953 = arith.addi %parallel_loop3A_931, %parallel_loop3A_952 : vector<16xi32>
          tpu.vector_store_idx %arg12[%parallel_loop3A_953, %parallel_loop3A_460], %parallel_loop3A_950 : memref<64x128xf32, #tpu.memory_space<vmem>>[vector<16xi32>, vector<16xi32>], vector<16xf32>,
          %parallel_loop3A_954 = arith.constant 48 : i32
          %parallel_loop3A_955 = vector.broadcast %parallel_loop3A_954 : i32 to vector<16xi32>
          %parallel_loop3A_956 = arith.addi %parallel_loop3A_932, %parallel_loop3A_955 : vector<16xi32>
          %parallel_loop3A_957 = tpu.vector_load_idx %arg10[%parallel_loop3A_460, %parallel_loop3A_956] : memref<128x128xf32, #tpu.memory_space<vmem>>[vector<16xi32>, vector<16xi32>], vector<16xf32>,
          %parallel_loop3A_958 = arith.constant 48 : i32
          %parallel_loop3A_959 = vector.broadcast %parallel_loop3A_958 : i32 to vector<16xi32>
          %parallel_loop3A_960 = arith.addi %parallel_loop3A_931, %parallel_loop3A_959 : vector<16xi32>
          tpu.vector_store_idx %arg12[%parallel_loop3A_960, %parallel_loop3A_460], %parallel_loop3A_957 : memref<64x128xf32, #tpu.memory_space<vmem>>[vector<16xi32>, vector<16xi32>], vector<16xf32>,
        } {sc.loop_unroll_factor = 2 : i64, sc.parallel_access}
        %jit3A_412 = arith.constant 4 : i32
        %div3A = arith.divsi %scan3A_346, %jit3A_412 : i32
        %sign3A = arith.constant 0 : i32
        %sign3A_413 = arith.cmpi sgt, %scan3A_346, %sign3A : i32
        %sign3A_414 = arith.extui %sign3A_413 : i1 to i32
        %sign3A_415 = arith.constant 0 : i32
        %sign3A_416 = arith.cmpi slt, %scan3A_346, %sign3A_415 : i32
        %sign3A_417 = arith.extui %sign3A_416 : i1 to i32
        %sign3A_418 = arith.subi %sign3A_414, %sign3A_417 : i32
        %sign3A_419 = arith.constant 0 : i32
        %sign3A_420 = arith.cmpi sgt, %jit3A_412, %sign3A_419 : i32
        %sign3A_421 = arith.extui %sign3A_420 : i1 to i32
        %sign3A_422 = arith.constant 0 : i32
        %sign3A_423 = arith.cmpi slt, %jit3A_412, %sign3A_422 : i32
        %sign3A_424 = arith.extui %sign3A_423 : i1 to i32
        %sign3A_425 = arith.subi %sign3A_421, %sign3A_424 : i32
        %ne3A_426 = arith.cmpi ne, %sign3A_418, %sign3A_425 : i32
        %rem3A_427 = arith.remsi %scan3A_346, %jit3A_412 : i32
        %ne3A_428 = arith.constant 0 : i32
        %ne3A_429 = arith.cmpi ne, %rem3A_427, %ne3A_428 : i32
        %and3A_430 = arith.andi %ne3A_426, %ne3A_429 : i1
        %sub3A = arith.constant 1 : i32
        %sub3A_431 = arith.subi %div3A, %sub3A : i32
        %select_n3A_432 = arith.select %and3A_430, %sub3A_431, %div3A : i32
        %jit3A_433 = arith.constant 4 : i32
        %eq3A_434 = arith.constant 0 : i32
        %eq3A_435 = arith.cmpi eq, %jit3A_433, %eq3A_434 : i32
        %jit3A_436 = arith.constant 1 : i32
        %select_n3A_437 = arith.select %eq3A_435, %jit3A_436, %jit3A_433 : i32
        %rem3A_438 = arith.remsi %scan3A_346, %select_n3A_437 : i32
        %ne3A_439 = arith.constant 0 : i32
        %ne3A_440 = arith.cmpi ne, %rem3A_438, %ne3A_439 : i32
        %lt3A_441 = arith.constant 0 : i32
        %lt3A_442 = arith.cmpi slt, %rem3A_438, %lt3A_441 : i32
        %lt3A_443 = arith.constant 0 : i32
        %lt3A_444 = arith.cmpi slt, %select_n3A_437, %lt3A_443 : i32
        %ne3A_445 = arith.xori %lt3A_442, %lt3A_444 : i1
        %and3A_446 = arith.andi %ne3A_445, %ne3A_440 : i1
        %add3A_447 = arith.addi %rem3A_438, %select_n3A_437 : i32
        %select_n3A_448 = arith.select %and3A_446, %add3A_447, %rem3A_438 : i32
        %mul3A_449 = arith.constant 64 : i32
        %mul3A_450 = arith.muli %select_n3A_432, %mul3A_449 : i32
        %mul3A_451 = arith.constant 128 : i32
        %mul3A_452 = arith.muli %select_n3A_448, %mul3A_451 : i32
        %add3A_453 = arith.addi %mul3A_2, %mul3A_452 : i32
        %dma_start3A_454 = tpu.memref_slice %arg4[%mul3A_450, %add3A_453] : memref<3200x16384xf32, #tpu.memory_space<hbm>> -> memref<64x128xf32, #tpu.memory_space<hbm>>
        %dma_start3A_455 = tpu.memref_slice %arg4[%mul3A_450, %add3A_453] : memref<3200x16384xf32, #tpu.memory_space<hbm>> -> memref<64x128xf32, #tpu.memory_space<hbm>>
        tpu.enqueue_dma source(%arg12 : memref<64x128xf32, #tpu.memory_space<vmem>>) target(%dma_start3A_455 : memref<64x128xf32, #tpu.memory_space<hbm>>) target_semaphore(%arg17 : memref<!tpu.dma_semaphore, #tpu.memory_space<semaphore_mem>>)
      } else {
      }
      %not3A_405 = arith.constant true
      %not3A_406 = arith.xori %eq3A_358, %not3A_405 : i1
      %convert_element_type3A_407 = arith.extui %not3A_406 : i1 to i32
      %cond3A_408 = arith.constant 0 : i32
      %cond3A_409 = arith.cmpi ne, %convert_element_type3A_407, %cond3A_408 : i32
      scf.if %cond3A_409 {
        %parallel_loop3A = arith.constant 0 : i32
        %parallel_loop3A_410 = arith.constant 8 : i32
        %parallel_loop3A_411 = arith.constant 1 : i32
        scf.for %parallel_loop3A_456 = %parallel_loop3A to %parallel_loop3A_410 step %parallel_loop3A_411  : i32 {
          %parallel_loop3A_457 = arith.constant 16 : i32
          %parallel_loop3A_458 = arith.muli %parallel_loop3A_456, %parallel_loop3A_457 : i32
          %parallel_loop3A_459 = vector.broadcast %parallel_loop3A_458 : i32 to vector<16xi32>
          %parallel_loop3A_460 = arith.addi %parallel_loop3A_459, %iota3A : vector<16xi32>
          %parallel_loop3A_461 = arith.constant 16 : i32
          %parallel_loop3A_462 = arith.muli %parallel_loop3A_456, %parallel_loop3A_461 : i32
          %parallel_loop3A_463 = arith.index_cast %parallel_loop3A_462 : i32 to index
          %parallel_loop3A_464 = tpu.vector_load %arg9[%parallel_loop3A_463] {strides = array<i32>} : memref<128xi32, #tpu.memory_space<vmem>>, vector<16xi32>,
          %parallel_loop3A_465 = arith.constant 0 : index
          %parallel_loop3A_466 = tpu.vector_load %arg14[%parallel_loop3A_465] {strides = array<i32>} : memref<256xi32, #tpu.memory_space<vmem>>, vector<16xi32>,
          %parallel_loop3A_467 = arith.addi %parallel_loop3A_464, %parallel_loop3A_466 : vector<16xi32>
          %parallel_loop3A_468 = arith.constant 0 : i32
          %parallel_loop3A_469 = vector.broadcast %parallel_loop3A_468 : i32 to vector<16xi32>
          %parallel_loop3A_470 = arith.addi %parallel_loop3A_467, %parallel_loop3A_469 : vector<16xi32>
          %parallel_loop3A_471 = tpu.vector_load_idx %arg11[%parallel_loop3A_460, %parallel_loop3A_470] : memref<128x128xf32, #tpu.memory_space<vmem>>[vector<16xi32>, vector<16xi32>], vector<16xf32>,
          %parallel_loop3A_472 = arith.constant 0 : i32
          %parallel_loop3A_473 = vector.broadcast %parallel_loop3A_472 : i32 to vector<16xi32>
          %parallel_loop3A_474 = arith.addi %parallel_loop3A_466, %parallel_loop3A_473 : vector<16xi32>
          tpu.vector_store_idx %arg13[%parallel_loop3A_474, %parallel_loop3A_460], %parallel_loop3A_471 : memref<64x128xf32, #tpu.memory_space<vmem>>[vector<16xi32>, vector<16xi32>], vector<16xf32>,
          %parallel_loop3A_475 = arith.constant 16 : i32
          %parallel_loop3A_476 = vector.broadcast %parallel_loop3A_475 : i32 to vector<16xi32>
          %parallel_loop3A_477 = arith.addi %parallel_loop3A_467, %parallel_loop3A_476 : vector<16xi32>
          %parallel_loop3A_478 = tpu.vector_load_idx %arg11[%parallel_loop3A_460, %parallel_loop3A_477] : memref<128x128xf32, #tpu.memory_space<vmem>>[vector<16xi32>, vector<16xi32>], vector<16xf32>,
          %parallel_loop3A_479 = arith.constant 16 : i32
          %parallel_loop3A_480 = vector.broadcast %parallel_loop3A_479 : i32 to vector<16xi32>
          %parallel_loop3A_481 = arith.addi %parallel_loop3A_466, %parallel_loop3A_480 : vector<16xi32>
          tpu.vector_store_idx %arg13[%parallel_loop3A_481, %parallel_loop3A_460], %parallel_loop3A_478 : memref<64x128xf32, #tpu.memory_space<vmem>>[vector<16xi32>, vector<16xi32>], vector<16xf32>,
          %parallel_loop3A_482 = arith.constant 32 : i32
          %parallel_loop3A_483 = vector.broadcast %parallel_loop3A_482 : i32 to vector<16xi32>
          %parallel_loop3A_484 = arith.addi %parallel_loop3A_467, %parallel_loop3A_483 : vector<16xi32>
          %parallel_loop3A_485 = tpu.vector_load_idx %arg11[%parallel_loop3A_460, %parallel_loop3A_484] : memref<128x128xf32, #tpu.memory_space<vmem>>[vector<16xi32>, vector<16xi32>], vector<16xf32>,
          %parallel_loop3A_486 = arith.constant 32 : i32
          %parallel_loop3A_487 = vector.broadcast %parallel_loop3A_486 : i32 to vector<16xi32>
          %parallel_loop3A_488 = arith.addi %parallel_loop3A_466, %parallel_loop3A_487 : vector<16xi32>
          tpu.vector_store_idx %arg13[%parallel_loop3A_488, %parallel_loop3A_460], %parallel_loop3A_485 : memref<64x128xf32, #tpu.memory_space<vmem>>[vector<16xi32>, vector<16xi32>], vector<16xf32>,
          %parallel_loop3A_489 = arith.constant 48 : i32
          %parallel_loop3A_490 = vector.broadcast %parallel_loop3A_489 : i32 to vector<16xi32>
          %parallel_loop3A_491 = arith.addi %parallel_loop3A_467, %parallel_loop3A_490 : vector<16xi32>
          %parallel_loop3A_492 = tpu.vector_load_idx %arg11[%parallel_loop3A_460, %parallel_loop3A_491] : memref<128x128xf32, #tpu.memory_space<vmem>>[vector<16xi32>, vector<16xi32>], vector<16xf32>,
          %parallel_loop3A_493 = arith.constant 48 : i32
          %parallel_loop3A_494 = vector.broadcast %parallel_loop3A_493 : i32 to vector<16xi32>
          %parallel_loop3A_495 = arith.addi %parallel_loop3A_466, %parallel_loop3A_494 : vector<16xi32>
          tpu.vector_store_idx %arg13[%parallel_loop3A_495, %parallel_loop3A_460], %parallel_loop3A_492 : memref<64x128xf32, #tpu.memory_space<vmem>>[vector<16xi32>, vector<16xi32>], vector<16xf32>,
          %parallel_loop3A_496 = arith.constant 16 : index
          %parallel_loop3A_497 = tpu.vector_load %arg14[%parallel_loop3A_496] {strides = array<i32>} : memref<256xi32, #tpu.memory_space<vmem>>, vector<16xi32>,
          %parallel_loop3A_498 = arith.addi %parallel_loop3A_464, %parallel_loop3A_497 : vector<16xi32>
          %parallel_loop3A_499 = arith.constant 0 : i32
          %parallel_loop3A_500 = vector.broadcast %parallel_loop3A_499 : i32 to vector<16xi32>
          %parallel_loop3A_501 = arith.addi %parallel_loop3A_498, %parallel_loop3A_500 : vector<16xi32>
          %parallel_loop3A_502 = tpu.vector_load_idx %arg11[%parallel_loop3A_460, %parallel_loop3A_501] : memref<128x128xf32, #tpu.memory_space<vmem>>[vector<16xi32>, vector<16xi32>], vector<16xf32>,
          %parallel_loop3A_503 = arith.constant 0 : i32
          %parallel_loop3A_504 = vector.broadcast %parallel_loop3A_503 : i32 to vector<16xi32>
          %parallel_loop3A_505 = arith.addi %parallel_loop3A_497, %parallel_loop3A_504 : vector<16xi32>
          tpu.vector_store_idx %arg13[%parallel_loop3A_505, %parallel_loop3A_460], %parallel_loop3A_502 : memref<64x128xf32, #tpu.memory_space<vmem>>[vector<16xi32>, vector<16xi32>], vector<16xf32>,
          %parallel_loop3A_506 = arith.constant 16 : i32
          %parallel_loop3A_507 = vector.broadcast %parallel_loop3A_506 : i32 to vector<16xi32>
          %parallel_loop3A_508 = arith.addi %parallel_loop3A_498, %parallel_loop3A_507 : vector<16xi32>
          %parallel_loop3A_509 = tpu.vector_load_idx %arg11[%parallel_loop3A_460, %parallel_loop3A_508] : memref<128x128xf32, #tpu.memory_space<vmem>>[vector<16xi32>, vector<16xi32>], vector<16xf32>,
          %parallel_loop3A_510 = arith.constant 16 : i32
          %parallel_loop3A_511 = vector.broadcast %parallel_loop3A_510 : i32 to vector<16xi32>
          %parallel_loop3A_512 = arith.addi %parallel_loop3A_497, %parallel_loop3A_511 : vector<16xi32>
          tpu.vector_store_idx %arg13[%parallel_loop3A_512, %parallel_loop3A_460], %parallel_loop3A_509 : memref<64x128xf32, #tpu.memory_space<vmem>>[vector<16xi32>, vector<16xi32>], vector<16xf32>,
          %parallel_loop3A_513 = arith.constant 32 : i32
          %parallel_loop3A_514 = vector.broadcast %parallel_loop3A_513 : i32 to vector<16xi32>
          %parallel_loop3A_515 = arith.addi %parallel_loop3A_498, %parallel_loop3A_514 : vector<16xi32>
          %parallel_loop3A_516 = tpu.vector_load_idx %arg11[%parallel_loop3A_460, %parallel_loop3A_515] : memref<128x128xf32, #tpu.memory_space<vmem>>[vector<16xi32>, vector<16xi32>], vector<16xf32>,
          %parallel_loop3A_517 = arith.constant 32 : i32
          %parallel_loop3A_518 = vector.broadcast %parallel_loop3A_517 : i32 to vector<16xi32>
          %parallel_loop3A_519 = arith.addi %parallel_loop3A_497, %parallel_loop3A_518 : vector<16xi32>
          tpu.vector_store_idx %arg13[%parallel_loop3A_519, %parallel_loop3A_460], %parallel_loop3A_516 : memref<64x128xf32, #tpu.memory_space<vmem>>[vector<16xi32>, vector<16xi32>], vector<16xf32>,
          %parallel_loop3A_520 = arith.constant 48 : i32
          %parallel_loop3A_521 = vector.broadcast %parallel_loop3A_520 : i32 to vector<16xi32>
          %parallel_loop3A_522 = arith.addi %parallel_loop3A_498, %parallel_loop3A_521 : vector<16xi32>
          %parallel_loop3A_523 = tpu.vector_load_idx %arg11[%parallel_loop3A_460, %parallel_loop3A_522] : memref<128x128xf32, #tpu.memory_space<vmem>>[vector<16xi32>, vector<16xi32>], vector<16xf32>,
          %parallel_loop3A_524 = arith.constant 48 : i32
          %parallel_loop3A_525 = vector.broadcast %parallel_loop3A_524 : i32 to vector<16xi32>
          %parallel_loop3A_526 = arith.addi %parallel_loop3A_497, %parallel_loop3A_525 : vector<16xi32>
          tpu.vector_store_idx %arg13[%parallel_loop3A_526, %parallel_loop3A_460], %parallel_loop3A_523 : memref<64x128xf32, #tpu.memory_space<vmem>>[vector<16xi32>, vector<16xi32>], vector<16xf32>,
          %parallel_loop3A_527 = arith.constant 32 : index
          %parallel_loop3A_528 = tpu.vector_load %arg14[%parallel_loop3A_527] {strides = array<i32>} : memref<256xi32, #tpu.memory_space<vmem>>, vector<16xi32>,
          %parallel_loop3A_529 = arith.addi %parallel_loop3A_464, %parallel_loop3A_528 : vector<16xi32>
          %parallel_loop3A_530 = arith.constant 0 : i32
          %parallel_loop3A_531 = vector.broadcast %parallel_loop3A_530 : i32 to vector<16xi32>
          %parallel_loop3A_532 = arith.addi %parallel_loop3A_529, %parallel_loop3A_531 : vector<16xi32>
          %parallel_loop3A_533 = tpu.vector_load_idx %arg11[%parallel_loop3A_460, %parallel_loop3A_532] : memref<128x128xf32, #tpu.memory_space<vmem>>[vector<16xi32>, vector<16xi32>], vector<16xf32>,
          %parallel_loop3A_534 = arith.constant 0 : i32
          %parallel_loop3A_535 = vector.broadcast %parallel_loop3A_534 : i32 to vector<16xi32>
          %parallel_loop3A_536 = arith.addi %parallel_loop3A_528, %parallel_loop3A_535 : vector<16xi32>
          tpu.vector_store_idx %arg13[%parallel_loop3A_536, %parallel_loop3A_460], %parallel_loop3A_533 : memref<64x128xf32, #tpu.memory_space<vmem>>[vector<16xi32>, vector<16xi32>], vector<16xf32>,
          %parallel_loop3A_537 = arith.constant 16 : i32
          %parallel_loop3A_538 = vector.broadcast %parallel_loop3A_537 : i32 to vector<16xi32>
          %parallel_loop3A_539 = arith.addi %parallel_loop3A_529, %parallel_loop3A_538 : vector<16xi32>
          %parallel_loop3A_540 = tpu.vector_load_idx %arg11[%parallel_loop3A_460, %parallel_loop3A_539] : memref<128x128xf32, #tpu.memory_space<vmem>>[vector<16xi32>, vector<16xi32>], vector<16xf32>,
          %parallel_loop3A_541 = arith.constant 16 : i32
          %parallel_loop3A_542 = vector.broadcast %parallel_loop3A_541 : i32 to vector<16xi32>
          %parallel_loop3A_543 = arith.addi %parallel_loop3A_528, %parallel_loop3A_542 : vector<16xi32>
          tpu.vector_store_idx %arg13[%parallel_loop3A_543, %parallel_loop3A_460], %parallel_loop3A_540 : memref<64x128xf32, #tpu.memory_space<vmem>>[vector<16xi32>, vector<16xi32>], vector<16xf32>,
          %parallel_loop3A_544 = arith.constant 32 : i32
          %parallel_loop3A_545 = vector.broadcast %parallel_loop3A_544 : i32 to vector<16xi32>
          %parallel_loop3A_546 = arith.addi %parallel_loop3A_529, %parallel_loop3A_545 : vector<16xi32>
          %parallel_loop3A_547 = tpu.vector_load_idx %arg11[%parallel_loop3A_460, %parallel_loop3A_546] : memref<128x128xf32, #tpu.memory_space<vmem>>[vector<16xi32>, vector<16xi32>], vector<16xf32>,
          %parallel_loop3A_548 = arith.constant 32 : i32
          %parallel_loop3A_549 = vector.broadcast %parallel_loop3A_548 : i32 to vector<16xi32>
          %parallel_loop3A_550 = arith.addi %parallel_loop3A_528, %parallel_loop3A_549 : vector<16xi32>
          tpu.vector_store_idx %arg13[%parallel_loop3A_550, %parallel_loop3A_460], %parallel_loop3A_547 : memref<64x128xf32, #tpu.memory_space<vmem>>[vector<16xi32>, vector<16xi32>], vector<16xf32>,
          %parallel_loop3A_551 = arith.constant 48 : i32
          %parallel_loop3A_552 = vector.broadcast %parallel_loop3A_551 : i32 to vector<16xi32>
          %parallel_loop3A_553 = arith.addi %parallel_loop3A_529, %parallel_loop3A_552 : vector<16xi32>
          %parallel_loop3A_554 = tpu.vector_load_idx %arg11[%parallel_loop3A_460, %parallel_loop3A_553] : memref<128x128xf32, #tpu.memory_space<vmem>>[vector<16xi32>, vector<16xi32>], vector<16xf32>,
          %parallel_loop3A_555 = arith.constant 48 : i32
          %parallel_loop3A_556 = vector.broadcast %parallel_loop3A_555 : i32 to vector<16xi32>
          %parallel_loop3A_557 = arith.addi %parallel_loop3A_528, %parallel_loop3A_556 : vector<16xi32>
          tpu.vector_store_idx %arg13[%parallel_loop3A_557, %parallel_loop3A_460], %parallel_loop3A_554 : memref<64x128xf32, #tpu.memory_space<vmem>>[vector<16xi32>, vector<16xi32>], vector<16xf32>,
          %parallel_loop3A_558 = arith.constant 48 : index
          %parallel_loop3A_559 = tpu.vector_load %arg14[%parallel_loop3A_558] {strides = array<i32>} : memref<256xi32, #tpu.memory_space<vmem>>, vector<16xi32>,
          %parallel_loop3A_560 = arith.addi %parallel_loop3A_464, %parallel_loop3A_559 : vector<16xi32>
          %parallel_loop3A_561 = arith.constant 0 : i32
          %parallel_loop3A_562 = vector.broadcast %parallel_loop3A_561 : i32 to vector<16xi32>
          %parallel_loop3A_563 = arith.addi %parallel_loop3A_560, %parallel_loop3A_562 : vector<16xi32>
          %parallel_loop3A_564 = tpu.vector_load_idx %arg11[%parallel_loop3A_460, %parallel_loop3A_563] : memref<128x128xf32, #tpu.memory_space<vmem>>[vector<16xi32>, vector<16xi32>], vector<16xf32>,
          %parallel_loop3A_565 = arith.constant 0 : i32
          %parallel_loop3A_566 = vector.broadcast %parallel_loop3A_565 : i32 to vector<16xi32>
          %parallel_loop3A_567 = arith.addi %parallel_loop3A_559, %parallel_loop3A_566 : vector<16xi32>
          tpu.vector_store_idx %arg13[%parallel_loop3A_567, %parallel_loop3A_460], %parallel_loop3A_564 : memref<64x128xf32, #tpu.memory_space<vmem>>[vector<16xi32>, vector<16xi32>], vector<16xf32>,
          %parallel_loop3A_568 = arith.constant 16 : i32
          %parallel_loop3A_569 = vector.broadcast %parallel_loop3A_568 : i32 to vector<16xi32>
          %parallel_loop3A_570 = arith.addi %parallel_loop3A_560, %parallel_loop3A_569 : vector<16xi32>
          %parallel_loop3A_571 = tpu.vector_load_idx %arg11[%parallel_loop3A_460, %parallel_loop3A_570] : memref<128x128xf32, #tpu.memory_space<vmem>>[vector<16xi32>, vector<16xi32>], vector<16xf32>,
          %parallel_loop3A_572 = arith.constant 16 : i32
          %parallel_loop3A_573 = vector.broadcast %parallel_loop3A_572 : i32 to vector<16xi32>
          %parallel_loop3A_574 = arith.addi %parallel_loop3A_559, %parallel_loop3A_573 : vector<16xi32>
          tpu.vector_store_idx %arg13[%parallel_loop3A_574, %parallel_loop3A_460], %parallel_loop3A_571 : memref<64x128xf32, #tpu.memory_space<vmem>>[vector<16xi32>, vector<16xi32>], vector<16xf32>,
          %parallel_loop3A_575 = arith.constant 32 : i32
          %parallel_loop3A_576 = vector.broadcast %parallel_loop3A_575 : i32 to vector<16xi32>
          %parallel_loop3A_577 = arith.addi %parallel_loop3A_560, %parallel_loop3A_576 : vector<16xi32>
          %parallel_loop3A_578 = tpu.vector_load_idx %arg11[%parallel_loop3A_460, %parallel_loop3A_577] : memref<128x128xf32, #tpu.memory_space<vmem>>[vector<16xi32>, vector<16xi32>], vector<16xf32>,
          %parallel_loop3A_579 = arith.constant 32 : i32
          %parallel_loop3A_580 = vector.broadcast %parallel_loop3A_579 : i32 to vector<16xi32>
          %parallel_loop3A_581 = arith.addi %parallel_loop3A_559, %parallel_loop3A_580 : vector<16xi32>
          tpu.vector_store_idx %arg13[%parallel_loop3A_581, %parallel_loop3A_460], %parallel_loop3A_578 : memref<64x128xf32, #tpu.memory_space<vmem>>[vector<16xi32>, vector<16xi32>], vector<16xf32>,
          %parallel_loop3A_582 = arith.constant 48 : i32
          %parallel_loop3A_583 = vector.broadcast %parallel_loop3A_582 : i32 to vector<16xi32>
          %parallel_loop3A_584 = arith.addi %parallel_loop3A_560, %parallel_loop3A_583 : vector<16xi32>
          %parallel_loop3A_585 = tpu.vector_load_idx %arg11[%parallel_loop3A_460, %parallel_loop3A_584] : memref<128x128xf32, #tpu.memory_space<vmem>>[vector<16xi32>, vector<16xi32>], vector<16xf32>,
          %parallel_loop3A_586 = arith.constant 48 : i32
          %parallel_loop3A_587 = vector.broadcast %parallel_loop3A_586 : i32 to vector<16xi32>
          %parallel_loop3A_588 = arith.addi %parallel_loop3A_559, %parallel_loop3A_587 : vector<16xi32>
          tpu.vector_store_idx %arg13[%parallel_loop3A_588, %parallel_loop3A_460], %parallel_loop3A_585 : memref<64x128xf32, #tpu.memory_space<vmem>>[vector<16xi32>, vector<16xi32>], vector<16xf32>,
          %parallel_loop3A_589 = arith.constant 64 : index
          %parallel_loop3A_590 = tpu.vector_load %arg14[%parallel_loop3A_589] {strides = array<i32>} : memref<256xi32, #tpu.memory_space<vmem>>, vector<16xi32>,
          %parallel_loop3A_591 = arith.addi %parallel_loop3A_464, %parallel_loop3A_590 : vector<16xi32>
          %parallel_loop3A_592 = arith.constant 0 : i32
          %parallel_loop3A_593 = vector.broadcast %parallel_loop3A_592 : i32 to vector<16xi32>
          %parallel_loop3A_594 = arith.addi %parallel_loop3A_591, %parallel_loop3A_593 : vector<16xi32>
          %parallel_loop3A_595 = tpu.vector_load_idx %arg11[%parallel_loop3A_460, %parallel_loop3A_594] : memref<128x128xf32, #tpu.memory_space<vmem>>[vector<16xi32>, vector<16xi32>], vector<16xf32>,
          %parallel_loop3A_596 = arith.constant 0 : i32
          %parallel_loop3A_597 = vector.broadcast %parallel_loop3A_596 : i32 to vector<16xi32>
          %parallel_loop3A_598 = arith.addi %parallel_loop3A_590, %parallel_loop3A_597 : vector<16xi32>
          tpu.vector_store_idx %arg13[%parallel_loop3A_598, %parallel_loop3A_460], %parallel_loop3A_595 : memref<64x128xf32, #tpu.memory_space<vmem>>[vector<16xi32>, vector<16xi32>], vector<16xf32>,
          %parallel_loop3A_599 = arith.constant 16 : i32
          %parallel_loop3A_600 = vector.broadcast %parallel_loop3A_599 : i32 to vector<16xi32>
          %parallel_loop3A_601 = arith.addi %parallel_loop3A_591, %parallel_loop3A_600 : vector<16xi32>
          %parallel_loop3A_602 = tpu.vector_load_idx %arg11[%parallel_loop3A_460, %parallel_loop3A_601] : memref<128x128xf32, #tpu.memory_space<vmem>>[vector<16xi32>, vector<16xi32>], vector<16xf32>,
          %parallel_loop3A_603 = arith.constant 16 : i32
          %parallel_loop3A_604 = vector.broadcast %parallel_loop3A_603 : i32 to vector<16xi32>
          %parallel_loop3A_605 = arith.addi %parallel_loop3A_590, %parallel_loop3A_604 : vector<16xi32>
          tpu.vector_store_idx %arg13[%parallel_loop3A_605, %parallel_loop3A_460], %parallel_loop3A_602 : memref<64x128xf32, #tpu.memory_space<vmem>>[vector<16xi32>, vector<16xi32>], vector<16xf32>,
          %parallel_loop3A_606 = arith.constant 32 : i32
          %parallel_loop3A_607 = vector.broadcast %parallel_loop3A_606 : i32 to vector<16xi32>
          %parallel_loop3A_608 = arith.addi %parallel_loop3A_591, %parallel_loop3A_607 : vector<16xi32>
          %parallel_loop3A_609 = tpu.vector_load_idx %arg11[%parallel_loop3A_460, %parallel_loop3A_608] : memref<128x128xf32, #tpu.memory_space<vmem>>[vector<16xi32>, vector<16xi32>], vector<16xf32>,
          %parallel_loop3A_610 = arith.constant 32 : i32
          %parallel_loop3A_611 = vector.broadcast %parallel_loop3A_610 : i32 to vector<16xi32>
          %parallel_loop3A_612 = arith.addi %parallel_loop3A_590, %parallel_loop3A_611 : vector<16xi32>
          tpu.vector_store_idx %arg13[%parallel_loop3A_612, %parallel_loop3A_460], %parallel_loop3A_609 : memref<64x128xf32, #tpu.memory_space<vmem>>[vector<16xi32>, vector<16xi32>], vector<16xf32>,
          %parallel_loop3A_613 = arith.constant 48 : i32
          %parallel_loop3A_614 = vector.broadcast %parallel_loop3A_613 : i32 to vector<16xi32>
          %parallel_loop3A_615 = arith.addi %parallel_loop3A_591, %parallel_loop3A_614 : vector<16xi32>
          %parallel_loop3A_616 = tpu.vector_load_idx %arg11[%parallel_loop3A_460, %parallel_loop3A_615] : memref<128x128xf32, #tpu.memory_space<vmem>>[vector<16xi32>, vector<16xi32>], vector<16xf32>,
          %parallel_loop3A_617 = arith.constant 48 : i32
          %parallel_loop3A_618 = vector.broadcast %parallel_loop3A_617 : i32 to vector<16xi32>
          %parallel_loop3A_619 = arith.addi %parallel_loop3A_590, %parallel_loop3A_618 : vector<16xi32>
          tpu.vector_store_idx %arg13[%parallel_loop3A_619, %parallel_loop3A_460], %parallel_loop3A_616 : memref<64x128xf32, #tpu.memory_space<vmem>>[vector<16xi32>, vector<16xi32>], vector<16xf32>,
          %parallel_loop3A_620 = arith.constant 80 : index
          %parallel_loop3A_621 = tpu.vector_load %arg14[%parallel_loop3A_620] {strides = array<i32>} : memref<256xi32, #tpu.memory_space<vmem>>, vector<16xi32>,
          %parallel_loop3A_622 = arith.addi %parallel_loop3A_464, %parallel_loop3A_621 : vector<16xi32>
          %parallel_loop3A_623 = arith.constant 0 : i32
          %parallel_loop3A_624 = vector.broadcast %parallel_loop3A_623 : i32 to vector<16xi32>
          %parallel_loop3A_625 = arith.addi %parallel_loop3A_622, %parallel_loop3A_624 : vector<16xi32>
          %parallel_loop3A_626 = tpu.vector_load_idx %arg11[%parallel_loop3A_460, %parallel_loop3A_625] : memref<128x128xf32, #tpu.memory_space<vmem>>[vector<16xi32>, vector<16xi32>], vector<16xf32>,
          %parallel_loop3A_627 = arith.constant 0 : i32
          %parallel_loop3A_628 = vector.broadcast %parallel_loop3A_627 : i32 to vector<16xi32>
          %parallel_loop3A_629 = arith.addi %parallel_loop3A_621, %parallel_loop3A_628 : vector<16xi32>
          tpu.vector_store_idx %arg13[%parallel_loop3A_629, %parallel_loop3A_460], %parallel_loop3A_626 : memref<64x128xf32, #tpu.memory_space<vmem>>[vector<16xi32>, vector<16xi32>], vector<16xf32>,
          %parallel_loop3A_630 = arith.constant 16 : i32
          %parallel_loop3A_631 = vector.broadcast %parallel_loop3A_630 : i32 to vector<16xi32>
          %parallel_loop3A_632 = arith.addi %parallel_loop3A_622, %parallel_loop3A_631 : vector<16xi32>
          %parallel_loop3A_633 = tpu.vector_load_idx %arg11[%parallel_loop3A_460, %parallel_loop3A_632] : memref<128x128xf32, #tpu.memory_space<vmem>>[vector<16xi32>, vector<16xi32>], vector<16xf32>,
          %parallel_loop3A_634 = arith.constant 16 : i32
          %parallel_loop3A_635 = vector.broadcast %parallel_loop3A_634 : i32 to vector<16xi32>
          %parallel_loop3A_636 = arith.addi %parallel_loop3A_621, %parallel_loop3A_635 : vector<16xi32>
          tpu.vector_store_idx %arg13[%parallel_loop3A_636, %parallel_loop3A_460], %parallel_loop3A_633 : memref<64x128xf32, #tpu.memory_space<vmem>>[vector<16xi32>, vector<16xi32>], vector<16xf32>,
          %parallel_loop3A_637 = arith.constant 32 : i32
          %parallel_loop3A_638 = vector.broadcast %parallel_loop3A_637 : i32 to vector<16xi32>
          %parallel_loop3A_639 = arith.addi %parallel_loop3A_622, %parallel_loop3A_638 : vector<16xi32>
          %parallel_loop3A_640 = tpu.vector_load_idx %arg11[%parallel_loop3A_460, %parallel_loop3A_639] : memref<128x128xf32, #tpu.memory_space<vmem>>[vector<16xi32>, vector<16xi32>], vector<16xf32>,
          %parallel_loop3A_641 = arith.constant 32 : i32
          %parallel_loop3A_642 = vector.broadcast %parallel_loop3A_641 : i32 to vector<16xi32>
          %parallel_loop3A_643 = arith.addi %parallel_loop3A_621, %parallel_loop3A_642 : vector<16xi32>
          tpu.vector_store_idx %arg13[%parallel_loop3A_643, %parallel_loop3A_460], %parallel_loop3A_640 : memref<64x128xf32, #tpu.memory_space<vmem>>[vector<16xi32>, vector<16xi32>], vector<16xf32>,
          %parallel_loop3A_644 = arith.constant 48 : i32
          %parallel_loop3A_645 = vector.broadcast %parallel_loop3A_644 : i32 to vector<16xi32>
          %parallel_loop3A_646 = arith.addi %parallel_loop3A_622, %parallel_loop3A_645 : vector<16xi32>
          %parallel_loop3A_647 = tpu.vector_load_idx %arg11[%parallel_loop3A_460, %parallel_loop3A_646] : memref<128x128xf32, #tpu.memory_space<vmem>>[vector<16xi32>, vector<16xi32>], vector<16xf32>,
          %parallel_loop3A_648 = arith.constant 48 : i32
          %parallel_loop3A_649 = vector.broadcast %parallel_loop3A_648 : i32 to vector<16xi32>
          %parallel_loop3A_650 = arith.addi %parallel_loop3A_621, %parallel_loop3A_649 : vector<16xi32>
          tpu.vector_store_idx %arg13[%parallel_loop3A_650, %parallel_loop3A_460], %parallel_loop3A_647 : memref<64x128xf32, #tpu.memory_space<vmem>>[vector<16xi32>, vector<16xi32>], vector<16xf32>,
          %parallel_loop3A_651 = arith.constant 96 : index
          %parallel_loop3A_652 = tpu.vector_load %arg14[%parallel_loop3A_651] {strides = array<i32>} : memref<256xi32, #tpu.memory_space<vmem>>, vector<16xi32>,
          %parallel_loop3A_653 = arith.addi %parallel_loop3A_464, %parallel_loop3A_652 : vector<16xi32>
          %parallel_loop3A_654 = arith.constant 0 : i32
          %parallel_loop3A_655 = vector.broadcast %parallel_loop3A_654 : i32 to vector<16xi32>
          %parallel_loop3A_656 = arith.addi %parallel_loop3A_653, %parallel_loop3A_655 : vector<16xi32>
          %parallel_loop3A_657 = tpu.vector_load_idx %arg11[%parallel_loop3A_460, %parallel_loop3A_656] : memref<128x128xf32, #tpu.memory_space<vmem>>[vector<16xi32>, vector<16xi32>], vector<16xf32>,
          %parallel_loop3A_658 = arith.constant 0 : i32
          %parallel_loop3A_659 = vector.broadcast %parallel_loop3A_658 : i32 to vector<16xi32>
          %parallel_loop3A_660 = arith.addi %parallel_loop3A_652, %parallel_loop3A_659 : vector<16xi32>
          tpu.vector_store_idx %arg13[%parallel_loop3A_660, %parallel_loop3A_460], %parallel_loop3A_657 : memref<64x128xf32, #tpu.memory_space<vmem>>[vector<16xi32>, vector<16xi32>], vector<16xf32>,
          %parallel_loop3A_661 = arith.constant 16 : i32
          %parallel_loop3A_662 = vector.broadcast %parallel_loop3A_661 : i32 to vector<16xi32>
          %parallel_loop3A_663 = arith.addi %parallel_loop3A_653, %parallel_loop3A_662 : vector<16xi32>
          %parallel_loop3A_664 = tpu.vector_load_idx %arg11[%parallel_loop3A_460, %parallel_loop3A_663] : memref<128x128xf32, #tpu.memory_space<vmem>>[vector<16xi32>, vector<16xi32>], vector<16xf32>,
          %parallel_loop3A_665 = arith.constant 16 : i32
          %parallel_loop3A_666 = vector.broadcast %parallel_loop3A_665 : i32 to vector<16xi32>
          %parallel_loop3A_667 = arith.addi %parallel_loop3A_652, %parallel_loop3A_666 : vector<16xi32>
          tpu.vector_store_idx %arg13[%parallel_loop3A_667, %parallel_loop3A_460], %parallel_loop3A_664 : memref<64x128xf32, #tpu.memory_space<vmem>>[vector<16xi32>, vector<16xi32>], vector<16xf32>,
          %parallel_loop3A_668 = arith.constant 32 : i32
          %parallel_loop3A_669 = vector.broadcast %parallel_loop3A_668 : i32 to vector<16xi32>
          %parallel_loop3A_670 = arith.addi %parallel_loop3A_653, %parallel_loop3A_669 : vector<16xi32>
          %parallel_loop3A_671 = tpu.vector_load_idx %arg11[%parallel_loop3A_460, %parallel_loop3A_670] : memref<128x128xf32, #tpu.memory_space<vmem>>[vector<16xi32>, vector<16xi32>], vector<16xf32>,
          %parallel_loop3A_672 = arith.constant 32 : i32
          %parallel_loop3A_673 = vector.broadcast %parallel_loop3A_672 : i32 to vector<16xi32>
          %parallel_loop3A_674 = arith.addi %parallel_loop3A_652, %parallel_loop3A_673 : vector<16xi32>
          tpu.vector_store_idx %arg13[%parallel_loop3A_674, %parallel_loop3A_460], %parallel_loop3A_671 : memref<64x128xf32, #tpu.memory_space<vmem>>[vector<16xi32>, vector<16xi32>], vector<16xf32>,
          %parallel_loop3A_675 = arith.constant 48 : i32
          %parallel_loop3A_676 = vector.broadcast %parallel_loop3A_675 : i32 to vector<16xi32>
          %parallel_loop3A_677 = arith.addi %parallel_loop3A_653, %parallel_loop3A_676 : vector<16xi32>
          %parallel_loop3A_678 = tpu.vector_load_idx %arg11[%parallel_loop3A_460, %parallel_loop3A_677] : memref<128x128xf32, #tpu.memory_space<vmem>>[vector<16xi32>, vector<16xi32>], vector<16xf32>,
          %parallel_loop3A_679 = arith.constant 48 : i32
          %parallel_loop3A_680 = vector.broadcast %parallel_loop3A_679 : i32 to vector<16xi32>
          %parallel_loop3A_681 = arith.addi %parallel_loop3A_652, %parallel_loop3A_680 : vector<16xi32>
          tpu.vector_store_idx %arg13[%parallel_loop3A_681, %parallel_loop3A_460], %parallel_loop3A_678 : memref<64x128xf32, #tpu.memory_space<vmem>>[vector<16xi32>, vector<16xi32>], vector<16xf32>,
          %parallel_loop3A_682 = arith.constant 112 : index
          %parallel_loop3A_683 = tpu.vector_load %arg14[%parallel_loop3A_682] {strides = array<i32>} : memref<256xi32, #tpu.memory_space<vmem>>, vector<16xi32>,
          %parallel_loop3A_684 = arith.addi %parallel_loop3A_464, %parallel_loop3A_683 : vector<16xi32>
          %parallel_loop3A_685 = arith.constant 0 : i32
          %parallel_loop3A_686 = vector.broadcast %parallel_loop3A_685 : i32 to vector<16xi32>
          %parallel_loop3A_687 = arith.addi %parallel_loop3A_684, %parallel_loop3A_686 : vector<16xi32>
          %parallel_loop3A_688 = tpu.vector_load_idx %arg11[%parallel_loop3A_460, %parallel_loop3A_687] : memref<128x128xf32, #tpu.memory_space<vmem>>[vector<16xi32>, vector<16xi32>], vector<16xf32>,
          %parallel_loop3A_689 = arith.constant 0 : i32
          %parallel_loop3A_690 = vector.broadcast %parallel_loop3A_689 : i32 to vector<16xi32>
          %parallel_loop3A_691 = arith.addi %parallel_loop3A_683, %parallel_loop3A_690 : vector<16xi32>
          tpu.vector_store_idx %arg13[%parallel_loop3A_691, %parallel_loop3A_460], %parallel_loop3A_688 : memref<64x128xf32, #tpu.memory_space<vmem>>[vector<16xi32>, vector<16xi32>], vector<16xf32>,
          %parallel_loop3A_692 = arith.constant 16 : i32
          %parallel_loop3A_693 = vector.broadcast %parallel_loop3A_692 : i32 to vector<16xi32>
          %parallel_loop3A_694 = arith.addi %parallel_loop3A_684, %parallel_loop3A_693 : vector<16xi32>
          %parallel_loop3A_695 = tpu.vector_load_idx %arg11[%parallel_loop3A_460, %parallel_loop3A_694] : memref<128x128xf32, #tpu.memory_space<vmem>>[vector<16xi32>, vector<16xi32>], vector<16xf32>,
          %parallel_loop3A_696 = arith.constant 16 : i32
          %parallel_loop3A_697 = vector.broadcast %parallel_loop3A_696 : i32 to vector<16xi32>
          %parallel_loop3A_698 = arith.addi %parallel_loop3A_683, %parallel_loop3A_697 : vector<16xi32>
          tpu.vector_store_idx %arg13[%parallel_loop3A_698, %parallel_loop3A_460], %parallel_loop3A_695 : memref<64x128xf32, #tpu.memory_space<vmem>>[vector<16xi32>, vector<16xi32>], vector<16xf32>,
          %parallel_loop3A_699 = arith.constant 32 : i32
          %parallel_loop3A_700 = vector.broadcast %parallel_loop3A_699 : i32 to vector<16xi32>
          %parallel_loop3A_701 = arith.addi %parallel_loop3A_684, %parallel_loop3A_700 : vector<16xi32>
          %parallel_loop3A_702 = tpu.vector_load_idx %arg11[%parallel_loop3A_460, %parallel_loop3A_701] : memref<128x128xf32, #tpu.memory_space<vmem>>[vector<16xi32>, vector<16xi32>], vector<16xf32>,
          %parallel_loop3A_703 = arith.constant 32 : i32
          %parallel_loop3A_704 = vector.broadcast %parallel_loop3A_703 : i32 to vector<16xi32>
          %parallel_loop3A_705 = arith.addi %parallel_loop3A_683, %parallel_loop3A_704 : vector<16xi32>
          tpu.vector_store_idx %arg13[%parallel_loop3A_705, %parallel_loop3A_460], %parallel_loop3A_702 : memref<64x128xf32, #tpu.memory_space<vmem>>[vector<16xi32>, vector<16xi32>], vector<16xf32>,
          %parallel_loop3A_706 = arith.constant 48 : i32
          %parallel_loop3A_707 = vector.broadcast %parallel_loop3A_706 : i32 to vector<16xi32>
          %parallel_loop3A_708 = arith.addi %parallel_loop3A_684, %parallel_loop3A_707 : vector<16xi32>
          %parallel_loop3A_709 = tpu.vector_load_idx %arg11[%parallel_loop3A_460, %parallel_loop3A_708] : memref<128x128xf32, #tpu.memory_space<vmem>>[vector<16xi32>, vector<16xi32>], vector<16xf32>,
          %parallel_loop3A_710 = arith.constant 48 : i32
          %parallel_loop3A_711 = vector.broadcast %parallel_loop3A_710 : i32 to vector<16xi32>
          %parallel_loop3A_712 = arith.addi %parallel_loop3A_683, %parallel_loop3A_711 : vector<16xi32>
          tpu.vector_store_idx %arg13[%parallel_loop3A_712, %parallel_loop3A_460], %parallel_loop3A_709 : memref<64x128xf32, #tpu.memory_space<vmem>>[vector<16xi32>, vector<16xi32>], vector<16xf32>,
          %parallel_loop3A_713 = arith.constant 128 : index
          %parallel_loop3A_714 = tpu.vector_load %arg14[%parallel_loop3A_713] {strides = array<i32>} : memref<256xi32, #tpu.memory_space<vmem>>, vector<16xi32>,
          %parallel_loop3A_715 = arith.addi %parallel_loop3A_464, %parallel_loop3A_714 : vector<16xi32>
          %parallel_loop3A_716 = arith.constant 0 : i32
          %parallel_loop3A_717 = vector.broadcast %parallel_loop3A_716 : i32 to vector<16xi32>
          %parallel_loop3A_718 = arith.addi %parallel_loop3A_715, %parallel_loop3A_717 : vector<16xi32>
          %parallel_loop3A_719 = tpu.vector_load_idx %arg11[%parallel_loop3A_460, %parallel_loop3A_718] : memref<128x128xf32, #tpu.memory_space<vmem>>[vector<16xi32>, vector<16xi32>], vector<16xf32>,
          %parallel_loop3A_720 = arith.constant 0 : i32
          %parallel_loop3A_721 = vector.broadcast %parallel_loop3A_720 : i32 to vector<16xi32>
          %parallel_loop3A_722 = arith.addi %parallel_loop3A_714, %parallel_loop3A_721 : vector<16xi32>
          tpu.vector_store_idx %arg13[%parallel_loop3A_722, %parallel_loop3A_460], %parallel_loop3A_719 : memref<64x128xf32, #tpu.memory_space<vmem>>[vector<16xi32>, vector<16xi32>], vector<16xf32>,
          %parallel_loop3A_723 = arith.constant 16 : i32
          %parallel_loop3A_724 = vector.broadcast %parallel_loop3A_723 : i32 to vector<16xi32>
          %parallel_loop3A_725 = arith.addi %parallel_loop3A_715, %parallel_loop3A_724 : vector<16xi32>
          %parallel_loop3A_726 = tpu.vector_load_idx %arg11[%parallel_loop3A_460, %parallel_loop3A_725] : memref<128x128xf32, #tpu.memory_space<vmem>>[vector<16xi32>, vector<16xi32>], vector<16xf32>,
          %parallel_loop3A_727 = arith.constant 16 : i32
          %parallel_loop3A_728 = vector.broadcast %parallel_loop3A_727 : i32 to vector<16xi32>
          %parallel_loop3A_729 = arith.addi %parallel_loop3A_714, %parallel_loop3A_728 : vector<16xi32>
          tpu.vector_store_idx %arg13[%parallel_loop3A_729, %parallel_loop3A_460], %parallel_loop3A_726 : memref<64x128xf32, #tpu.memory_space<vmem>>[vector<16xi32>, vector<16xi32>], vector<16xf32>,
          %parallel_loop3A_730 = arith.constant 32 : i32
          %parallel_loop3A_731 = vector.broadcast %parallel_loop3A_730 : i32 to vector<16xi32>
          %parallel_loop3A_732 = arith.addi %parallel_loop3A_715, %parallel_loop3A_731 : vector<16xi32>
          %parallel_loop3A_733 = tpu.vector_load_idx %arg11[%parallel_loop3A_460, %parallel_loop3A_732] : memref<128x128xf32, #tpu.memory_space<vmem>>[vector<16xi32>, vector<16xi32>], vector<16xf32>,
          %parallel_loop3A_734 = arith.constant 32 : i32
          %parallel_loop3A_735 = vector.broadcast %parallel_loop3A_734 : i32 to vector<16xi32>
          %parallel_loop3A_736 = arith.addi %parallel_loop3A_714, %parallel_loop3A_735 : vector<16xi32>
          tpu.vector_store_idx %arg13[%parallel_loop3A_736, %parallel_loop3A_460], %parallel_loop3A_733 : memref<64x128xf32, #tpu.memory_space<vmem>>[vector<16xi32>, vector<16xi32>], vector<16xf32>,
          %parallel_loop3A_737 = arith.constant 48 : i32
          %parallel_loop3A_738 = vector.broadcast %parallel_loop3A_737 : i32 to vector<16xi32>
          %parallel_loop3A_739 = arith.addi %parallel_loop3A_715, %parallel_loop3A_738 : vector<16xi32>
          %parallel_loop3A_740 = tpu.vector_load_idx %arg11[%parallel_loop3A_460, %parallel_loop3A_739] : memref<128x128xf32, #tpu.memory_space<vmem>>[vector<16xi32>, vector<16xi32>], vector<16xf32>,
          %parallel_loop3A_741 = arith.constant 48 : i32
          %parallel_loop3A_742 = vector.broadcast %parallel_loop3A_741 : i32 to vector<16xi32>
          %parallel_loop3A_743 = arith.addi %parallel_loop3A_714, %parallel_loop3A_742 : vector<16xi32>
          tpu.vector_store_idx %arg13[%parallel_loop3A_743, %parallel_loop3A_460], %parallel_loop3A_740 : memref<64x128xf32, #tpu.memory_space<vmem>>[vector<16xi32>, vector<16xi32>], vector<16xf32>,
          %parallel_loop3A_744 = arith.constant 144 : index
          %parallel_loop3A_745 = tpu.vector_load %arg14[%parallel_loop3A_744] {strides = array<i32>} : memref<256xi32, #tpu.memory_space<vmem>>, vector<16xi32>,
          %parallel_loop3A_746 = arith.addi %parallel_loop3A_464, %parallel_loop3A_745 : vector<16xi32>
          %parallel_loop3A_747 = arith.constant 0 : i32
          %parallel_loop3A_748 = vector.broadcast %parallel_loop3A_747 : i32 to vector<16xi32>
          %parallel_loop3A_749 = arith.addi %parallel_loop3A_746, %parallel_loop3A_748 : vector<16xi32>
          %parallel_loop3A_750 = tpu.vector_load_idx %arg11[%parallel_loop3A_460, %parallel_loop3A_749] : memref<128x128xf32, #tpu.memory_space<vmem>>[vector<16xi32>, vector<16xi32>], vector<16xf32>,
          %parallel_loop3A_751 = arith.constant 0 : i32
          %parallel_loop3A_752 = vector.broadcast %parallel_loop3A_751 : i32 to vector<16xi32>
          %parallel_loop3A_753 = arith.addi %parallel_loop3A_745, %parallel_loop3A_752 : vector<16xi32>
          tpu.vector_store_idx %arg13[%parallel_loop3A_753, %parallel_loop3A_460], %parallel_loop3A_750 : memref<64x128xf32, #tpu.memory_space<vmem>>[vector<16xi32>, vector<16xi32>], vector<16xf32>,
          %parallel_loop3A_754 = arith.constant 16 : i32
          %parallel_loop3A_755 = vector.broadcast %parallel_loop3A_754 : i32 to vector<16xi32>
          %parallel_loop3A_756 = arith.addi %parallel_loop3A_746, %parallel_loop3A_755 : vector<16xi32>
          %parallel_loop3A_757 = tpu.vector_load_idx %arg11[%parallel_loop3A_460, %parallel_loop3A_756] : memref<128x128xf32, #tpu.memory_space<vmem>>[vector<16xi32>, vector<16xi32>], vector<16xf32>,
          %parallel_loop3A_758 = arith.constant 16 : i32
          %parallel_loop3A_759 = vector.broadcast %parallel_loop3A_758 : i32 to vector<16xi32>
          %parallel_loop3A_760 = arith.addi %parallel_loop3A_745, %parallel_loop3A_759 : vector<16xi32>
          tpu.vector_store_idx %arg13[%parallel_loop3A_760, %parallel_loop3A_460], %parallel_loop3A_757 : memref<64x128xf32, #tpu.memory_space<vmem>>[vector<16xi32>, vector<16xi32>], vector<16xf32>,
          %parallel_loop3A_761 = arith.constant 32 : i32
          %parallel_loop3A_762 = vector.broadcast %parallel_loop3A_761 : i32 to vector<16xi32>
          %parallel_loop3A_763 = arith.addi %parallel_loop3A_746, %parallel_loop3A_762 : vector<16xi32>
          %parallel_loop3A_764 = tpu.vector_load_idx %arg11[%parallel_loop3A_460, %parallel_loop3A_763] : memref<128x128xf32, #tpu.memory_space<vmem>>[vector<16xi32>, vector<16xi32>], vector<16xf32>,
          %parallel_loop3A_765 = arith.constant 32 : i32
          %parallel_loop3A_766 = vector.broadcast %parallel_loop3A_765 : i32 to vector<16xi32>
          %parallel_loop3A_767 = arith.addi %parallel_loop3A_745, %parallel_loop3A_766 : vector<16xi32>
          tpu.vector_store_idx %arg13[%parallel_loop3A_767, %parallel_loop3A_460], %parallel_loop3A_764 : memref<64x128xf32, #tpu.memory_space<vmem>>[vector<16xi32>, vector<16xi32>], vector<16xf32>,
          %parallel_loop3A_768 = arith.constant 48 : i32
          %parallel_loop3A_769 = vector.broadcast %parallel_loop3A_768 : i32 to vector<16xi32>
          %parallel_loop3A_770 = arith.addi %parallel_loop3A_746, %parallel_loop3A_769 : vector<16xi32>
          %parallel_loop3A_771 = tpu.vector_load_idx %arg11[%parallel_loop3A_460, %parallel_loop3A_770] : memref<128x128xf32, #tpu.memory_space<vmem>>[vector<16xi32>, vector<16xi32>], vector<16xf32>,
          %parallel_loop3A_772 = arith.constant 48 : i32
          %parallel_loop3A_773 = vector.broadcast %parallel_loop3A_772 : i32 to vector<16xi32>
          %parallel_loop3A_774 = arith.addi %parallel_loop3A_745, %parallel_loop3A_773 : vector<16xi32>
          tpu.vector_store_idx %arg13[%parallel_loop3A_774, %parallel_loop3A_460], %parallel_loop3A_771 : memref<64x128xf32, #tpu.memory_space<vmem>>[vector<16xi32>, vector<16xi32>], vector<16xf32>,
          %parallel_loop3A_775 = arith.constant 160 : index
          %parallel_loop3A_776 = tpu.vector_load %arg14[%parallel_loop3A_775] {strides = array<i32>} : memref<256xi32, #tpu.memory_space<vmem>>, vector<16xi32>,
          %parallel_loop3A_777 = arith.addi %parallel_loop3A_464, %parallel_loop3A_776 : vector<16xi32>
          %parallel_loop3A_778 = arith.constant 0 : i32
          %parallel_loop3A_779 = vector.broadcast %parallel_loop3A_778 : i32 to vector<16xi32>
          %parallel_loop3A_780 = arith.addi %parallel_loop3A_777, %parallel_loop3A_779 : vector<16xi32>
          %parallel_loop3A_781 = tpu.vector_load_idx %arg11[%parallel_loop3A_460, %parallel_loop3A_780] : memref<128x128xf32, #tpu.memory_space<vmem>>[vector<16xi32>, vector<16xi32>], vector<16xf32>,
          %parallel_loop3A_782 = arith.constant 0 : i32
          %parallel_loop3A_783 = vector.broadcast %parallel_loop3A_782 : i32 to vector<16xi32>
          %parallel_loop3A_784 = arith.addi %parallel_loop3A_776, %parallel_loop3A_783 : vector<16xi32>
          tpu.vector_store_idx %arg13[%parallel_loop3A_784, %parallel_loop3A_460], %parallel_loop3A_781 : memref<64x128xf32, #tpu.memory_space<vmem>>[vector<16xi32>, vector<16xi32>], vector<16xf32>,
          %parallel_loop3A_785 = arith.constant 16 : i32
          %parallel_loop3A_786 = vector.broadcast %parallel_loop3A_785 : i32 to vector<16xi32>
          %parallel_loop3A_787 = arith.addi %parallel_loop3A_777, %parallel_loop3A_786 : vector<16xi32>
          %parallel_loop3A_788 = tpu.vector_load_idx %arg11[%parallel_loop3A_460, %parallel_loop3A_787] : memref<128x128xf32, #tpu.memory_space<vmem>>[vector<16xi32>, vector<16xi32>], vector<16xf32>,
          %parallel_loop3A_789 = arith.constant 16 : i32
          %parallel_loop3A_790 = vector.broadcast %parallel_loop3A_789 : i32 to vector<16xi32>
          %parallel_loop3A_791 = arith.addi %parallel_loop3A_776, %parallel_loop3A_790 : vector<16xi32>
          tpu.vector_store_idx %arg13[%parallel_loop3A_791, %parallel_loop3A_460], %parallel_loop3A_788 : memref<64x128xf32, #tpu.memory_space<vmem>>[vector<16xi32>, vector<16xi32>], vector<16xf32>,
          %parallel_loop3A_792 = arith.constant 32 : i32
          %parallel_loop3A_793 = vector.broadcast %parallel_loop3A_792 : i32 to vector<16xi32>
          %parallel_loop3A_794 = arith.addi %parallel_loop3A_777, %parallel_loop3A_793 : vector<16xi32>
          %parallel_loop3A_795 = tpu.vector_load_idx %arg11[%parallel_loop3A_460, %parallel_loop3A_794] : memref<128x128xf32, #tpu.memory_space<vmem>>[vector<16xi32>, vector<16xi32>], vector<16xf32>,
          %parallel_loop3A_796 = arith.constant 32 : i32
          %parallel_loop3A_797 = vector.broadcast %parallel_loop3A_796 : i32 to vector<16xi32>
          %parallel_loop3A_798 = arith.addi %parallel_loop3A_776, %parallel_loop3A_797 : vector<16xi32>
          tpu.vector_store_idx %arg13[%parallel_loop3A_798, %parallel_loop3A_460], %parallel_loop3A_795 : memref<64x128xf32, #tpu.memory_space<vmem>>[vector<16xi32>, vector<16xi32>], vector<16xf32>,
          %parallel_loop3A_799 = arith.constant 48 : i32
          %parallel_loop3A_800 = vector.broadcast %parallel_loop3A_799 : i32 to vector<16xi32>
          %parallel_loop3A_801 = arith.addi %parallel_loop3A_777, %parallel_loop3A_800 : vector<16xi32>
          %parallel_loop3A_802 = tpu.vector_load_idx %arg11[%parallel_loop3A_460, %parallel_loop3A_801] : memref<128x128xf32, #tpu.memory_space<vmem>>[vector<16xi32>, vector<16xi32>], vector<16xf32>,
          %parallel_loop3A_803 = arith.constant 48 : i32
          %parallel_loop3A_804 = vector.broadcast %parallel_loop3A_803 : i32 to vector<16xi32>
          %parallel_loop3A_805 = arith.addi %parallel_loop3A_776, %parallel_loop3A_804 : vector<16xi32>
          tpu.vector_store_idx %arg13[%parallel_loop3A_805, %parallel_loop3A_460], %parallel_loop3A_802 : memref<64x128xf32, #tpu.memory_space<vmem>>[vector<16xi32>, vector<16xi32>], vector<16xf32>,
          %parallel_loop3A_806 = arith.constant 176 : index
          %parallel_loop3A_807 = tpu.vector_load %arg14[%parallel_loop3A_806] {strides = array<i32>} : memref<256xi32, #tpu.memory_space<vmem>>, vector<16xi32>,
          %parallel_loop3A_808 = arith.addi %parallel_loop3A_464, %parallel_loop3A_807 : vector<16xi32>
          %parallel_loop3A_809 = arith.constant 0 : i32
          %parallel_loop3A_810 = vector.broadcast %parallel_loop3A_809 : i32 to vector<16xi32>
          %parallel_loop3A_811 = arith.addi %parallel_loop3A_808, %parallel_loop3A_810 : vector<16xi32>
          %parallel_loop3A_812 = tpu.vector_load_idx %arg11[%parallel_loop3A_460, %parallel_loop3A_811] : memref<128x128xf32, #tpu.memory_space<vmem>>[vector<16xi32>, vector<16xi32>], vector<16xf32>,
          %parallel_loop3A_813 = arith.constant 0 : i32
          %parallel_loop3A_814 = vector.broadcast %parallel_loop3A_813 : i32 to vector<16xi32>
          %parallel_loop3A_815 = arith.addi %parallel_loop3A_807, %parallel_loop3A_814 : vector<16xi32>
          tpu.vector_store_idx %arg13[%parallel_loop3A_815, %parallel_loop3A_460], %parallel_loop3A_812 : memref<64x128xf32, #tpu.memory_space<vmem>>[vector<16xi32>, vector<16xi32>], vector<16xf32>,
          %parallel_loop3A_816 = arith.constant 16 : i32
          %parallel_loop3A_817 = vector.broadcast %parallel_loop3A_816 : i32 to vector<16xi32>
          %parallel_loop3A_818 = arith.addi %parallel_loop3A_808, %parallel_loop3A_817 : vector<16xi32>
          %parallel_loop3A_819 = tpu.vector_load_idx %arg11[%parallel_loop3A_460, %parallel_loop3A_818] : memref<128x128xf32, #tpu.memory_space<vmem>>[vector<16xi32>, vector<16xi32>], vector<16xf32>,
          %parallel_loop3A_820 = arith.constant 16 : i32
          %parallel_loop3A_821 = vector.broadcast %parallel_loop3A_820 : i32 to vector<16xi32>
          %parallel_loop3A_822 = arith.addi %parallel_loop3A_807, %parallel_loop3A_821 : vector<16xi32>
          tpu.vector_store_idx %arg13[%parallel_loop3A_822, %parallel_loop3A_460], %parallel_loop3A_819 : memref<64x128xf32, #tpu.memory_space<vmem>>[vector<16xi32>, vector<16xi32>], vector<16xf32>,
          %parallel_loop3A_823 = arith.constant 32 : i32
          %parallel_loop3A_824 = vector.broadcast %parallel_loop3A_823 : i32 to vector<16xi32>
          %parallel_loop3A_825 = arith.addi %parallel_loop3A_808, %parallel_loop3A_824 : vector<16xi32>
          %parallel_loop3A_826 = tpu.vector_load_idx %arg11[%parallel_loop3A_460, %parallel_loop3A_825] : memref<128x128xf32, #tpu.memory_space<vmem>>[vector<16xi32>, vector<16xi32>], vector<16xf32>,
          %parallel_loop3A_827 = arith.constant 32 : i32
          %parallel_loop3A_828 = vector.broadcast %parallel_loop3A_827 : i32 to vector<16xi32>
          %parallel_loop3A_829 = arith.addi %parallel_loop3A_807, %parallel_loop3A_828 : vector<16xi32>
          tpu.vector_store_idx %arg13[%parallel_loop3A_829, %parallel_loop3A_460], %parallel_loop3A_826 : memref<64x128xf32, #tpu.memory_space<vmem>>[vector<16xi32>, vector<16xi32>], vector<16xf32>,
          %parallel_loop3A_830 = arith.constant 48 : i32
          %parallel_loop3A_831 = vector.broadcast %parallel_loop3A_830 : i32 to vector<16xi32>
          %parallel_loop3A_832 = arith.addi %parallel_loop3A_808, %parallel_loop3A_831 : vector<16xi32>
          %parallel_loop3A_833 = tpu.vector_load_idx %arg11[%parallel_loop3A_460, %parallel_loop3A_832] : memref<128x128xf32, #tpu.memory_space<vmem>>[vector<16xi32>, vector<16xi32>], vector<16xf32>,
          %parallel_loop3A_834 = arith.constant 48 : i32
          %parallel_loop3A_835 = vector.broadcast %parallel_loop3A_834 : i32 to vector<16xi32>
          %parallel_loop3A_836 = arith.addi %parallel_loop3A_807, %parallel_loop3A_835 : vector<16xi32>
          tpu.vector_store_idx %arg13[%parallel_loop3A_836, %parallel_loop3A_460], %parallel_loop3A_833 : memref<64x128xf32, #tpu.memory_space<vmem>>[vector<16xi32>, vector<16xi32>], vector<16xf32>,
          %parallel_loop3A_837 = arith.constant 192 : index
          %parallel_loop3A_838 = tpu.vector_load %arg14[%parallel_loop3A_837] {strides = array<i32>} : memref<256xi32, #tpu.memory_space<vmem>>, vector<16xi32>,
          %parallel_loop3A_839 = arith.addi %parallel_loop3A_464, %parallel_loop3A_838 : vector<16xi32>
          %parallel_loop3A_840 = arith.constant 0 : i32
          %parallel_loop3A_841 = vector.broadcast %parallel_loop3A_840 : i32 to vector<16xi32>
          %parallel_loop3A_842 = arith.addi %parallel_loop3A_839, %parallel_loop3A_841 : vector<16xi32>
          %parallel_loop3A_843 = tpu.vector_load_idx %arg11[%parallel_loop3A_460, %parallel_loop3A_842] : memref<128x128xf32, #tpu.memory_space<vmem>>[vector<16xi32>, vector<16xi32>], vector<16xf32>,
          %parallel_loop3A_844 = arith.constant 0 : i32
          %parallel_loop3A_845 = vector.broadcast %parallel_loop3A_844 : i32 to vector<16xi32>
          %parallel_loop3A_846 = arith.addi %parallel_loop3A_838, %parallel_loop3A_845 : vector<16xi32>
          tpu.vector_store_idx %arg13[%parallel_loop3A_846, %parallel_loop3A_460], %parallel_loop3A_843 : memref<64x128xf32, #tpu.memory_space<vmem>>[vector<16xi32>, vector<16xi32>], vector<16xf32>,
          %parallel_loop3A_847 = arith.constant 16 : i32
          %parallel_loop3A_848 = vector.broadcast %parallel_loop3A_847 : i32 to vector<16xi32>
          %parallel_loop3A_849 = arith.addi %parallel_loop3A_839, %parallel_loop3A_848 : vector<16xi32>
          %parallel_loop3A_850 = tpu.vector_load_idx %arg11[%parallel_loop3A_460, %parallel_loop3A_849] : memref<128x128xf32, #tpu.memory_space<vmem>>[vector<16xi32>, vector<16xi32>], vector<16xf32>,
          %parallel_loop3A_851 = arith.constant 16 : i32
          %parallel_loop3A_852 = vector.broadcast %parallel_loop3A_851 : i32 to vector<16xi32>
          %parallel_loop3A_853 = arith.addi %parallel_loop3A_838, %parallel_loop3A_852 : vector<16xi32>
          tpu.vector_store_idx %arg13[%parallel_loop3A_853, %parallel_loop3A_460], %parallel_loop3A_850 : memref<64x128xf32, #tpu.memory_space<vmem>>[vector<16xi32>, vector<16xi32>], vector<16xf32>,
          %parallel_loop3A_854 = arith.constant 32 : i32
          %parallel_loop3A_855 = vector.broadcast %parallel_loop3A_854 : i32 to vector<16xi32>
          %parallel_loop3A_856 = arith.addi %parallel_loop3A_839, %parallel_loop3A_855 : vector<16xi32>
          %parallel_loop3A_857 = tpu.vector_load_idx %arg11[%parallel_loop3A_460, %parallel_loop3A_856] : memref<128x128xf32, #tpu.memory_space<vmem>>[vector<16xi32>, vector<16xi32>], vector<16xf32>,
          %parallel_loop3A_858 = arith.constant 32 : i32
          %parallel_loop3A_859 = vector.broadcast %parallel_loop3A_858 : i32 to vector<16xi32>
          %parallel_loop3A_860 = arith.addi %parallel_loop3A_838, %parallel_loop3A_859 : vector<16xi32>
          tpu.vector_store_idx %arg13[%parallel_loop3A_860, %parallel_loop3A_460], %parallel_loop3A_857 : memref<64x128xf32, #tpu.memory_space<vmem>>[vector<16xi32>, vector<16xi32>], vector<16xf32>,
          %parallel_loop3A_861 = arith.constant 48 : i32
          %parallel_loop3A_862 = vector.broadcast %parallel_loop3A_861 : i32 to vector<16xi32>
          %parallel_loop3A_863 = arith.addi %parallel_loop3A_839, %parallel_loop3A_862 : vector<16xi32>
          %parallel_loop3A_864 = tpu.vector_load_idx %arg11[%parallel_loop3A_460, %parallel_loop3A_863] : memref<128x128xf32, #tpu.memory_space<vmem>>[vector<16xi32>, vector<16xi32>], vector<16xf32>,
          %parallel_loop3A_865 = arith.constant 48 : i32
          %parallel_loop3A_866 = vector.broadcast %parallel_loop3A_865 : i32 to vector<16xi32>
          %parallel_loop3A_867 = arith.addi %parallel_loop3A_838, %parallel_loop3A_866 : vector<16xi32>
          tpu.vector_store_idx %arg13[%parallel_loop3A_867, %parallel_loop3A_460], %parallel_loop3A_864 : memref<64x128xf32, #tpu.memory_space<vmem>>[vector<16xi32>, vector<16xi32>], vector<16xf32>,
          %parallel_loop3A_868 = arith.constant 208 : index
          %parallel_loop3A_869 = tpu.vector_load %arg14[%parallel_loop3A_868] {strides = array<i32>} : memref<256xi32, #tpu.memory_space<vmem>>, vector<16xi32>,
          %parallel_loop3A_870 = arith.addi %parallel_loop3A_464, %parallel_loop3A_869 : vector<16xi32>
          %parallel_loop3A_871 = arith.constant 0 : i32
          %parallel_loop3A_872 = vector.broadcast %parallel_loop3A_871 : i32 to vector<16xi32>
          %parallel_loop3A_873 = arith.addi %parallel_loop3A_870, %parallel_loop3A_872 : vector<16xi32>
          %parallel_loop3A_874 = tpu.vector_load_idx %arg11[%parallel_loop3A_460, %parallel_loop3A_873] : memref<128x128xf32, #tpu.memory_space<vmem>>[vector<16xi32>, vector<16xi32>], vector<16xf32>,
          %parallel_loop3A_875 = arith.constant 0 : i32
          %parallel_loop3A_876 = vector.broadcast %parallel_loop3A_875 : i32 to vector<16xi32>
          %parallel_loop3A_877 = arith.addi %parallel_loop3A_869, %parallel_loop3A_876 : vector<16xi32>
          tpu.vector_store_idx %arg13[%parallel_loop3A_877, %parallel_loop3A_460], %parallel_loop3A_874 : memref<64x128xf32, #tpu.memory_space<vmem>>[vector<16xi32>, vector<16xi32>], vector<16xf32>,
          %parallel_loop3A_878 = arith.constant 16 : i32
          %parallel_loop3A_879 = vector.broadcast %parallel_loop3A_878 : i32 to vector<16xi32>
          %parallel_loop3A_880 = arith.addi %parallel_loop3A_870, %parallel_loop3A_879 : vector<16xi32>
          %parallel_loop3A_881 = tpu.vector_load_idx %arg11[%parallel_loop3A_460, %parallel_loop3A_880] : memref<128x128xf32, #tpu.memory_space<vmem>>[vector<16xi32>, vector<16xi32>], vector<16xf32>,
          %parallel_loop3A_882 = arith.constant 16 : i32
          %parallel_loop3A_883 = vector.broadcast %parallel_loop3A_882 : i32 to vector<16xi32>
          %parallel_loop3A_884 = arith.addi %parallel_loop3A_869, %parallel_loop3A_883 : vector<16xi32>
          tpu.vector_store_idx %arg13[%parallel_loop3A_884, %parallel_loop3A_460], %parallel_loop3A_881 : memref<64x128xf32, #tpu.memory_space<vmem>>[vector<16xi32>, vector<16xi32>], vector<16xf32>,
          %parallel_loop3A_885 = arith.constant 32 : i32
          %parallel_loop3A_886 = vector.broadcast %parallel_loop3A_885 : i32 to vector<16xi32>
          %parallel_loop3A_887 = arith.addi %parallel_loop3A_870, %parallel_loop3A_886 : vector<16xi32>
          %parallel_loop3A_888 = tpu.vector_load_idx %arg11[%parallel_loop3A_460, %parallel_loop3A_887] : memref<128x128xf32, #tpu.memory_space<vmem>>[vector<16xi32>, vector<16xi32>], vector<16xf32>,
          %parallel_loop3A_889 = arith.constant 32 : i32
          %parallel_loop3A_890 = vector.broadcast %parallel_loop3A_889 : i32 to vector<16xi32>
          %parallel_loop3A_891 = arith.addi %parallel_loop3A_869, %parallel_loop3A_890 : vector<16xi32>
          tpu.vector_store_idx %arg13[%parallel_loop3A_891, %parallel_loop3A_460], %parallel_loop3A_888 : memref<64x128xf32, #tpu.memory_space<vmem>>[vector<16xi32>, vector<16xi32>], vector<16xf32>,
          %parallel_loop3A_892 = arith.constant 48 : i32
          %parallel_loop3A_893 = vector.broadcast %parallel_loop3A_892 : i32 to vector<16xi32>
          %parallel_loop3A_894 = arith.addi %parallel_loop3A_870, %parallel_loop3A_893 : vector<16xi32>
          %parallel_loop3A_895 = tpu.vector_load_idx %arg11[%parallel_loop3A_460, %parallel_loop3A_894] : memref<128x128xf32, #tpu.memory_space<vmem>>[vector<16xi32>, vector<16xi32>], vector<16xf32>,
          %parallel_loop3A_896 = arith.constant 48 : i32
          %parallel_loop3A_897 = vector.broadcast %parallel_loop3A_896 : i32 to vector<16xi32>
          %parallel_loop3A_898 = arith.addi %parallel_loop3A_869, %parallel_loop3A_897 : vector<16xi32>
          tpu.vector_store_idx %arg13[%parallel_loop3A_898, %parallel_loop3A_460], %parallel_loop3A_895 : memref<64x128xf32, #tpu.memory_space<vmem>>[vector<16xi32>, vector<16xi32>], vector<16xf32>,
          %parallel_loop3A_899 = arith.constant 224 : index
          %parallel_loop3A_900 = tpu.vector_load %arg14[%parallel_loop3A_899] {strides = array<i32>} : memref<256xi32, #tpu.memory_space<vmem>>, vector<16xi32>,
          %parallel_loop3A_901 = arith.addi %parallel_loop3A_464, %parallel_loop3A_900 : vector<16xi32>
          %parallel_loop3A_902 = arith.constant 0 : i32
          %parallel_loop3A_903 = vector.broadcast %parallel_loop3A_902 : i32 to vector<16xi32>
          %parallel_loop3A_904 = arith.addi %parallel_loop3A_901, %parallel_loop3A_903 : vector<16xi32>
          %parallel_loop3A_905 = tpu.vector_load_idx %arg11[%parallel_loop3A_460, %parallel_loop3A_904] : memref<128x128xf32, #tpu.memory_space<vmem>>[vector<16xi32>, vector<16xi32>], vector<16xf32>,
          %parallel_loop3A_906 = arith.constant 0 : i32
          %parallel_loop3A_907 = vector.broadcast %parallel_loop3A_906 : i32 to vector<16xi32>
          %parallel_loop3A_908 = arith.addi %parallel_loop3A_900, %parallel_loop3A_907 : vector<16xi32>
          tpu.vector_store_idx %arg13[%parallel_loop3A_908, %parallel_loop3A_460], %parallel_loop3A_905 : memref<64x128xf32, #tpu.memory_space<vmem>>[vector<16xi32>, vector<16xi32>], vector<16xf32>,
          %parallel_loop3A_909 = arith.constant 16 : i32
          %parallel_loop3A_910 = vector.broadcast %parallel_loop3A_909 : i32 to vector<16xi32>
          %parallel_loop3A_911 = arith.addi %parallel_loop3A_901, %parallel_loop3A_910 : vector<16xi32>
          %parallel_loop3A_912 = tpu.vector_load_idx %arg11[%parallel_loop3A_460, %parallel_loop3A_911] : memref<128x128xf32, #tpu.memory_space<vmem>>[vector<16xi32>, vector<16xi32>], vector<16xf32>,
          %parallel_loop3A_913 = arith.constant 16 : i32
          %parallel_loop3A_914 = vector.broadcast %parallel_loop3A_913 : i32 to vector<16xi32>
          %parallel_loop3A_915 = arith.addi %parallel_loop3A_900, %parallel_loop3A_914 : vector<16xi32>
          tpu.vector_store_idx %arg13[%parallel_loop3A_915, %parallel_loop3A_460], %parallel_loop3A_912 : memref<64x128xf32, #tpu.memory_space<vmem>>[vector<16xi32>, vector<16xi32>], vector<16xf32>,
          %parallel_loop3A_916 = arith.constant 32 : i32
          %parallel_loop3A_917 = vector.broadcast %parallel_loop3A_916 : i32 to vector<16xi32>
          %parallel_loop3A_918 = arith.addi %parallel_loop3A_901, %parallel_loop3A_917 : vector<16xi32>
          %parallel_loop3A_919 = tpu.vector_load_idx %arg11[%parallel_loop3A_460, %parallel_loop3A_918] : memref<128x128xf32, #tpu.memory_space<vmem>>[vector<16xi32>, vector<16xi32>], vector<16xf32>,
          %parallel_loop3A_920 = arith.constant 32 : i32
          %parallel_loop3A_921 = vector.broadcast %parallel_loop3A_920 : i32 to vector<16xi32>
          %parallel_loop3A_922 = arith.addi %parallel_loop3A_900, %parallel_loop3A_921 : vector<16xi32>
          tpu.vector_store_idx %arg13[%parallel_loop3A_922, %parallel_loop3A_460], %parallel_loop3A_919 : memref<64x128xf32, #tpu.memory_space<vmem>>[vector<16xi32>, vector<16xi32>], vector<16xf32>,
          %parallel_loop3A_923 = arith.constant 48 : i32
          %parallel_loop3A_924 = vector.broadcast %parallel_loop3A_923 : i32 to vector<16xi32>
          %parallel_loop3A_925 = arith.addi %parallel_loop3A_901, %parallel_loop3A_924 : vector<16xi32>
          %parallel_loop3A_926 = tpu.vector_load_idx %arg11[%parallel_loop3A_460, %parallel_loop3A_925] : memref<128x128xf32, #tpu.memory_space<vmem>>[vector<16xi32>, vector<16xi32>], vector<16xf32>,
          %parallel_loop3A_927 = arith.constant 48 : i32
          %parallel_loop3A_928 = vector.broadcast %parallel_loop3A_927 : i32 to vector<16xi32>
          %parallel_loop3A_929 = arith.addi %parallel_loop3A_900, %parallel_loop3A_928 : vector<16xi32>
          tpu.vector_store_idx %arg13[%parallel_loop3A_929, %parallel_loop3A_460], %parallel_loop3A_926 : memref<64x128xf32, #tpu.memory_space<vmem>>[vector<16xi32>, vector<16xi32>], vector<16xf32>,
          %parallel_loop3A_930 = arith.constant 240 : index
          %parallel_loop3A_931 = tpu.vector_load %arg14[%parallel_loop3A_930] {strides = array<i32>} : memref<256xi32, #tpu.memory_space<vmem>>, vector<16xi32>,
          %parallel_loop3A_932 = arith.addi %parallel_loop3A_464, %parallel_loop3A_931 : vector<16xi32>
          %parallel_loop3A_933 = arith.constant 0 : i32
          %parallel_loop3A_934 = vector.broadcast %parallel_loop3A_933 : i32 to vector<16xi32>
          %parallel_loop3A_935 = arith.addi %parallel_loop3A_932, %parallel_loop3A_934 : vector<16xi32>
          %parallel_loop3A_936 = tpu.vector_load_idx %arg11[%parallel_loop3A_460, %parallel_loop3A_935] : memref<128x128xf32, #tpu.memory_space<vmem>>[vector<16xi32>, vector<16xi32>], vector<16xf32>,
          %parallel_loop3A_937 = arith.constant 0 : i32
          %parallel_loop3A_938 = vector.broadcast %parallel_loop3A_937 : i32 to vector<16xi32>
          %parallel_loop3A_939 = arith.addi %parallel_loop3A_931, %parallel_loop3A_938 : vector<16xi32>
          tpu.vector_store_idx %arg13[%parallel_loop3A_939, %parallel_loop3A_460], %parallel_loop3A_936 : memref<64x128xf32, #tpu.memory_space<vmem>>[vector<16xi32>, vector<16xi32>], vector<16xf32>,
          %parallel_loop3A_940 = arith.constant 16 : i32
          %parallel_loop3A_941 = vector.broadcast %parallel_loop3A_940 : i32 to vector<16xi32>
          %parallel_loop3A_942 = arith.addi %parallel_loop3A_932, %parallel_loop3A_941 : vector<16xi32>
          %parallel_loop3A_943 = tpu.vector_load_idx %arg11[%parallel_loop3A_460, %parallel_loop3A_942] : memref<128x128xf32, #tpu.memory_space<vmem>>[vector<16xi32>, vector<16xi32>], vector<16xf32>,
          %parallel_loop3A_944 = arith.constant 16 : i32
          %parallel_loop3A_945 = vector.broadcast %parallel_loop3A_944 : i32 to vector<16xi32>
          %parallel_loop3A_946 = arith.addi %parallel_loop3A_931, %parallel_loop3A_945 : vector<16xi32>
          tpu.vector_store_idx %arg13[%parallel_loop3A_946, %parallel_loop3A_460], %parallel_loop3A_943 : memref<64x128xf32, #tpu.memory_space<vmem>>[vector<16xi32>, vector<16xi32>], vector<16xf32>,
          %parallel_loop3A_947 = arith.constant 32 : i32
          %parallel_loop3A_948 = vector.broadcast %parallel_loop3A_947 : i32 to vector<16xi32>
          %parallel_loop3A_949 = arith.addi %parallel_loop3A_932, %parallel_loop3A_948 : vector<16xi32>
          %parallel_loop3A_950 = tpu.vector_load_idx %arg11[%parallel_loop3A_460, %parallel_loop3A_949] : memref<128x128xf32, #tpu.memory_space<vmem>>[vector<16xi32>, vector<16xi32>], vector<16xf32>,
          %parallel_loop3A_951 = arith.constant 32 : i32
          %parallel_loop3A_952 = vector.broadcast %parallel_loop3A_951 : i32 to vector<16xi32>
          %parallel_loop3A_953 = arith.addi %parallel_loop3A_931, %parallel_loop3A_952 : vector<16xi32>
          tpu.vector_store_idx %arg13[%parallel_loop3A_953, %parallel_loop3A_460], %parallel_loop3A_950 : memref<64x128xf32, #tpu.memory_space<vmem>>[vector<16xi32>, vector<16xi32>], vector<16xf32>,
          %parallel_loop3A_954 = arith.constant 48 : i32
          %parallel_loop3A_955 = vector.broadcast %parallel_loop3A_954 : i32 to vector<16xi32>
          %parallel_loop3A_956 = arith.addi %parallel_loop3A_932, %parallel_loop3A_955 : vector<16xi32>
          %parallel_loop3A_957 = tpu.vector_load_idx %arg11[%parallel_loop3A_460, %parallel_loop3A_956] : memref<128x128xf32, #tpu.memory_space<vmem>>[vector<16xi32>, vector<16xi32>], vector<16xf32>,
          %parallel_loop3A_958 = arith.constant 48 : i32
          %parallel_loop3A_959 = vector.broadcast %parallel_loop3A_958 : i32 to vector<16xi32>
          %parallel_loop3A_960 = arith.addi %parallel_loop3A_931, %parallel_loop3A_959 : vector<16xi32>
          tpu.vector_store_idx %arg13[%parallel_loop3A_960, %parallel_loop3A_460], %parallel_loop3A_957 : memref<64x128xf32, #tpu.memory_space<vmem>>[vector<16xi32>, vector<16xi32>], vector<16xf32>,
        } {sc.loop_unroll_factor = 2 : i64, sc.parallel_access}
        %jit3A_412 = arith.constant 4 : i32
        %div3A = arith.divsi %scan3A_346, %jit3A_412 : i32
        %sign3A = arith.constant 0 : i32
        %sign3A_413 = arith.cmpi sgt, %scan3A_346, %sign3A : i32
        %sign3A_414 = arith.extui %sign3A_413 : i1 to i32
        %sign3A_415 = arith.constant 0 : i32
        %sign3A_416 = arith.cmpi slt, %scan3A_346, %sign3A_415 : i32
        %sign3A_417 = arith.extui %sign3A_416 : i1 to i32
        %sign3A_418 = arith.subi %sign3A_414, %sign3A_417 : i32
        %sign3A_419 = arith.constant 0 : i32
        %sign3A_420 = arith.cmpi sgt, %jit3A_412, %sign3A_419 : i32
        %sign3A_421 = arith.extui %sign3A_420 : i1 to i32
        %sign3A_422 = arith.constant 0 : i32
        %sign3A_423 = arith.cmpi slt, %jit3A_412, %sign3A_422 : i32
        %sign3A_424 = arith.extui %sign3A_423 : i1 to i32
        %sign3A_425 = arith.subi %sign3A_421, %sign3A_424 : i32
        %ne3A_426 = arith.cmpi ne, %sign3A_418, %sign3A_425 : i32
        %rem3A_427 = arith.remsi %scan3A_346, %jit3A_412 : i32
        %ne3A_428 = arith.constant 0 : i32
        %ne3A_429 = arith.cmpi ne, %rem3A_427, %ne3A_428 : i32
        %and3A_430 = arith.andi %ne3A_426, %ne3A_429 : i1
        %sub3A = arith.constant 1 : i32
        %sub3A_431 = arith.subi %div3A, %sub3A : i32
        %select_n3A_432 = arith.select %and3A_430, %sub3A_431, %div3A : i32
        %jit3A_433 = arith.constant 4 : i32
        %eq3A_434 = arith.constant 0 : i32
        %eq3A_435 = arith.cmpi eq, %jit3A_433, %eq3A_434 : i32
        %jit3A_436 = arith.constant 1 : i32
        %select_n3A_437 = arith.select %eq3A_435, %jit3A_436, %jit3A_433 : i32
        %rem3A_438 = arith.remsi %scan3A_346, %select_n3A_437 : i32
        %ne3A_439 = arith.constant 0 : i32
        %ne3A_440 = arith.cmpi ne, %rem3A_438, %ne3A_439 : i32
        %lt3A_441 = arith.constant 0 : i32
        %lt3A_442 = arith.cmpi slt, %rem3A_438, %lt3A_441 : i32
        %lt3A_443 = arith.constant 0 : i32
        %lt3A_444 = arith.cmpi slt, %select_n3A_437, %lt3A_443 : i32
        %ne3A_445 = arith.xori %lt3A_442, %lt3A_444 : i1
        %and3A_446 = arith.andi %ne3A_445, %ne3A_440 : i1
        %add3A_447 = arith.addi %rem3A_438, %select_n3A_437 : i32
        %select_n3A_448 = arith.select %and3A_446, %add3A_447, %rem3A_438 : i32
        %mul3A_449 = arith.constant 64 : i32
        %mul3A_450 = arith.muli %select_n3A_432, %mul3A_449 : i32
        %mul3A_451 = arith.constant 128 : i32
        %mul3A_452 = arith.muli %select_n3A_448, %mul3A_451 : i32
        %add3A_453 = arith.addi %mul3A_2, %mul3A_452 : i32
        %dma_start3A_454 = tpu.memref_slice %arg4[%mul3A_450, %add3A_453] : memref<3200x16384xf32, #tpu.memory_space<hbm>> -> memref<64x128xf32, #tpu.memory_space<hbm>>
        %dma_start3A_455 = tpu.memref_slice %arg4[%mul3A_450, %add3A_453] : memref<3200x16384xf32, #tpu.memory_space<hbm>> -> memref<64x128xf32, #tpu.memory_space<hbm>>
        tpu.enqueue_dma source(%arg13 : memref<64x128xf32, #tpu.memory_space<vmem>>) target(%dma_start3A_455 : memref<64x128xf32, #tpu.memory_space<hbm>>) target_semaphore(%arg17 : memref<!tpu.dma_semaphore, #tpu.memory_space<semaphore_mem>>)
      } else {
      }
    }
    %scan3A_334 = arith.constant 200 : i32
    %dma_wait3A = arith.constant 0 : i32
    %dma_wait3A_335 = arith.constant 0 : i32
    %dma_wait3A_336 = tpu.memref_slice %arg4[%dma_wait3A, %dma_wait3A_335] : memref<3200x16384xf32, #tpu.memory_space<hbm>> -> memref<64x128xf32, #tpu.memory_space<hbm>>
    %dma_wait3A_337 = arith.constant 0 : i32
    %dma_wait3A_338 = arith.constant 0 : i32
    %dma_wait3A_339 = tpu.memref_slice %arg4[%dma_wait3A_337, %dma_wait3A_338] : memref<3200x16384xf32, #tpu.memory_space<hbm>> -> memref<64x128xf32, #tpu.memory_space<hbm>>
    tpu.wait_dma2 semaphore(%arg17 : memref<!tpu.dma_semaphore, #tpu.memory_space<semaphore_mem>>) src(%arg12 : memref<64x128xf32, #tpu.memory_space<vmem>>) dst(%dma_wait3A_339 : memref<64x128xf32, #tpu.memory_space<hbm>>)
    %dma_wait3A_340 = arith.constant 0 : i32
    %dma_wait3A_341 = arith.constant 0 : i32
    %dma_wait3A_342 = tpu.memref_slice %arg4[%dma_wait3A_340, %dma_wait3A_341] : memref<3200x16384xf32, #tpu.memory_space<hbm>> -> memref<64x128xf32, #tpu.memory_space<hbm>>
    %dma_wait3A_343 = arith.constant 0 : i32
    %dma_wait3A_344 = arith.constant 0 : i32
    %dma_wait3A_345 = tpu.memref_slice %arg4[%dma_wait3A_343, %dma_wait3A_344] : memref<3200x16384xf32, #tpu.memory_space<hbm>> -> memref<64x128xf32, #tpu.memory_space<hbm>>
    tpu.wait_dma2 semaphore(%arg17 : memref<!tpu.dma_semaphore, #tpu.memory_space<semaphore_mem>>) src(%arg12 : memref<64x128xf32, #tpu.memory_space<vmem>>) dst(%dma_wait3A_345 : memref<64x128xf32, #tpu.memory_space<hbm>>)
    return
  }
}

</mosaic_0001>

<sc_bundles>
// kernel: kernel.3.cloned.1.call-start
scs
__scs_entry_jumppad:
0x0: {  	(pc) =	sbr.rel $0x88, $3  }
0x1: {  	(tag) =	ssettag $0x0;
	lr =	simm.s32 $0x1  }
0x2: {  	[smem:$0x3F9F] =	sst lr;
	_ =	strace $0xD0000000  }
0x3: {  	_ = 	snop  }
0x4: {  	_ = 	snop  }
0x5: {  	_ = 	snop  }
0x6: {  	_ = 	snop  }
0x7: {  	_ = 	snop  }
__scs_overlays_trampoline_lowered:
0x8: {  	[smem:$0x3FAE] =	sst s0  }
0x9: {  	[smem:$0x3FAF] =	sst s1  }
0xa: {  	[smem:$0x3FB0] =	sst s2  }
0xb: {  	[smem:$0x3FB1] =	sst s3  }
0xc: {  	[smem:$0x3FB2] =	sst s4  }
0xd: {  	[smem:$0x3FB3] =	sst s5  }
0xe: {  	[smem:$0x3FB4] =	sst s6  }
0xf: {  	[smem:$0x3FB5] =	sst s7  }
0x10: {  	[smem:$0x3FB6] =	sst s8  }
0x11: {  	[smem:$0x3FB7] =	sst s9;
	s0 =	simm.s32 @!p0 $0x0  }
0x12: {  	s1 =	sld [smem:$0x3F9D];
	s0 =	simm.s32 @p0 $0x1  }
0x13: {  	[smem:$0x3FB8] =	sst s0;
	s0 =	simm.s32 @!p1 $0x0  }
0x14: {  	s2 =	sld [smem:$0x3F9C];
	s0 =	simm.s32 @p1 $0x1  }
0x15: {  	[smem:$0x3FB9] =	sst s0;
	s0 =	simm.s32 @!p2 $0x0  }
0x16: {  	s3 =	sld [smem:$0x3FDB];
	s0 =	simm.s32 @p2 $0x1  }
0x17: {  	s4 =	simm.s32 $0x1BF5;
	[smem:$0x3FBB] =	sst s0  }
0x18: {  	s0 =	sld [smem:$0x3F9E];
	_ =	swait.ge [sflag:s4], $0x0  }
0x19: {  	s7 =	sld [smem:$0x3F9F]  }
0x1a: {  	s8 =	sadd.s32 $0xFFFFE003, lr  }
0x1b: {  	s9 =	sadd.s32 $0xFFFFFEF7, lr;
	s5 =	simm.s32 $0xFFFFFFFF;
	p2 =	slt.u32 s8, $0xFFFFF086  }
0x1c: {  	p1 =	slt.u32 s9, $0xF7A;
	s5 =	simm.s32 @!p2 $0x0  }
0x1d: {  	s5 =	simm.s32 @p1 $0x1;
	p0 =	seq.s32 s7, s2  }
0x1e: {  	s7 =	smul.u32 @!p0 $0xF7A, s2;
	p2 =	seq.s32 @!p0 s5, $0x0  }
0x1f: {  	s9 =	smul.u32 $0xF7A, s1;
	s8 =	simm.s32 @!p0 $0x1BF5;
	p2 =	por !p2, p0  }
0x20: {  	[sflag:s8] =	ssyncset.s32 @!p0 $0xFFFFF086;
	s6 =	sadd.s32 @!p0 s3, s7;
	s7 =	simm.s32 @!p0 $0x108  }
0x21: {  	s3 =	sadd.s32 s3, s9;
	s6 =	sadd.s32 @!p0 $0x88, s6;
	s7 =	simm.s32 @p2 $0x1082  }
0x22: {  	[simem:s7], [sflag:s8] =	dma.local @!p0 [hbm:s6], $0xF7A  }
0x23: {  	s9 =	sor.u32 $0xD0000000, s2;
	s6 =	simm.s32 $0x108;
	_ =	swait.ge @!p0 [sflag:s8], $0x0  }
0x24: {  	s3 =	sadd.s32 $0x88, s3;
	s6 =	simm.s32 @!p1 $0x1082;
	[sflag:s4] =	ssyncset.s32 $0xFFFFF086  }
0x25: {  	[simem:s6], [sflag:s4] =	dma.local [hbm:s3], $0xF7A  }
0x26: {  	[smem:$0x3F9F] =	sst s1;
	(tag) =	ssettag s2;
	_ =	strace s9  }
0x27: {  	s1 =	sld [smem:$0x3FAF]  }
0x28: {  	s2 =	sld [smem:$0x3FB0]  }
0x29: {  	s4 =	sld [smem:$0x3FB2]  }
0x2a: {  	p0 =	seq.s32 s5, $0x0;
	s5 =	sld [smem:$0x3FB3]  }
0x2b: {  	s6 =	sld [smem:$0x3FB4]  }
0x2c: {  	s7 =	sld [smem:$0x3FB5]  }
0x2d: {  	s3 =	simm.s32 $0x108;
	s8 =	sld [smem:$0x3FB6]  }
0x2e: {  	s3 =	simm.s32 @!p0 $0x1082;
	s9 =	sld [smem:$0x3FB7]  }
0x2f: {  	lr =	sadd.s32 s0, s3;
	s0 =	sld [smem:$0x3FAE]  }
0x30: {  	s3 =	sld [smem:$0x3FB1]  }
0x31: {  	[smem:$0x3FBA] =	sst s10  }
0x32: {  	s10 =	sld [smem:$0x3FB8];
	_ =	sdelay $0x3  }
0x33: {  	p0 =	seq.s32 s10, $0x1;
	s10 =	sld [smem:$0x3FBA];
	_ =	sdelay $0x3  }
0x34: {  	[smem:$0x3FBA] =	sst s10  }
0x35: {  	s10 =	sld [smem:$0x3FB9];
	_ =	sdelay $0x3  }
0x36: {  	p1 =	seq.s32 s10, $0x1;
	s10 =	sld [smem:$0x3FBA];
	_ =	sdelay $0x3  }
0x37: {  	[smem:$0x3FBA] =	sst s10  }
0x38: {  	s10 =	sld [smem:$0x3FBB]  }
0x39: {  	_ = 	snop;
	(pc) =	sbr.ind lr, $3  }
0x3a: {  	_ = 	snop  }
0x3b: {  	_ = 	snop  }
0x3c: {  	p2 =	seq.s32 s10, $0x1;
	s10 =	sld [smem:$0x3FBA]  }
0x3d: {  	_ =	shalt  }
0x3e: {  	_ =	shalt  }
0x3f: {  	_ =	shalt  }
0x40: {  	_ =	shalt  }
0x41: {  	_ =	shalt  }
0x42: {  	_ =	shalt  }
0x43: {  	_ =	shalt  }
0x44: {  	_ =	shalt  }
0x45: {  	_ =	shalt  }
0x46: {  	_ =	shalt  }
0x47: {  	_ =	shalt  }
0x48: {  	_ =	shalt  }
0x49: {  	_ =	shalt  }
0x4a: {  	_ =	shalt  }
0x4b: {  	_ =	shalt  }
0x4c: {  	_ =	shalt  }
0x4d: {  	_ =	shalt  }
0x4e: {  	_ =	shalt  }
0x4f: {  	_ =	shalt  }
0x50: {  	_ =	shalt  }
0x51: {  	_ =	shalt  }
0x52: {  	_ =	shalt  }
0x53: {  	_ =	shalt  }
0x54: {  	_ =	shalt  }
0x55: {  	_ =	shalt  }
0x56: {  	_ =	shalt  }
0x57: {  	_ =	shalt  }
0x58: {  	_ =	shalt  }
0x59: {  	_ =	shalt  }
0x5a: {  	_ =	shalt  }
0x5b: {  	_ =	shalt  }
0x5c: {  	_ =	shalt  }
0x5d: {  	_ =	shalt  }
0x5e: {  	_ =	shalt  }
0x5f: {  	_ =	shalt  }
0x60: {  	_ =	shalt  }
0x61: {  	_ =	shalt  }
0x62: {  	_ =	shalt  }
0x63: {  	_ =	shalt  }
0x64: {  	_ =	shalt  }
0x65: {  	_ =	shalt  }
0x66: {  	_ =	shalt  }
0x67: {  	_ =	shalt  }
0x68: {  	_ =	shalt  }
0x69: {  	_ =	shalt  }
0x6a: {  	_ =	shalt  }
0x6b: {  	_ =	shalt  }
0x6c: {  	_ =	shalt  }
0x6d: {  	_ =	shalt  }
0x6e: {  	_ =	shalt  }
0x6f: {  	_ =	shalt  }
0x70: {  	_ =	shalt  }
0x71: {  	_ =	shalt  }
0x72: {  	_ =	shalt  }
0x73: {  	_ =	shalt  }
0x74: {  	_ =	shalt  }
0x75: {  	_ =	shalt  }
0x76: {  	_ =	shalt  }
0x77: {  	_ =	shalt  }
0x78: {  	_ =	shalt  }
0x79: {  	_ =	shalt  }
0x7a: {  	_ =	shalt  }
0x7b: {  	_ =	shalt  }
0x7c: {  	_ =	shalt  }
0x7d: {  	_ =	shalt  }
0x7e: {  	_ =	shalt  }
0x7f: {  	_ =	shalt  }
0x80: {  	_ =	shalt  }
0x81: {  	_ =	shalt  }
0x82: {  	_ =	shalt  }
0x83: {  	_ =	shalt  }
0x84: {  	_ =	shalt  }
0x85: {  	_ =	shalt  }
0x86: {  	_ =	shalt  }
0x87: {  	_ =	shalt  }
.Lfunc_end0:
.L_simem_size_0:
called_computation_lowered:
.L_overlay_start_0:
0x88: {  	s2 =	sld [smem:$0x3FD9]  }
0x89: {  	s3 =	sld [smem:$0x3FFE];
	_ =	sdelay $0x1  }
0x8a: {  	s1 =	srdreg.scid  }
0x8b: {  	s0 =	sand.u32 $0x1, s1  }
0x8c: {  	s17 =	sshll.u32 s0, $0xA;
	s2 =	sadd.s32 s3, s2  }
0x8d: {  	s2 =	sadd.s32 s2, s17  }
0x8e: {  	[smem:$0x3FC6] =	sst s2  }
0x8f: {  	_ = 	snop  }
0x90: {  	s2 =	sld [smem:$0x3FD0];
	(tm) =	ssettm $0x1  }
0x91: {  	s18 =	sld [smem:$0x3FFB];
	_ =	sdelay $0x3  }
0x92: {  	_ =	strace s18  }
0x93: {  	s3 =	sld [smem:$0x3FFC];
	_ =	sdelay $0x3  }
0x94: {  	_ =	strace s3  }
0x95: {  	s3 =	sld [smem:$0x3FFD];
	_ =	sdelay $0x3  }
0x96: {  	_ =	strace s3  }
0x97: {  	_ =	strace $0x8FFFFFFF  }
0x98: {  	s19 =	sld [smem:$0x3FDB];
	_ =	sdelay $0x1  }
0x99: {  	s4 =	simm.s32 $_scs_section_size  }
0x9a: {  	s5 =	simm.s32 $_size__tile_overlayer_lowered;
	s6 =	simm.s32 $_tile_overlayer_lowered  }
0x9b: {  	s22 =	simm.s32 $0x1BFF;
	s21 =	sshll.u32 s6, $0x1;
	s3 =	sadd.s32 s4, s19  }
0x9c: {  	s7 =	simm.s32 $0x0;
	s20 =	sshll.u32 s5, $0x1;
	s5 =	sadd.s32 s21, s3  }
0x9d: {  	[timem:s7], [sflag:s22] =	dma.local [hbm:s5], s20  }
0x9e: {  	_ =	swait.ge [sflag:s22], s20  }
0x9f: {  	s4 =	ssub.s32 $0x0, s20;
	[sflag:s22] =	ssyncset.done $0x0  }
0xa0: {  	[sflag:s22] =	ssyncadd.s32 s4;
	_ =	sdelay $0x1  }
0xa1: {  	s23 =	simm.s32 $0x1B8B  }
0xa2: {  	_ =	swait.ge [sflag:s23], $0x1  }
0xa3: {  	[sflag:s23] =	ssyncset.done $0x0  }
0xa4: {  	s25 =	simm.s32 $0x1B8E;
	s24 =	sld [smem:$0x3FFE];
	[sflag:s23] =	ssyncadd.s32 $0xFFFFFFFF  }
0xa5: {  	s26 =	simm.s32 $execute0_lowered;
	[smem:$0x3FD2] =	sst s25  }
0xa6: {  	s5 =	sshll.u32 s26, $0x1;
	_ =	strace $0x80000046;
	[dreg:$0x1] =	wrdreg $0xFFFFFFFF  }
0xa7: {  	s28 =	simm.s32 $_size_execute0_lowered;
	s3 =	sadd.s32 s3, s5;
	[dreg:$0x0] =	wrdreg $0x0  }
0xa8: {  	s5 =	sshll.u32 s28, $0x1;
	[dreg:$0x2] =	wrdreg s3  }
0xa9: {  	[dreg:$0x3] =	wrdreg s5  }
0xaa: {  	[dreg:$0x4] =	wrdreg $0xC0  }
0xab: {  	_ =	task [dreg:s7], $0x5FFFF  }
0xac: {  	[dreg:$0x1] =	wrdreg $0xFFFFFFFF  }
0xad: {  	[dreg:$0x0] =	wrdreg $0x60  }
0xae: {  	[dreg:$0x2] =	wrdreg s24  }
0xaf: {  	[dreg:$0x3] =	wrdreg s2  }
0xb0: {  	[dreg:$0x4] =	wrdreg $0x9  }
0xb1: {  	_ =	task.clear_ibuf [dreg:s7], $0x5FFFF;
	_ =	strace $0x90000046  }
0xb2: {  	s29 =	simm.s32 $0x9;
	_ =	strace $0x80000048  }
0xb3: {  	_ =	swait.ge [sflag:s29], $0x1  }
0xb4: {  	[sflag:s29] =	ssyncadd.s32 $0xFFFFFFFF  }
0xb5: {  	_ =	strace $0x90000048  }
0xb6: {  	_ =	sfence  }
0xb7: {  	s30 =	sld [smem:$0x0];
	_ =	sdelay $0x2  }
0xb8: {  	s31 =	sshll.u32 s1, $0xD;
	s1 =	sshrl.u32 s1, $0x2  }
0xb9: {  	s3 =	sand.u32 $0x4000, s31;
	s1 =	sadd.s32 s1, s30  }
0xba: {  	s0 =	sor.u32 s3, s0;
	s1 =	sshll.u32 s1, $0x11  }
0xbb: {  	s0 =	sor.u32 s1, s0  }
0xbc: {  	s0 =	sadd.s32 $0x8F2B, s0  }
0xbd: {  	[sflag:s0] =	ssyncadd.remote.s32 $0x1  }
0xbe: {  	_ =	sfence.sel $0xFFFF  }
0xbf: {  	[dreg:$0x0] =	wrdreg $0xFFFFFFFF;
	(pc) =	sbr.abs _section_cstart, $3  }
0xc0: {  	[dreg:$0x1] =	wrdreg $0xFFFFFFFF  }
0xc1: {  	_ =	task.clear_ibuf [dreg:s7], $0x2FFFF;
	_ =	strace $0x9FFFFFFF  }
0xc2: {  	(tm) =	ssettm $0x7FFFFFFF  }
0xc3: {  	_ =	shalt  }
tec
execute0_lowered:
.L_overlay_start_1:
0x0: {  	(tag) =	ssettag $0x1  }
0x1: {  	v0 =	vimm.s32 $0xFEDCBA9;
	v1 =	vimm.s32 $0x87654321  }
0x2: {  	vm11 =	vcmask $0x300;
	v2 =	vimm.s32 $0x0;
	vm13 =	vcmask $0x704  }
0x3: {  	vm14 =	vcmask $0xB08;
	vm12 =	vcmask $0xF0C;
	vm10 =	vcmask $0x1310  }
0x4: {  	vm9 =	vcmask $0x1714;
	vm8 =	vcmask $0x1B18;
	vm7 =	vcmask $0x1F1C  }
0x5: {  	vm6 =	vcmask $0x2320;
	v4 =	vimm.s32 $0x80;
	vm4 =	vcmask $0x2724  }
0x6: {  	vm3 =	vcmask $0x2B28;
	vm2 =	vcmask $0x2F2C;
	vm1 =	vcmask $0x3330  }
0x7: {  	vm0 =	vcmask $0x3734;
	v5 =	vimm.s32 $0x10FEDCBA;
	v6 =	vimm.s32 $0x98765432  }
0x8: {  	v7 =	vimm.s32 $0x100;
	vm5 =	vcmask $0x3B38;
	v8 =	vimm.s32 $0x180  }
0x9: {  	v9 =	vimm.s32 $0xA9876543;
	v12 =	vimm.s32 $0x280;
	v13 =	vimm.s32 $0xCBA98765  }
0xa: {  	v14 =	vimm.s32 $0xDCBA9876;
	v26 =	vimm.s32 $0x76543210;
	v33 =	vimm.s32 $0x480  }
0xb: {  	v62 =	vimm.s32 $0x600;
	v0 =	vunpack.c.l.s4.s8 v0;
	v1 =	vunpack.c.l.s4.s8 v1  }
0xc: {  	v2 =	vsel vm11, $0x80, v2;
	v4 =	vsel vm11, $0x100, v4;
	v5 =	vunpack.c.l.s4.s8 v5  }
0xd: {  	v6 =	vunpack.c.l.s4.s8 v6;
	v8 =	vsel vm11, $0x200, v8;
	v9 =	vunpack.c.l.s4.s8 v9  }
0xe: {  	v12 =	vsel vm11, $0x300, v12;
	v13 =	vunpack.c.l.s4.s8 v13;
	v14 =	vunpack.c.l.s4.s8 v14  }
0xf: {  	v26 =	vunpack.c.l.s4.s8 v26;
	v4 =	vsel vm13, $0x180, v4;
	v8 =	vsel vm13, $0x280, v8  }
0x10: {  	v12 =	vsel vm13, $0x380, v12;
	v16 =	vunpack.c.0.s8.s32 v0;
	v4 =	vsel vm14, $0x200, v4  }
0x11: {  	v0 =	vsel vm13, $0x100, v2;
	v17 =	vunpack.c.0.s8.s32 v1;
	v4 =	vsel vm12, $0x280, v4  }
0x12: {  	v18 =	vunpack.c.0.s8.s32 v5;
	v5 =	vsel vm11, $0x180, v7;
	v4 =	vsel vm10, $0x300, v4  }
0x13: {  	v19 =	vunpack.c.0.s8.s32 v6;
	v21 =	vunpack.c.0.s8.s32 v9;
	v4 =	vsel vm9, $0x380, v4  }
0x14: {  	v9 =	vimm.s32 $0xBA987654;
	v25 =	vunpack.c.0.s8.s32 v13;
	v4 =	vsel vm8, $0x400, v4  }
0x15: {  	v28 =	vunpack.c.0.s8.s32 v14;
	v14 =	vimm.s32 $0xEDCBA987;
	v4 =	vsel vm7, $0x480, v4  }
0x16: {  	v1 =	vsel vm14, $0x180, v0;
	v0 =	vlaneseq.u32;
	v4 =	vsel vm6, $0x500, v4  }
0x17: {  	v5 =	vsel vm13, $0x200, v5;
	v9 =	vunpack.c.l.s4.s8 v9;
	v4 =	vsel vm4, $0x580, v4  }
0x18: {  	v14 =	vunpack.c.l.s4.s8 v14;
	v5 =	vsel vm14, $0x280, v5;
	v4 =	vsel vm3, $0x600, v4  }
0x19: {  	v6 =	vcombine.low v19, v18;
	v5 =	vsel vm12, $0x300, v5;
	v4 =	vsel vm2, $0x680, v4  }
0x1a: {  	v1 =	vsel vm12, $0x200, v1;
	v5 =	vsel vm10, $0x380, v5;
	v7 =	vsel vm1, $0x700, v4  }
0x1b: {  	v4 =	vand.u32 $0xF, v6;
	v6 =	vsel vm0, $0x780, v7;
	v7 =	vsel vm9, $0x400, v5  }
0x1c: {  	v2 =	vcombine.low v17, v16;
	v3 =	vsel vm10, $0x280, v1;
	v7 =	vsel vm8, $0x480, v7  }
0x1d: {  	v5 =	vsel vm5, $0x0, v6;
	v6 =	vimm.s32 $0x210FEDCB;
	v7 =	vsel vm7, $0x500, v7  }
0x1e: {  	v1 =	vmul.u32 $0x80, v0;
	v6 =	vunpack.c.l.s4.s8 v6;
	v7 =	vsel vm6, $0x580, v7  }
0x1f: {  	v23 =	vunpack.c.0.s8.s32 v9;
	v3 =	vsel vm9, $0x300, v3;
	v7 =	vsel vm4, $0x600, v7  }
0x20: {  	v20 =	vunpack.c.0.s8.s32 v6;
	v6 =	vsel vm3, $0x680, v7;
	v7 =	vsel vm14, $0x300, v8  }
0x21: {  	v32 =	vunpack.c.0.s8.s32 v14;
	v3 =	vsel vm8, $0x380, v3;
	v7 =	vsel vm12, $0x380, v7  }
0x22: {  	v3 =	vsel vm7, $0x400, v3;
	v8 =	vimm.s32 $0x3210FEDC;
	v7 =	vsel vm10, $0x400, v7  }
0x23: {  	v6 =	vsel vm2, $0x700, v6;
	v8 =	vunpack.c.l.s4.s8 v8;
	v7 =	vsel vm9, $0x480, v7  }
0x24: {  	v3 =	vsel vm6, $0x480, v3;
	v11 =	vsel vm1, $0x780, v6;
	v6 =	vsel vm8, $0x500, v7  }
0x25: {  	v10 =	vcombine.low v21, v20;
	v22 =	vunpack.c.0.s8.s32 v8;
	v7 =	vsel vm7, $0x580, v6  }
0x26: {  	v8 =	vsel vm0, $0x0, v11;
	v11 =	vimm.s32 $0x200;
	v7 =	vsel vm6, $0x600, v7  }
0x27: {  	v6 =	vand.u32 $0xF, v10;
	v9 =	vcombine.low v23, v22;
	v10 =	vsel vm4, $0x680, v7  }
0x28: {  	v11 =	vsel vm11, $0x280, v11;
	v7 =	vsel vm5, $0x80, v8;
	v10 =	vsel vm3, $0x700, v10  }
0x29: {  	v8 =	vand.u32 $0xF, v9;
	v9 =	vsel vm2, $0x780, v10;
	v10 =	vsel vm13, $0x300, v11  }
0x2a: {  	v3 =	vsel vm4, $0x500, v3;
	v11 =	vimm.s32 $0x43210FED;
	v10 =	vsel vm14, $0x380, v10  }
0x2b: {  	v3 =	vsel vm3, $0x580, v3;
	v11 =	vunpack.c.l.s4.s8 v11;
	v10 =	vsel vm12, $0x400, v10  }
0x2c: {  	v2 =	vand.u32 $0xF, v2;
	v3 =	vsel vm2, $0x600, v3;
	v10 =	vsel vm10, $0x480, v10  }
0x2d: {  	v24 =	vunpack.c.0.s8.s32 v11;
	v11 =	vsel vm14, $0x400, v12;
	v10 =	vsel vm9, $0x500, v10  }
0x2e: {  	v3 =	vsel vm1, $0x680, v3;
	v11 =	vsel vm12, $0x480, v11;
	v10 =	vsel vm8, $0x580, v10  }
0x2f: {  	v3 =	vsel vm0, $0x700, v3;
	v11 =	vsel vm10, $0x500, v11;
	v10 =	vsel vm7, $0x600, v10  }
0x30: {  	v3 =	vsel vm5, $0x780, v3;
	v11 =	vsel vm9, $0x580, v11;
	v10 =	vsel vm6, $0x680, v10  }
0x31: {  	v12 =	vcombine.low v25, v24;
	v11 =	vsel vm8, $0x600, v11;
	v10 =	vsel vm4, $0x700, v10  }
0x32: {  	v9 =	vsel vm1, $0x0, v9;
	v11 =	vsel vm7, $0x680, v11;
	v13 =	vsel vm3, $0x780, v10  }
0x33: {  	v10 =	vand.u32 $0xF, v12;
	v12 =	vsel vm2, $0x0, v13;
	v13 =	vimm.s32 $0x543210FE  }
0x34: {  	v11 =	vsel vm6, $0x700, v11;
	v12 =	vsel vm1, $0x80, v12;
	v13 =	vunpack.c.l.s4.s8 v13  }
0x35: {  	v9 =	vsel vm0, $0x80, v9;
	v11 =	vsel vm4, $0x780, v11;
	v12 =	vsel vm0, $0x100, v12  }
0x36: {  	v15 =	vsel vm3, $0x0, v11;
	v11 =	vsel vm5, $0x180, v12;
	v27 =	vunpack.c.0.s8.s32 v13  }
0x37: {  	v12 =	vsel vm2, $0x80, v15;
	v13 =	vimm.s32 $0x6543210F;
	v15 =	vimm.s32 $0xFEDCBA98  }
0x38: {  	v12 =	vsel vm1, $0x100, v12;
	v13 =	vunpack.c.l.s4.s8 v13;
	v15 =	vunpack.c.l.s4.s8 v15  }
0x39: {  	v9 =	vsel vm5, $0x100, v9;
	v29 =	vcombine.low v28, v27;
	v30 =	vsel vm0, $0x180, v12  }
0x3a: {  	v28 =	vcombine.low v27, v28;
	v31 =	vunpack.c.0.s8.s32 v13;
	v14 =	vunpack.c.0.s8.s32 v15  }
0x3b: {  	v13 =	vsel vm5, $0x200, v30;
	v15 =	vunpack.c.0.s8.s32 v26;
	v12 =	vand.u32 $0xF, v29  }
0x3c: {  	v29 =	vimm.s32 $0x300;
	v26 =	vcombine.low v32, v31;
	v14 =	vand.u32 $0xF, v14  }
0x3d: {  	v30 =	vimm.s32 $0x380;
	v29 =	vsel vm11, $0x380, v29;
	v14 =	vcombine.low v14, v15  }
0x3e: {  	v15 =	vand.u32 $0xF, v26;
	v26 =	vsel vm13, $0x400, v29;
	v29 =	vsel vm11, $0x400, v30  }
0x3f: {  	v27 =	vimm.s32 $0x680;
	v30 =	vcombine.low v16, v17;
	v29 =	vsel vm13, $0x480, v29  }
0x40: {  	v16 =	vimm.s32 $0x400;
	v17 =	vsel vm14, $0x480, v26;
	v26 =	vsel vm14, $0x500, v29  }
0x41: {  	v16 =	vsel vm11, $0x480, v16;
	v17 =	vsel vm12, $0x500, v17;
	v26 =	vsel vm12, $0x580, v26  }
0x42: {  	v16 =	vsel vm13, $0x500, v16;
	v17 =	vsel vm10, $0x580, v17;
	v26 =	vsel vm10, $0x600, v26  }
0x43: {  	v16 =	vsel vm14, $0x580, v16;
	v17 =	vsel vm9, $0x600, v17;
	v26 =	vsel vm9, $0x680, v26  }
0x44: {  	v16 =	vsel vm12, $0x600, v16;
	v17 =	vsel vm8, $0x680, v17;
	v26 =	vsel vm8, $0x700, v26  }
0x45: {  	v16 =	vsel vm10, $0x680, v16;
	v17 =	vsel vm7, $0x700, v17;
	v26 =	vsel vm7, $0x780, v26  }
0x46: {  	v16 =	vsel vm9, $0x700, v16;
	v17 =	vsel vm6, $0x780, v17;
	v26 =	vsel vm6, $0x0, v26  }
0x47: {  	v16 =	vsel vm8, $0x780, v16;
	v17 =	vsel vm4, $0x0, v17;
	v26 =	vsel vm4, $0x80, v26  }
0x48: {  	v16 =	vsel vm7, $0x0, v16;
	v17 =	vsel vm3, $0x80, v17;
	v26 =	vsel vm3, $0x100, v26  }
0x49: {  	v16 =	vsel vm6, $0x80, v16;
	v17 =	vsel vm2, $0x100, v17;
	v26 =	vsel vm2, $0x180, v26  }
0x4a: {  	v16 =	vsel vm4, $0x100, v16;
	v17 =	vsel vm1, $0x180, v17;
	v26 =	vsel vm1, $0x200, v26  }
0x4b: {  	v16 =	vsel vm3, $0x180, v16;
	v17 =	vsel vm0, $0x200, v17;
	v26 =	vsel vm0, $0x280, v26  }
0x4c: {  	v29 =	vsel vm2, $0x200, v16;
	v16 =	vsel vm5, $0x280, v17;
	v17 =	vsel vm5, $0x300, v26  }
0x4d: {  	v26 =	vsel vm1, $0x280, v29;
	v29 =	vcombine.low v18, v19;
	v18 =	vand.u32 $0xF, v30  }
0x4e: {  	v30 =	vcombine.low v20, v21;
	v21 =	vimm.s32 $0x500;
	v26 =	vsel vm0, $0x300, v26  }
0x4f: {  	v21 =	vsel vm11, $0x580, v21;
	v19 =	vsel vm5, $0x380, v26;
	v26 =	vsel vm11, $0x500, v33  }
0x50: {  	v20 =	vand.u32 $0xF, v29;
	v21 =	vsel vm13, $0x600, v21;
	v26 =	vsel vm13, $0x580, v26  }
0x51: {  	v29 =	vcombine.low v22, v23;
	v22 =	vimm.s32 $0x580;
	v26 =	vsel vm14, $0x600, v26  }
0x52: {  	v21 =	vsel vm14, $0x680, v21;
	v22 =	vsel vm11, $0x600, v22;
	v23 =	vsel vm12, $0x680, v26  }
0x53: {  	v21 =	vsel vm12, $0x700, v21;
	v22 =	vsel vm13, $0x680, v22;
	v23 =	vsel vm10, $0x700, v23  }
0x54: {  	v21 =	vsel vm10, $0x780, v21;
	v22 =	vsel vm14, $0x700, v22;
	v23 =	vsel vm9, $0x780, v23  }
0x55: {  	v21 =	vsel vm9, $0x0, v21;
	v22 =	vsel vm12, $0x780, v22;
	v23 =	vsel vm8, $0x0, v23  }
0x56: {  	v21 =	vsel vm8, $0x80, v21;
	v22 =	vsel vm10, $0x0, v22;
	v23 =	vsel vm7, $0x80, v23  }
0x57: {  	v21 =	vsel vm7, $0x100, v21;
	v22 =	vsel vm9, $0x80, v22;
	v23 =	vsel vm6, $0x100, v23  }
0x58: {  	v21 =	vsel vm6, $0x180, v21;
	v22 =	vsel vm8, $0x100, v22;
	v23 =	vsel vm4, $0x180, v23  }
0x59: {  	v21 =	vsel vm4, $0x200, v21;
	v22 =	vsel vm7, $0x180, v22;
	v23 =	vsel vm3, $0x200, v23  }
0x5a: {  	v21 =	vsel vm3, $0x280, v21;
	v22 =	vsel vm6, $0x200, v22;
	v23 =	vsel vm2, $0x280, v23  }
0x5b: {  	v21 =	vsel vm2, $0x300, v21;
	v22 =	vsel vm4, $0x280, v22;
	v23 =	vsel vm1, $0x300, v23  }
0x5c: {  	v26 =	vsel vm1, $0x380, v21;
	v22 =	vsel vm3, $0x300, v22;
	v23 =	vsel vm0, $0x380, v23  }
0x5d: {  	v21 =	vsel vm5, $0x400, v23;
	v23 =	vsel vm0, $0x400, v26;
	v26 =	vsel vm2, $0x380, v22  }
0x5e: {  	v22 =	vand.u32 $0xF, v30;
	v30 =	vcombine.low v24, v25;
	v26 =	vsel vm1, $0x400, v26  }
0x5f: {  	v24 =	vand.u32 $0xF, v29;
	v29 =	vsel vm11, $0x680, v62;
	v26 =	vsel vm0, $0x480, v26  }
0x60: {  	v27 =	vsel vm11, $0x700, v27;
	v29 =	vsel vm13, $0x700, v29;
	v25 =	vsel vm5, $0x500, v26  }
0x61: {  	v26 =	vand.u32 $0xF, v30;
	v30 =	vcombine.low v31, v32;
	v31 =	vimm.s32 $0x700  }
0x62: {  	v27 =	vsel vm13, $0x780, v27;
	v29 =	vsel vm14, $0x780, v29;
	v31 =	vsel vm11, $0x780, v31  }
0x63: {  	v28 =	vand.u32 $0xF, v28;
	v29 =	vsel vm12, $0x0, v29;
	v31 =	vsel vm13, $0x0, v31  }
0x64: {  	v27 =	vsel vm14, $0x0, v27;
	v29 =	vsel vm10, $0x80, v29;
	v31 =	vsel vm14, $0x80, v31  }
0x65: {  	s4 =	rddreg [dreg:$0x0];
	s1 =	srdreg.scid;
	v27 =	vsel vm12, $0x80, v27;
	v29 =	vsel vm9, $0x100, v29;
	v31 =	vsel vm12, $0x100, v31  }
0x66: {  	s0 =	stileid.u32;
	s5 =	rddreg [dreg:$0x1];
	v27 =	vsel vm10, $0x100, v27;
	v29 =	vsel vm8, $0x180, v29;
	v31 =	vsel vm10, $0x180, v31  }
0x67: {  	s2 =	simm.s32 $0x0;
	s10 =	simm.s32 $0x6600;
	s11 =	simm.s32 $0x1;
	v27 =	vsel vm9, $0x180, v27;
	v29 =	vsel vm7, $0x200, v29;
	v31 =	vsel vm9, $0x200, v31  }
0x68: {  	s12 =	simm.s32 $0xE600;
	s13 =	simm.s32 $0x400;
	s14 =	simm.s32 $0x20000;
	v27 =	vsel vm8, $0x200, v27;
	v29 =	vsel vm6, $0x280, v29;
	v31 =	vsel vm8, $0x280, v31  }
0x69: {  	s15 =	simm.s32 $0xA600;
	s16 =	simm.s32 $0x10600;
	s17 =	simm.s32 $0x2;
	v27 =	vsel vm7, $0x280, v27;
	v29 =	vsel vm4, $0x300, v29;
	v31 =	vsel vm7, $0x300, v31  }
0x6a: {  	s3 =	sand.u32 $0x1, s1;
	s6 =	sshll.u32 s0, $0x1;
	s1 =	rddreg [dreg:$0x2];
	v27 =	vsel vm6, $0x300, v27;
	v29 =	vsel vm3, $0x380, v29;
	v31 =	vsel vm6, $0x380, v31  }
0x6b: {  	s18 =	simm.s32 $0x0;
	[smem:$0x7FF] =	sst s2;
	s6 =	sor.u32 s3, s6;
	v27 =	vsel vm4, $0x380, v27;
	v29 =	vsel vm2, $0x400, v29;
	v31 =	vsel vm4, $0x400, v31  }
.Ltmp0:
0x6c: {  	s8 =	ssub.s32 $0x2, s3;
	_ =	strace $0x80000047;
	v27 =	vsel vm3, $0x400, v27;
	v29 =	vsel vm1, $0x480, v29;
	v31 =	vsel vm3, $0x480, v31;
	(pc) =	sbr.rel .LBB2_1-.Ltmp0, $4  }
0x6d: {  	s7 =	smul.u32 $0xC80, s6;
	s9 =	sshrl.u32 s8, $0x1;
	s6 =	sshll.u32 s6, $0x9;
	v63 =	vsel vm2, $0x480, v27;
	v29 =	vsel vm0, $0x500, v29;
	v31 =	vsel vm2, $0x500, v31  }
0x6e: {  	s3 =	sadd.s32 $0xF42A00, s4;
	s31 =	ssub.s32 s8, s9;
	s5 =	sadd.s32 s5, s6;
	v27 =	vsel vm5, $0x580, v29;
	v29 =	vsel vm1, $0x500, v63;
	v31 =	vsel vm1, $0x580, v31  }
0x6f: {  	s8 =	simm.s32 $0x80;
	s9 =	simm.s32 $0x6400;
	s4 =	sadd.s32 s7, s4;
	v23 =	vsel vm5, $0x480, v23;
	v29 =	vsel vm0, $0x580, v29;
	v31 =	vsel vm0, $0x600, v31  }
0x70: {  	s6 =	smax.u32 s31, $0x1;
	s7 =	simm.s32 $0x3;
	s4 =	sadd.s32 $0x600, s4;
	v30 =	vand.u32 $0xF, v30;
	v29 =	vsel vm5, $0x600, v29;
	v31 =	vsel vm5, $0x680, v31  }
.LBB2_11:
0x71: {  	s18 =	sadd.s32 $0x1, s18  }
0x72: {  	_ =	swait.ge [sflag:s17], $0x2000;
	p0 =	sne.s32 s18, s6  }
.Ltmp1:
0x73: {  	[sflag:s17] =	ssyncset.done $0x0;
	(pc) =	sbr.rel @!p0 .LBB2_12-.Ltmp1, $4  }
0x74: {  	[sflag:s17] =	ssyncadd.s32 $0xFFFFE000  }
0x75: {  	_ =	swait.ge [sflag:s17], $0x2000  }
0x76: {  	[sflag:s17] =	ssyncset.done $0x0  }
0x77: {  	[sflag:s17] =	ssyncadd.s32 $0xFFFFE000  }
.LBB2_1:
0x78: {  	[tilespmem:s2], [sflag:$0x3] =	stream.linear.gather [hbm4b:s4+s2], $0x6400, $0x38;
	[tilespmem:$0x12800] =	vst v63  }
0x79: {  	_ =	swait.ge [sflag:s7], $0x6400  }
0x7a: {  	[sflag:s7] =	ssyncset.done $0x0  }
0x7b: {  	[sflag:s7] =	ssyncadd.s32 $0xFFFF9C00  }
0x7c: {  	[tilespmem:$0x12600] =	vst v0  }
0x7d: {  	[tilespmem:$0x12700] =	vst v1  }
0x7e: {  	[tilespmem:$0x12610] =	vst v2  }
0x7f: {  	[tilespmem:$0x12710] =	vst v3  }
0x80: {  	[tilespmem:$0x12620] =	vst v4  }
0x81: {  	[tilespmem:$0x12720] =	vst v5  }
0x82: {  	[tilespmem:$0x12630] =	vst v6  }
0x83: {  	[tilespmem:$0x12730] =	vst v7  }
0x84: {  	[tilespmem:$0x12640] =	vst v8  }
0x85: {  	[tilespmem:$0x12740] =	vst v9  }
0x86: {  	[tilespmem:$0x12650] =	vst v10  }
0x87: {  	[tilespmem:$0x12750] =	vst v11  }
0x88: {  	[tilespmem:$0x12660] =	vst v12  }
0x89: {  	[tilespmem:$0x12760] =	vst v13  }
0x8a: {  	[tilespmem:$0x12670] =	vst v15  }
0x8b: {  	[tilespmem:$0x12770] =	vst v16  }
0x8c: {  	[tilespmem:$0x12680] =	vst v14  }
0x8d: {  	[tilespmem:$0x12780] =	vst v17  }
0x8e: {  	[tilespmem:$0x12690] =	vst v18  }
0x8f: {  	[tilespmem:$0x12790] =	vst v19  }
0x90: {  	[tilespmem:$0x126A0] =	vst v20  }
0x91: {  	[tilespmem:$0x127A0] =	vst v21  }
0x92: {  	[tilespmem:$0x126B0] =	vst v22  }
0x93: {  	[tilespmem:$0x127B0] =	vst v23  }
0x94: {  	[tilespmem:$0x126C0] =	vst v24  }
0x95: {  	[tilespmem:$0x127C0] =	vst v25  }
0x96: {  	v32 =	vld [tilespmem:$0x0];
	[tilespmem:$0x126D0] =	vst v26  }
0x97: {  	v49 =	vld [tilespmem:$0x10];
	[tilespmem:$0x127D0] =	vst v27  }
0x98: {  	v51 =	vld [tilespmem:$0x20];
	[tilespmem:$0x126E0] =	vst v28  }
0x99: {  	v53 =	vld [tilespmem:$0x30];
	[tilespmem:$0x127E0] =	vst v29  }
0x9a: {  	v55 =	vld [tilespmem:$0x40];
	[tilespmem:$0x126F0] =	vst v30  }
0x9b: {  	v57 =	vld [tilespmem:$0x50];
	[tilespmem:$0x127F0] =	vst v31;
	v33 =	vshra.s32 v32, $0x1  }
0x9c: {  	v59 =	vld [tilespmem:$0x60];
	v50 =	vshra.s32 v49, $0x1;
	[tilespmem:$0x6400] =	vst v33  }
0x9d: {  	v61 =	vld [tilespmem:$0x70];
	v52 =	vshra.s32 v51, $0x1;
	[tilespmem:$0x6410] =	vst v50  }
0x9e: {  	v54 =	vshra.s32 v53, $0x1;
	[tilespmem:$0x6420] =	vst v52  }
0x9f: {  	v56 =	vshra.s32 v55, $0x1;
	[tilespmem:$0x6430] =	vst v54  }
0xa0: {  	v58 =	vshra.s32 v57, $0x1;
	[tilespmem:$0x6440] =	vst v56  }
0xa1: {  	v60 =	vshra.s32 v59, $0x1;
	[tilespmem:$0x6450] =	vst v58  }
0xa2: {  	v32 =	vshll.u32 v32, $0x6;
	v62 =	vshra.s32 v61, $0x1;
	[tilespmem:$0x6460] =	vst v60  }
0xa3: {  	v32 =	vand.u32 $0x40, v32;
	v33 =	vshll.u32 v49, $0x6;
	[tilespmem:$0x6470] =	vst v62  }
0xa4: {  	[tilespmem:$0x6500] =	vst v32;
	v33 =	vand.u32 $0x40, v33;
	v32 =	vshll.u32 v51, $0x6  }
0xa5: {  	[tilespmem:$0x6510] =	vst v33;
	v32 =	vand.u32 $0x40, v32;
	v33 =	vshll.u32 v53, $0x6  }
0xa6: {  	[tilespmem:$0x6520] =	vst v32;
	v33 =	vand.u32 $0x40, v33;
	v32 =	vshll.u32 v55, $0x6  }
0xa7: {  	[tilespmem:$0x6530] =	vst v33;
	v32 =	vand.u32 $0x40, v32;
	v33 =	vshll.u32 v57, $0x6  }
.Ltmp2:
0xa8: {  	[tilespmem:$0x6540] =	vst v32;
	v33 =	vand.u32 $0x40, v33;
	v32 =	vshll.u32 v59, $0x6;
	(pc) =	sbr.rel .LBB2_2-.Ltmp2, $4  }
0xa9: {  	[tilespmem:$0x6550] =	vst v33;
	v32 =	vand.u32 $0x40, v32;
	v33 =	vshll.u32 v61, $0x6  }
0xaa: {  	[tilespmem:$0x6560] =	vst v32;
	v63 =	vand.u32 $0x40, v33  }
0xab: {  	s19 =	simm.s32 $0x0;
	[tilespmem:$0x6570] =	vst v63  }
0xac: {  	[tilespmem:s10], [sflag:$0x1] =	stream.indirect.gather [hbm4b:s3+s8], $0x80, s9, s8, $0xb8;
	[tilespmem:$0x12800] =	vst v63  }
.LBB2_10:
0xad: {  	p0 =	sne.s32 s20, $0xC8  }
.Ltmp3:
0xae: {  	_ = 	snop;
	(pc) =	sbr.rel @!p0 .LBB2_11-.Ltmp3, $2  }
0xaf: {  	_ =	sdelay $0x2  }
0xb0: {  	s19 =	smov.u32 s20  }
.LBB2_2:
0xb1: {  	p0 =	slt.u32 s19, $0x2  }
0xb2: {  	s21 =	sand.u32 $0x1, s19;
	s22 =	simm.s32 @!p0 $0x2  }
0xb3: {  	s20 =	sadd.s32 $0x1, s19;
	p1 =	sne.s32 s21, $0x0;
	_ =	swait.ge @!p0 [sflag:s22], $0x2000  }
0xb4: {  	s23 =	sshll.u32 @!p1 s20, $0x7;
	[sflag:s22] =	ssyncset.done @!p0 $0x0  }
0xb5: {  	[sflag:s22] =	ssyncadd.s32 @!p0 $0xFFFFE000;
	s22 =	sand.u32 @!p1 $0x3FFFFF80, s23  }
0xb6: {  	v32 =	vld @!p1 [tilespmem:s22+$0x0];
	_ =	sdelay $0x4  }
0xb7: {  	v33 =	vshra.s32 @!p1 v32, $0x1;
	v32 =	vshll.u32 @!p1 v32, $0x6  }
0xb8: {  	[tilespmem:$0x6480] =	vst @!p1 v33;
	v32 =	vand.u32 @!p1 $0x40, v32  }
0xb9: {  	[tilespmem:$0x6580] =	vst @!p1 v32  }
0xba: {  	v32 =	vld @!p1 [tilespmem:s22+$0x10];
	_ =	sdelay $0x4  }
0xbb: {  	v33 =	vshra.s32 @!p1 v32, $0x1;
	v32 =	vshll.u32 @!p1 v32, $0x6  }
0xbc: {  	[tilespmem:$0x6490] =	vst @!p1 v33;
	v32 =	vand.u32 @!p1 $0x40, v32  }
0xbd: {  	[tilespmem:$0x6590] =	vst @!p1 v32  }
0xbe: {  	v32 =	vld @!p1 [tilespmem:s22+$0x20];
	_ =	sdelay $0x4  }
0xbf: {  	v33 =	vshra.s32 @!p1 v32, $0x1;
	v32 =	vshll.u32 @!p1 v32, $0x6  }
0xc0: {  	[tilespmem:$0x64A0] =	vst @!p1 v33;
	v32 =	vand.u32 @!p1 $0x40, v32  }
0xc1: {  	[tilespmem:$0x65A0] =	vst @!p1 v32  }
0xc2: {  	v32 =	vld @!p1 [tilespmem:s22+$0x30];
	_ =	sdelay $0x4  }
0xc3: {  	v33 =	vshra.s32 @!p1 v32, $0x1;
	v32 =	vshll.u32 @!p1 v32, $0x6  }
0xc4: {  	[tilespmem:$0x64B0] =	vst @!p1 v33;
	v32 =	vand.u32 @!p1 $0x40, v32  }
0xc5: {  	[tilespmem:$0x65B0] =	vst @!p1 v32  }
0xc6: {  	v32 =	vld @!p1 [tilespmem:s22+$0x40];
	_ =	sdelay $0x4  }
0xc7: {  	v33 =	vshra.s32 @!p1 v32, $0x1;
	v32 =	vshll.u32 @!p1 v32, $0x6  }
0xc8: {  	[tilespmem:$0x64C0] =	vst @!p1 v33;
	v32 =	vand.u32 @!p1 $0x40, v32  }
0xc9: {  	[tilespmem:$0x65C0] =	vst @!p1 v32  }
0xca: {  	v32 =	vld @!p1 [tilespmem:s22+$0x50];
	_ =	sdelay $0x4  }
0xcb: {  	v33 =	vshra.s32 @!p1 v32, $0x1;
	v32 =	vshll.u32 @!p1 v32, $0x6  }
0xcc: {  	[tilespmem:$0x64D0] =	vst @!p1 v33;
	v32 =	vand.u32 @!p1 $0x40, v32  }
0xcd: {  	[tilespmem:$0x65D0] =	vst @!p1 v32  }
0xce: {  	v32 =	vld @!p1 [tilespmem:s22+$0x60];
	_ =	sdelay $0x4  }
0xcf: {  	v33 =	vshra.s32 @!p1 v32, $0x1;
	v32 =	vshll.u32 @!p1 v32, $0x6  }
0xd0: {  	[tilespmem:$0x64E0] =	vst @!p1 v33;
	v32 =	vand.u32 @!p1 $0x40, v32  }
0xd1: {  	[tilespmem:$0x65E0] =	vst @!p1 v32  }
0xd2: {  	v32 =	vld @!p1 [tilespmem:s22+$0x70];
	_ =	sdelay $0x2  }
0xd3: {  	p2 =	sne.s32 s19, $0xC7;
	p0 =	seq.s32 s21, $0x1  }
0xd4: {  	p2 =	por !p2, !p0  }
0xd5: {  	p2 =	por !p2, !p2;
	v33 =	vshra.s32 @!p1 v32, $0x1;
	v32 =	vshll.u32 @!p1 v32, $0x6  }
0xd6: {  	s21 =	sshll.u32 @p2 s20, $0x7;
	[tilespmem:$0x64F0] =	vst @!p1 v33;
	v32 =	vand.u32 @!p1 $0x40, v32  }
0xd7: {  	s21 =	sand.u32 @p2 $0x3FFFFF80, s21;
	[tilespmem:$0x65F0] =	vst @!p1 v32  }
0xd8: {  	v32 =	vld @p2 [tilespmem:s21+$0x0];
	_ =	sdelay $0x4  }
0xd9: {  	v33 =	vshra.s32 @p2 v32, $0x1;
	v32 =	vshll.u32 @p2 v32, $0x6  }
0xda: {  	[tilespmem:$0x6400] =	vst @p2 v33;
	v32 =	vand.u32 @p2 $0x40, v32  }
0xdb: {  	[tilespmem:$0x6500] =	vst @p2 v32  }
0xdc: {  	v32 =	vld @p2 [tilespmem:s21+$0x10];
	_ =	sdelay $0x4  }
0xdd: {  	v33 =	vshra.s32 @p2 v32, $0x1;
	v32 =	vshll.u32 @p2 v32, $0x6  }
0xde: {  	[tilespmem:$0x6410] =	vst @p2 v33;
	v32 =	vand.u32 @p2 $0x40, v32  }
0xdf: {  	[tilespmem:$0x6510] =	vst @p2 v32  }
0xe0: {  	v32 =	vld @p2 [tilespmem:s21+$0x20];
	_ =	sdelay $0x4  }
0xe1: {  	v33 =	vshra.s32 @p2 v32, $0x1;
	v32 =	vshll.u32 @p2 v32, $0x6  }
0xe2: {  	[tilespmem:$0x6420] =	vst @p2 v33;
	v32 =	vand.u32 @p2 $0x40, v32  }
0xe3: {  	[tilespmem:$0x6520] =	vst @p2 v32  }
0xe4: {  	v32 =	vld @p2 [tilespmem:s21+$0x30];
	_ =	sdelay $0x4  }
0xe5: {  	v33 =	vshra.s32 @p2 v32, $0x1;
	v32 =	vshll.u32 @p2 v32, $0x6  }
0xe6: {  	[tilespmem:$0x6430] =	vst @p2 v33;
	v32 =	vand.u32 @p2 $0x40, v32  }
0xe7: {  	[tilespmem:$0x6530] =	vst @p2 v32  }
0xe8: {  	v32 =	vld @p2 [tilespmem:s21+$0x40];
	_ =	sdelay $0x4  }
0xe9: {  	v33 =	vshra.s32 @p2 v32, $0x1;
	v32 =	vshll.u32 @p2 v32, $0x6  }
0xea: {  	[tilespmem:$0x6440] =	vst @p2 v33;
	v32 =	vand.u32 @p2 $0x40, v32  }
0xeb: {  	[tilespmem:$0x6540] =	vst @p2 v32  }
0xec: {  	v32 =	vld @p2 [tilespmem:s21+$0x50];
	_ =	sdelay $0x4  }
0xed: {  	v33 =	vshra.s32 @p2 v32, $0x1;
	v32 =	vshll.u32 @p2 v32, $0x6  }
0xee: {  	[tilespmem:$0x6450] =	vst @p2 v33;
	v32 =	vand.u32 @p2 $0x40, v32  }
0xef: {  	[tilespmem:$0x6550] =	vst @p2 v32  }
0xf0: {  	v32 =	vld @p2 [tilespmem:s21+$0x60];
	_ =	sdelay $0x4  }
0xf1: {  	v33 =	vshra.s32 @p2 v32, $0x1;
	v32 =	vshll.u32 @p2 v32, $0x6  }
0xf2: {  	[tilespmem:$0x6460] =	vst @p2 v33;
	v32 =	vand.u32 @p2 $0x40, v32  }
0xf3: {  	[tilespmem:$0x6560] =	vst @p2 v32  }
0xf4: {  	v32 =	vld @p2 [tilespmem:s21+$0x70];
	_ =	sdelay $0x4  }
0xf5: {  	v33 =	vshra.s32 @p2 v32, $0x1;
	v32 =	vshll.u32 @p2 v32, $0x6  }
0xf6: {  	[tilespmem:$0x6470] =	vst @p2 v33;
	v32 =	vand.u32 @p2 $0x40, v32  }
0xf7: {  	[tilespmem:$0x6570] =	vst @p2 v32  }
0xf8: {  	_ =	swait.ge [sflag:s11], $0x4000  }
.Ltmp4:
0xf9: {  	s23 =	simm.s32 @!p1 $0xA600;
	[sflag:s11] =	ssyncset.done $0x0;
	(pc) =	sbr.rel @p1 .LBB2_6-.Ltmp4, $4  }
0xfa: {  	s22 =	simm.s32 @!p1 $0x6480;
	s21 =	simm.s32 @!p1 $0x80;
	[sflag:s11] =	ssyncadd.s32 $0xFFFFC000  }
0xfb: {  	[tilespmem:s23], [sflag:$0x1] =	stream.indirect.gather @!p1 [hbm4b:s3+s21], $0x80, s22, s21, $0xb8;
	[tilespmem:$0x12800] =	vst v63  }
0xfc: {  	s21 =	simm.s32 @p2 $0x80;
	s22 =	simm.s32 @p2 $0x6400;
	s23 =	simm.s32 @p2 $0x6600  }
0xfd: {  	[tilespmem:s23], [sflag:$0x1] =	stream.indirect.gather @p2 [hbm4b:s3+s21], $0x80, s22, s21, $0xb8;
	[tilespmem:$0x12800] =	vst v63  }
0xfe: {  	s21 =	simm.s32 $0xFFFFFFFE;
	s22 =	simm.s32 $0x6510;
	s23 =	simm.s32 $0x10  }
.LBB2_4:
0xff: {  	v36 =	vld [tilespmem:s22+$0xFFFFFFF0]  }
0x100: {  	v38 =	vld [tilespmem:$0x12600];
	_ =	sdelay $0x1  }
0x101: {  	v37 =	vld [tilespmem:s22+$0x0];
	_ =	sdelay $0x1  }
0x102: {  	s24 =	sadd.s32 $0xFFFFFFF0, s23  }
0x103: {  	v35 =	vor.u32 s24, v0;
	v39 =	vadd.s32 v36, v38  }
0x104: {  	v34 =	vor.u32 s23, v0;
	v33 =	vshll.u32 v35, $0x7;
	v32 =	vand.u32 $0xFFFFFF80, v39  }
0x105: {  	v41 =	vadd.s32 v38, v37;
	v40 =	vand.u32 $0x7F, v39;
	v32 =	vadd.s32 v33, v32  }
0x106: {  	v42 =	vand.u32 $0xFFFFFF80, v41;
	v40 =	vor.u32 v40, v32;
	v32 =	vshll.u32 v34, $0x7  }
0x107: {  	v43 =	vand.u32 $0x7F, v41;
	v42 =	vadd.s32 v32, v42  }
0x108: {  	v42 =	vor.u32 v43, v42  }
0x109: {  	v38 =	vshll.u32 v38, $0x7  }
0x10a: {  	v58 =	vadd.s32 $0x10, v39;
	v44 =	vor.u32 v35, v38  }
0x10b: {  	v46 =	vadd.s32 $0x10, v41;
	v47 =	vor.u32 v34, v38;
	v45 =	vand.u32 $0xFFFFFF80, v58  }
0x10c: {  	v59 =	vand.u32 $0xFFFFFF80, v46;
	v45 =	vadd.s32 v33, v45;
	v43 =	vand.u32 $0x7F, v58;
	v40 =	vld.idx.msk [tilespmem:v40+s10+$0x0], $0xffff  }
0x10d: {  	v46 =	vand.u32 $0x7F, v46;
	v43 =	vor.u32 v43, v45;
	v45 =	vadd.s32 v32, v59;
	v42 =	vld.idx.msk [tilespmem:v42+s10+$0x0], $0xffff  }
0x10e: {  	v45 =	vor.u32 v46, v45  }
0x10f: {  	v60 =	vadd.s32 $0x800, v38  }
0x110: {  	v48 =	vadd.s32 $0x20, v39;
	v49 =	vadd.s32 $0x20, v41;
	v61 =	vor.u32 v35, v60  }
0x111: {  	v62 =	vand.u32 $0xFFFFFF80, v48;
	v48 =	vand.u32 $0x7F, v48;
	v63 =	vand.u32 $0xFFFFFF80, v49;
	[tilespmem:v44+s12+$0x0] =	vst.idx.msk $0xffff, v40  }
0x112: {  	v46 =	vor.u32 v34, v60;
	v44 =	vadd.s32 v33, v62;
	v43 =	vld.idx.msk [tilespmem:v43+s10+$0x0], $0xffff;
	[tilespmem:v47+s12+$0x0] =	vst.idx.msk $0xffff, v42  }
0x113: {  	v44 =	vor.u32 v48, v44;
	v48 =	vand.u32 $0x7F, v49;
	v42 =	vadd.s32 v32, v63;
	v45 =	vld.idx.msk [tilespmem:v45+s10+$0x0], $0xffff  }
0x114: {  	v42 =	vor.u32 v48, v42  }
0x115: {  	v39 =	vadd.s32 $0x30, v39  }
0x116: {  	v41 =	vadd.s32 $0x30, v41;
	v51 =	vand.u32 $0xFFFFFF80, v39;
	v39 =	vand.u32 $0x7F, v39  }
0x117: {  	v52 =	vand.u32 $0xFFFFFF80, v41;
	v41 =	vand.u32 $0x7F, v41;
	v49 =	vadd.s32 $0x1000, v38;
	[tilespmem:v61+s12+$0x0] =	vst.idx.msk $0xffff, v43  }
0x118: {  	v50 =	vor.u32 v35, v49;
	v43 =	vadd.s32 v33, v51;
	v44 =	vld.idx.msk [tilespmem:v44+s10+$0x0], $0xffff;
	[tilespmem:v46+s12+$0x0] =	vst.idx.msk $0xffff, v45  }
0x119: {  	v53 =	vor.u32 v34, v49;
	v39 =	vor.u32 v39, v43;
	v43 =	vadd.s32 v32, v52;
	v42 =	vld.idx.msk [tilespmem:v42+s10+$0x0], $0xffff  }
0x11a: {  	v41 =	vor.u32 v41, v43;
	_ =	sdelay $0x2  }
0x11b: {  	v38 =	vadd.s32 $0x1800, v38;
	[tilespmem:v50+s12+$0x0] =	vst.idx.msk $0xffff, v44  }
0x11c: {  	v54 =	vor.u32 v35, v38;
	v39 =	vld.idx.msk [tilespmem:v39+s10+$0x0], $0xffff;
	[tilespmem:v53+s12+$0x0] =	vst.idx.msk $0xffff, v42  }
0x11d: {  	v38 =	vor.u32 v34, v38;
	v41 =	vld.idx.msk [tilespmem:v41+s10+$0x0], $0xffff;
	_ =	sdelay $0x3  }
0x11e: {  	[tilespmem:v54+s12+$0x0] =	vst.idx.msk $0xffff, v39  }
0x11f: {  	v39 =	vld [tilespmem:$0x12610];
	[tilespmem:v38+s12+$0x0] =	vst.idx.msk $0xffff, v41  }
0x120: {  	v38 =	vld [tilespmem:$0x12610];
	_ =	sdelay $0x3  }
0x121: {  	v40 =	vadd.s32 v36, v39  }
0x122: {  	v55 =	vand.u32 $0xFFFFFF80, v40;
	v43 =	vadd.s32 v37, v38  }
0x123: {  	v56 =	vand.u32 $0x7F, v40;
	v41 =	vadd.s32 v33, v55;
	v57 =	vand.u32 $0xFFFFFF80, v43  }
0x124: {  	v41 =	vor.u32 v56, v41;
	v58 =	vand.u32 $0x7F, v43;
	v42 =	vadd.s32 v32, v57  }
0x125: {  	v42 =	vor.u32 v58, v42  }
0x126: {  	v39 =	vshll.u32 v39, $0x7;
	v59 =	vadd.s32 $0x10, v40  }
0x127: {  	v60 =	vor.u32 v35, v39;
	v61 =	vand.u32 $0xFFFFFF80, v59  }
0x128: {  	v44 =	vand.u32 $0x7F, v59;
	v38 =	vshll.u32 v38, $0x7;
	v62 =	vadd.s32 $0x10, v43  }
0x129: {  	v46 =	vadd.s32 v33, v61;
	v52 =	vor.u32 v34, v38;
	v63 =	vand.u32 $0xFFFFFF80, v62;
	v41 =	vld.idx.msk [tilespmem:v41+s10+$0x0], $0xffff  }
0x12a: {  	v44 =	vor.u32 v44, v46;
	v47 =	vand.u32 $0x7F, v62;
	v46 =	vadd.s32 v32, v63;
	v42 =	vld.idx.msk [tilespmem:v42+s10+$0x0], $0xffff  }
0x12b: {  	v46 =	vor.u32 v47, v46  }
0x12c: {  	v39 =	vadd.s32 v35, v39;
	v53 =	vadd.s32 $0x20, v40  }
0x12d: {  	v54 =	vadd.s32 $0x800, v39;
	v55 =	vand.u32 $0xFFFFFF80, v53  }
0x12e: {  	v45 =	vadd.s32 v33, v55;
	v56 =	vadd.s32 $0x20, v43;
	v38 =	vadd.s32 v34, v38;
	[tilespmem:v60+s12+$0x0] =	vst.idx.msk $0xffff, v41  }
0x12f: {  	v57 =	vand.u32 $0xFFFFFF80, v56;
	v59 =	vand.u32 $0x7F, v56;
	v47 =	vand.u32 $0x7F, v53;
	v44 =	vld.idx.msk [tilespmem:v44+s10+$0x0], $0xffff;
	[tilespmem:v52+s12+$0x0] =	vst.idx.msk $0xffff, v42  }
0x130: {  	v58 =	vadd.s32 $0x800, v38;
	v45 =	vor.u32 v47, v45;
	v42 =	vadd.s32 v32, v57;
	v46 =	vld.idx.msk [tilespmem:v46+s10+$0x0], $0xffff  }
0x131: {  	v42 =	vor.u32 v59, v42;
	_ =	sdelay $0x1  }
0x132: {  	v40 =	vadd.s32 $0x30, v40;
	v43 =	vadd.s32 $0x30, v43  }
0x133: {  	v61 =	vand.u32 $0xFFFFFF80, v40;
	v40 =	vand.u32 $0x7F, v40;
	v62 =	vand.u32 $0xFFFFFF80, v43;
	[tilespmem:v54+s12+$0x0] =	vst.idx.msk $0xffff, v44  }
0x134: {  	v43 =	vand.u32 $0x7F, v43;
	v60 =	vadd.s32 $0x1000, v39;
	v44 =	vadd.s32 v33, v61;
	v45 =	vld.idx.msk [tilespmem:v45+s10+$0x0], $0xffff;
	[tilespmem:v58+s12+$0x0] =	vst.idx.msk $0xffff, v46  }
0x135: {  	v63 =	vadd.s32 $0x1000, v38;
	v40 =	vor.u32 v40, v44;
	v44 =	vadd.s32 v32, v62;
	v42 =	vld.idx.msk [tilespmem:v42+s10+$0x0], $0xffff  }
0x136: {  	v43 =	vor.u32 v43, v44;
	_ =	sdelay $0x2  }
0x137: {  	[tilespmem:v60+s12+$0x0] =	vst.idx.msk $0xffff, v45  }
0x138: {  	v39 =	vadd.s32 $0x1800, v39;
	v40 =	vld.idx.msk [tilespmem:v40+s10+$0x0], $0xffff;
	[tilespmem:v63+s12+$0x0] =	vst.idx.msk $0xffff, v42  }
0x139: {  	v38 =	vadd.s32 $0x1800, v38;
	v46 =	vld.idx.msk [tilespmem:v43+s10+$0x0], $0xffff;
	_ =	sdelay $0x3  }
0x13a: {  	[tilespmem:v39+s12+$0x0] =	vst.idx.msk $0xffff, v40  }
0x13b: {  	v39 =	vld [tilespmem:$0x12620];
	[tilespmem:v38+s12+$0x0] =	vst.idx.msk $0xffff, v46  }
0x13c: {  	v38 =	vld [tilespmem:$0x12620];
	_ =	sdelay $0x3  }
0x13d: {  	v40 =	vadd.s32 v36, v39  }
0x13e: {  	v47 =	vand.u32 $0xFFFFFF80, v40;
	v43 =	vadd.s32 v37, v38  }
0x13f: {  	v48 =	vand.u32 $0x7F, v40;
	v41 =	vadd.s32 v33, v47;
	v49 =	vand.u32 $0xFFFFFF80, v43  }
0x140: {  	v41 =	vor.u32 v48, v41;
	v50 =	vand.u32 $0x7F, v43;
	v42 =	vadd.s32 v32, v49  }
0x141: {  	v42 =	vor.u32 v50, v42  }
0x142: {  	v39 =	vshll.u32 v39, $0x7;
	v51 =	vadd.s32 $0x10, v40  }
0x143: {  	v52 =	vor.u32 v35, v39;
	v53 =	vand.u32 $0xFFFFFF80, v51  }
0x144: {  	v44 =	vand.u32 $0x7F, v51;
	v38 =	vshll.u32 v38, $0x7;
	v54 =	vadd.s32 $0x10, v43  }
0x145: {  	v46 =	vadd.s32 v33, v53;
	v56 =	vor.u32 v34, v38;
	v55 =	vand.u32 $0xFFFFFF80, v54;
	v41 =	vld.idx.msk [tilespmem:v41+s10+$0x0], $0xffff  }
0x146: {  	v44 =	vor.u32 v44, v46;
	v47 =	vand.u32 $0x7F, v54;
	v46 =	vadd.s32 v32, v55;
	v42 =	vld.idx.msk [tilespmem:v42+s10+$0x0], $0xffff  }
0x147: {  	v46 =	vor.u32 v47, v46  }
0x148: {  	v39 =	vadd.s32 v35, v39;
	v57 =	vadd.s32 $0x20, v40  }
0x149: {  	v58 =	vadd.s32 $0x800, v39;
	v59 =	vand.u32 $0xFFFFFF80, v57  }
0x14a: {  	v45 =	vadd.s32 v33, v59;
	v60 =	vadd.s32 $0x20, v43;
	v38 =	vadd.s32 v34, v38;
	[tilespmem:v52+s12+$0x0] =	vst.idx.msk $0xffff, v41  }
0x14b: {  	v61 =	vand.u32 $0xFFFFFF80, v60;
	v62 =	vadd.s32 $0x800, v38;
	v47 =	vand.u32 $0x7F, v57;
	v44 =	vld.idx.msk [tilespmem:v44+s10+$0x0], $0xffff;
	[tilespmem:v56+s12+$0x0] =	vst.idx.msk $0xffff, v42  }
0x14c: {  	v63 =	vand.u32 $0x7F, v60;
	v45 =	vor.u32 v47, v45;
	v42 =	vadd.s32 v32, v61;
	v46 =	vld.idx.msk [tilespmem:v46+s10+$0x0], $0xffff  }
0x14d: {  	v42 =	vor.u32 v63, v42  }
0x14e: {  	v40 =	vadd.s32 $0x30, v40  }
0x14f: {  	v51 =	vand.u32 $0xFFFFFF80, v40  }
0x150: {  	v40 =	vand.u32 $0x7F, v40;
	v43 =	vadd.s32 $0x30, v43;
	v53 =	vadd.s32 $0x1000, v38;
	[tilespmem:v58+s12+$0x0] =	vst.idx.msk $0xffff, v44  }
0x151: {  	v50 =	vadd.s32 $0x1000, v39;
	v52 =	vand.u32 $0xFFFFFF80, v43;
	v44 =	vadd.s32 v33, v51;
	v45 =	vld.idx.msk [tilespmem:v45+s10+$0x0], $0xffff;
	[tilespmem:v62+s12+$0x0] =	vst.idx.msk $0xffff, v46  }
0x152: {  	v43 =	vand.u32 $0x7F, v43;
	v40 =	vor.u32 v40, v44;
	v44 =	vadd.s32 v32, v52;
	v42 =	vld.idx.msk [tilespmem:v42+s10+$0x0], $0xffff  }
0x153: {  	v43 =	vor.u32 v43, v44;
	_ =	sdelay $0x2  }
0x154: {  	[tilespmem:v50+s12+$0x0] =	vst.idx.msk $0xffff, v45  }
0x155: {  	v39 =	vadd.s32 $0x1800, v39;
	v40 =	vld.idx.msk [tilespmem:v40+s10+$0x0], $0xffff;
	[tilespmem:v53+s12+$0x0] =	vst.idx.msk $0xffff, v42  }
0x156: {  	v38 =	vadd.s32 $0x1800, v38;
	v54 =	vld.idx.msk [tilespmem:v43+s10+$0x0], $0xffff;
	_ =	sdelay $0x3  }
0x157: {  	[tilespmem:v39+s12+$0x0] =	vst.idx.msk $0xffff, v40  }
0x158: {  	v39 =	vld [tilespmem:$0x12630];
	[tilespmem:v38+s12+$0x0] =	vst.idx.msk $0xffff, v54  }
0x159: {  	v38 =	vld [tilespmem:$0x12630];
	_ =	sdelay $0x3  }
0x15a: {  	v40 =	vadd.s32 v36, v39  }
0x15b: {  	v55 =	vand.u32 $0xFFFFFF80, v40;
	v43 =	vadd.s32 v37, v38  }
0x15c: {  	v56 =	vand.u32 $0x7F, v40;
	v41 =	vadd.s32 v33, v55;
	v57 =	vand.u32 $0xFFFFFF80, v43  }
0x15d: {  	v41 =	vor.u32 v56, v41;
	v58 =	vand.u32 $0x7F, v43;
	v42 =	vadd.s32 v32, v57  }
0x15e: {  	v42 =	vor.u32 v58, v42  }
0x15f: {  	v39 =	vshll.u32 v39, $0x7;
	v59 =	vadd.s32 $0x10, v40  }
0x160: {  	v60 =	vor.u32 v35, v39;
	v61 =	vand.u32 $0xFFFFFF80, v59  }
0x161: {  	v44 =	vand.u32 $0x7F, v59;
	v38 =	vshll.u32 v38, $0x7;
	v62 =	vadd.s32 $0x10, v43  }
0x162: {  	v46 =	vadd.s32 v33, v61;
	v52 =	vor.u32 v34, v38;
	v63 =	vand.u32 $0xFFFFFF80, v62;
	v41 =	vld.idx.msk [tilespmem:v41+s10+$0x0], $0xffff  }
0x163: {  	v44 =	vor.u32 v44, v46;
	v47 =	vand.u32 $0x7F, v62;
	v46 =	vadd.s32 v32, v63;
	v42 =	vld.idx.msk [tilespmem:v42+s10+$0x0], $0xffff  }
0x164: {  	v46 =	vor.u32 v47, v46  }
0x165: {  	v39 =	vadd.s32 v35, v39;
	v53 =	vadd.s32 $0x20, v40  }
0x166: {  	v54 =	vadd.s32 $0x800, v39;
	v55 =	vand.u32 $0xFFFFFF80, v53  }
0x167: {  	v45 =	vadd.s32 v33, v55;
	v56 =	vadd.s32 $0x20, v43;
	v38 =	vadd.s32 v34, v38;
	[tilespmem:v60+s12+$0x0] =	vst.idx.msk $0xffff, v41  }
0x168: {  	v57 =	vand.u32 $0xFFFFFF80, v56;
	v59 =	vand.u32 $0x7F, v56;
	v47 =	vand.u32 $0x7F, v53;
	v44 =	vld.idx.msk [tilespmem:v44+s10+$0x0], $0xffff;
	[tilespmem:v52+s12+$0x0] =	vst.idx.msk $0xffff, v42  }
0x169: {  	v58 =	vadd.s32 $0x800, v38;
	v45 =	vor.u32 v47, v45;
	v42 =	vadd.s32 v32, v57;
	v46 =	vld.idx.msk [tilespmem:v46+s10+$0x0], $0xffff  }
0x16a: {  	v42 =	vor.u32 v59, v42;
	_ =	sdelay $0x1  }
0x16b: {  	v40 =	vadd.s32 $0x30, v40;
	v43 =	vadd.s32 $0x30, v43  }
0x16c: {  	v61 =	vand.u32 $0xFFFFFF80, v40;
	v40 =	vand.u32 $0x7F, v40;
	v62 =	vand.u32 $0xFFFFFF80, v43;
	[tilespmem:v54+s12+$0x0] =	vst.idx.msk $0xffff, v44  }
0x16d: {  	v43 =	vand.u32 $0x7F, v43;
	v60 =	vadd.s32 $0x1000, v39;
	v44 =	vadd.s32 v33, v61;
	v45 =	vld.idx.msk [tilespmem:v45+s10+$0x0], $0xffff;
	[tilespmem:v58+s12+$0x0] =	vst.idx.msk $0xffff, v46  }
0x16e: {  	v63 =	vadd.s32 $0x1000, v38;
	v40 =	vor.u32 v40, v44;
	v44 =	vadd.s32 v32, v62;
	v42 =	vld.idx.msk [tilespmem:v42+s10+$0x0], $0xffff  }
0x16f: {  	v43 =	vor.u32 v43, v44;
	_ =	sdelay $0x2  }
0x170: {  	[tilespmem:v60+s12+$0x0] =	vst.idx.msk $0xffff, v45  }
0x171: {  	v39 =	vadd.s32 $0x1800, v39;
	v40 =	vld.idx.msk [tilespmem:v40+s10+$0x0], $0xffff;
	[tilespmem:v63+s12+$0x0] =	vst.idx.msk $0xffff, v42  }
0x172: {  	v38 =	vadd.s32 $0x1800, v38;
	v46 =	vld.idx.msk [tilespmem:v43+s10+$0x0], $0xffff;
	_ =	sdelay $0x3  }
0x173: {  	[tilespmem:v39+s12+$0x0] =	vst.idx.msk $0xffff, v40  }
0x174: {  	v39 =	vld [tilespmem:$0x12640];
	[tilespmem:v38+s12+$0x0] =	vst.idx.msk $0xffff, v46  }
0x175: {  	v38 =	vld [tilespmem:$0x12640];
	_ =	sdelay $0x3  }
0x176: {  	v40 =	vadd.s32 v36, v39  }
0x177: {  	v47 =	vand.u32 $0xFFFFFF80, v40;
	v43 =	vadd.s32 v37, v38  }
0x178: {  	v48 =	vand.u32 $0x7F, v40;
	v41 =	vadd.s32 v33, v47;
	v49 =	vand.u32 $0xFFFFFF80, v43  }
0x179: {  	v41 =	vor.u32 v48, v41;
	v50 =	vand.u32 $0x7F, v43;
	v42 =	vadd.s32 v32, v49  }
0x17a: {  	v42 =	vor.u32 v50, v42  }
0x17b: {  	v39 =	vshll.u32 v39, $0x7;
	v51 =	vadd.s32 $0x10, v40  }
0x17c: {  	v52 =	vor.u32 v35, v39;
	v53 =	vand.u32 $0xFFFFFF80, v51  }
0x17d: {  	v44 =	vand.u32 $0x7F, v51;
	v38 =	vshll.u32 v38, $0x7;
	v54 =	vadd.s32 $0x10, v43  }
0x17e: {  	v46 =	vadd.s32 v33, v53;
	v56 =	vor.u32 v34, v38;
	v55 =	vand.u32 $0xFFFFFF80, v54;
	v41 =	vld.idx.msk [tilespmem:v41+s10+$0x0], $0xffff  }
0x17f: {  	v44 =	vor.u32 v44, v46;
	v47 =	vand.u32 $0x7F, v54;
	v46 =	vadd.s32 v32, v55;
	v42 =	vld.idx.msk [tilespmem:v42+s10+$0x0], $0xffff  }
0x180: {  	v46 =	vor.u32 v47, v46  }
0x181: {  	v39 =	vadd.s32 v35, v39;
	v57 =	vadd.s32 $0x20, v40  }
0x182: {  	v58 =	vadd.s32 $0x800, v39;
	v59 =	vand.u32 $0xFFFFFF80, v57  }
0x183: {  	v45 =	vadd.s32 v33, v59;
	v60 =	vadd.s32 $0x20, v43;
	v38 =	vadd.s32 v34, v38;
	[tilespmem:v52+s12+$0x0] =	vst.idx.msk $0xffff, v41  }
0x184: {  	v61 =	vand.u32 $0xFFFFFF80, v60;
	v62 =	vadd.s32 $0x800, v38;
	v47 =	vand.u32 $0x7F, v57;
	v44 =	vld.idx.msk [tilespmem:v44+s10+$0x0], $0xffff;
	[tilespmem:v56+s12+$0x0] =	vst.idx.msk $0xffff, v42  }
0x185: {  	v63 =	vand.u32 $0x7F, v60;
	v45 =	vor.u32 v47, v45;
	v42 =	vadd.s32 v32, v61;
	v46 =	vld.idx.msk [tilespmem:v46+s10+$0x0], $0xffff  }
0x186: {  	v42 =	vor.u32 v63, v42  }
0x187: {  	v40 =	vadd.s32 $0x30, v40  }
0x188: {  	v51 =	vand.u32 $0xFFFFFF80, v40  }
0x189: {  	v40 =	vand.u32 $0x7F, v40;
	v43 =	vadd.s32 $0x30, v43;
	v53 =	vadd.s32 $0x1000, v38;
	[tilespmem:v58+s12+$0x0] =	vst.idx.msk $0xffff, v44  }
0x18a: {  	v50 =	vadd.s32 $0x1000, v39;
	v52 =	vand.u32 $0xFFFFFF80, v43;
	v44 =	vadd.s32 v33, v51;
	v45 =	vld.idx.msk [tilespmem:v45+s10+$0x0], $0xffff;
	[tilespmem:v62+s12+$0x0] =	vst.idx.msk $0xffff, v46  }
0x18b: {  	v43 =	vand.u32 $0x7F, v43;
	v40 =	vor.u32 v40, v44;
	v44 =	vadd.s32 v32, v52;
	v42 =	vld.idx.msk [tilespmem:v42+s10+$0x0], $0xffff  }
0x18c: {  	v43 =	vor.u32 v43, v44;
	_ =	sdelay $0x2  }
0x18d: {  	[tilespmem:v50+s12+$0x0] =	vst.idx.msk $0xffff, v45  }
0x18e: {  	v39 =	vadd.s32 $0x1800, v39;
	v40 =	vld.idx.msk [tilespmem:v40+s10+$0x0], $0xffff;
	[tilespmem:v53+s12+$0x0] =	vst.idx.msk $0xffff, v42  }
0x18f: {  	v38 =	vadd.s32 $0x1800, v38;
	v54 =	vld.idx.msk [tilespmem:v43+s10+$0x0], $0xffff;
	_ =	sdelay $0x3  }
0x190: {  	[tilespmem:v39+s12+$0x0] =	vst.idx.msk $0xffff, v40  }
0x191: {  	v39 =	vld [tilespmem:$0x12650];
	[tilespmem:v38+s12+$0x0] =	vst.idx.msk $0xffff, v54  }
0x192: {  	v38 =	vld [tilespmem:$0x12650];
	_ =	sdelay $0x3  }
0x193: {  	v40 =	vadd.s32 v36, v39  }
0x194: {  	v55 =	vand.u32 $0xFFFFFF80, v40;
	v43 =	vadd.s32 v37, v38  }
0x195: {  	v56 =	vand.u32 $0x7F, v40;
	v41 =	vadd.s32 v33, v55;
	v57 =	vand.u32 $0xFFFFFF80, v43  }
0x196: {  	v41 =	vor.u32 v56, v41;
	v58 =	vand.u32 $0x7F, v43;
	v42 =	vadd.s32 v32, v57  }
0x197: {  	v42 =	vor.u32 v58, v42  }
0x198: {  	v39 =	vshll.u32 v39, $0x7;
	v59 =	vadd.s32 $0x10, v40  }
0x199: {  	v60 =	vor.u32 v35, v39;
	v61 =	vand.u32 $0xFFFFFF80, v59  }
0x19a: {  	v44 =	vand.u32 $0x7F, v59;
	v38 =	vshll.u32 v38, $0x7;
	v62 =	vadd.s32 $0x10, v43  }
0x19b: {  	v46 =	vadd.s32 v33, v61;
	v52 =	vor.u32 v34, v38;
	v63 =	vand.u32 $0xFFFFFF80, v62;
	v41 =	vld.idx.msk [tilespmem:v41+s10+$0x0], $0xffff  }
0x19c: {  	v44 =	vor.u32 v44, v46;
	v47 =	vand.u32 $0x7F, v62;
	v46 =	vadd.s32 v32, v63;
	v42 =	vld.idx.msk [tilespmem:v42+s10+$0x0], $0xffff  }
0x19d: {  	v46 =	vor.u32 v47, v46  }
0x19e: {  	v39 =	vadd.s32 v35, v39;
	v53 =	vadd.s32 $0x20, v40  }
0x19f: {  	v54 =	vadd.s32 $0x800, v39;
	v55 =	vand.u32 $0xFFFFFF80, v53  }
0x1a0: {  	v45 =	vadd.s32 v33, v55;
	v56 =	vadd.s32 $0x20, v43;
	v38 =	vadd.s32 v34, v38;
	[tilespmem:v60+s12+$0x0] =	vst.idx.msk $0xffff, v41  }
0x1a1: {  	v57 =	vand.u32 $0xFFFFFF80, v56;
	v59 =	vand.u32 $0x7F, v56;
	v47 =	vand.u32 $0x7F, v53;
	v44 =	vld.idx.msk [tilespmem:v44+s10+$0x0], $0xffff;
	[tilespmem:v52+s12+$0x0] =	vst.idx.msk $0xffff, v42  }
0x1a2: {  	v58 =	vadd.s32 $0x800, v38;
	v45 =	vor.u32 v47, v45;
	v42 =	vadd.s32 v32, v57;
	v46 =	vld.idx.msk [tilespmem:v46+s10+$0x0], $0xffff  }
0x1a3: {  	v42 =	vor.u32 v59, v42;
	_ =	sdelay $0x1  }
0x1a4: {  	v40 =	vadd.s32 $0x30, v40;
	v43 =	vadd.s32 $0x30, v43  }
0x1a5: {  	v61 =	vand.u32 $0xFFFFFF80, v40;
	v40 =	vand.u32 $0x7F, v40;
	v62 =	vand.u32 $0xFFFFFF80, v43;
	[tilespmem:v54+s12+$0x0] =	vst.idx.msk $0xffff, v44  }
0x1a6: {  	v43 =	vand.u32 $0x7F, v43;
	v60 =	vadd.s32 $0x1000, v39;
	v44 =	vadd.s32 v33, v61;
	v45 =	vld.idx.msk [tilespmem:v45+s10+$0x0], $0xffff;
	[tilespmem:v58+s12+$0x0] =	vst.idx.msk $0xffff, v46  }
0x1a7: {  	v63 =	vadd.s32 $0x1000, v38;
	v40 =	vor.u32 v40, v44;
	v44 =	vadd.s32 v32, v62;
	v42 =	vld.idx.msk [tilespmem:v42+s10+$0x0], $0xffff  }
0x1a8: {  	v43 =	vor.u32 v43, v44;
	_ =	sdelay $0x2  }
0x1a9: {  	[tilespmem:v60+s12+$0x0] =	vst.idx.msk $0xffff, v45  }
0x1aa: {  	v39 =	vadd.s32 $0x1800, v39;
	v40 =	vld.idx.msk [tilespmem:v40+s10+$0x0], $0xffff;
	[tilespmem:v63+s12+$0x0] =	vst.idx.msk $0xffff, v42  }
0x1ab: {  	v38 =	vadd.s32 $0x1800, v38;
	v46 =	vld.idx.msk [tilespmem:v43+s10+$0x0], $0xffff;
	_ =	sdelay $0x3  }
0x1ac: {  	[tilespmem:v39+s12+$0x0] =	vst.idx.msk $0xffff, v40  }
0x1ad: {  	v39 =	vld [tilespmem:$0x12660];
	[tilespmem:v38+s12+$0x0] =	vst.idx.msk $0xffff, v46  }
0x1ae: {  	v38 =	vld [tilespmem:$0x12660];
	_ =	sdelay $0x3  }
0x1af: {  	v40 =	vadd.s32 v36, v39  }
0x1b0: {  	v47 =	vand.u32 $0xFFFFFF80, v40;
	v43 =	vadd.s32 v37, v38  }
0x1b1: {  	v48 =	vand.u32 $0x7F, v40;
	v41 =	vadd.s32 v33, v47;
	v49 =	vand.u32 $0xFFFFFF80, v43  }
0x1b2: {  	v41 =	vor.u32 v48, v41;
	v50 =	vand.u32 $0x7F, v43;
	v42 =	vadd.s32 v32, v49  }
0x1b3: {  	v42 =	vor.u32 v50, v42  }
0x1b4: {  	v39 =	vshll.u32 v39, $0x7;
	v51 =	vadd.s32 $0x10, v40  }
0x1b5: {  	v52 =	vor.u32 v35, v39;
	v53 =	vand.u32 $0xFFFFFF80, v51  }
0x1b6: {  	v44 =	vand.u32 $0x7F, v51;
	v38 =	vshll.u32 v38, $0x7;
	v54 =	vadd.s32 $0x10, v43  }
0x1b7: {  	v46 =	vadd.s32 v33, v53;
	v56 =	vor.u32 v34, v38;
	v55 =	vand.u32 $0xFFFFFF80, v54;
	v41 =	vld.idx.msk [tilespmem:v41+s10+$0x0], $0xffff  }
0x1b8: {  	v44 =	vor.u32 v44, v46;
	v47 =	vand.u32 $0x7F, v54;
	v46 =	vadd.s32 v32, v55;
	v42 =	vld.idx.msk [tilespmem:v42+s10+$0x0], $0xffff  }
0x1b9: {  	v46 =	vor.u32 v47, v46  }
0x1ba: {  	v39 =	vadd.s32 v35, v39;
	v57 =	vadd.s32 $0x20, v40  }
0x1bb: {  	v58 =	vadd.s32 $0x800, v39;
	v59 =	vand.u32 $0xFFFFFF80, v57  }
0x1bc: {  	v45 =	vadd.s32 v33, v59;
	v60 =	vadd.s32 $0x20, v43;
	v38 =	vadd.s32 v34, v38;
	[tilespmem:v52+s12+$0x0] =	vst.idx.msk $0xffff, v41  }
0x1bd: {  	v61 =	vand.u32 $0xFFFFFF80, v60;
	v62 =	vadd.s32 $0x800, v38;
	v47 =	vand.u32 $0x7F, v57;
	v44 =	vld.idx.msk [tilespmem:v44+s10+$0x0], $0xffff;
	[tilespmem:v56+s12+$0x0] =	vst.idx.msk $0xffff, v42  }
0x1be: {  	v63 =	vand.u32 $0x7F, v60;
	v45 =	vor.u32 v47, v45;
	v42 =	vadd.s32 v32, v61;
	v46 =	vld.idx.msk [tilespmem:v46+s10+$0x0], $0xffff  }
0x1bf: {  	v42 =	vor.u32 v63, v42  }
0x1c0: {  	v40 =	vadd.s32 $0x30, v40  }
0x1c1: {  	v51 =	vand.u32 $0xFFFFFF80, v40  }
0x1c2: {  	v40 =	vand.u32 $0x7F, v40;
	v43 =	vadd.s32 $0x30, v43;
	v53 =	vadd.s32 $0x1000, v38;
	[tilespmem:v58+s12+$0x0] =	vst.idx.msk $0xffff, v44  }
0x1c3: {  	v50 =	vadd.s32 $0x1000, v39;
	v52 =	vand.u32 $0xFFFFFF80, v43;
	v44 =	vadd.s32 v33, v51;
	v45 =	vld.idx.msk [tilespmem:v45+s10+$0x0], $0xffff;
	[tilespmem:v62+s12+$0x0] =	vst.idx.msk $0xffff, v46  }
0x1c4: {  	v43 =	vand.u32 $0x7F, v43;
	v40 =	vor.u32 v40, v44;
	v44 =	vadd.s32 v32, v52;
	v42 =	vld.idx.msk [tilespmem:v42+s10+$0x0], $0xffff  }
0x1c5: {  	v43 =	vor.u32 v43, v44;
	_ =	sdelay $0x2  }
0x1c6: {  	[tilespmem:v50+s12+$0x0] =	vst.idx.msk $0xffff, v45  }
0x1c7: {  	v39 =	vadd.s32 $0x1800, v39;
	v40 =	vld.idx.msk [tilespmem:v40+s10+$0x0], $0xffff;
	[tilespmem:v53+s12+$0x0] =	vst.idx.msk $0xffff, v42  }
0x1c8: {  	v38 =	vadd.s32 $0x1800, v38;
	v54 =	vld.idx.msk [tilespmem:v43+s10+$0x0], $0xffff;
	_ =	sdelay $0x3  }
0x1c9: {  	[tilespmem:v39+s12+$0x0] =	vst.idx.msk $0xffff, v40  }
0x1ca: {  	v39 =	vld [tilespmem:$0x12670];
	[tilespmem:v38+s12+$0x0] =	vst.idx.msk $0xffff, v54  }
0x1cb: {  	v38 =	vld [tilespmem:$0x12670];
	_ =	sdelay $0x3  }
0x1cc: {  	v40 =	vadd.s32 v36, v39  }
0x1cd: {  	v55 =	vand.u32 $0xFFFFFF80, v40;
	v43 =	vadd.s32 v37, v38  }
0x1ce: {  	v56 =	vand.u32 $0x7F, v40;
	v41 =	vadd.s32 v33, v55;
	v57 =	vand.u32 $0xFFFFFF80, v43  }
0x1cf: {  	v41 =	vor.u32 v56, v41;
	v58 =	vand.u32 $0x7F, v43;
	v42 =	vadd.s32 v32, v57  }
0x1d0: {  	v42 =	vor.u32 v58, v42  }
0x1d1: {  	v39 =	vshll.u32 v39, $0x7;
	v59 =	vadd.s32 $0x10, v40  }
0x1d2: {  	v60 =	vor.u32 v35, v39;
	v61 =	vand.u32 $0xFFFFFF80, v59  }
0x1d3: {  	v44 =	vand.u32 $0x7F, v59;
	v38 =	vshll.u32 v38, $0x7;
	v62 =	vadd.s32 $0x10, v43  }
0x1d4: {  	v46 =	vadd.s32 v33, v61;
	v52 =	vor.u32 v34, v38;
	v63 =	vand.u32 $0xFFFFFF80, v62;
	v41 =	vld.idx.msk [tilespmem:v41+s10+$0x0], $0xffff  }
0x1d5: {  	v44 =	vor.u32 v44, v46;
	v47 =	vand.u32 $0x7F, v62;
	v46 =	vadd.s32 v32, v63;
	v42 =	vld.idx.msk [tilespmem:v42+s10+$0x0], $0xffff  }
0x1d6: {  	v46 =	vor.u32 v47, v46  }
0x1d7: {  	v39 =	vadd.s32 v35, v39;
	v53 =	vadd.s32 $0x20, v40  }
0x1d8: {  	v54 =	vadd.s32 $0x800, v39;
	v55 =	vand.u32 $0xFFFFFF80, v53  }
0x1d9: {  	v45 =	vadd.s32 v33, v55;
	v56 =	vadd.s32 $0x20, v43;
	v38 =	vadd.s32 v34, v38;
	[tilespmem:v60+s12+$0x0] =	vst.idx.msk $0xffff, v41  }
0x1da: {  	v57 =	vand.u32 $0xFFFFFF80, v56;
	v59 =	vand.u32 $0x7F, v56;
	v47 =	vand.u32 $0x7F, v53;
	v44 =	vld.idx.msk [tilespmem:v44+s10+$0x0], $0xffff;
	[tilespmem:v52+s12+$0x0] =	vst.idx.msk $0xffff, v42  }
0x1db: {  	v58 =	vadd.s32 $0x800, v38;
	v45 =	vor.u32 v47, v45;
	v42 =	vadd.s32 v32, v57;
	v46 =	vld.idx.msk [tilespmem:v46+s10+$0x0], $0xffff  }
0x1dc: {  	v42 =	vor.u32 v59, v42;
	_ =	sdelay $0x1  }
0x1dd: {  	v40 =	vadd.s32 $0x30, v40;
	v43 =	vadd.s32 $0x30, v43  }
0x1de: {  	v61 =	vand.u32 $0xFFFFFF80, v40;
	v40 =	vand.u32 $0x7F, v40;
	v62 =	vand.u32 $0xFFFFFF80, v43;
	[tilespmem:v54+s12+$0x0] =	vst.idx.msk $0xffff, v44  }
0x1df: {  	v43 =	vand.u32 $0x7F, v43;
	v60 =	vadd.s32 $0x1000, v39;
	v44 =	vadd.s32 v33, v61;
	v45 =	vld.idx.msk [tilespmem:v45+s10+$0x0], $0xffff;
	[tilespmem:v58+s12+$0x0] =	vst.idx.msk $0xffff, v46  }
0x1e0: {  	v63 =	vadd.s32 $0x1000, v38;
	v40 =	vor.u32 v40, v44;
	v44 =	vadd.s32 v32, v62;
	v42 =	vld.idx.msk [tilespmem:v42+s10+$0x0], $0xffff  }
0x1e1: {  	v43 =	vor.u32 v43, v44;
	_ =	sdelay $0x2  }
0x1e2: {  	[tilespmem:v60+s12+$0x0] =	vst.idx.msk $0xffff, v45  }
0x1e3: {  	v39 =	vadd.s32 $0x1800, v39;
	v40 =	vld.idx.msk [tilespmem:v40+s10+$0x0], $0xffff;
	[tilespmem:v63+s12+$0x0] =	vst.idx.msk $0xffff, v42  }
0x1e4: {  	v38 =	vadd.s32 $0x1800, v38;
	v46 =	vld.idx.msk [tilespmem:v43+s10+$0x0], $0xffff;
	_ =	sdelay $0x3  }
0x1e5: {  	[tilespmem:v39+s12+$0x0] =	vst.idx.msk $0xffff, v40  }
0x1e6: {  	v39 =	vld [tilespmem:$0x12680];
	[tilespmem:v38+s12+$0x0] =	vst.idx.msk $0xffff, v46  }
0x1e7: {  	v38 =	vld [tilespmem:$0x12680];
	_ =	sdelay $0x3  }
0x1e8: {  	v40 =	vadd.s32 v36, v39  }
0x1e9: {  	v47 =	vand.u32 $0xFFFFFF80, v40;
	v43 =	vadd.s32 v37, v38  }
0x1ea: {  	v48 =	vand.u32 $0x7F, v40;
	v41 =	vadd.s32 v33, v47;
	v49 =	vand.u32 $0xFFFFFF80, v43  }
0x1eb: {  	v41 =	vor.u32 v48, v41;
	v50 =	vand.u32 $0x7F, v43;
	v42 =	vadd.s32 v32, v49  }
0x1ec: {  	v42 =	vor.u32 v50, v42  }
0x1ed: {  	v39 =	vshll.u32 v39, $0x7;
	v51 =	vadd.s32 $0x10, v40  }
0x1ee: {  	v52 =	vor.u32 v35, v39;
	v53 =	vand.u32 $0xFFFFFF80, v51  }
0x1ef: {  	v44 =	vand.u32 $0x7F, v51;
	v38 =	vshll.u32 v38, $0x7;
	v54 =	vadd.s32 $0x10, v43  }
0x1f0: {  	v46 =	vadd.s32 v33, v53;
	v56 =	vor.u32 v34, v38;
	v55 =	vand.u32 $0xFFFFFF80, v54;
	v41 =	vld.idx.msk [tilespmem:v41+s10+$0x0], $0xffff  }
0x1f1: {  	v44 =	vor.u32 v44, v46;
	v47 =	vand.u32 $0x7F, v54;
	v46 =	vadd.s32 v32, v55;
	v42 =	vld.idx.msk [tilespmem:v42+s10+$0x0], $0xffff  }
0x1f2: {  	v46 =	vor.u32 v47, v46  }
0x1f3: {  	v39 =	vadd.s32 v35, v39;
	v57 =	vadd.s32 $0x20, v40  }
0x1f4: {  	v58 =	vadd.s32 $0x800, v39;
	v59 =	vand.u32 $0xFFFFFF80, v57  }
0x1f5: {  	v45 =	vadd.s32 v33, v59;
	v60 =	vadd.s32 $0x20, v43;
	v38 =	vadd.s32 v34, v38;
	[tilespmem:v52+s12+$0x0] =	vst.idx.msk $0xffff, v41  }
0x1f6: {  	v61 =	vand.u32 $0xFFFFFF80, v60;
	v62 =	vadd.s32 $0x800, v38;
	v47 =	vand.u32 $0x7F, v57;
	v44 =	vld.idx.msk [tilespmem:v44+s10+$0x0], $0xffff;
	[tilespmem:v56+s12+$0x0] =	vst.idx.msk $0xffff, v42  }
0x1f7: {  	v63 =	vand.u32 $0x7F, v60;
	v45 =	vor.u32 v47, v45;
	v42 =	vadd.s32 v32, v61;
	v46 =	vld.idx.msk [tilespmem:v46+s10+$0x0], $0xffff  }
0x1f8: {  	v42 =	vor.u32 v63, v42  }
0x1f9: {  	v40 =	vadd.s32 $0x30, v40  }
0x1fa: {  	v51 =	vand.u32 $0xFFFFFF80, v40  }
0x1fb: {  	v40 =	vand.u32 $0x7F, v40;
	v43 =	vadd.s32 $0x30, v43;
	v53 =	vadd.s32 $0x1000, v38;
	[tilespmem:v58+s12+$0x0] =	vst.idx.msk $0xffff, v44  }
0x1fc: {  	v50 =	vadd.s32 $0x1000, v39;
	v52 =	vand.u32 $0xFFFFFF80, v43;
	v44 =	vadd.s32 v33, v51;
	v45 =	vld.idx.msk [tilespmem:v45+s10+$0x0], $0xffff;
	[tilespmem:v62+s12+$0x0] =	vst.idx.msk $0xffff, v46  }
0x1fd: {  	v43 =	vand.u32 $0x7F, v43;
	v40 =	vor.u32 v40, v44;
	v44 =	vadd.s32 v32, v52;
	v42 =	vld.idx.msk [tilespmem:v42+s10+$0x0], $0xffff  }
0x1fe: {  	v43 =	vor.u32 v43, v44;
	_ =	sdelay $0x2  }
0x1ff: {  	[tilespmem:v50+s12+$0x0] =	vst.idx.msk $0xffff, v45  }
0x200: {  	v39 =	vadd.s32 $0x1800, v39;
	v40 =	vld.idx.msk [tilespmem:v40+s10+$0x0], $0xffff;
	[tilespmem:v53+s12+$0x0] =	vst.idx.msk $0xffff, v42  }
0x201: {  	v38 =	vadd.s32 $0x1800, v38;
	v54 =	vld.idx.msk [tilespmem:v43+s10+$0x0], $0xffff;
	_ =	sdelay $0x3  }
0x202: {  	[tilespmem:v39+s12+$0x0] =	vst.idx.msk $0xffff, v40  }
0x203: {  	v39 =	vld [tilespmem:$0x12690];
	[tilespmem:v38+s12+$0x0] =	vst.idx.msk $0xffff, v54  }
0x204: {  	v38 =	vld [tilespmem:$0x12690];
	_ =	sdelay $0x3  }
0x205: {  	v40 =	vadd.s32 v36, v39  }
0x206: {  	v55 =	vand.u32 $0xFFFFFF80, v40;
	v43 =	vadd.s32 v37, v38  }
0x207: {  	v56 =	vand.u32 $0x7F, v40;
	v41 =	vadd.s32 v33, v55;
	v57 =	vand.u32 $0xFFFFFF80, v43  }
0x208: {  	v41 =	vor.u32 v56, v41;
	v58 =	vand.u32 $0x7F, v43;
	v42 =	vadd.s32 v32, v57  }
0x209: {  	v42 =	vor.u32 v58, v42  }
0x20a: {  	v39 =	vshll.u32 v39, $0x7;
	v59 =	vadd.s32 $0x10, v40  }
0x20b: {  	v60 =	vor.u32 v35, v39;
	v61 =	vand.u32 $0xFFFFFF80, v59  }
0x20c: {  	v44 =	vand.u32 $0x7F, v59;
	v38 =	vshll.u32 v38, $0x7;
	v62 =	vadd.s32 $0x10, v43  }
0x20d: {  	v46 =	vadd.s32 v33, v61;
	v52 =	vor.u32 v34, v38;
	v63 =	vand.u32 $0xFFFFFF80, v62;
	v41 =	vld.idx.msk [tilespmem:v41+s10+$0x0], $0xffff  }
0x20e: {  	v44 =	vor.u32 v44, v46;
	v47 =	vand.u32 $0x7F, v62;
	v46 =	vadd.s32 v32, v63;
	v42 =	vld.idx.msk [tilespmem:v42+s10+$0x0], $0xffff  }
0x20f: {  	v46 =	vor.u32 v47, v46  }
0x210: {  	v39 =	vadd.s32 v35, v39;
	v53 =	vadd.s32 $0x20, v40  }
0x211: {  	v54 =	vadd.s32 $0x800, v39;
	v55 =	vand.u32 $0xFFFFFF80, v53  }
0x212: {  	v45 =	vadd.s32 v33, v55;
	v56 =	vadd.s32 $0x20, v43;
	v38 =	vadd.s32 v34, v38;
	[tilespmem:v60+s12+$0x0] =	vst.idx.msk $0xffff, v41  }
0x213: {  	v57 =	vand.u32 $0xFFFFFF80, v56;
	v59 =	vand.u32 $0x7F, v56;
	v47 =	vand.u32 $0x7F, v53;
	v44 =	vld.idx.msk [tilespmem:v44+s10+$0x0], $0xffff;
	[tilespmem:v52+s12+$0x0] =	vst.idx.msk $0xffff, v42  }
0x214: {  	v58 =	vadd.s32 $0x800, v38;
	v45 =	vor.u32 v47, v45;
	v42 =	vadd.s32 v32, v57;
	v46 =	vld.idx.msk [tilespmem:v46+s10+$0x0], $0xffff  }
0x215: {  	v42 =	vor.u32 v59, v42;
	_ =	sdelay $0x1  }
0x216: {  	v40 =	vadd.s32 $0x30, v40;
	v43 =	vadd.s32 $0x30, v43  }
0x217: {  	v61 =	vand.u32 $0xFFFFFF80, v40;
	v40 =	vand.u32 $0x7F, v40;
	v62 =	vand.u32 $0xFFFFFF80, v43;
	[tilespmem:v54+s12+$0x0] =	vst.idx.msk $0xffff, v44  }
0x218: {  	v43 =	vand.u32 $0x7F, v43;
	v60 =	vadd.s32 $0x1000, v39;
	v44 =	vadd.s32 v33, v61;
	v45 =	vld.idx.msk [tilespmem:v45+s10+$0x0], $0xffff;
	[tilespmem:v58+s12+$0x0] =	vst.idx.msk $0xffff, v46  }
0x219: {  	v63 =	vadd.s32 $0x1000, v38;
	v40 =	vor.u32 v40, v44;
	v44 =	vadd.s32 v32, v62;
	v42 =	vld.idx.msk [tilespmem:v42+s10+$0x0], $0xffff  }
0x21a: {  	v43 =	vor.u32 v43, v44;
	_ =	sdelay $0x2  }
0x21b: {  	[tilespmem:v60+s12+$0x0] =	vst.idx.msk $0xffff, v45  }
0x21c: {  	v39 =	vadd.s32 $0x1800, v39;
	v40 =	vld.idx.msk [tilespmem:v40+s10+$0x0], $0xffff;
	[tilespmem:v63+s12+$0x0] =	vst.idx.msk $0xffff, v42  }
0x21d: {  	v38 =	vadd.s32 $0x1800, v38;
	v46 =	vld.idx.msk [tilespmem:v43+s10+$0x0], $0xffff;
	_ =	sdelay $0x3  }
0x21e: {  	[tilespmem:v39+s12+$0x0] =	vst.idx.msk $0xffff, v40  }
0x21f: {  	v39 =	vld [tilespmem:$0x126A0];
	[tilespmem:v38+s12+$0x0] =	vst.idx.msk $0xffff, v46  }
0x220: {  	v38 =	vld [tilespmem:$0x126A0];
	_ =	sdelay $0x3  }
0x221: {  	v40 =	vadd.s32 v36, v39  }
0x222: {  	v47 =	vand.u32 $0xFFFFFF80, v40;
	v43 =	vadd.s32 v37, v38  }
0x223: {  	v48 =	vand.u32 $0x7F, v40;
	v41 =	vadd.s32 v33, v47;
	v49 =	vand.u32 $0xFFFFFF80, v43  }
0x224: {  	v41 =	vor.u32 v48, v41;
	v50 =	vand.u32 $0x7F, v43;
	v42 =	vadd.s32 v32, v49  }
0x225: {  	v42 =	vor.u32 v50, v42  }
0x226: {  	v39 =	vshll.u32 v39, $0x7;
	v51 =	vadd.s32 $0x10, v40  }
0x227: {  	v52 =	vor.u32 v35, v39;
	v53 =	vand.u32 $0xFFFFFF80, v51  }
0x228: {  	v44 =	vand.u32 $0x7F, v51;
	v38 =	vshll.u32 v38, $0x7;
	v54 =	vadd.s32 $0x10, v43  }
0x229: {  	v46 =	vadd.s32 v33, v53;
	v56 =	vor.u32 v34, v38;
	v55 =	vand.u32 $0xFFFFFF80, v54;
	v41 =	vld.idx.msk [tilespmem:v41+s10+$0x0], $0xffff  }
0x22a: {  	v44 =	vor.u32 v44, v46;
	v47 =	vand.u32 $0x7F, v54;
	v46 =	vadd.s32 v32, v55;
	v42 =	vld.idx.msk [tilespmem:v42+s10+$0x0], $0xffff  }
0x22b: {  	v46 =	vor.u32 v47, v46  }
0x22c: {  	v39 =	vadd.s32 v35, v39;
	v57 =	vadd.s32 $0x20, v40  }
0x22d: {  	v58 =	vadd.s32 $0x800, v39;
	v59 =	vand.u32 $0xFFFFFF80, v57  }
0x22e: {  	v45 =	vadd.s32 v33, v59;
	v60 =	vadd.s32 $0x20, v43;
	v38 =	vadd.s32 v34, v38;
	[tilespmem:v52+s12+$0x0] =	vst.idx.msk $0xffff, v41  }
0x22f: {  	v61 =	vand.u32 $0xFFFFFF80, v60;
	v62 =	vadd.s32 $0x800, v38;
	v47 =	vand.u32 $0x7F, v57;
	v44 =	vld.idx.msk [tilespmem:v44+s10+$0x0], $0xffff;
	[tilespmem:v56+s12+$0x0] =	vst.idx.msk $0xffff, v42  }
0x230: {  	v63 =	vand.u32 $0x7F, v60;
	v45 =	vor.u32 v47, v45;
	v42 =	vadd.s32 v32, v61;
	v46 =	vld.idx.msk [tilespmem:v46+s10+$0x0], $0xffff  }
0x231: {  	v42 =	vor.u32 v63, v42  }
0x232: {  	v40 =	vadd.s32 $0x30, v40  }
0x233: {  	v51 =	vand.u32 $0xFFFFFF80, v40  }
0x234: {  	v40 =	vand.u32 $0x7F, v40;
	v43 =	vadd.s32 $0x30, v43;
	v53 =	vadd.s32 $0x1000, v38;
	[tilespmem:v58+s12+$0x0] =	vst.idx.msk $0xffff, v44  }
0x235: {  	v50 =	vadd.s32 $0x1000, v39;
	v52 =	vand.u32 $0xFFFFFF80, v43;
	v44 =	vadd.s32 v33, v51;
	v45 =	vld.idx.msk [tilespmem:v45+s10+$0x0], $0xffff;
	[tilespmem:v62+s12+$0x0] =	vst.idx.msk $0xffff, v46  }
0x236: {  	v43 =	vand.u32 $0x7F, v43;
	v40 =	vor.u32 v40, v44;
	v44 =	vadd.s32 v32, v52;
	v42 =	vld.idx.msk [tilespmem:v42+s10+$0x0], $0xffff  }
0x237: {  	v43 =	vor.u32 v43, v44;
	_ =	sdelay $0x2  }
0x238: {  	[tilespmem:v50+s12+$0x0] =	vst.idx.msk $0xffff, v45  }
0x239: {  	v39 =	vadd.s32 $0x1800, v39;
	v40 =	vld.idx.msk [tilespmem:v40+s10+$0x0], $0xffff;
	[tilespmem:v53+s12+$0x0] =	vst.idx.msk $0xffff, v42  }
0x23a: {  	v38 =	vadd.s32 $0x1800, v38;
	v54 =	vld.idx.msk [tilespmem:v43+s10+$0x0], $0xffff;
	_ =	sdelay $0x3  }
0x23b: {  	[tilespmem:v39+s12+$0x0] =	vst.idx.msk $0xffff, v40  }
0x23c: {  	v39 =	vld [tilespmem:$0x126B0];
	[tilespmem:v38+s12+$0x0] =	vst.idx.msk $0xffff, v54  }
0x23d: {  	v38 =	vld [tilespmem:$0x126B0];
	_ =	sdelay $0x3  }
0x23e: {  	v40 =	vadd.s32 v36, v39  }
0x23f: {  	v55 =	vand.u32 $0xFFFFFF80, v40;
	v43 =	vadd.s32 v37, v38  }
0x240: {  	v56 =	vand.u32 $0x7F, v40;
	v41 =	vadd.s32 v33, v55;
	v57 =	vand.u32 $0xFFFFFF80, v43  }
0x241: {  	v41 =	vor.u32 v56, v41;
	v58 =	vand.u32 $0x7F, v43;
	v42 =	vadd.s32 v32, v57  }
0x242: {  	v42 =	vor.u32 v58, v42  }
0x243: {  	v39 =	vshll.u32 v39, $0x7;
	v59 =	vadd.s32 $0x10, v40  }
0x244: {  	v60 =	vor.u32 v35, v39;
	v61 =	vand.u32 $0xFFFFFF80, v59  }
0x245: {  	v44 =	vand.u32 $0x7F, v59;
	v38 =	vshll.u32 v38, $0x7;
	v62 =	vadd.s32 $0x10, v43  }
0x246: {  	v46 =	vadd.s32 v33, v61;
	v52 =	vor.u32 v34, v38;
	v63 =	vand.u32 $0xFFFFFF80, v62;
	v41 =	vld.idx.msk [tilespmem:v41+s10+$0x0], $0xffff  }
0x247: {  	v44 =	vor.u32 v44, v46;
	v47 =	vand.u32 $0x7F, v62;
	v46 =	vadd.s32 v32, v63;
	v42 =	vld.idx.msk [tilespmem:v42+s10+$0x0], $0xffff  }
0x248: {  	v46 =	vor.u32 v47, v46  }
0x249: {  	v39 =	vadd.s32 v35, v39;
	v53 =	vadd.s32 $0x20, v40  }
0x24a: {  	v54 =	vadd.s32 $0x800, v39;
	v55 =	vand.u32 $0xFFFFFF80, v53  }
0x24b: {  	v45 =	vadd.s32 v33, v55;
	v56 =	vadd.s32 $0x20, v43;
	v38 =	vadd.s32 v34, v38;
	[tilespmem:v60+s12+$0x0] =	vst.idx.msk $0xffff, v41  }
0x24c: {  	v57 =	vand.u32 $0xFFFFFF80, v56;
	v59 =	vand.u32 $0x7F, v56;
	v47 =	vand.u32 $0x7F, v53;
	v44 =	vld.idx.msk [tilespmem:v44+s10+$0x0], $0xffff;
	[tilespmem:v52+s12+$0x0] =	vst.idx.msk $0xffff, v42  }
0x24d: {  	v58 =	vadd.s32 $0x800, v38;
	v45 =	vor.u32 v47, v45;
	v42 =	vadd.s32 v32, v57;
	v46 =	vld.idx.msk [tilespmem:v46+s10+$0x0], $0xffff  }
0x24e: {  	v42 =	vor.u32 v59, v42;
	_ =	sdelay $0x1  }
0x24f: {  	v40 =	vadd.s32 $0x30, v40;
	v43 =	vadd.s32 $0x30, v43  }
0x250: {  	v61 =	vand.u32 $0xFFFFFF80, v40;
	v40 =	vand.u32 $0x7F, v40;
	v62 =	vand.u32 $0xFFFFFF80, v43;
	[tilespmem:v54+s12+$0x0] =	vst.idx.msk $0xffff, v44  }
0x251: {  	v43 =	vand.u32 $0x7F, v43;
	v60 =	vadd.s32 $0x1000, v39;
	v44 =	vadd.s32 v33, v61;
	v45 =	vld.idx.msk [tilespmem:v45+s10+$0x0], $0xffff;
	[tilespmem:v58+s12+$0x0] =	vst.idx.msk $0xffff, v46  }
0x252: {  	v63 =	vadd.s32 $0x1000, v38;
	v40 =	vor.u32 v40, v44;
	v44 =	vadd.s32 v32, v62;
	v42 =	vld.idx.msk [tilespmem:v42+s10+$0x0], $0xffff  }
0x253: {  	v43 =	vor.u32 v43, v44;
	_ =	sdelay $0x2  }
0x254: {  	[tilespmem:v60+s12+$0x0] =	vst.idx.msk $0xffff, v45  }
0x255: {  	v39 =	vadd.s32 $0x1800, v39;
	v40 =	vld.idx.msk [tilespmem:v40+s10+$0x0], $0xffff;
	[tilespmem:v63+s12+$0x0] =	vst.idx.msk $0xffff, v42  }
0x256: {  	v38 =	vadd.s32 $0x1800, v38;
	v46 =	vld.idx.msk [tilespmem:v43+s10+$0x0], $0xffff;
	_ =	sdelay $0x3  }
0x257: {  	[tilespmem:v39+s12+$0x0] =	vst.idx.msk $0xffff, v40  }
0x258: {  	v39 =	vld [tilespmem:$0x126C0];
	[tilespmem:v38+s12+$0x0] =	vst.idx.msk $0xffff, v46  }
0x259: {  	v38 =	vld [tilespmem:$0x126C0];
	_ =	sdelay $0x3  }
0x25a: {  	v40 =	vadd.s32 v36, v39  }
0x25b: {  	v47 =	vand.u32 $0xFFFFFF80, v40;
	v43 =	vadd.s32 v37, v38  }
0x25c: {  	v48 =	vand.u32 $0x7F, v40;
	v41 =	vadd.s32 v33, v47;
	v49 =	vand.u32 $0xFFFFFF80, v43  }
0x25d: {  	v41 =	vor.u32 v48, v41;
	v50 =	vand.u32 $0x7F, v43;
	v42 =	vadd.s32 v32, v49  }
0x25e: {  	v42 =	vor.u32 v50, v42  }
0x25f: {  	v39 =	vshll.u32 v39, $0x7;
	v51 =	vadd.s32 $0x10, v40  }
0x260: {  	v52 =	vor.u32 v35, v39;
	v53 =	vand.u32 $0xFFFFFF80, v51  }
0x261: {  	v44 =	vand.u32 $0x7F, v51;
	v38 =	vshll.u32 v38, $0x7;
	v54 =	vadd.s32 $0x10, v43  }
0x262: {  	v46 =	vadd.s32 v33, v53;
	v56 =	vor.u32 v34, v38;
	v55 =	vand.u32 $0xFFFFFF80, v54;
	v41 =	vld.idx.msk [tilespmem:v41+s10+$0x0], $0xffff  }
0x263: {  	v44 =	vor.u32 v44, v46;
	v47 =	vand.u32 $0x7F, v54;
	v46 =	vadd.s32 v32, v55;
	v42 =	vld.idx.msk [tilespmem:v42+s10+$0x0], $0xffff  }
0x264: {  	v46 =	vor.u32 v47, v46  }
0x265: {  	v39 =	vadd.s32 v35, v39;
	v57 =	vadd.s32 $0x20, v40  }
0x266: {  	v58 =	vadd.s32 $0x800, v39;
	v59 =	vand.u32 $0xFFFFFF80, v57  }
0x267: {  	v45 =	vadd.s32 v33, v59;
	v60 =	vadd.s32 $0x20, v43;
	v38 =	vadd.s32 v34, v38;
	[tilespmem:v52+s12+$0x0] =	vst.idx.msk $0xffff, v41  }
0x268: {  	v61 =	vand.u32 $0xFFFFFF80, v60;
	v62 =	vadd.s32 $0x800, v38;
	v47 =	vand.u32 $0x7F, v57;
	v44 =	vld.idx.msk [tilespmem:v44+s10+$0x0], $0xffff;
	[tilespmem:v56+s12+$0x0] =	vst.idx.msk $0xffff, v42  }
0x269: {  	v63 =	vand.u32 $0x7F, v60;
	v45 =	vor.u32 v47, v45;
	v42 =	vadd.s32 v32, v61;
	v46 =	vld.idx.msk [tilespmem:v46+s10+$0x0], $0xffff  }
0x26a: {  	v42 =	vor.u32 v63, v42;
	_ =	sdelay $0x1  }
0x26b: {  	v40 =	vadd.s32 $0x30, v40;
	v43 =	vadd.s32 $0x30, v43  }
0x26c: {  	v49 =	vadd.s32 $0x1000, v39;
	v51 =	vand.u32 $0xFFFFFF80, v43;
	v50 =	vand.u32 $0xFFFFFF80, v40;
	[tilespmem:v58+s12+$0x0] =	vst.idx.msk $0xffff, v44  }
0x26d: {  	v43 =	vand.u32 $0x7F, v43;
	v40 =	vand.u32 $0x7F, v40;
	v44 =	vadd.s32 v33, v50;
	v45 =	vld.idx.msk [tilespmem:v45+s10+$0x0], $0xffff;
	[tilespmem:v62+s12+$0x0] =	vst.idx.msk $0xffff, v46  }
0x26e: {  	v52 =	vadd.s32 $0x1000, v38;
	v40 =	vor.u32 v40, v44;
	v44 =	vadd.s32 v32, v51;
	v42 =	vld.idx.msk [tilespmem:v42+s10+$0x0], $0xffff  }
0x26f: {  	v43 =	vor.u32 v43, v44;
	_ =	sdelay $0x2  }
0x270: {  	[tilespmem:v49+s12+$0x0] =	vst.idx.msk $0xffff, v45  }
0x271: {  	v39 =	vadd.s32 $0x1800, v39;
	v40 =	vld.idx.msk [tilespmem:v40+s10+$0x0], $0xffff;
	[tilespmem:v52+s12+$0x0] =	vst.idx.msk $0xffff, v42  }
0x272: {  	v38 =	vadd.s32 $0x1800, v38;
	v53 =	vld.idx.msk [tilespmem:v43+s10+$0x0], $0xffff;
	_ =	sdelay $0x3  }
0x273: {  	[tilespmem:v39+s12+$0x0] =	vst.idx.msk $0xffff, v40  }
0x274: {  	v39 =	vld [tilespmem:$0x126D0];
	[tilespmem:v38+s12+$0x0] =	vst.idx.msk $0xffff, v53  }
0x275: {  	v38 =	vld [tilespmem:$0x126D0];
	_ =	sdelay $0x3  }
0x276: {  	v40 =	vadd.s32 v36, v39  }
0x277: {  	v54 =	vand.u32 $0xFFFFFF80, v40;
	v43 =	vadd.s32 v37, v38  }
0x278: {  	v55 =	vand.u32 $0x7F, v40;
	v41 =	vadd.s32 v33, v54;
	v56 =	vand.u32 $0xFFFFFF80, v43  }
0x279: {  	v41 =	vor.u32 v55, v41;
	v57 =	vand.u32 $0x7F, v43;
	v42 =	vadd.s32 v32, v56  }
0x27a: {  	v42 =	vor.u32 v57, v42  }
0x27b: {  	v39 =	vshll.u32 v39, $0x7;
	v58 =	vadd.s32 $0x10, v40  }
0x27c: {  	v59 =	vor.u32 v35, v39;
	v60 =	vand.u32 $0xFFFFFF80, v58  }
0x27d: {  	v44 =	vand.u32 $0x7F, v58;
	v38 =	vshll.u32 v38, $0x7;
	v61 =	vadd.s32 $0x10, v43  }
0x27e: {  	v46 =	vadd.s32 v33, v60;
	v63 =	vor.u32 v34, v38;
	v62 =	vand.u32 $0xFFFFFF80, v61;
	v41 =	vld.idx.msk [tilespmem:v41+s10+$0x0], $0xffff  }
0x27f: {  	v44 =	vor.u32 v44, v46;
	v47 =	vand.u32 $0x7F, v61;
	v46 =	vadd.s32 v32, v62;
	v42 =	vld.idx.msk [tilespmem:v42+s10+$0x0], $0xffff  }
0x280: {  	v46 =	vor.u32 v47, v46  }
0x281: {  	v39 =	vadd.s32 v35, v39;
	v52 =	vadd.s32 $0x20, v40  }
0x282: {  	v53 =	vadd.s32 $0x800, v39;
	v54 =	vand.u32 $0xFFFFFF80, v52  }
0x283: {  	v45 =	vadd.s32 v33, v54;
	v55 =	vadd.s32 $0x20, v43;
	v38 =	vadd.s32 v34, v38;
	[tilespmem:v59+s12+$0x0] =	vst.idx.msk $0xffff, v41  }
0x284: {  	v56 =	vand.u32 $0xFFFFFF80, v55;
	v58 =	vand.u32 $0x7F, v55;
	v47 =	vand.u32 $0x7F, v52;
	v44 =	vld.idx.msk [tilespmem:v44+s10+$0x0], $0xffff;
	[tilespmem:v63+s12+$0x0] =	vst.idx.msk $0xffff, v42  }
0x285: {  	v57 =	vadd.s32 $0x800, v38;
	v45 =	vor.u32 v47, v45;
	v42 =	vadd.s32 v32, v56;
	v46 =	vld.idx.msk [tilespmem:v46+s10+$0x0], $0xffff  }
0x286: {  	v42 =	vor.u32 v58, v42;
	_ =	sdelay $0x1  }
0x287: {  	v40 =	vadd.s32 $0x30, v40;
	v43 =	vadd.s32 $0x30, v43  }
0x288: {  	v61 =	vadd.s32 $0x1000, v39;
	v62 =	vand.u32 $0xFFFFFF80, v43;
	v59 =	vand.u32 $0xFFFFFF80, v40;
	[tilespmem:v53+s12+$0x0] =	vst.idx.msk $0xffff, v44  }
0x289: {  	v43 =	vand.u32 $0x7F, v43;
	v40 =	vand.u32 $0x7F, v40;
	v60 =	vadd.s32 v33, v59;
	v44 =	vld.idx.msk [tilespmem:v45+s10+$0x0], $0xffff;
	[tilespmem:v57+s12+$0x0] =	vst.idx.msk $0xffff, v46  }
0x28a: {  	v41 =	vadd.s32 v32, v62;
	v40 =	vor.u32 v40, v60;
	v63 =	vadd.s32 $0x1000, v38;
	v42 =	vld.idx.msk [tilespmem:v42+s10+$0x0], $0xffff  }
0x28b: {  	v41 =	vor.u32 v43, v41;
	_ =	sdelay $0x2  }
0x28c: {  	[tilespmem:v61+s12+$0x0] =	vst.idx.msk $0xffff, v44  }
0x28d: {  	v39 =	vadd.s32 $0x1800, v39;
	v40 =	vld.idx.msk [tilespmem:v40+s10+$0x0], $0xffff;
	[tilespmem:v63+s12+$0x0] =	vst.idx.msk $0xffff, v42  }
0x28e: {  	v38 =	vadd.s32 $0x1800, v38;
	v41 =	vld.idx.msk [tilespmem:v41+s10+$0x0], $0xffff;
	_ =	sdelay $0x3  }
0x28f: {  	[tilespmem:v39+s12+$0x0] =	vst.idx.msk $0xffff, v40  }
0x290: {  	v39 =	vld [tilespmem:$0x126E0];
	[tilespmem:v38+s12+$0x0] =	vst.idx.msk $0xffff, v41  }
0x291: {  	v38 =	vld [tilespmem:$0x126E0];
	_ =	sdelay $0x3  }
0x292: {  	v40 =	vadd.s32 v36, v39  }
0x293: {  	v47 =	vand.u32 $0xFFFFFF80, v40;
	v42 =	vadd.s32 v37, v38  }
0x294: {  	v48 =	vand.u32 $0x7F, v40;
	v41 =	vadd.s32 v33, v47;
	v49 =	vand.u32 $0xFFFFFF80, v42  }
0x295: {  	v41 =	vor.u32 v48, v41;
	v50 =	vand.u32 $0x7F, v42;
	v44 =	vadd.s32 v32, v49  }
0x296: {  	v43 =	vor.u32 v50, v44  }
0x297: {  	v39 =	vshll.u32 v39, $0x7;
	v51 =	vadd.s32 $0x10, v40  }
0x298: {  	v52 =	vor.u32 v35, v39;
	v53 =	vand.u32 $0xFFFFFF80, v51  }
0x299: {  	v38 =	vshll.u32 v38, $0x7;
	v46 =	vadd.s32 v33, v53;
	v54 =	vadd.s32 $0x10, v42  }
0x29a: {  	v56 =	vor.u32 v34, v38;
	v55 =	vand.u32 $0xFFFFFF80, v54;
	v44 =	vand.u32 $0x7F, v51;
	v41 =	vld.idx.msk [tilespmem:v41+s10+$0x0], $0xffff  }
0x29b: {  	v47 =	vand.u32 $0x7F, v54;
	v44 =	vor.u32 v44, v46;
	v46 =	vadd.s32 v32, v55;
	v43 =	vld.idx.msk [tilespmem:v43+s10+$0x0], $0xffff  }
0x29c: {  	v46 =	vor.u32 v47, v46  }
0x29d: {  	v57 =	vadd.s32 $0x20, v40;
	v39 =	vadd.s32 v35, v39  }
0x29e: {  	v58 =	vand.u32 $0xFFFFFF80, v57;
	v61 =	vadd.s32 $0x800, v39  }
0x29f: {  	v60 =	vadd.s32 $0x20, v42;
	v38 =	vadd.s32 v34, v38;
	v49 =	vand.u32 $0x7F, v57;
	[tilespmem:v52+s12+$0x0] =	vst.idx.msk $0xffff, v41  }
0x2a0: {  	v62 =	vand.u32 $0xFFFFFF80, v60;
	v63 =	vadd.s32 $0x800, v38;
	v47 =	vadd.s32 v33, v58;
	v44 =	vld.idx.msk [tilespmem:v44+s10+$0x0], $0xffff;
	[tilespmem:v56+s12+$0x0] =	vst.idx.msk $0xffff, v43  }
0x2a1: {  	v45 =	vand.u32 $0x7F, v60;
	v59 =	vor.u32 v49, v47;
	v43 =	vadd.s32 v32, v62;
	v46 =	vld.idx.msk [tilespmem:v46+s10+$0x0], $0xffff  }
0x2a2: {  	v43 =	vor.u32 v45, v43;
	_ =	sdelay $0x1  }
0x2a3: {  	v40 =	vadd.s32 $0x30, v40;
	v42 =	vadd.s32 $0x30, v42  }
0x2a4: {  	v53 =	vand.u32 $0xFFFFFF80, v42;
	v54 =	vadd.s32 $0x1000, v38;
	v50 =	vand.u32 $0xFFFFFF80, v40;
	[tilespmem:v61+s12+$0x0] =	vst.idx.msk $0xffff, v44  }
0x2a5: {  	v40 =	vand.u32 $0x7F, v40;
	v51 =	vadd.s32 v33, v50;
	v52 =	vadd.s32 $0x1000, v39;
	v41 =	vld.idx.msk [tilespmem:v59+s10+$0x0], $0xffff;
	[tilespmem:v63+s12+$0x0] =	vst.idx.msk $0xffff, v46  }
0x2a6: {  	v42 =	vand.u32 $0x7F, v42;
	v40 =	vor.u32 v40, v51;
	v44 =	vadd.s32 v32, v53;
	v43 =	vld.idx.msk [tilespmem:v43+s10+$0x0], $0xffff  }
0x2a7: {  	v42 =	vor.u32 v42, v44;
	_ =	sdelay $0x2  }
0x2a8: {  	[tilespmem:v52+s12+$0x0] =	vst.idx.msk $0xffff, v41  }
0x2a9: {  	v39 =	vadd.s32 $0x1800, v39;
	v40 =	vld.idx.msk [tilespmem:v40+s10+$0x0], $0xffff;
	[tilespmem:v54+s12+$0x0] =	vst.idx.msk $0xffff, v43  }
0x2aa: {  	v38 =	vadd.s32 $0x1800, v38;
	v55 =	vld.idx.msk [tilespmem:v42+s10+$0x0], $0xffff;
	_ =	sdelay $0x3  }
0x2ab: {  	[tilespmem:v39+s12+$0x0] =	vst.idx.msk $0xffff, v40  }
0x2ac: {  	v39 =	vld [tilespmem:$0x126F0];
	[tilespmem:v38+s12+$0x0] =	vst.idx.msk $0xffff, v55  }
0x2ad: {  	v38 =	vld [tilespmem:$0x126F0];
	_ =	sdelay $0x3  }
0x2ae: {  	v36 =	vadd.s32 v36, v39  }
0x2af: {  	v56 =	vand.u32 $0xFFFFFF80, v36;
	v37 =	vadd.s32 v37, v38  }
0x2b0: {  	v57 =	vand.u32 $0x7F, v36;
	v40 =	vadd.s32 v33, v56;
	v58 =	vand.u32 $0xFFFFFF80, v37  }
0x2b1: {  	v40 =	vor.u32 v57, v40;
	v59 =	vand.u32 $0x7F, v37;
	v42 =	vadd.s32 v32, v58  }
0x2b2: {  	v41 =	vor.u32 v59, v42  }
0x2b3: {  	v39 =	vshll.u32 v39, $0x7;
	v60 =	vadd.s32 $0x10, v36  }
0x2b4: {  	v61 =	vor.u32 v35, v39;
	v62 =	vand.u32 $0xFFFFFF80, v60  }
0x2b5: {  	v38 =	vshll.u32 v38, $0x7;
	v63 =	vadd.s32 $0x10, v37;
	v44 =	vadd.s32 v33, v62  }
0x2b6: {  	v48 =	vor.u32 v34, v38;
	v49 =	vand.u32 $0xFFFFFF80, v63;
	v42 =	vand.u32 $0x7F, v60;
	v40 =	vld.idx.msk [tilespmem:v40+s10+$0x0], $0xffff  }
0x2b7: {  	v50 =	vand.u32 $0x7F, v63;
	v51 =	vadd.s32 v32, v49;
	v42 =	vor.u32 v42, v44;
	v41 =	vld.idx.msk [tilespmem:v41+s10+$0x0], $0xffff  }
0x2b8: {  	v44 =	vor.u32 v50, v51  }
0x2b9: {  	v52 =	vadd.s32 $0x20, v36  }
0x2ba: {  	v35 =	vadd.s32 v35, v39;
	v54 =	vand.u32 $0xFFFFFF80, v52;
	v39 =	vand.u32 $0x7F, v52  }
0x2bb: {  	v55 =	vadd.s32 v33, v54;
	v56 =	vadd.s32 $0x20, v37;
	v34 =	vadd.s32 v34, v38;
	[tilespmem:v61+s12+$0x0] =	vst.idx.msk $0xffff, v40  }
0x2bc: {  	v53 =	vadd.s32 $0x800, v35;
	v39 =	vor.u32 v39, v55;
	v57 =	vand.u32 $0xFFFFFF80, v56;
	v42 =	vld.idx.msk [tilespmem:v42+s10+$0x0], $0xffff;
	[tilespmem:v48+s12+$0x0] =	vst.idx.msk $0xffff, v41  }
0x2bd: {  	v43 =	vand.u32 $0x7F, v56;
	v59 =	vadd.s32 $0x800, v34;
	v38 =	vadd.s32 v32, v57;
	v58 =	vld.idx.msk [tilespmem:v44+s10+$0x0], $0xffff  }
0x2be: {  	v38 =	vor.u32 v43, v38;
	_ =	sdelay $0x1  }
0x2bf: {  	v36 =	vadd.s32 $0x30, v36;
	v37 =	vadd.s32 $0x30, v37  }
0x2c0: {  	v62 =	vand.u32 $0xFFFFFF80, v37;
	v63 =	vadd.s32 $0x1000, v34;
	v60 =	vand.u32 $0xFFFFFF80, v36;
	[tilespmem:v53+s12+$0x0] =	vst.idx.msk $0xffff, v42  }
0x2c1: {  	v36 =	vand.u32 $0x7F, v36;
	v33 =	vadd.s32 v33, v60;
	v61 =	vadd.s32 $0x1000, v35;
	v39 =	vld.idx.msk [tilespmem:v39+s10+$0x0], $0xffff;
	[tilespmem:v59+s12+$0x0] =	vst.idx.msk $0xffff, v58  }
0x2c2: {  	v37 =	vand.u32 $0x7F, v37;
	v32 =	vadd.s32 v32, v62;
	v33 =	vor.u32 v36, v33;
	v38 =	vld.idx.msk [tilespmem:v38+s10+$0x0], $0xffff  }
0x2c3: {  	v32 =	vor.u32 v37, v32;
	_ =	sdelay $0x2  }
0x2c4: {  	[tilespmem:v61+s12+$0x0] =	vst.idx.msk $0xffff, v39  }
0x2c5: {  	s21 =	sadd.s32 $0x2, s21;
	v35 =	vadd.s32 $0x1800, v35;
	v33 =	vld.idx.msk [tilespmem:v33+s10+$0x0], $0xffff;
	[tilespmem:v63+s12+$0x0] =	vst.idx.msk $0xffff, v38  }
0x2c6: {  	p1 =	slt.u32 s21, $0x6;
	v34 =	vadd.s32 $0x1800, v34;
	v32 =	vld.idx.msk [tilespmem:v32+s10+$0x0], $0xffff  }
.Ltmp5:
0x2c7: {  	_ = 	snop;
	(pc) =	sbr.rel @p1 .LBB2_4-.Ltmp5, $3  }
0x2c8: {  	_ =	sdelay $0x1  }
0x2c9: {  	[tilespmem:v35+s12+$0x0] =	vst.idx.msk $0xffff, v33  }
0x2ca: {  	s22 =	sadd.s32 $0x20, s22;
	s23 =	sadd.s32 $0x20, s23;
	[tilespmem:v34+s12+$0x0] =	vst.idx.msk $0xffff, v32  }
0x2cb: {  	s21 =	sshll.u32 s19, $0x7;
	s22 =	sshll.u32 s19, $0xF  }
0x2cc: {  	s21 =	sand.u32 $0x100, s21;
	s22 =	sand.u32 $0x7E0000, s22  }
0x2cd: {  	s21 =	sor.u32 s22, s21  }
0x2ce: {  	s21 =	sadd.s32 s21, s5  }
0x2cf: {  	[hbm4b:s21+s13] =	stream.strided.scatter [tilespmem:s12], [sflag:$0x2], $0x2000, s14, s13, $0x38;
	[tilespmem:$0x12800] =	vst v63  }
.LBB2_6:
.Ltmp6:
0x2d0: {  	(pc) =	sbr.rel @!p0 .LBB2_10-.Ltmp6, $1  }
0x2d1: {  	_ =	sdelay $0x3  }
0x2d2: {  	s21 =	simm.s32 $0xFFFFFFFE;
	s22 =	simm.s32 $0x6590;
	s23 =	simm.s32 $0x10  }
.LBB2_8:
0x2d3: {  	v36 =	vld [tilespmem:s22+$0xFFFFFFF0]  }
0x2d4: {  	v38 =	vld [tilespmem:$0x12600];
	_ =	sdelay $0x1  }
0x2d5: {  	v37 =	vld [tilespmem:s22+$0x0];
	_ =	sdelay $0x1  }
0x2d6: {  	s24 =	sadd.s32 $0xFFFFFFF0, s23  }
0x2d7: {  	v35 =	vor.u32 s24, v0;
	v39 =	vadd.s32 v36, v38  }
0x2d8: {  	v34 =	vor.u32 s23, v0;
	v33 =	vshll.u32 v35, $0x7;
	v32 =	vand.u32 $0xFFFFFF80, v39  }
0x2d9: {  	v41 =	vadd.s32 v38, v37;
	v40 =	vand.u32 $0x7F, v39;
	v32 =	vadd.s32 v33, v32  }
0x2da: {  	v42 =	vand.u32 $0xFFFFFF80, v41;
	v40 =	vor.u32 v40, v32;
	v32 =	vshll.u32 v34, $0x7  }
0x2db: {  	v43 =	vand.u32 $0x7F, v41;
	v42 =	vadd.s32 v32, v42  }
0x2dc: {  	v42 =	vor.u32 v43, v42  }
0x2dd: {  	v38 =	vshll.u32 v38, $0x7  }
0x2de: {  	v58 =	vadd.s32 $0x10, v39;
	v44 =	vor.u32 v35, v38  }
0x2df: {  	v46 =	vadd.s32 $0x10, v41;
	v47 =	vor.u32 v34, v38;
	v45 =	vand.u32 $0xFFFFFF80, v58  }
0x2e0: {  	v59 =	vand.u32 $0xFFFFFF80, v46;
	v45 =	vadd.s32 v33, v45;
	v43 =	vand.u32 $0x7F, v58;
	v40 =	vld.idx.msk [tilespmem:v40+s15+$0x0], $0xffff  }
0x2e1: {  	v46 =	vand.u32 $0x7F, v46;
	v43 =	vor.u32 v43, v45;
	v45 =	vadd.s32 v32, v59;
	v42 =	vld.idx.msk [tilespmem:v42+s15+$0x0], $0xffff  }
0x2e2: {  	v45 =	vor.u32 v46, v45  }
0x2e3: {  	v60 =	vadd.s32 $0x800, v38  }
0x2e4: {  	v48 =	vadd.s32 $0x20, v39;
	v49 =	vadd.s32 $0x20, v41;
	v61 =	vor.u32 v35, v60  }
0x2e5: {  	v62 =	vand.u32 $0xFFFFFF80, v48;
	v48 =	vand.u32 $0x7F, v48;
	v63 =	vand.u32 $0xFFFFFF80, v49;
	[tilespmem:v44+s16+$0x0] =	vst.idx.msk $0xffff, v40  }
0x2e6: {  	v46 =	vor.u32 v34, v60;
	v44 =	vadd.s32 v33, v62;
	v43 =	vld.idx.msk [tilespmem:v43+s15+$0x0], $0xffff;
	[tilespmem:v47+s16+$0x0] =	vst.idx.msk $0xffff, v42  }
0x2e7: {  	v44 =	vor.u32 v48, v44;
	v48 =	vand.u32 $0x7F, v49;
	v42 =	vadd.s32 v32, v63;
	v45 =	vld.idx.msk [tilespmem:v45+s15+$0x0], $0xffff  }
0x2e8: {  	v42 =	vor.u32 v48, v42  }
0x2e9: {  	v39 =	vadd.s32 $0x30, v39  }
0x2ea: {  	v41 =	vadd.s32 $0x30, v41;
	v51 =	vand.u32 $0xFFFFFF80, v39;
	v39 =	vand.u32 $0x7F, v39  }
0x2eb: {  	v52 =	vand.u32 $0xFFFFFF80, v41;
	v41 =	vand.u32 $0x7F, v41;
	v49 =	vadd.s32 $0x1000, v38;
	[tilespmem:v61+s16+$0x0] =	vst.idx.msk $0xffff, v43  }
0x2ec: {  	v50 =	vor.u32 v35, v49;
	v43 =	vadd.s32 v33, v51;
	v44 =	vld.idx.msk [tilespmem:v44+s15+$0x0], $0xffff;
	[tilespmem:v46+s16+$0x0] =	vst.idx.msk $0xffff, v45  }
0x2ed: {  	v53 =	vor.u32 v34, v49;
	v39 =	vor.u32 v39, v43;
	v43 =	vadd.s32 v32, v52;
	v42 =	vld.idx.msk [tilespmem:v42+s15+$0x0], $0xffff  }
0x2ee: {  	v41 =	vor.u32 v41, v43;
	_ =	sdelay $0x2  }
0x2ef: {  	v38 =	vadd.s32 $0x1800, v38;
	[tilespmem:v50+s16+$0x0] =	vst.idx.msk $0xffff, v44  }
0x2f0: {  	v54 =	vor.u32 v35, v38;
	v39 =	vld.idx.msk [tilespmem:v39+s15+$0x0], $0xffff;
	[tilespmem:v53+s16+$0x0] =	vst.idx.msk $0xffff, v42  }
0x2f1: {  	v38 =	vor.u32 v34, v38;
	v41 =	vld.idx.msk [tilespmem:v41+s15+$0x0], $0xffff;
	_ =	sdelay $0x3  }
0x2f2: {  	[tilespmem:v54+s16+$0x0] =	vst.idx.msk $0xffff, v39  }
0x2f3: {  	v39 =	vld [tilespmem:$0x12610];
	[tilespmem:v38+s16+$0x0] =	vst.idx.msk $0xffff, v41  }
0x2f4: {  	v38 =	vld [tilespmem:$0x12610];
	_ =	sdelay $0x3  }
0x2f5: {  	v40 =	vadd.s32 v36, v39  }
0x2f6: {  	v55 =	vand.u32 $0xFFFFFF80, v40;
	v43 =	vadd.s32 v37, v38  }
0x2f7: {  	v56 =	vand.u32 $0x7F, v40;
	v41 =	vadd.s32 v33, v55;
	v57 =	vand.u32 $0xFFFFFF80, v43  }
0x2f8: {  	v41 =	vor.u32 v56, v41;
	v58 =	vand.u32 $0x7F, v43;
	v42 =	vadd.s32 v32, v57  }
0x2f9: {  	v42 =	vor.u32 v58, v42  }
0x2fa: {  	v39 =	vshll.u32 v39, $0x7;
	v59 =	vadd.s32 $0x10, v40  }
0x2fb: {  	v60 =	vor.u32 v35, v39;
	v61 =	vand.u32 $0xFFFFFF80, v59  }
0x2fc: {  	v44 =	vand.u32 $0x7F, v59;
	v38 =	vshll.u32 v38, $0x7;
	v62 =	vadd.s32 $0x10, v43  }
0x2fd: {  	v46 =	vadd.s32 v33, v61;
	v52 =	vor.u32 v34, v38;
	v63 =	vand.u32 $0xFFFFFF80, v62;
	v41 =	vld.idx.msk [tilespmem:v41+s15+$0x0], $0xffff  }
0x2fe: {  	v44 =	vor.u32 v44, v46;
	v47 =	vand.u32 $0x7F, v62;
	v46 =	vadd.s32 v32, v63;
	v42 =	vld.idx.msk [tilespmem:v42+s15+$0x0], $0xffff  }
0x2ff: {  	v46 =	vor.u32 v47, v46  }
0x300: {  	v39 =	vadd.s32 v35, v39;
	v53 =	vadd.s32 $0x20, v40  }
0x301: {  	v54 =	vadd.s32 $0x800, v39;
	v55 =	vand.u32 $0xFFFFFF80, v53  }
0x302: {  	v45 =	vadd.s32 v33, v55;
	v56 =	vadd.s32 $0x20, v43;
	v38 =	vadd.s32 v34, v38;
	[tilespmem:v60+s16+$0x0] =	vst.idx.msk $0xffff, v41  }
0x303: {  	v57 =	vand.u32 $0xFFFFFF80, v56;
	v59 =	vand.u32 $0x7F, v56;
	v47 =	vand.u32 $0x7F, v53;
	v44 =	vld.idx.msk [tilespmem:v44+s15+$0x0], $0xffff;
	[tilespmem:v52+s16+$0x0] =	vst.idx.msk $0xffff, v42  }
0x304: {  	v58 =	vadd.s32 $0x800, v38;
	v45 =	vor.u32 v47, v45;
	v42 =	vadd.s32 v32, v57;
	v46 =	vld.idx.msk [tilespmem:v46+s15+$0x0], $0xffff  }
0x305: {  	v42 =	vor.u32 v59, v42;
	_ =	sdelay $0x1  }
0x306: {  	v40 =	vadd.s32 $0x30, v40;
	v43 =	vadd.s32 $0x30, v43  }
0x307: {  	v61 =	vand.u32 $0xFFFFFF80, v40;
	v40 =	vand.u32 $0x7F, v40;
	v62 =	vand.u32 $0xFFFFFF80, v43;
	[tilespmem:v54+s16+$0x0] =	vst.idx.msk $0xffff, v44  }
0x308: {  	v43 =	vand.u32 $0x7F, v43;
	v60 =	vadd.s32 $0x1000, v39;
	v44 =	vadd.s32 v33, v61;
	v45 =	vld.idx.msk [tilespmem:v45+s15+$0x0], $0xffff;
	[tilespmem:v58+s16+$0x0] =	vst.idx.msk $0xffff, v46  }
0x309: {  	v63 =	vadd.s32 $0x1000, v38;
	v40 =	vor.u32 v40, v44;
	v44 =	vadd.s32 v32, v62;
	v42 =	vld.idx.msk [tilespmem:v42+s15+$0x0], $0xffff  }
0x30a: {  	v43 =	vor.u32 v43, v44;
	_ =	sdelay $0x2  }
0x30b: {  	[tilespmem:v60+s16+$0x0] =	vst.idx.msk $0xffff, v45  }
0x30c: {  	v39 =	vadd.s32 $0x1800, v39;
	v40 =	vld.idx.msk [tilespmem:v40+s15+$0x0], $0xffff;
	[tilespmem:v63+s16+$0x0] =	vst.idx.msk $0xffff, v42  }
0x30d: {  	v38 =	vadd.s32 $0x1800, v38;
	v46 =	vld.idx.msk [tilespmem:v43+s15+$0x0], $0xffff;
	_ =	sdelay $0x3  }
0x30e: {  	[tilespmem:v39+s16+$0x0] =	vst.idx.msk $0xffff, v40  }
0x30f: {  	v39 =	vld [tilespmem:$0x12620];
	[tilespmem:v38+s16+$0x0] =	vst.idx.msk $0xffff, v46  }
0x310: {  	v38 =	vld [tilespmem:$0x12620];
	_ =	sdelay $0x3  }
0x311: {  	v40 =	vadd.s32 v36, v39  }
0x312: {  	v47 =	vand.u32 $0xFFFFFF80, v40;
	v43 =	vadd.s32 v37, v38  }
0x313: {  	v48 =	vand.u32 $0x7F, v40;
	v41 =	vadd.s32 v33, v47;
	v49 =	vand.u32 $0xFFFFFF80, v43  }
0x314: {  	v41 =	vor.u32 v48, v41;
	v50 =	vand.u32 $0x7F, v43;
	v42 =	vadd.s32 v32, v49  }
0x315: {  	v42 =	vor.u32 v50, v42  }
0x316: {  	v39 =	vshll.u32 v39, $0x7;
	v51 =	vadd.s32 $0x10, v40  }
0x317: {  	v52 =	vor.u32 v35, v39;
	v53 =	vand.u32 $0xFFFFFF80, v51  }
0x318: {  	v44 =	vand.u32 $0x7F, v51;
	v38 =	vshll.u32 v38, $0x7;
	v54 =	vadd.s32 $0x10, v43  }
0x319: {  	v46 =	vadd.s32 v33, v53;
	v56 =	vor.u32 v34, v38;
	v55 =	vand.u32 $0xFFFFFF80, v54;
	v41 =	vld.idx.msk [tilespmem:v41+s15+$0x0], $0xffff  }
0x31a: {  	v44 =	vor.u32 v44, v46;
	v47 =	vand.u32 $0x7F, v54;
	v46 =	vadd.s32 v32, v55;
	v42 =	vld.idx.msk [tilespmem:v42+s15+$0x0], $0xffff  }
0x31b: {  	v46 =	vor.u32 v47, v46  }
0x31c: {  	v39 =	vadd.s32 v35, v39;
	v57 =	vadd.s32 $0x20, v40  }
0x31d: {  	v58 =	vadd.s32 $0x800, v39;
	v59 =	vand.u32 $0xFFFFFF80, v57  }
0x31e: {  	v45 =	vadd.s32 v33, v59;
	v60 =	vadd.s32 $0x20, v43;
	v38 =	vadd.s32 v34, v38;
	[tilespmem:v52+s16+$0x0] =	vst.idx.msk $0xffff, v41  }
0x31f: {  	v61 =	vand.u32 $0xFFFFFF80, v60;
	v62 =	vadd.s32 $0x800, v38;
	v47 =	vand.u32 $0x7F, v57;
	v44 =	vld.idx.msk [tilespmem:v44+s15+$0x0], $0xffff;
	[tilespmem:v56+s16+$0x0] =	vst.idx.msk $0xffff, v42  }
0x320: {  	v63 =	vand.u32 $0x7F, v60;
	v45 =	vor.u32 v47, v45;
	v42 =	vadd.s32 v32, v61;
	v46 =	vld.idx.msk [tilespmem:v46+s15+$0x0], $0xffff  }
0x321: {  	v42 =	vor.u32 v63, v42  }
0x322: {  	v40 =	vadd.s32 $0x30, v40  }
0x323: {  	v51 =	vand.u32 $0xFFFFFF80, v40  }
0x324: {  	v40 =	vand.u32 $0x7F, v40;
	v43 =	vadd.s32 $0x30, v43;
	v53 =	vadd.s32 $0x1000, v38;
	[tilespmem:v58+s16+$0x0] =	vst.idx.msk $0xffff, v44  }
0x325: {  	v50 =	vadd.s32 $0x1000, v39;
	v52 =	vand.u32 $0xFFFFFF80, v43;
	v44 =	vadd.s32 v33, v51;
	v45 =	vld.idx.msk [tilespmem:v45+s15+$0x0], $0xffff;
	[tilespmem:v62+s16+$0x0] =	vst.idx.msk $0xffff, v46  }
0x326: {  	v43 =	vand.u32 $0x7F, v43;
	v40 =	vor.u32 v40, v44;
	v44 =	vadd.s32 v32, v52;
	v42 =	vld.idx.msk [tilespmem:v42+s15+$0x0], $0xffff  }
0x327: {  	v43 =	vor.u32 v43, v44;
	_ =	sdelay $0x2  }
0x328: {  	[tilespmem:v50+s16+$0x0] =	vst.idx.msk $0xffff, v45  }
0x329: {  	v39 =	vadd.s32 $0x1800, v39;
	v40 =	vld.idx.msk [tilespmem:v40+s15+$0x0], $0xffff;
	[tilespmem:v53+s16+$0x0] =	vst.idx.msk $0xffff, v42  }
0x32a: {  	v38 =	vadd.s32 $0x1800, v38;
	v54 =	vld.idx.msk [tilespmem:v43+s15+$0x0], $0xffff;
	_ =	sdelay $0x3  }
0x32b: {  	[tilespmem:v39+s16+$0x0] =	vst.idx.msk $0xffff, v40  }
0x32c: {  	v39 =	vld [tilespmem:$0x12630];
	[tilespmem:v38+s16+$0x0] =	vst.idx.msk $0xffff, v54  }
0x32d: {  	v38 =	vld [tilespmem:$0x12630];
	_ =	sdelay $0x3  }
0x32e: {  	v40 =	vadd.s32 v36, v39  }
0x32f: {  	v55 =	vand.u32 $0xFFFFFF80, v40;
	v43 =	vadd.s32 v37, v38  }
0x330: {  	v56 =	vand.u32 $0x7F, v40;
	v41 =	vadd.s32 v33, v55;
	v57 =	vand.u32 $0xFFFFFF80, v43  }
0x331: {  	v41 =	vor.u32 v56, v41;
	v58 =	vand.u32 $0x7F, v43;
	v42 =	vadd.s32 v32, v57  }
0x332: {  	v42 =	vor.u32 v58, v42  }
0x333: {  	v39 =	vshll.u32 v39, $0x7;
	v59 =	vadd.s32 $0x10, v40  }
0x334: {  	v60 =	vor.u32 v35, v39;
	v61 =	vand.u32 $0xFFFFFF80, v59  }
0x335: {  	v44 =	vand.u32 $0x7F, v59;
	v38 =	vshll.u32 v38, $0x7;
	v62 =	vadd.s32 $0x10, v43  }
0x336: {  	v46 =	vadd.s32 v33, v61;
	v52 =	vor.u32 v34, v38;
	v63 =	vand.u32 $0xFFFFFF80, v62;
	v41 =	vld.idx.msk [tilespmem:v41+s15+$0x0], $0xffff  }
0x337: {  	v44 =	vor.u32 v44, v46;
	v47 =	vand.u32 $0x7F, v62;
	v46 =	vadd.s32 v32, v63;
	v42 =	vld.idx.msk [tilespmem:v42+s15+$0x0], $0xffff  }
0x338: {  	v46 =	vor.u32 v47, v46  }
0x339: {  	v39 =	vadd.s32 v35, v39;
	v53 =	vadd.s32 $0x20, v40  }
0x33a: {  	v54 =	vadd.s32 $0x800, v39;
	v55 =	vand.u32 $0xFFFFFF80, v53  }
0x33b: {  	v45 =	vadd.s32 v33, v55;
	v56 =	vadd.s32 $0x20, v43;
	v38 =	vadd.s32 v34, v38;
	[tilespmem:v60+s16+$0x0] =	vst.idx.msk $0xffff, v41  }
0x33c: {  	v57 =	vand.u32 $0xFFFFFF80, v56;
	v59 =	vand.u32 $0x7F, v56;
	v47 =	vand.u32 $0x7F, v53;
	v44 =	vld.idx.msk [tilespmem:v44+s15+$0x0], $0xffff;
	[tilespmem:v52+s16+$0x0] =	vst.idx.msk $0xffff, v42  }
0x33d: {  	v58 =	vadd.s32 $0x800, v38;
	v45 =	vor.u32 v47, v45;
	v42 =	vadd.s32 v32, v57;
	v46 =	vld.idx.msk [tilespmem:v46+s15+$0x0], $0xffff  }
0x33e: {  	v42 =	vor.u32 v59, v42;
	_ =	sdelay $0x1  }
0x33f: {  	v40 =	vadd.s32 $0x30, v40;
	v43 =	vadd.s32 $0x30, v43  }
0x340: {  	v61 =	vand.u32 $0xFFFFFF80, v40;
	v40 =	vand.u32 $0x7F, v40;
	v62 =	vand.u32 $0xFFFFFF80, v43;
	[tilespmem:v54+s16+$0x0] =	vst.idx.msk $0xffff, v44  }
0x341: {  	v43 =	vand.u32 $0x7F, v43;
	v60 =	vadd.s32 $0x1000, v39;
	v44 =	vadd.s32 v33, v61;
	v45 =	vld.idx.msk [tilespmem:v45+s15+$0x0], $0xffff;
	[tilespmem:v58+s16+$0x0] =	vst.idx.msk $0xffff, v46  }
0x342: {  	v63 =	vadd.s32 $0x1000, v38;
	v40 =	vor.u32 v40, v44;
	v44 =	vadd.s32 v32, v62;
	v42 =	vld.idx.msk [tilespmem:v42+s15+$0x0], $0xffff  }
0x343: {  	v43 =	vor.u32 v43, v44;
	_ =	sdelay $0x2  }
0x344: {  	[tilespmem:v60+s16+$0x0] =	vst.idx.msk $0xffff, v45  }
0x345: {  	v39 =	vadd.s32 $0x1800, v39;
	v40 =	vld.idx.msk [tilespmem:v40+s15+$0x0], $0xffff;
	[tilespmem:v63+s16+$0x0] =	vst.idx.msk $0xffff, v42  }
0x346: {  	v38 =	vadd.s32 $0x1800, v38;
	v46 =	vld.idx.msk [tilespmem:v43+s15+$0x0], $0xffff;
	_ =	sdelay $0x3  }
0x347: {  	[tilespmem:v39+s16+$0x0] =	vst.idx.msk $0xffff, v40  }
0x348: {  	v39 =	vld [tilespmem:$0x12640];
	[tilespmem:v38+s16+$0x0] =	vst.idx.msk $0xffff, v46  }
0x349: {  	v38 =	vld [tilespmem:$0x12640];
	_ =	sdelay $0x3  }
0x34a: {  	v40 =	vadd.s32 v36, v39  }
0x34b: {  	v47 =	vand.u32 $0xFFFFFF80, v40;
	v43 =	vadd.s32 v37, v38  }
0x34c: {  	v48 =	vand.u32 $0x7F, v40;
	v41 =	vadd.s32 v33, v47;
	v49 =	vand.u32 $0xFFFFFF80, v43  }
0x34d: {  	v41 =	vor.u32 v48, v41;
	v50 =	vand.u32 $0x7F, v43;
	v42 =	vadd.s32 v32, v49  }
0x34e: {  	v42 =	vor.u32 v50, v42  }
0x34f: {  	v39 =	vshll.u32 v39, $0x7;
	v51 =	vadd.s32 $0x10, v40  }
0x350: {  	v52 =	vor.u32 v35, v39;
	v53 =	vand.u32 $0xFFFFFF80, v51  }
0x351: {  	v44 =	vand.u32 $0x7F, v51;
	v38 =	vshll.u32 v38, $0x7;
	v54 =	vadd.s32 $0x10, v43  }
0x352: {  	v46 =	vadd.s32 v33, v53;
	v56 =	vor.u32 v34, v38;
	v55 =	vand.u32 $0xFFFFFF80, v54;
	v41 =	vld.idx.msk [tilespmem:v41+s15+$0x0], $0xffff  }
0x353: {  	v44 =	vor.u32 v44, v46;
	v47 =	vand.u32 $0x7F, v54;
	v46 =	vadd.s32 v32, v55;
	v42 =	vld.idx.msk [tilespmem:v42+s15+$0x0], $0xffff  }
0x354: {  	v46 =	vor.u32 v47, v46  }
0x355: {  	v39 =	vadd.s32 v35, v39;
	v57 =	vadd.s32 $0x20, v40  }
0x356: {  	v58 =	vadd.s32 $0x800, v39;
	v59 =	vand.u32 $0xFFFFFF80, v57  }
0x357: {  	v45 =	vadd.s32 v33, v59;
	v60 =	vadd.s32 $0x20, v43;
	v38 =	vadd.s32 v34, v38;
	[tilespmem:v52+s16+$0x0] =	vst.idx.msk $0xffff, v41  }
0x358: {  	v61 =	vand.u32 $0xFFFFFF80, v60;
	v62 =	vadd.s32 $0x800, v38;
	v47 =	vand.u32 $0x7F, v57;
	v44 =	vld.idx.msk [tilespmem:v44+s15+$0x0], $0xffff;
	[tilespmem:v56+s16+$0x0] =	vst.idx.msk $0xffff, v42  }
0x359: {  	v63 =	vand.u32 $0x7F, v60;
	v45 =	vor.u32 v47, v45;
	v42 =	vadd.s32 v32, v61;
	v46 =	vld.idx.msk [tilespmem:v46+s15+$0x0], $0xffff  }
0x35a: {  	v42 =	vor.u32 v63, v42  }
0x35b: {  	v40 =	vadd.s32 $0x30, v40  }
0x35c: {  	v51 =	vand.u32 $0xFFFFFF80, v40  }
0x35d: {  	v40 =	vand.u32 $0x7F, v40;
	v43 =	vadd.s32 $0x30, v43;
	v53 =	vadd.s32 $0x1000, v38;
	[tilespmem:v58+s16+$0x0] =	vst.idx.msk $0xffff, v44  }
0x35e: {  	v50 =	vadd.s32 $0x1000, v39;
	v52 =	vand.u32 $0xFFFFFF80, v43;
	v44 =	vadd.s32 v33, v51;
	v45 =	vld.idx.msk [tilespmem:v45+s15+$0x0], $0xffff;
	[tilespmem:v62+s16+$0x0] =	vst.idx.msk $0xffff, v46  }
0x35f: {  	v43 =	vand.u32 $0x7F, v43;
	v40 =	vor.u32 v40, v44;
	v44 =	vadd.s32 v32, v52;
	v42 =	vld.idx.msk [tilespmem:v42+s15+$0x0], $0xffff  }
0x360: {  	v43 =	vor.u32 v43, v44;
	_ =	sdelay $0x2  }
0x361: {  	[tilespmem:v50+s16+$0x0] =	vst.idx.msk $0xffff, v45  }
0x362: {  	v39 =	vadd.s32 $0x1800, v39;
	v40 =	vld.idx.msk [tilespmem:v40+s15+$0x0], $0xffff;
	[tilespmem:v53+s16+$0x0] =	vst.idx.msk $0xffff, v42  }
0x363: {  	v38 =	vadd.s32 $0x1800, v38;
	v54 =	vld.idx.msk [tilespmem:v43+s15+$0x0], $0xffff;
	_ =	sdelay $0x3  }
0x364: {  	[tilespmem:v39+s16+$0x0] =	vst.idx.msk $0xffff, v40  }
0x365: {  	v39 =	vld [tilespmem:$0x12650];
	[tilespmem:v38+s16+$0x0] =	vst.idx.msk $0xffff, v54  }
0x366: {  	v38 =	vld [tilespmem:$0x12650];
	_ =	sdelay $0x3  }
0x367: {  	v40 =	vadd.s32 v36, v39  }
0x368: {  	v55 =	vand.u32 $0xFFFFFF80, v40;
	v43 =	vadd.s32 v37, v38  }
0x369: {  	v56 =	vand.u32 $0x7F, v40;
	v41 =	vadd.s32 v33, v55;
	v57 =	vand.u32 $0xFFFFFF80, v43  }
0x36a: {  	v41 =	vor.u32 v56, v41;
	v58 =	vand.u32 $0x7F, v43;
	v42 =	vadd.s32 v32, v57  }
0x36b: {  	v42 =	vor.u32 v58, v42  }
0x36c: {  	v39 =	vshll.u32 v39, $0x7;
	v59 =	vadd.s32 $0x10, v40  }
0x36d: {  	v60 =	vor.u32 v35, v39;
	v61 =	vand.u32 $0xFFFFFF80, v59  }
0x36e: {  	v44 =	vand.u32 $0x7F, v59;
	v38 =	vshll.u32 v38, $0x7;
	v62 =	vadd.s32 $0x10, v43  }
0x36f: {  	v46 =	vadd.s32 v33, v61;
	v52 =	vor.u32 v34, v38;
	v63 =	vand.u32 $0xFFFFFF80, v62;
	v41 =	vld.idx.msk [tilespmem:v41+s15+$0x0], $0xffff  }
0x370: {  	v44 =	vor.u32 v44, v46;
	v47 =	vand.u32 $0x7F, v62;
	v46 =	vadd.s32 v32, v63;
	v42 =	vld.idx.msk [tilespmem:v42+s15+$0x0], $0xffff  }
0x371: {  	v46 =	vor.u32 v47, v46  }
0x372: {  	v39 =	vadd.s32 v35, v39;
	v53 =	vadd.s32 $0x20, v40  }
0x373: {  	v54 =	vadd.s32 $0x800, v39;
	v55 =	vand.u32 $0xFFFFFF80, v53  }
0x374: {  	v45 =	vadd.s32 v33, v55;
	v56 =	vadd.s32 $0x20, v43;
	v38 =	vadd.s32 v34, v38;
	[tilespmem:v60+s16+$0x0] =	vst.idx.msk $0xffff, v41  }
0x375: {  	v57 =	vand.u32 $0xFFFFFF80, v56;
	v59 =	vand.u32 $0x7F, v56;
	v47 =	vand.u32 $0x7F, v53;
	v44 =	vld.idx.msk [tilespmem:v44+s15+$0x0], $0xffff;
	[tilespmem:v52+s16+$0x0] =	vst.idx.msk $0xffff, v42  }
0x376: {  	v58 =	vadd.s32 $0x800, v38;
	v45 =	vor.u32 v47, v45;
	v42 =	vadd.s32 v32, v57;
	v46 =	vld.idx.msk [tilespmem:v46+s15+$0x0], $0xffff  }
0x377: {  	v42 =	vor.u32 v59, v42;
	_ =	sdelay $0x1  }
0x378: {  	v40 =	vadd.s32 $0x30, v40;
	v43 =	vadd.s32 $0x30, v43  }
0x379: {  	v61 =	vand.u32 $0xFFFFFF80, v40;
	v40 =	vand.u32 $0x7F, v40;
	v62 =	vand.u32 $0xFFFFFF80, v43;
	[tilespmem:v54+s16+$0x0] =	vst.idx.msk $0xffff, v44  }
0x37a: {  	v43 =	vand.u32 $0x7F, v43;
	v60 =	vadd.s32 $0x1000, v39;
	v44 =	vadd.s32 v33, v61;
	v45 =	vld.idx.msk [tilespmem:v45+s15+$0x0], $0xffff;
	[tilespmem:v58+s16+$0x0] =	vst.idx.msk $0xffff, v46  }
0x37b: {  	v63 =	vadd.s32 $0x1000, v38;
	v40 =	vor.u32 v40, v44;
	v44 =	vadd.s32 v32, v62;
	v42 =	vld.idx.msk [tilespmem:v42+s15+$0x0], $0xffff  }
0x37c: {  	v43 =	vor.u32 v43, v44;
	_ =	sdelay $0x2  }
0x37d: {  	[tilespmem:v60+s16+$0x0] =	vst.idx.msk $0xffff, v45  }
0x37e: {  	v39 =	vadd.s32 $0x1800, v39;
	v40 =	vld.idx.msk [tilespmem:v40+s15+$0x0], $0xffff;
	[tilespmem:v63+s16+$0x0] =	vst.idx.msk $0xffff, v42  }
0x37f: {  	v38 =	vadd.s32 $0x1800, v38;
	v46 =	vld.idx.msk [tilespmem:v43+s15+$0x0], $0xffff;
	_ =	sdelay $0x3  }
0x380: {  	[tilespmem:v39+s16+$0x0] =	vst.idx.msk $0xffff, v40  }
0x381: {  	v39 =	vld [tilespmem:$0x12660];
	[tilespmem:v38+s16+$0x0] =	vst.idx.msk $0xffff, v46  }
0x382: {  	v38 =	vld [tilespmem:$0x12660];
	_ =	sdelay $0x3  }
0x383: {  	v40 =	vadd.s32 v36, v39  }
0x384: {  	v47 =	vand.u32 $0xFFFFFF80, v40;
	v43 =	vadd.s32 v37, v38  }
0x385: {  	v48 =	vand.u32 $0x7F, v40;
	v41 =	vadd.s32 v33, v47;
	v49 =	vand.u32 $0xFFFFFF80, v43  }
0x386: {  	v41 =	vor.u32 v48, v41;
	v50 =	vand.u32 $0x7F, v43;
	v42 =	vadd.s32 v32, v49  }
0x387: {  	v42 =	vor.u32 v50, v42  }
0x388: {  	v39 =	vshll.u32 v39, $0x7;
	v51 =	vadd.s32 $0x10, v40  }
0x389: {  	v52 =	vor.u32 v35, v39;
	v53 =	vand.u32 $0xFFFFFF80, v51  }
0x38a: {  	v44 =	vand.u32 $0x7F, v51;
	v38 =	vshll.u32 v38, $0x7;
	v54 =	vadd.s32 $0x10, v43  }
0x38b: {  	v46 =	vadd.s32 v33, v53;
	v56 =	vor.u32 v34, v38;
	v55 =	vand.u32 $0xFFFFFF80, v54;
	v41 =	vld.idx.msk [tilespmem:v41+s15+$0x0], $0xffff  }
0x38c: {  	v44 =	vor.u32 v44, v46;
	v47 =	vand.u32 $0x7F, v54;
	v46 =	vadd.s32 v32, v55;
	v42 =	vld.idx.msk [tilespmem:v42+s15+$0x0], $0xffff  }
0x38d: {  	v46 =	vor.u32 v47, v46  }
0x38e: {  	v39 =	vadd.s32 v35, v39;
	v57 =	vadd.s32 $0x20, v40  }
0x38f: {  	v58 =	vadd.s32 $0x800, v39;
	v59 =	vand.u32 $0xFFFFFF80, v57  }
0x390: {  	v45 =	vadd.s32 v33, v59;
	v60 =	vadd.s32 $0x20, v43;
	v38 =	vadd.s32 v34, v38;
	[tilespmem:v52+s16+$0x0] =	vst.idx.msk $0xffff, v41  }
0x391: {  	v61 =	vand.u32 $0xFFFFFF80, v60;
	v62 =	vadd.s32 $0x800, v38;
	v47 =	vand.u32 $0x7F, v57;
	v44 =	vld.idx.msk [tilespmem:v44+s15+$0x0], $0xffff;
	[tilespmem:v56+s16+$0x0] =	vst.idx.msk $0xffff, v42  }
0x392: {  	v63 =	vand.u32 $0x7F, v60;
	v45 =	vor.u32 v47, v45;
	v42 =	vadd.s32 v32, v61;
	v46 =	vld.idx.msk [tilespmem:v46+s15+$0x0], $0xffff  }
0x393: {  	v42 =	vor.u32 v63, v42  }
0x394: {  	v40 =	vadd.s32 $0x30, v40  }
0x395: {  	v51 =	vand.u32 $0xFFFFFF80, v40  }
0x396: {  	v40 =	vand.u32 $0x7F, v40;
	v43 =	vadd.s32 $0x30, v43;
	v53 =	vadd.s32 $0x1000, v38;
	[tilespmem:v58+s16+$0x0] =	vst.idx.msk $0xffff, v44  }
0x397: {  	v50 =	vadd.s32 $0x1000, v39;
	v52 =	vand.u32 $0xFFFFFF80, v43;
	v44 =	vadd.s32 v33, v51;
	v45 =	vld.idx.msk [tilespmem:v45+s15+$0x0], $0xffff;
	[tilespmem:v62+s16+$0x0] =	vst.idx.msk $0xffff, v46  }
0x398: {  	v43 =	vand.u32 $0x7F, v43;
	v40 =	vor.u32 v40, v44;
	v44 =	vadd.s32 v32, v52;
	v42 =	vld.idx.msk [tilespmem:v42+s15+$0x0], $0xffff  }
0x399: {  	v43 =	vor.u32 v43, v44;
	_ =	sdelay $0x2  }
0x39a: {  	[tilespmem:v50+s16+$0x0] =	vst.idx.msk $0xffff, v45  }
0x39b: {  	v39 =	vadd.s32 $0x1800, v39;
	v40 =	vld.idx.msk [tilespmem:v40+s15+$0x0], $0xffff;
	[tilespmem:v53+s16+$0x0] =	vst.idx.msk $0xffff, v42  }
0x39c: {  	v38 =	vadd.s32 $0x1800, v38;
	v54 =	vld.idx.msk [tilespmem:v43+s15+$0x0], $0xffff;
	_ =	sdelay $0x3  }
0x39d: {  	[tilespmem:v39+s16+$0x0] =	vst.idx.msk $0xffff, v40  }
0x39e: {  	v39 =	vld [tilespmem:$0x12670];
	[tilespmem:v38+s16+$0x0] =	vst.idx.msk $0xffff, v54  }
0x39f: {  	v38 =	vld [tilespmem:$0x12670];
	_ =	sdelay $0x3  }
0x3a0: {  	v40 =	vadd.s32 v36, v39  }
0x3a1: {  	v55 =	vand.u32 $0xFFFFFF80, v40;
	v43 =	vadd.s32 v37, v38  }
0x3a2: {  	v56 =	vand.u32 $0x7F, v40;
	v41 =	vadd.s32 v33, v55;
	v57 =	vand.u32 $0xFFFFFF80, v43  }
0x3a3: {  	v41 =	vor.u32 v56, v41;
	v58 =	vand.u32 $0x7F, v43;
	v42 =	vadd.s32 v32, v57  }
0x3a4: {  	v42 =	vor.u32 v58, v42  }
0x3a5: {  	v39 =	vshll.u32 v39, $0x7;
	v59 =	vadd.s32 $0x10, v40  }
0x3a6: {  	v60 =	vor.u32 v35, v39;
	v61 =	vand.u32 $0xFFFFFF80, v59  }
0x3a7: {  	v44 =	vand.u32 $0x7F, v59;
	v38 =	vshll.u32 v38, $0x7;
	v62 =	vadd.s32 $0x10, v43  }
0x3a8: {  	v46 =	vadd.s32 v33, v61;
	v52 =	vor.u32 v34, v38;
	v63 =	vand.u32 $0xFFFFFF80, v62;
	v41 =	vld.idx.msk [tilespmem:v41+s15+$0x0], $0xffff  }
0x3a9: {  	v44 =	vor.u32 v44, v46;
	v47 =	vand.u32 $0x7F, v62;
	v46 =	vadd.s32 v32, v63;
	v42 =	vld.idx.msk [tilespmem:v42+s15+$0x0], $0xffff  }
0x3aa: {  	v46 =	vor.u32 v47, v46  }
0x3ab: {  	v39 =	vadd.s32 v35, v39;
	v53 =	vadd.s32 $0x20, v40  }
0x3ac: {  	v54 =	vadd.s32 $0x800, v39;
	v55 =	vand.u32 $0xFFFFFF80, v53  }
0x3ad: {  	v45 =	vadd.s32 v33, v55;
	v56 =	vadd.s32 $0x20, v43;
	v38 =	vadd.s32 v34, v38;
	[tilespmem:v60+s16+$0x0] =	vst.idx.msk $0xffff, v41  }
0x3ae: {  	v57 =	vand.u32 $0xFFFFFF80, v56;
	v59 =	vand.u32 $0x7F, v56;
	v47 =	vand.u32 $0x7F, v53;
	v44 =	vld.idx.msk [tilespmem:v44+s15+$0x0], $0xffff;
	[tilespmem:v52+s16+$0x0] =	vst.idx.msk $0xffff, v42  }
0x3af: {  	v58 =	vadd.s32 $0x800, v38;
	v45 =	vor.u32 v47, v45;
	v42 =	vadd.s32 v32, v57;
	v46 =	vld.idx.msk [tilespmem:v46+s15+$0x0], $0xffff  }
0x3b0: {  	v42 =	vor.u32 v59, v42;
	_ =	sdelay $0x1  }
0x3b1: {  	v40 =	vadd.s32 $0x30, v40;
	v43 =	vadd.s32 $0x30, v43  }
0x3b2: {  	v61 =	vand.u32 $0xFFFFFF80, v40;
	v40 =	vand.u32 $0x7F, v40;
	v62 =	vand.u32 $0xFFFFFF80, v43;
	[tilespmem:v54+s16+$0x0] =	vst.idx.msk $0xffff, v44  }
0x3b3: {  	v43 =	vand.u32 $0x7F, v43;
	v60 =	vadd.s32 $0x1000, v39;
	v44 =	vadd.s32 v33, v61;
	v45 =	vld.idx.msk [tilespmem:v45+s15+$0x0], $0xffff;
	[tilespmem:v58+s16+$0x0] =	vst.idx.msk $0xffff, v46  }
0x3b4: {  	v63 =	vadd.s32 $0x1000, v38;
	v40 =	vor.u32 v40, v44;
	v44 =	vadd.s32 v32, v62;
	v42 =	vld.idx.msk [tilespmem:v42+s15+$0x0], $0xffff  }
0x3b5: {  	v43 =	vor.u32 v43, v44;
	_ =	sdelay $0x2  }
0x3b6: {  	[tilespmem:v60+s16+$0x0] =	vst.idx.msk $0xffff, v45  }
0x3b7: {  	v39 =	vadd.s32 $0x1800, v39;
	v40 =	vld.idx.msk [tilespmem:v40+s15+$0x0], $0xffff;
	[tilespmem:v63+s16+$0x0] =	vst.idx.msk $0xffff, v42  }
0x3b8: {  	v38 =	vadd.s32 $0x1800, v38;
	v46 =	vld.idx.msk [tilespmem:v43+s15+$0x0], $0xffff;
	_ =	sdelay $0x3  }
0x3b9: {  	[tilespmem:v39+s16+$0x0] =	vst.idx.msk $0xffff, v40  }
0x3ba: {  	v39 =	vld [tilespmem:$0x12680];
	[tilespmem:v38+s16+$0x0] =	vst.idx.msk $0xffff, v46  }
0x3bb: {  	v38 =	vld [tilespmem:$0x12680];
	_ =	sdelay $0x3  }
0x3bc: {  	v40 =	vadd.s32 v36, v39  }
0x3bd: {  	v47 =	vand.u32 $0xFFFFFF80, v40;
	v43 =	vadd.s32 v37, v38  }
0x3be: {  	v48 =	vand.u32 $0x7F, v40;
	v41 =	vadd.s32 v33, v47;
	v49 =	vand.u32 $0xFFFFFF80, v43  }
0x3bf: {  	v41 =	vor.u32 v48, v41;
	v50 =	vand.u32 $0x7F, v43;
	v42 =	vadd.s32 v32, v49  }
0x3c0: {  	v42 =	vor.u32 v50, v42  }
0x3c1: {  	v39 =	vshll.u32 v39, $0x7;
	v51 =	vadd.s32 $0x10, v40  }
0x3c2: {  	v52 =	vor.u32 v35, v39;
	v53 =	vand.u32 $0xFFFFFF80, v51  }
0x3c3: {  	v44 =	vand.u32 $0x7F, v51;
	v38 =	vshll.u32 v38, $0x7;
	v54 =	vadd.s32 $0x10, v43  }
0x3c4: {  	v46 =	vadd.s32 v33, v53;
	v56 =	vor.u32 v34, v38;
	v55 =	vand.u32 $0xFFFFFF80, v54;
	v41 =	vld.idx.msk [tilespmem:v41+s15+$0x0], $0xffff  }
0x3c5: {  	v44 =	vor.u32 v44, v46;
	v47 =	vand.u32 $0x7F, v54;
	v46 =	vadd.s32 v32, v55;
	v42 =	vld.idx.msk [tilespmem:v42+s15+$0x0], $0xffff  }
0x3c6: {  	v46 =	vor.u32 v47, v46  }
0x3c7: {  	v39 =	vadd.s32 v35, v39;
	v57 =	vadd.s32 $0x20, v40  }
0x3c8: {  	v58 =	vadd.s32 $0x800, v39;
	v59 =	vand.u32 $0xFFFFFF80, v57  }
0x3c9: {  	v45 =	vadd.s32 v33, v59;
	v60 =	vadd.s32 $0x20, v43;
	v38 =	vadd.s32 v34, v38;
	[tilespmem:v52+s16+$0x0] =	vst.idx.msk $0xffff, v41  }
0x3ca: {  	v61 =	vand.u32 $0xFFFFFF80, v60;
	v62 =	vadd.s32 $0x800, v38;
	v47 =	vand.u32 $0x7F, v57;
	v44 =	vld.idx.msk [tilespmem:v44+s15+$0x0], $0xffff;
	[tilespmem:v56+s16+$0x0] =	vst.idx.msk $0xffff, v42  }
0x3cb: {  	v63 =	vand.u32 $0x7F, v60;
	v45 =	vor.u32 v47, v45;
	v42 =	vadd.s32 v32, v61;
	v46 =	vld.idx.msk [tilespmem:v46+s15+$0x0], $0xffff  }
0x3cc: {  	v42 =	vor.u32 v63, v42  }
0x3cd: {  	v40 =	vadd.s32 $0x30, v40  }
0x3ce: {  	v51 =	vand.u32 $0xFFFFFF80, v40  }
0x3cf: {  	v40 =	vand.u32 $0x7F, v40;
	v43 =	vadd.s32 $0x30, v43;
	v53 =	vadd.s32 $0x1000, v38;
	[tilespmem:v58+s16+$0x0] =	vst.idx.msk $0xffff, v44  }
0x3d0: {  	v50 =	vadd.s32 $0x1000, v39;
	v52 =	vand.u32 $0xFFFFFF80, v43;
	v44 =	vadd.s32 v33, v51;
	v45 =	vld.idx.msk [tilespmem:v45+s15+$0x0], $0xffff;
	[tilespmem:v62+s16+$0x0] =	vst.idx.msk $0xffff, v46  }
0x3d1: {  	v43 =	vand.u32 $0x7F, v43;
	v40 =	vor.u32 v40, v44;
	v44 =	vadd.s32 v32, v52;
	v42 =	vld.idx.msk [tilespmem:v42+s15+$0x0], $0xffff  }
0x3d2: {  	v43 =	vor.u32 v43, v44;
	_ =	sdelay $0x2  }
0x3d3: {  	[tilespmem:v50+s16+$0x0] =	vst.idx.msk $0xffff, v45  }
0x3d4: {  	v39 =	vadd.s32 $0x1800, v39;
	v40 =	vld.idx.msk [tilespmem:v40+s15+$0x0], $0xffff;
	[tilespmem:v53+s16+$0x0] =	vst.idx.msk $0xffff, v42  }
0x3d5: {  	v38 =	vadd.s32 $0x1800, v38;
	v54 =	vld.idx.msk [tilespmem:v43+s15+$0x0], $0xffff;
	_ =	sdelay $0x3  }
0x3d6: {  	[tilespmem:v39+s16+$0x0] =	vst.idx.msk $0xffff, v40  }
0x3d7: {  	v39 =	vld [tilespmem:$0x12690];
	[tilespmem:v38+s16+$0x0] =	vst.idx.msk $0xffff, v54  }
0x3d8: {  	v38 =	vld [tilespmem:$0x12690];
	_ =	sdelay $0x3  }
0x3d9: {  	v40 =	vadd.s32 v36, v39  }
0x3da: {  	v55 =	vand.u32 $0xFFFFFF80, v40;
	v43 =	vadd.s32 v37, v38  }
0x3db: {  	v56 =	vand.u32 $0x7F, v40;
	v41 =	vadd.s32 v33, v55;
	v57 =	vand.u32 $0xFFFFFF80, v43  }
0x3dc: {  	v41 =	vor.u32 v56, v41;
	v58 =	vand.u32 $0x7F, v43;
	v42 =	vadd.s32 v32, v57  }
0x3dd: {  	v42 =	vor.u32 v58, v42  }
0x3de: {  	v39 =	vshll.u32 v39, $0x7;
	v59 =	vadd.s32 $0x10, v40  }
0x3df: {  	v60 =	vor.u32 v35, v39;
	v61 =	vand.u32 $0xFFFFFF80, v59  }
0x3e0: {  	v44 =	vand.u32 $0x7F, v59;
	v38 =	vshll.u32 v38, $0x7;
	v62 =	vadd.s32 $0x10, v43  }
0x3e1: {  	v46 =	vadd.s32 v33, v61;
	v52 =	vor.u32 v34, v38;
	v63 =	vand.u32 $0xFFFFFF80, v62;
	v41 =	vld.idx.msk [tilespmem:v41+s15+$0x0], $0xffff  }
0x3e2: {  	v44 =	vor.u32 v44, v46;
	v47 =	vand.u32 $0x7F, v62;
	v46 =	vadd.s32 v32, v63;
	v42 =	vld.idx.msk [tilespmem:v42+s15+$0x0], $0xffff  }
0x3e3: {  	v46 =	vor.u32 v47, v46  }
0x3e4: {  	v39 =	vadd.s32 v35, v39;
	v53 =	vadd.s32 $0x20, v40  }
0x3e5: {  	v54 =	vadd.s32 $0x800, v39;
	v55 =	vand.u32 $0xFFFFFF80, v53  }
0x3e6: {  	v45 =	vadd.s32 v33, v55;
	v56 =	vadd.s32 $0x20, v43;
	v38 =	vadd.s32 v34, v38;
	[tilespmem:v60+s16+$0x0] =	vst.idx.msk $0xffff, v41  }
0x3e7: {  	v57 =	vand.u32 $0xFFFFFF80, v56;
	v59 =	vand.u32 $0x7F, v56;
	v47 =	vand.u32 $0x7F, v53;
	v44 =	vld.idx.msk [tilespmem:v44+s15+$0x0], $0xffff;
	[tilespmem:v52+s16+$0x0] =	vst.idx.msk $0xffff, v42  }
0x3e8: {  	v58 =	vadd.s32 $0x800, v38;
	v45 =	vor.u32 v47, v45;
	v42 =	vadd.s32 v32, v57;
	v46 =	vld.idx.msk [tilespmem:v46+s15+$0x0], $0xffff  }
0x3e9: {  	v42 =	vor.u32 v59, v42;
	_ =	sdelay $0x1  }
0x3ea: {  	v40 =	vadd.s32 $0x30, v40;
	v43 =	vadd.s32 $0x30, v43  }
0x3eb: {  	v61 =	vand.u32 $0xFFFFFF80, v40;
	v40 =	vand.u32 $0x7F, v40;
	v62 =	vand.u32 $0xFFFFFF80, v43;
	[tilespmem:v54+s16+$0x0] =	vst.idx.msk $0xffff, v44  }
0x3ec: {  	v43 =	vand.u32 $0x7F, v43;
	v60 =	vadd.s32 $0x1000, v39;
	v44 =	vadd.s32 v33, v61;
	v45 =	vld.idx.msk [tilespmem:v45+s15+$0x0], $0xffff;
	[tilespmem:v58+s16+$0x0] =	vst.idx.msk $0xffff, v46  }
0x3ed: {  	v63 =	vadd.s32 $0x1000, v38;
	v40 =	vor.u32 v40, v44;
	v44 =	vadd.s32 v32, v62;
	v42 =	vld.idx.msk [tilespmem:v42+s15+$0x0], $0xffff  }
0x3ee: {  	v43 =	vor.u32 v43, v44;
	_ =	sdelay $0x2  }
0x3ef: {  	[tilespmem:v60+s16+$0x0] =	vst.idx.msk $0xffff, v45  }
0x3f0: {  	v39 =	vadd.s32 $0x1800, v39;
	v40 =	vld.idx.msk [tilespmem:v40+s15+$0x0], $0xffff;
	[tilespmem:v63+s16+$0x0] =	vst.idx.msk $0xffff, v42  }
0x3f1: {  	v38 =	vadd.s32 $0x1800, v38;
	v46 =	vld.idx.msk [tilespmem:v43+s15+$0x0], $0xffff;
	_ =	sdelay $0x3  }
0x3f2: {  	[tilespmem:v39+s16+$0x0] =	vst.idx.msk $0xffff, v40  }
0x3f3: {  	v39 =	vld [tilespmem:$0x126A0];
	[tilespmem:v38+s16+$0x0] =	vst.idx.msk $0xffff, v46  }
0x3f4: {  	v38 =	vld [tilespmem:$0x126A0];
	_ =	sdelay $0x3  }
0x3f5: {  	v40 =	vadd.s32 v36, v39  }
0x3f6: {  	v47 =	vand.u32 $0xFFFFFF80, v40;
	v43 =	vadd.s32 v37, v38  }
0x3f7: {  	v48 =	vand.u32 $0x7F, v40;
	v41 =	vadd.s32 v33, v47;
	v49 =	vand.u32 $0xFFFFFF80, v43  }
0x3f8: {  	v41 =	vor.u32 v48, v41;
	v50 =	vand.u32 $0x7F, v43;
	v42 =	vadd.s32 v32, v49  }
0x3f9: {  	v42 =	vor.u32 v50, v42  }
0x3fa: {  	v39 =	vshll.u32 v39, $0x7;
	v51 =	vadd.s32 $0x10, v40  }
0x3fb: {  	v52 =	vor.u32 v35, v39;
	v53 =	vand.u32 $0xFFFFFF80, v51  }
0x3fc: {  	v44 =	vand.u32 $0x7F, v51;
	v38 =	vshll.u32 v38, $0x7;
	v54 =	vadd.s32 $0x10, v43  }
0x3fd: {  	v46 =	vadd.s32 v33, v53;
	v56 =	vor.u32 v34, v38;
	v55 =	vand.u32 $0xFFFFFF80, v54;
	v41 =	vld.idx.msk [tilespmem:v41+s15+$0x0], $0xffff  }
0x3fe: {  	v44 =	vor.u32 v44, v46;
	v47 =	vand.u32 $0x7F, v54;
	v46 =	vadd.s32 v32, v55;
	v42 =	vld.idx.msk [tilespmem:v42+s15+$0x0], $0xffff  }
0x3ff: {  	v46 =	vor.u32 v47, v46  }
0x400: {  	v39 =	vadd.s32 v35, v39;
	v57 =	vadd.s32 $0x20, v40  }
0x401: {  	v58 =	vadd.s32 $0x800, v39;
	v59 =	vand.u32 $0xFFFFFF80, v57  }
0x402: {  	v45 =	vadd.s32 v33, v59;
	v60 =	vadd.s32 $0x20, v43;
	v38 =	vadd.s32 v34, v38;
	[tilespmem:v52+s16+$0x0] =	vst.idx.msk $0xffff, v41  }
0x403: {  	v61 =	vand.u32 $0xFFFFFF80, v60;
	v62 =	vadd.s32 $0x800, v38;
	v47 =	vand.u32 $0x7F, v57;
	v44 =	vld.idx.msk [tilespmem:v44+s15+$0x0], $0xffff;
	[tilespmem:v56+s16+$0x0] =	vst.idx.msk $0xffff, v42  }
0x404: {  	v63 =	vand.u32 $0x7F, v60;
	v45 =	vor.u32 v47, v45;
	v42 =	vadd.s32 v32, v61;
	v46 =	vld.idx.msk [tilespmem:v46+s15+$0x0], $0xffff  }
0x405: {  	v42 =	vor.u32 v63, v42  }
0x406: {  	v40 =	vadd.s32 $0x30, v40  }
0x407: {  	v51 =	vand.u32 $0xFFFFFF80, v40  }
0x408: {  	v40 =	vand.u32 $0x7F, v40;
	v43 =	vadd.s32 $0x30, v43;
	v53 =	vadd.s32 $0x1000, v38;
	[tilespmem:v58+s16+$0x0] =	vst.idx.msk $0xffff, v44  }
0x409: {  	v50 =	vadd.s32 $0x1000, v39;
	v52 =	vand.u32 $0xFFFFFF80, v43;
	v44 =	vadd.s32 v33, v51;
	v45 =	vld.idx.msk [tilespmem:v45+s15+$0x0], $0xffff;
	[tilespmem:v62+s16+$0x0] =	vst.idx.msk $0xffff, v46  }
0x40a: {  	v43 =	vand.u32 $0x7F, v43;
	v40 =	vor.u32 v40, v44;
	v44 =	vadd.s32 v32, v52;
	v42 =	vld.idx.msk [tilespmem:v42+s15+$0x0], $0xffff  }
0x40b: {  	v43 =	vor.u32 v43, v44;
	_ =	sdelay $0x2  }
0x40c: {  	[tilespmem:v50+s16+$0x0] =	vst.idx.msk $0xffff, v45  }
0x40d: {  	v39 =	vadd.s32 $0x1800, v39;
	v40 =	vld.idx.msk [tilespmem:v40+s15+$0x0], $0xffff;
	[tilespmem:v53+s16+$0x0] =	vst.idx.msk $0xffff, v42  }
0x40e: {  	v38 =	vadd.s32 $0x1800, v38;
	v54 =	vld.idx.msk [tilespmem:v43+s15+$0x0], $0xffff;
	_ =	sdelay $0x3  }
0x40f: {  	[tilespmem:v39+s16+$0x0] =	vst.idx.msk $0xffff, v40  }
0x410: {  	v39 =	vld [tilespmem:$0x126B0];
	[tilespmem:v38+s16+$0x0] =	vst.idx.msk $0xffff, v54  }
0x411: {  	v38 =	vld [tilespmem:$0x126B0];
	_ =	sdelay $0x3  }
0x412: {  	v40 =	vadd.s32 v36, v39  }
0x413: {  	v55 =	vand.u32 $0xFFFFFF80, v40;
	v43 =	vadd.s32 v37, v38  }
0x414: {  	v56 =	vand.u32 $0x7F, v40;
	v41 =	vadd.s32 v33, v55;
	v57 =	vand.u32 $0xFFFFFF80, v43  }
0x415: {  	v41 =	vor.u32 v56, v41;
	v58 =	vand.u32 $0x7F, v43;
	v42 =	vadd.s32 v32, v57  }
0x416: {  	v42 =	vor.u32 v58, v42  }
0x417: {  	v39 =	vshll.u32 v39, $0x7;
	v59 =	vadd.s32 $0x10, v40  }
0x418: {  	v60 =	vor.u32 v35, v39;
	v61 =	vand.u32 $0xFFFFFF80, v59  }
0x419: {  	v44 =	vand.u32 $0x7F, v59;
	v38 =	vshll.u32 v38, $0x7;
	v62 =	vadd.s32 $0x10, v43  }
0x41a: {  	v46 =	vadd.s32 v33, v61;
	v52 =	vor.u32 v34, v38;
	v63 =	vand.u32 $0xFFFFFF80, v62;
	v41 =	vld.idx.msk [tilespmem:v41+s15+$0x0], $0xffff  }
0x41b: {  	v44 =	vor.u32 v44, v46;
	v47 =	vand.u32 $0x7F, v62;
	v46 =	vadd.s32 v32, v63;
	v42 =	vld.idx.msk [tilespmem:v42+s15+$0x0], $0xffff  }
0x41c: {  	v46 =	vor.u32 v47, v46  }
0x41d: {  	v39 =	vadd.s32 v35, v39;
	v53 =	vadd.s32 $0x20, v40  }
0x41e: {  	v54 =	vadd.s32 $0x800, v39;
	v55 =	vand.u32 $0xFFFFFF80, v53  }
0x41f: {  	v45 =	vadd.s32 v33, v55;
	v56 =	vadd.s32 $0x20, v43;
	v38 =	vadd.s32 v34, v38;
	[tilespmem:v60+s16+$0x0] =	vst.idx.msk $0xffff, v41  }
0x420: {  	v57 =	vand.u32 $0xFFFFFF80, v56;
	v59 =	vand.u32 $0x7F, v56;
	v47 =	vand.u32 $0x7F, v53;
	v44 =	vld.idx.msk [tilespmem:v44+s15+$0x0], $0xffff;
	[tilespmem:v52+s16+$0x0] =	vst.idx.msk $0xffff, v42  }
0x421: {  	v58 =	vadd.s32 $0x800, v38;
	v45 =	vor.u32 v47, v45;
	v42 =	vadd.s32 v32, v57;
	v46 =	vld.idx.msk [tilespmem:v46+s15+$0x0], $0xffff  }
0x422: {  	v42 =	vor.u32 v59, v42;
	_ =	sdelay $0x1  }
0x423: {  	v40 =	vadd.s32 $0x30, v40;
	v43 =	vadd.s32 $0x30, v43  }
0x424: {  	v61 =	vand.u32 $0xFFFFFF80, v40;
	v40 =	vand.u32 $0x7F, v40;
	v62 =	vand.u32 $0xFFFFFF80, v43;
	[tilespmem:v54+s16+$0x0] =	vst.idx.msk $0xffff, v44  }
0x425: {  	v43 =	vand.u32 $0x7F, v43;
	v60 =	vadd.s32 $0x1000, v39;
	v44 =	vadd.s32 v33, v61;
	v45 =	vld.idx.msk [tilespmem:v45+s15+$0x0], $0xffff;
	[tilespmem:v58+s16+$0x0] =	vst.idx.msk $0xffff, v46  }
0x426: {  	v63 =	vadd.s32 $0x1000, v38;
	v40 =	vor.u32 v40, v44;
	v44 =	vadd.s32 v32, v62;
	v42 =	vld.idx.msk [tilespmem:v42+s15+$0x0], $0xffff  }
0x427: {  	v43 =	vor.u32 v43, v44;
	_ =	sdelay $0x2  }
0x428: {  	[tilespmem:v60+s16+$0x0] =	vst.idx.msk $0xffff, v45  }
0x429: {  	v39 =	vadd.s32 $0x1800, v39;
	v40 =	vld.idx.msk [tilespmem:v40+s15+$0x0], $0xffff;
	[tilespmem:v63+s16+$0x0] =	vst.idx.msk $0xffff, v42  }
0x42a: {  	v38 =	vadd.s32 $0x1800, v38;
	v46 =	vld.idx.msk [tilespmem:v43+s15+$0x0], $0xffff;
	_ =	sdelay $0x3  }
0x42b: {  	[tilespmem:v39+s16+$0x0] =	vst.idx.msk $0xffff, v40  }
0x42c: {  	v39 =	vld [tilespmem:$0x126C0];
	[tilespmem:v38+s16+$0x0] =	vst.idx.msk $0xffff, v46  }
0x42d: {  	v38 =	vld [tilespmem:$0x126C0];
	_ =	sdelay $0x3  }
0x42e: {  	v40 =	vadd.s32 v36, v39  }
0x42f: {  	v47 =	vand.u32 $0xFFFFFF80, v40;
	v43 =	vadd.s32 v37, v38  }
0x430: {  	v48 =	vand.u32 $0x7F, v40;
	v41 =	vadd.s32 v33, v47;
	v49 =	vand.u32 $0xFFFFFF80, v43  }
0x431: {  	v41 =	vor.u32 v48, v41;
	v50 =	vand.u32 $0x7F, v43;
	v42 =	vadd.s32 v32, v49  }
0x432: {  	v42 =	vor.u32 v50, v42  }
0x433: {  	v39 =	vshll.u32 v39, $0x7;
	v51 =	vadd.s32 $0x10, v40  }
0x434: {  	v52 =	vor.u32 v35, v39;
	v53 =	vand.u32 $0xFFFFFF80, v51  }
0x435: {  	v44 =	vand.u32 $0x7F, v51;
	v38 =	vshll.u32 v38, $0x7;
	v54 =	vadd.s32 $0x10, v43  }
0x436: {  	v46 =	vadd.s32 v33, v53;
	v56 =	vor.u32 v34, v38;
	v55 =	vand.u32 $0xFFFFFF80, v54;
	v41 =	vld.idx.msk [tilespmem:v41+s15+$0x0], $0xffff  }
0x437: {  	v44 =	vor.u32 v44, v46;
	v47 =	vand.u32 $0x7F, v54;
	v46 =	vadd.s32 v32, v55;
	v42 =	vld.idx.msk [tilespmem:v42+s15+$0x0], $0xffff  }
0x438: {  	v46 =	vor.u32 v47, v46  }
0x439: {  	v39 =	vadd.s32 v35, v39;
	v57 =	vadd.s32 $0x20, v40  }
0x43a: {  	v58 =	vadd.s32 $0x800, v39;
	v59 =	vand.u32 $0xFFFFFF80, v57  }
0x43b: {  	v45 =	vadd.s32 v33, v59;
	v60 =	vadd.s32 $0x20, v43;
	v38 =	vadd.s32 v34, v38;
	[tilespmem:v52+s16+$0x0] =	vst.idx.msk $0xffff, v41  }
0x43c: {  	v61 =	vand.u32 $0xFFFFFF80, v60;
	v62 =	vadd.s32 $0x800, v38;
	v47 =	vand.u32 $0x7F, v57;
	v44 =	vld.idx.msk [tilespmem:v44+s15+$0x0], $0xffff;
	[tilespmem:v56+s16+$0x0] =	vst.idx.msk $0xffff, v42  }
0x43d: {  	v63 =	vand.u32 $0x7F, v60;
	v45 =	vor.u32 v47, v45;
	v42 =	vadd.s32 v32, v61;
	v46 =	vld.idx.msk [tilespmem:v46+s15+$0x0], $0xffff  }
0x43e: {  	v42 =	vor.u32 v63, v42;
	_ =	sdelay $0x1  }
0x43f: {  	v40 =	vadd.s32 $0x30, v40;
	v43 =	vadd.s32 $0x30, v43  }
0x440: {  	v49 =	vadd.s32 $0x1000, v39;
	v51 =	vand.u32 $0xFFFFFF80, v43;
	v50 =	vand.u32 $0xFFFFFF80, v40;
	[tilespmem:v58+s16+$0x0] =	vst.idx.msk $0xffff, v44  }
0x441: {  	v43 =	vand.u32 $0x7F, v43;
	v40 =	vand.u32 $0x7F, v40;
	v44 =	vadd.s32 v33, v50;
	v45 =	vld.idx.msk [tilespmem:v45+s15+$0x0], $0xffff;
	[tilespmem:v62+s16+$0x0] =	vst.idx.msk $0xffff, v46  }
0x442: {  	v52 =	vadd.s32 $0x1000, v38;
	v40 =	vor.u32 v40, v44;
	v44 =	vadd.s32 v32, v51;
	v42 =	vld.idx.msk [tilespmem:v42+s15+$0x0], $0xffff  }
0x443: {  	v43 =	vor.u32 v43, v44;
	_ =	sdelay $0x2  }
0x444: {  	[tilespmem:v49+s16+$0x0] =	vst.idx.msk $0xffff, v45  }
0x445: {  	v39 =	vadd.s32 $0x1800, v39;
	v40 =	vld.idx.msk [tilespmem:v40+s15+$0x0], $0xffff;
	[tilespmem:v52+s16+$0x0] =	vst.idx.msk $0xffff, v42  }
0x446: {  	v38 =	vadd.s32 $0x1800, v38;
	v53 =	vld.idx.msk [tilespmem:v43+s15+$0x0], $0xffff;
	_ =	sdelay $0x3  }
0x447: {  	[tilespmem:v39+s16+$0x0] =	vst.idx.msk $0xffff, v40  }
0x448: {  	v39 =	vld [tilespmem:$0x126D0];
	[tilespmem:v38+s16+$0x0] =	vst.idx.msk $0xffff, v53  }
0x449: {  	v38 =	vld [tilespmem:$0x126D0];
	_ =	sdelay $0x3  }
0x44a: {  	v40 =	vadd.s32 v36, v39  }
0x44b: {  	v54 =	vand.u32 $0xFFFFFF80, v40;
	v43 =	vadd.s32 v37, v38  }
0x44c: {  	v55 =	vand.u32 $0x7F, v40;
	v41 =	vadd.s32 v33, v54;
	v56 =	vand.u32 $0xFFFFFF80, v43  }
0x44d: {  	v41 =	vor.u32 v55, v41;
	v57 =	vand.u32 $0x7F, v43;
	v42 =	vadd.s32 v32, v56  }
0x44e: {  	v42 =	vor.u32 v57, v42  }
0x44f: {  	v39 =	vshll.u32 v39, $0x7;
	v58 =	vadd.s32 $0x10, v40  }
0x450: {  	v59 =	vor.u32 v35, v39;
	v60 =	vand.u32 $0xFFFFFF80, v58  }
0x451: {  	v44 =	vand.u32 $0x7F, v58;
	v38 =	vshll.u32 v38, $0x7;
	v61 =	vadd.s32 $0x10, v43  }
0x452: {  	v46 =	vadd.s32 v33, v60;
	v63 =	vor.u32 v34, v38;
	v62 =	vand.u32 $0xFFFFFF80, v61;
	v41 =	vld.idx.msk [tilespmem:v41+s15+$0x0], $0xffff  }
0x453: {  	v44 =	vor.u32 v44, v46;
	v47 =	vand.u32 $0x7F, v61;
	v46 =	vadd.s32 v32, v62;
	v42 =	vld.idx.msk [tilespmem:v42+s15+$0x0], $0xffff  }
0x454: {  	v46 =	vor.u32 v47, v46  }
0x455: {  	v39 =	vadd.s32 v35, v39;
	v52 =	vadd.s32 $0x20, v40  }
0x456: {  	v53 =	vadd.s32 $0x800, v39;
	v54 =	vand.u32 $0xFFFFFF80, v52  }
0x457: {  	v45 =	vadd.s32 v33, v54;
	v55 =	vadd.s32 $0x20, v43;
	v38 =	vadd.s32 v34, v38;
	[tilespmem:v59+s16+$0x0] =	vst.idx.msk $0xffff, v41  }
0x458: {  	v56 =	vand.u32 $0xFFFFFF80, v55;
	v58 =	vand.u32 $0x7F, v55;
	v47 =	vand.u32 $0x7F, v52;
	v44 =	vld.idx.msk [tilespmem:v44+s15+$0x0], $0xffff;
	[tilespmem:v63+s16+$0x0] =	vst.idx.msk $0xffff, v42  }
0x459: {  	v57 =	vadd.s32 $0x800, v38;
	v45 =	vor.u32 v47, v45;
	v42 =	vadd.s32 v32, v56;
	v46 =	vld.idx.msk [tilespmem:v46+s15+$0x0], $0xffff  }
0x45a: {  	v42 =	vor.u32 v58, v42;
	_ =	sdelay $0x1  }
0x45b: {  	v40 =	vadd.s32 $0x30, v40;
	v43 =	vadd.s32 $0x30, v43  }
0x45c: {  	v61 =	vadd.s32 $0x1000, v39;
	v62 =	vand.u32 $0xFFFFFF80, v43;
	v59 =	vand.u32 $0xFFFFFF80, v40;
	[tilespmem:v53+s16+$0x0] =	vst.idx.msk $0xffff, v44  }
0x45d: {  	v43 =	vand.u32 $0x7F, v43;
	v40 =	vand.u32 $0x7F, v40;
	v60 =	vadd.s32 v33, v59;
	v44 =	vld.idx.msk [tilespmem:v45+s15+$0x0], $0xffff;
	[tilespmem:v57+s16+$0x0] =	vst.idx.msk $0xffff, v46  }
0x45e: {  	v41 =	vadd.s32 v32, v62;
	v40 =	vor.u32 v40, v60;
	v63 =	vadd.s32 $0x1000, v38;
	v42 =	vld.idx.msk [tilespmem:v42+s15+$0x0], $0xffff  }
0x45f: {  	v41 =	vor.u32 v43, v41;
	_ =	sdelay $0x2  }
0x460: {  	[tilespmem:v61+s16+$0x0] =	vst.idx.msk $0xffff, v44  }
0x461: {  	v39 =	vadd.s32 $0x1800, v39;
	v40 =	vld.idx.msk [tilespmem:v40+s15+$0x0], $0xffff;
	[tilespmem:v63+s16+$0x0] =	vst.idx.msk $0xffff, v42  }
0x462: {  	v38 =	vadd.s32 $0x1800, v38;
	v41 =	vld.idx.msk [tilespmem:v41+s15+$0x0], $0xffff;
	_ =	sdelay $0x3  }
0x463: {  	[tilespmem:v39+s16+$0x0] =	vst.idx.msk $0xffff, v40  }
0x464: {  	v39 =	vld [tilespmem:$0x126E0];
	[tilespmem:v38+s16+$0x0] =	vst.idx.msk $0xffff, v41  }
0x465: {  	v38 =	vld [tilespmem:$0x126E0];
	_ =	sdelay $0x3  }
0x466: {  	v40 =	vadd.s32 v36, v39  }
0x467: {  	v47 =	vand.u32 $0xFFFFFF80, v40;
	v42 =	vadd.s32 v37, v38  }
0x468: {  	v48 =	vand.u32 $0x7F, v40;
	v41 =	vadd.s32 v33, v47;
	v49 =	vand.u32 $0xFFFFFF80, v42  }
0x469: {  	v41 =	vor.u32 v48, v41;
	v50 =	vand.u32 $0x7F, v42;
	v44 =	vadd.s32 v32, v49  }
0x46a: {  	v43 =	vor.u32 v50, v44  }
0x46b: {  	v39 =	vshll.u32 v39, $0x7;
	v51 =	vadd.s32 $0x10, v40  }
0x46c: {  	v52 =	vor.u32 v35, v39;
	v53 =	vand.u32 $0xFFFFFF80, v51  }
0x46d: {  	v38 =	vshll.u32 v38, $0x7;
	v46 =	vadd.s32 v33, v53;
	v54 =	vadd.s32 $0x10, v42  }
0x46e: {  	v56 =	vor.u32 v34, v38;
	v55 =	vand.u32 $0xFFFFFF80, v54;
	v44 =	vand.u32 $0x7F, v51;
	v41 =	vld.idx.msk [tilespmem:v41+s15+$0x0], $0xffff  }
0x46f: {  	v47 =	vand.u32 $0x7F, v54;
	v44 =	vor.u32 v44, v46;
	v46 =	vadd.s32 v32, v55;
	v43 =	vld.idx.msk [tilespmem:v43+s15+$0x0], $0xffff  }
0x470: {  	v46 =	vor.u32 v47, v46  }
0x471: {  	v57 =	vadd.s32 $0x20, v40;
	v39 =	vadd.s32 v35, v39  }
0x472: {  	v58 =	vand.u32 $0xFFFFFF80, v57;
	v61 =	vadd.s32 $0x800, v39  }
0x473: {  	v60 =	vadd.s32 $0x20, v42;
	v38 =	vadd.s32 v34, v38;
	v49 =	vand.u32 $0x7F, v57;
	[tilespmem:v52+s16+$0x0] =	vst.idx.msk $0xffff, v41  }
0x474: {  	v62 =	vand.u32 $0xFFFFFF80, v60;
	v63 =	vadd.s32 $0x800, v38;
	v47 =	vadd.s32 v33, v58;
	v44 =	vld.idx.msk [tilespmem:v44+s15+$0x0], $0xffff;
	[tilespmem:v56+s16+$0x0] =	vst.idx.msk $0xffff, v43  }
0x475: {  	v45 =	vand.u32 $0x7F, v60;
	v59 =	vor.u32 v49, v47;
	v43 =	vadd.s32 v32, v62;
	v46 =	vld.idx.msk [tilespmem:v46+s15+$0x0], $0xffff  }
0x476: {  	v43 =	vor.u32 v45, v43;
	_ =	sdelay $0x1  }
0x477: {  	v40 =	vadd.s32 $0x30, v40;
	v42 =	vadd.s32 $0x30, v42  }
0x478: {  	v53 =	vand.u32 $0xFFFFFF80, v42;
	v54 =	vadd.s32 $0x1000, v38;
	v50 =	vand.u32 $0xFFFFFF80, v40;
	[tilespmem:v61+s16+$0x0] =	vst.idx.msk $0xffff, v44  }
0x479: {  	v40 =	vand.u32 $0x7F, v40;
	v51 =	vadd.s32 v33, v50;
	v52 =	vadd.s32 $0x1000, v39;
	v41 =	vld.idx.msk [tilespmem:v59+s15+$0x0], $0xffff;
	[tilespmem:v63+s16+$0x0] =	vst.idx.msk $0xffff, v46  }
0x47a: {  	v42 =	vand.u32 $0x7F, v42;
	v40 =	vor.u32 v40, v51;
	v44 =	vadd.s32 v32, v53;
	v43 =	vld.idx.msk [tilespmem:v43+s15+$0x0], $0xffff  }
0x47b: {  	v42 =	vor.u32 v42, v44;
	_ =	sdelay $0x2  }
0x47c: {  	[tilespmem:v52+s16+$0x0] =	vst.idx.msk $0xffff, v41  }
0x47d: {  	v39 =	vadd.s32 $0x1800, v39;
	v40 =	vld.idx.msk [tilespmem:v40+s15+$0x0], $0xffff;
	[tilespmem:v54+s16+$0x0] =	vst.idx.msk $0xffff, v43  }
0x47e: {  	v38 =	vadd.s32 $0x1800, v38;
	v55 =	vld.idx.msk [tilespmem:v42+s15+$0x0], $0xffff;
	_ =	sdelay $0x3  }
0x47f: {  	[tilespmem:v39+s16+$0x0] =	vst.idx.msk $0xffff, v40  }
0x480: {  	v39 =	vld [tilespmem:$0x126F0];
	[tilespmem:v38+s16+$0x0] =	vst.idx.msk $0xffff, v55  }
0x481: {  	v38 =	vld [tilespmem:$0x126F0];
	_ =	sdelay $0x3  }
0x482: {  	v36 =	vadd.s32 v36, v39  }
0x483: {  	v56 =	vand.u32 $0xFFFFFF80, v36;
	v37 =	vadd.s32 v37, v38  }
0x484: {  	v57 =	vand.u32 $0x7F, v36;
	v40 =	vadd.s32 v33, v56;
	v58 =	vand.u32 $0xFFFFFF80, v37  }
0x485: {  	v40 =	vor.u32 v57, v40;
	v59 =	vand.u32 $0x7F, v37;
	v42 =	vadd.s32 v32, v58  }
0x486: {  	v41 =	vor.u32 v59, v42  }
0x487: {  	v39 =	vshll.u32 v39, $0x7;
	v60 =	vadd.s32 $0x10, v36  }
0x488: {  	v61 =	vor.u32 v35, v39;
	v62 =	vand.u32 $0xFFFFFF80, v60  }
0x489: {  	v38 =	vshll.u32 v38, $0x7;
	v63 =	vadd.s32 $0x10, v37;
	v44 =	vadd.s32 v33, v62  }
0x48a: {  	v48 =	vor.u32 v34, v38;
	v49 =	vand.u32 $0xFFFFFF80, v63;
	v42 =	vand.u32 $0x7F, v60;
	v40 =	vld.idx.msk [tilespmem:v40+s15+$0x0], $0xffff  }
0x48b: {  	v50 =	vand.u32 $0x7F, v63;
	v51 =	vadd.s32 v32, v49;
	v42 =	vor.u32 v42, v44;
	v41 =	vld.idx.msk [tilespmem:v41+s15+$0x0], $0xffff  }
0x48c: {  	v44 =	vor.u32 v50, v51  }
0x48d: {  	v52 =	vadd.s32 $0x20, v36  }
0x48e: {  	v35 =	vadd.s32 v35, v39;
	v54 =	vand.u32 $0xFFFFFF80, v52;
	v39 =	vand.u32 $0x7F, v52  }
0x48f: {  	v55 =	vadd.s32 v33, v54;
	v56 =	vadd.s32 $0x20, v37;
	v34 =	vadd.s32 v34, v38;
	[tilespmem:v61+s16+$0x0] =	vst.idx.msk $0xffff, v40  }
0x490: {  	v53 =	vadd.s32 $0x800, v35;
	v39 =	vor.u32 v39, v55;
	v57 =	vand.u32 $0xFFFFFF80, v56;
	v42 =	vld.idx.msk [tilespmem:v42+s15+$0x0], $0xffff;
	[tilespmem:v48+s16+$0x0] =	vst.idx.msk $0xffff, v41  }
0x491: {  	v43 =	vand.u32 $0x7F, v56;
	v59 =	vadd.s32 $0x800, v34;
	v38 =	vadd.s32 v32, v57;
	v58 =	vld.idx.msk [tilespmem:v44+s15+$0x0], $0xffff  }
0x492: {  	v38 =	vor.u32 v43, v38;
	_ =	sdelay $0x1  }
0x493: {  	v36 =	vadd.s32 $0x30, v36;
	v37 =	vadd.s32 $0x30, v37  }
0x494: {  	v62 =	vand.u32 $0xFFFFFF80, v37;
	v63 =	vadd.s32 $0x1000, v34;
	v60 =	vand.u32 $0xFFFFFF80, v36;
	[tilespmem:v53+s16+$0x0] =	vst.idx.msk $0xffff, v42  }
0x495: {  	v36 =	vand.u32 $0x7F, v36;
	v33 =	vadd.s32 v33, v60;
	v61 =	vadd.s32 $0x1000, v35;
	v39 =	vld.idx.msk [tilespmem:v39+s15+$0x0], $0xffff;
	[tilespmem:v59+s16+$0x0] =	vst.idx.msk $0xffff, v58  }
0x496: {  	v37 =	vand.u32 $0x7F, v37;
	v32 =	vadd.s32 v32, v62;
	v33 =	vor.u32 v36, v33;
	v38 =	vld.idx.msk [tilespmem:v38+s15+$0x0], $0xffff  }
0x497: {  	v32 =	vor.u32 v37, v32;
	_ =	sdelay $0x2  }
0x498: {  	[tilespmem:v61+s16+$0x0] =	vst.idx.msk $0xffff, v39  }
0x499: {  	s21 =	sadd.s32 $0x2, s21;
	v35 =	vadd.s32 $0x1800, v35;
	v33 =	vld.idx.msk [tilespmem:v33+s15+$0x0], $0xffff;
	[tilespmem:v63+s16+$0x0] =	vst.idx.msk $0xffff, v38  }
0x49a: {  	p0 =	slt.u32 s21, $0x6;
	v34 =	vadd.s32 $0x1800, v34;
	v32 =	vld.idx.msk [tilespmem:v32+s15+$0x0], $0xffff  }
.Ltmp7:
0x49b: {  	_ = 	snop;
	(pc) =	sbr.rel @p0 .LBB2_8-.Ltmp7, $3  }
0x49c: {  	_ =	sdelay $0x1  }
0x49d: {  	[tilespmem:v35+s16+$0x0] =	vst.idx.msk $0xffff, v33  }
0x49e: {  	s22 =	sadd.s32 $0x20, s22;
	s23 =	sadd.s32 $0x20, s23;
	[tilespmem:v34+s16+$0x0] =	vst.idx.msk $0xffff, v32  }
0x49f: {  	s21 =	sshll.u32 s19, $0xF  }
.Ltmp8:
0x4a0: {  	s31 =	sshll.u32 s19, $0x7;
	s21 =	sand.u32 $0x1FFE0000, s21;
	(pc) =	sbr.rel .LBB2_10-.Ltmp8, $4  }
0x4a1: {  	s19 =	sadd.s32 s31, s21  }
0x4a2: {  	s19 =	sand.u32 $0x1FFE0180, s19  }
0x4a3: {  	s19 =	sadd.s32 s19, s5  }
0x4a4: {  	[hbm4b:s19+s13] =	stream.strided.scatter [tilespmem:s16], [sflag:$0x2], $0x2000, s14, s13, $0x38;
	[tilespmem:$0x12800] =	vst v63  }
.LBB2_12:
0x4a5: {  	_ =	sfence.sel $0x180000  }
0x4a6: {  	[bflag:$0x0] =	sbarrier.arrive $0xFFFF  }
0x4a7: {  	p0 =	sne.s32 s0, $0x0;
	_ =	strace $0x90000047  }
0x4a8: {  	s0 =	sadd.s32 @!p0 $0x100000, s1;
	[bflag:$0x2] =	sbarrier.arrive $0xFFFF  }
0x4a9: {  	[sflag:s0] =	ssyncadd.tile.s32 @!p0 $0x1;
	_ =	shalt  }
.Lfunc_end2:
_tile_overlayer_lowered:
.L_overlay_start_2:
0x4aa: {  	(tag) =	ssettag $0x2  }
0x4ab: {  	s0 =	rddreg [dreg:$0x0];
	s2 =	stileid.u32  }
0x4ac: {  	s1 =	rddreg [dreg:$0x1];
	p0 =	sne.s32 s2, $0x0  }
0x4ad: {  	s3 =	rddreg [dreg:$0x2];
	[bflag:$0x3] =	sbarrier.arrive $0xFFFF;
	s2 =	simm.s32 @!p0 $0x1C03  }
0x4ae: {  	[timem:s3], [sflag:s2] =	dma.local @!p0 [hbm:s0], s1  }
0x4af: {  	s0 =	simm.s32 @!p0 $0x3  }
0x4b0: {  	_ =	swait.ge @!p0 [sflag:s0], s1  }
0x4b1: {  	s1 =	ssub.s32 @!p0 $0x0, s1;
	[sflag:s0] =	ssyncset.done @!p0 $0x0  }
0x4b2: {  	[sflag:s0] =	ssyncadd.s32 @!p0 s1  }
0x4b3: {  	[bflag:$0x3] =	sbarrier.arrive $0xFFFF  }
0x4b4: {  	_ =	shalt  }

</sc_bundles>
